<compile_context>
chip_gen: v7x
topology: tpu7x:2x2x1
jax: 0.10.2.dev20260603
libtpu: 0.0.44.dev20260713+nightly
codegen_flags: <defaults>
</compile_context>

<pallas_src>
import functools

import jax
import jax.numpy as jnp
from jax import lax
from jax.experimental import pallas as pl
from jax.experimental.pallas import tpu as pltpu
from jax.experimental.pallas import tpu_sc as plsc

BLK = 1024
HID = 64
KTOP = 8
NCORES = 2
NSUBCORES = 16
NWORKERS = NCORES * NSUBCORES
LANES = 16
ROW_UNROLL = 4
SC_CHUNK = 128


def _top8_rows_tc(act, scale):
    blk = act.shape[0]
    a = act.T
    for _ in range(KTOP - 1):
        m = jnp.max(a, axis=0, keepdims=True)
        a = jnp.where(a == m, -jnp.inf, a)
    thr = jnp.max(a, axis=0, keepdims=True)
    thr_col = thr.reshape(blk, 1)
    return jnp.where(act >= thr_col, scale, jnp.float32(0.0))


def _fused_tc_kernel(data_ref, w_ref, scale_ref, out_ref):
    act = jnp.dot(data_ref[...], w_ref[...],
                  preferred_element_type=jnp.float32)
    out_ref[...] = _top8_rows_tc(act, scale_ref[0])


def _fused_tc(data, W, scale, row0):
    B = data.shape[0]
    blk0 = row0 // BLK
    return pl.pallas_call(
        _fused_tc_kernel,
        grid=(B // BLK - blk0,),
        in_specs=[
            pl.BlockSpec((BLK, data.shape[1]), lambda i: (i + blk0, 0)),
            pl.BlockSpec((W.shape[0], W.shape[1]), lambda i: (0, 0)),
            pl.BlockSpec(memory_space=pltpu.SMEM),
        ],
        out_specs=pl.BlockSpec((BLK, HID), lambda i: (i + blk0, 0)),
        out_shape=jax.ShapeDtypeStruct((B, HID), jnp.float32),
        compiler_params=pltpu.CompilerParams(
            dimension_semantics=("arbitrary",),
        ),
    )(data, W, scale)


def _mm_kernel(data_ref, w_ref, act_ref):
    act_ref[...] = jnp.dot(data_ref[...], w_ref[...],
                           preferred_element_type=jnp.float32)


def _tc_matmul(data, W, row0, nrows):
    blk0 = row0 // BLK
    return pl.pallas_call(
        _mm_kernel,
        grid=(nrows // BLK,),
        in_specs=[
            pl.BlockSpec((BLK, data.shape[1]), lambda i: (i + blk0, 0)),
            pl.BlockSpec((W.shape[0], W.shape[1]), lambda i: (0, 0)),
        ],
        out_specs=pl.BlockSpec((BLK, HID), lambda i: (i, 0)),
        out_shape=jax.ShapeDtypeStruct((nrows, HID), jnp.float32),
        compiler_params=pltpu.CompilerParams(
            dimension_semantics=("arbitrary",),
        ),
    )(data, W)


def _top8_threshold(a0, a1, a2, a3):
    neg = jnp.float32(-jnp.inf)
    thr = jnp.float32(0.0)
    for r in range(KTOP):
        m = jnp.maximum(jnp.maximum(a0, a1), jnp.maximum(a2, a3))
        thr = jnp.max(m)
        if r < KTOP - 1:
            a0 = jnp.where(a0 == thr, neg, a0)
            a1 = jnp.where(a1 == thr, neg, a1)
            a2 = jnp.where(a2 == thr, neg, a2)
            a3 = jnp.where(a3 == thr, neg, a3)
    return thr


def _sc_body(act_hbm, scale_hbm, h_hbm,
             a0_v, a1_v, h0_v, h1_v, scale_v,
             sem_in0, sem_in1, sem_out0, sem_out1):
    rows_per_w = act_hbm.shape[0] // NWORKERS
    wid = lax.axis_index("s") * NCORES + lax.axis_index("c")
    base = wid * rows_per_w
    pltpu.sync_copy(scale_hbm, scale_v)
    sv = scale_v[...]
    zero = jnp.float32(0.0)
    bufs = [(a0_v, h0_v, sem_in0, sem_out0), (a1_v, h1_v, sem_in1, sem_out1)]
    nch = rows_per_w // SC_CHUNK

    def one_row(act_v, h_v, r):
        a0 = act_v[r, pl.ds(0, LANES)]
        a1 = act_v[r, pl.ds(16, LANES)]
        a2 = act_v[r, pl.ds(32, LANES)]
        a3 = act_v[r, pl.ds(48, LANES)]
        thr = _top8_threshold(a0, a1, a2, a3)
        h_v[r, pl.ds(0, LANES)] = jnp.where(a0 >= thr, sv, zero)
        h_v[r, pl.ds(16, LANES)] = jnp.where(a1 >= thr, sv, zero)
        h_v[r, pl.ds(32, LANES)] = jnp.where(a2 >= thr, sv, zero)
        h_v[r, pl.ds(48, LANES)] = jnp.where(a3 >= thr, sv, zero)

    in_copies = [None] * nch
    out_copies = [None, None]
    in_copies[0] = pltpu.async_copy(
        act_hbm.at[pl.ds(base, SC_CHUNK)], a0_v, sem_in0)
    for c in range(nch):
        act_v, h_v, _, so = bufs[c % 2]
        in_copies[c].wait()
        if c + 1 < nch:
            nav, _, sin, _ = bufs[(c + 1) % 2]
            in_copies[c + 1] = pltpu.async_copy(
                act_hbm.at[pl.ds(base + (c + 1) * SC_CHUNK, SC_CHUNK)],
                nav, sin)
        if out_copies[c % 2] is not None:
            out_copies[c % 2].wait()

        def rows_body(i, carry):
            for u in range(ROW_UNROLL):
                one_row(act_v, h_v, i * ROW_UNROLL + u)
            return carry

        lax.fori_loop(0, SC_CHUNK // ROW_UNROLL, rows_body, 0)
        out_copies[c % 2] = pltpu.async_copy(
            h_v, h_hbm.at[pl.ds(base + c * SC_CHUNK, SC_CHUNK)], so)
    out_copies[(nch - 1) % 2].wait()
    if nch > 1:
        out_copies[nch % 2].wait()


def _sc_top8(act, scale):
    B = act.shape[0]
    rows_per_w = B // NWORKERS
    scale_vec = jnp.full((LANES,), scale, dtype=jnp.float32)
    mesh = plsc.VectorSubcoreMesh(
        core_axis_name="c", subcore_axis_name="s")
    fn = functools.partial(
        pl.kernel,
        out_type=jax.ShapeDtypeStruct((B, HID), jnp.float32),
        mesh=mesh,
        scratch_types=[
            pltpu.VMEM((SC_CHUNK, HID), jnp.float32),
            pltpu.VMEM((SC_CHUNK, HID), jnp.float32),
            pltpu.VMEM((SC_CHUNK, HID), jnp.float32),
            pltpu.VMEM((SC_CHUNK, HID), jnp.float32),
            pltpu.VMEM((LANES,), jnp.float32),
            pltpu.SemaphoreType.DMA,
            pltpu.SemaphoreType.DMA,
            pltpu.SemaphoreType.DMA,
            pltpu.SemaphoreType.DMA,
        ],
        compiler_params=pltpu.CompilerParams(needs_layout_passes=False),
    )(_sc_body)
    return fn(act, scale_vec)


SC_ROWS = 8192


@jax.jit
def kernel(data, W, k):
    B = data.shape[0]
    scale = (jnp.asarray(k) - (KTOP - 1)).astype(jnp.float32).reshape(1)
    act = _tc_matmul(data, W, 0, SC_ROWS)
    h_sc = _sc_top8(act, scale[0])
    h_full = _fused_tc(data, W, scale, SC_ROWS)
    return lax.dynamic_update_slice(h_full, h_sc, (0, 0))

# --- scband reference (transcript-rebuilt; emitter-appended) ---
"""Pipeline reference for scband-kcnetwork-35742717837567 (READ-ONLY COPY).

The authoritative reference and input builder live on the scoring server;
editing this copy changes nothing except your own understanding.
"""

import jax, jax.numpy as jnp
import numpy as np

DIM_HIDDEN = 64
VOCAB = 1000
B = 16384
K_TOP = 8

def setup_inputs(seed: int = 0) -> dict:
    key = jax.random.key(seed)
    k1, k2 = jax.random.split(key)
    data = jax.random.uniform(k1, (B, 2 * VOCAB), dtype=jnp.float32)
    # Learned parameter sized per init_kwargs: W in R^{2*vocab_size x dim_hidden}
    W = jax.random.normal(k2, (2 * VOCAB, DIM_HIDDEN), dtype=jnp.float32)
    return {"data": data, "W": W, "k": K_TOP}

def reference(data, W, k):
    # Faithful translation of KCnetwork.Hash (the module's callable entry point):
    #   activations = data @ W ; top-k indices per row ; scatter 1.0 into H
    activations = jnp.dot(data, W)  # [B, dim_hidden]
    _, index = jax.lax.top_k(activations, K_TOP)  # [B, k]
    H = jnp.zeros((data.shape[0], W.shape[1]), dtype=jnp.float32)
    row_ids = jnp.arange(data.shape[0])[:, None]
    one = (jnp.asarray(k) - (K_TOP - 1)).astype(jnp.float32)
    H = H.at[row_ids, index].set(one)  # scatter-overwrite, SparseCore-mappable
    return H

if __name__ == "__main__":
    import jax
    _d = setup_inputs()
    print(jax.jit(kernel)(*tuple(_d.values())))

</pallas_src>

<mosaic_0001>
#map = affine_map<(d0, d1) -> (0, 0)>
#map1 = affine_map<(d0, d1) -> (0)>
module attributes {stable_mosaic.version = 14 : i64} {
  func.func @_sc_body(%arg0: i32, %arg1: i32, %arg2: memref<8192x64xf32, #tpu.memory_space<hbm>>, %arg3: memref<16xf32, #tpu.memory_space<hbm>>, %arg4: memref<8192x64xf32, #tpu.memory_space<hbm>>, %arg5: memref<128x64xf32, #tpu.memory_space<vmem>>, %arg6: memref<128x64xf32, #tpu.memory_space<vmem>>, %arg7: memref<128x64xf32, #tpu.memory_space<vmem>>, %arg8: memref<128x64xf32, #tpu.memory_space<vmem>>, %arg9: memref<16xf32, #tpu.memory_space<vmem>>, %arg10: memref<!tpu.dma_semaphore, #tpu.memory_space<semaphore_mem>>, %arg11: memref<!tpu.dma_semaphore, #tpu.memory_space<semaphore_mem>>, %arg12: memref<!tpu.dma_semaphore, #tpu.memory_space<semaphore_mem>>, %arg13: memref<!tpu.dma_semaphore, #tpu.memory_space<semaphore_mem>>) attributes {dimension_semantics = [#tpu.dimension_semantics<core_parallel>, #tpu.dimension_semantics<subcore_parallel>], iteration_bounds = array<i64: 2, 16>, scalar_prefetch = 0 : i64, scratch_operands = 9 : i64, tpu.core_type = #tpu.core_type<sc_vector_subcore>, window_params = [{transform_indices = #map}, {transform_indices = #map1}, {transform_indices = #map}]} {
    %mul3A = arith.constant 2 : i32
    %mul3A_0 = arith.muli %arg1, %mul3A : i32
    %add3A = arith.addi %mul3A_0, %arg0 : i32
    %mul3A_1 = arith.constant 256 : i32
    %mul3A_2 = arith.muli %add3A, %mul3A_1 : i32
    "tpu.region"() ({
      %run_scoped3A = tpu.sem_alloc : memref<!tpu.dma_semaphore, #tpu.memory_space<semaphore_mem>>
      tpu.enqueue_dma source(%arg3 : memref<16xf32, #tpu.memory_space<hbm>>) target(%arg9 : memref<16xf32, #tpu.memory_space<vmem>>) target_semaphore(%run_scoped3A : memref<!tpu.dma_semaphore, #tpu.memory_space<semaphore_mem>>)
      tpu.wait_dma2 semaphore(%run_scoped3A : memref<!tpu.dma_semaphore, #tpu.memory_space<semaphore_mem>>) src(%arg3 : memref<16xf32, #tpu.memory_space<hbm>>) dst(%arg9 : memref<16xf32, #tpu.memory_space<vmem>>)
      tpu.yield
    }) : () -> ()
    %get3A = arith.constant 0 : index
    %get3A_3 = tpu.vector_load %arg9[%get3A] {strides = array<i32>} : memref<16xf32, #tpu.memory_space<vmem>>, vector<16xf32>,
    %dma_start3A = arith.constant 0 : i32
    %dma_start3A_4 = tpu.memref_slice %arg2[%mul3A_2, %dma_start3A] : memref<8192x64xf32, #tpu.memory_space<hbm>> -> memref<128x64xf32, #tpu.memory_space<hbm>>
    %dma_start3A_5 = arith.constant 0 : i32
    %dma_start3A_6 = tpu.memref_slice %arg2[%mul3A_2, %dma_start3A_5] : memref<8192x64xf32, #tpu.memory_space<hbm>> -> memref<128x64xf32, #tpu.memory_space<hbm>>
    tpu.enqueue_dma source(%dma_start3A_6 : memref<128x64xf32, #tpu.memory_space<hbm>>) target(%arg5 : memref<128x64xf32, #tpu.memory_space<vmem>>) target_semaphore(%arg10 : memref<!tpu.dma_semaphore, #tpu.memory_space<semaphore_mem>>)
    %dma_wait3A = arith.constant 0 : i32
    %dma_wait3A_7 = tpu.memref_slice %arg2[%mul3A_2, %dma_wait3A] : memref<8192x64xf32, #tpu.memory_space<hbm>> -> memref<128x64xf32, #tpu.memory_space<hbm>>
    %dma_wait3A_8 = arith.constant 0 : i32
    %dma_wait3A_9 = tpu.memref_slice %arg2[%mul3A_2, %dma_wait3A_8] : memref<8192x64xf32, #tpu.memory_space<hbm>> -> memref<128x64xf32, #tpu.memory_space<hbm>>
    tpu.wait_dma2 semaphore(%arg10 : memref<!tpu.dma_semaphore, #tpu.memory_space<semaphore_mem>>) src(%dma_wait3A_9 : memref<128x64xf32, #tpu.memory_space<hbm>>) dst(%arg5 : memref<128x64xf32, #tpu.memory_space<vmem>>)
    %add3A_10 = arith.constant 128 : i32
    %add3A_11 = arith.addi %mul3A_2, %add3A_10 : i32
    %dma_start3A_12 = arith.constant 0 : i32
    %dma_start3A_13 = tpu.memref_slice %arg2[%add3A_11, %dma_start3A_12] : memref<8192x64xf32, #tpu.memory_space<hbm>> -> memref<128x64xf32, #tpu.memory_space<hbm>>
    %dma_start3A_14 = arith.constant 0 : i32
    %dma_start3A_15 = tpu.memref_slice %arg2[%add3A_11, %dma_start3A_14] : memref<8192x64xf32, #tpu.memory_space<hbm>> -> memref<128x64xf32, #tpu.memory_space<hbm>>
    tpu.enqueue_dma source(%dma_start3A_15 : memref<128x64xf32, #tpu.memory_space<hbm>>) target(%arg6 : memref<128x64xf32, #tpu.memory_space<vmem>>) target_semaphore(%arg11 : memref<!tpu.dma_semaphore, #tpu.memory_space<semaphore_mem>>)
    %scan3A = arith.constant 0 : i32
    %scan3A_16 = arith.constant 0.000000e+00 : f32
    %scan3A_17 = arith.constant 0 : i32
    %scan3A_18 = arith.constant 32 : i32
    %scan3A_19 = arith.addi %scan3A_17, %scan3A_18 : i32
    %scan3A_20 = arith.constant 1 : i32
    scf.for %scan3A_53 = %scan3A_17 to %scan3A_19 step %scan3A_20  : i32 {
      %mul3A_54 = arith.constant 4 : i32
      %mul3A_55 = arith.muli %scan3A_53, %mul3A_54 : i32
      %add3A_56 = arith.constant 0 : i32
      %add3A_57 = arith.addi %mul3A_55, %add3A_56 : i32
      %get3A_58 = arith.index_cast %add3A_57 : i32 to index
      %get3A_59 = arith.constant 0 : index
      %get3A_60 = tpu.vector_load %arg5[%get3A_58, %get3A_59] {strides = array<i32>} : memref<128x64xf32, #tpu.memory_space<vmem>>, vector<16xf32>,
      %get3A_61 = arith.index_cast %add3A_57 : i32 to index
      %get3A_62 = arith.constant 16 : index
      %get3A_63 = tpu.vector_load %arg5[%get3A_61, %get3A_62] {strides = array<i32>} : memref<128x64xf32, #tpu.memory_space<vmem>>, vector<16xf32>,
      %get3A_64 = arith.index_cast %add3A_57 : i32 to index
      %get3A_65 = arith.constant 32 : index
      %get3A_66 = tpu.vector_load %arg5[%get3A_64, %get3A_65] {strides = array<i32>} : memref<128x64xf32, #tpu.memory_space<vmem>>, vector<16xf32>,
      %get3A_67 = arith.index_cast %add3A_57 : i32 to index
      %get3A_68 = arith.constant 48 : index
      %get3A_69 = tpu.vector_load %arg5[%get3A_67, %get3A_68] {strides = array<i32>} : memref<128x64xf32, #tpu.memory_space<vmem>>, vector<16xf32>,
      %max3A = arith.maximumf %get3A_60, %get3A_63 : vector<16xf32>
      %max3A_70 = arith.maximumf %get3A_66, %get3A_69 : vector<16xf32>
      %max3A_71 = arith.maximumf %max3A, %max3A_70 : vector<16xf32>
      %reduce_max3A = arith.constant true
      %reduce_max3A_72 = vector.broadcast %reduce_max3A : i1 to vector<16xi1>
      %reduce_max3A_73 = tpu.scan <max>, %max3A_71 masked %reduce_max3A_72 : vector<16xf32>, vector<16xi1> -> vector<16xf32>
      %reduce_max3A_74 = vector.extract %reduce_max3A_73[15] : f32 from vector<16xf32>
      %eq3A = vector.broadcast %reduce_max3A_74 : f32 to vector<16xf32>
      %eq3A_75 = arith.cmpf oeq, %get3A_60, %eq3A : vector<16xf32>
      %jit3A = arith.constant 0xFF800000 : f32
      %broadcast_in_dim3A = vector.broadcast %jit3A : f32 to vector<16xf32>
      %select_n3A = arith.select %eq3A_75, %broadcast_in_dim3A, %get3A_60 : vector<16xi1>, vector<16xf32>
      %eq3A_76 = vector.broadcast %reduce_max3A_74 : f32 to vector<16xf32>
      %eq3A_77 = arith.cmpf oeq, %get3A_63, %eq3A_76 : vector<16xf32>
      %jit3A_78 = arith.constant 0xFF800000 : f32
      %broadcast_in_dim3A_79 = vector.broadcast %jit3A_78 : f32 to vector<16xf32>
      %select_n3A_80 = arith.select %eq3A_77, %broadcast_in_dim3A_79, %get3A_63 : vector<16xi1>, vector<16xf32>
      %eq3A_81 = vector.broadcast %reduce_max3A_74 : f32 to vector<16xf32>
      %eq3A_82 = arith.cmpf oeq, %get3A_66, %eq3A_81 : vector<16xf32>
      %jit3A_83 = arith.constant 0xFF800000 : f32
      %broadcast_in_dim3A_84 = vector.broadcast %jit3A_83 : f32 to vector<16xf32>
      %select_n3A_85 = arith.select %eq3A_82, %broadcast_in_dim3A_84, %get3A_66 : vector<16xi1>, vector<16xf32>
      %eq3A_86 = vector.broadcast %reduce_max3A_74 : f32 to vector<16xf32>
      %eq3A_87 = arith.cmpf oeq, %get3A_69, %eq3A_86 : vector<16xf32>
      %jit3A_88 = arith.constant 0xFF800000 : f32
      %broadcast_in_dim3A_89 = vector.broadcast %jit3A_88 : f32 to vector<16xf32>
      %select_n3A_90 = arith.select %eq3A_87, %broadcast_in_dim3A_89, %get3A_69 : vector<16xi1>, vector<16xf32>
      %max3A_91 = arith.maximumf %select_n3A, %select_n3A_80 : vector<16xf32>
      %max3A_92 = arith.maximumf %select_n3A_85, %select_n3A_90 : vector<16xf32>
      %max3A_93 = arith.maximumf %max3A_91, %max3A_92 : vector<16xf32>
      %reduce_max3A_94 = arith.constant true
      %reduce_max3A_95 = vector.broadcast %reduce_max3A_94 : i1 to vector<16xi1>
      %reduce_max3A_96 = tpu.scan <max>, %max3A_93 masked %reduce_max3A_95 : vector<16xf32>, vector<16xi1> -> vector<16xf32>
      %reduce_max3A_97 = vector.extract %reduce_max3A_96[15] : f32 from vector<16xf32>
      %eq3A_98 = vector.broadcast %reduce_max3A_97 : f32 to vector<16xf32>
      %eq3A_99 = arith.cmpf oeq, %select_n3A, %eq3A_98 : vector<16xf32>
      %jit3A_100 = arith.constant 0xFF800000 : f32
      %broadcast_in_dim3A_101 = vector.broadcast %jit3A_100 : f32 to vector<16xf32>
      %select_n3A_102 = arith.select %eq3A_99, %broadcast_in_dim3A_101, %select_n3A : vector<16xi1>, vector<16xf32>
      %eq3A_103 = vector.broadcast %reduce_max3A_97 : f32 to vector<16xf32>
      %eq3A_104 = arith.cmpf oeq, %select_n3A_80, %eq3A_103 : vector<16xf32>
      %jit3A_105 = arith.constant 0xFF800000 : f32
      %broadcast_in_dim3A_106 = vector.broadcast %jit3A_105 : f32 to vector<16xf32>
      %select_n3A_107 = arith.select %eq3A_104, %broadcast_in_dim3A_106, %select_n3A_80 : vector<16xi1>, vector<16xf32>
      %eq3A_108 = vector.broadcast %reduce_max3A_97 : f32 to vector<16xf32>
      %eq3A_109 = arith.cmpf oeq, %select_n3A_85, %eq3A_108 : vector<16xf32>
      %jit3A_110 = arith.constant 0xFF800000 : f32
      %broadcast_in_dim3A_111 = vector.broadcast %jit3A_110 : f32 to vector<16xf32>
      %select_n3A_112 = arith.select %eq3A_109, %broadcast_in_dim3A_111, %select_n3A_85 : vector<16xi1>, vector<16xf32>
      %eq3A_113 = vector.broadcast %reduce_max3A_97 : f32 to vector<16xf32>
      %eq3A_114 = arith.cmpf oeq, %select_n3A_90, %eq3A_113 : vector<16xf32>
      %jit3A_115 = arith.constant 0xFF800000 : f32
      %broadcast_in_dim3A_116 = vector.broadcast %jit3A_115 : f32 to vector<16xf32>
      %select_n3A_117 = arith.select %eq3A_114, %broadcast_in_dim3A_116, %select_n3A_90 : vector<16xi1>, vector<16xf32>
      %max3A_118 = arith.maximumf %select_n3A_102, %select_n3A_107 : vector<16xf32>
      %max3A_119 = arith.maximumf %select_n3A_112, %select_n3A_117 : vector<16xf32>
      %max3A_120 = arith.maximumf %max3A_118, %max3A_119 : vector<16xf32>
      %reduce_max3A_121 = arith.constant true
      %reduce_max3A_122 = vector.broadcast %reduce_max3A_121 : i1 to vector<16xi1>
      %reduce_max3A_123 = tpu.scan <max>, %max3A_120 masked %reduce_max3A_122 : vector<16xf32>, vector<16xi1> -> vector<16xf32>
      %reduce_max3A_124 = vector.extract %reduce_max3A_123[15] : f32 from vector<16xf32>
      %eq3A_125 = vector.broadcast %reduce_max3A_124 : f32 to vector<16xf32>
      %eq3A_126 = arith.cmpf oeq, %select_n3A_102, %eq3A_125 : vector<16xf32>
      %jit3A_127 = arith.constant 0xFF800000 : f32
      %broadcast_in_dim3A_128 = vector.broadcast %jit3A_127 : f32 to vector<16xf32>
      %select_n3A_129 = arith.select %eq3A_126, %broadcast_in_dim3A_128, %select_n3A_102 : vector<16xi1>, vector<16xf32>
      %eq3A_130 = vector.broadcast %reduce_max3A_124 : f32 to vector<16xf32>
      %eq3A_131 = arith.cmpf oeq, %select_n3A_107, %eq3A_130 : vector<16xf32>
      %jit3A_132 = arith.constant 0xFF800000 : f32
      %broadcast_in_dim3A_133 = vector.broadcast %jit3A_132 : f32 to vector<16xf32>
      %select_n3A_134 = arith.select %eq3A_131, %broadcast_in_dim3A_133, %select_n3A_107 : vector<16xi1>, vector<16xf32>
      %eq3A_135 = vector.broadcast %reduce_max3A_124 : f32 to vector<16xf32>
      %eq3A_136 = arith.cmpf oeq, %select_n3A_112, %eq3A_135 : vector<16xf32>
      %jit3A_137 = arith.constant 0xFF800000 : f32
      %broadcast_in_dim3A_138 = vector.broadcast %jit3A_137 : f32 to vector<16xf32>
      %select_n3A_139 = arith.select %eq3A_136, %broadcast_in_dim3A_138, %select_n3A_112 : vector<16xi1>, vector<16xf32>
      %eq3A_140 = vector.broadcast %reduce_max3A_124 : f32 to vector<16xf32>
      %eq3A_141 = arith.cmpf oeq, %select_n3A_117, %eq3A_140 : vector<16xf32>
      %jit3A_142 = arith.constant 0xFF800000 : f32
      %broadcast_in_dim3A_143 = vector.broadcast %jit3A_142 : f32 to vector<16xf32>
      %select_n3A_144 = arith.select %eq3A_141, %broadcast_in_dim3A_143, %select_n3A_117 : vector<16xi1>, vector<16xf32>
      %max3A_145 = arith.maximumf %select_n3A_129, %select_n3A_134 : vector<16xf32>
      %max3A_146 = arith.maximumf %select_n3A_139, %select_n3A_144 : vector<16xf32>
      %max3A_147 = arith.maximumf %max3A_145, %max3A_146 : vector<16xf32>
      %reduce_max3A_148 = arith.constant true
      %reduce_max3A_149 = vector.broadcast %reduce_max3A_148 : i1 to vector<16xi1>
      %reduce_max3A_150 = tpu.scan <max>, %max3A_147 masked %reduce_max3A_149 : vector<16xf32>, vector<16xi1> -> vector<16xf32>
      %reduce_max3A_151 = vector.extract %reduce_max3A_150[15] : f32 from vector<16xf32>
      %eq3A_152 = vector.broadcast %reduce_max3A_151 : f32 to vector<16xf32>
      %eq3A_153 = arith.cmpf oeq, %select_n3A_129, %eq3A_152 : vector<16xf32>
      %jit3A_154 = arith.constant 0xFF800000 : f32
      %broadcast_in_dim3A_155 = vector.broadcast %jit3A_154 : f32 to vector<16xf32>
      %select_n3A_156 = arith.select %eq3A_153, %broadcast_in_dim3A_155, %select_n3A_129 : vector<16xi1>, vector<16xf32>
      %eq3A_157 = vector.broadcast %reduce_max3A_151 : f32 to vector<16xf32>
      %eq3A_158 = arith.cmpf oeq, %select_n3A_134, %eq3A_157 : vector<16xf32>
      %jit3A_159 = arith.constant 0xFF800000 : f32
      %broadcast_in_dim3A_160 = vector.broadcast %jit3A_159 : f32 to vector<16xf32>
      %select_n3A_161 = arith.select %eq3A_158, %broadcast_in_dim3A_160, %select_n3A_134 : vector<16xi1>, vector<16xf32>
      %eq3A_162 = vector.broadcast %reduce_max3A_151 : f32 to vector<16xf32>
      %eq3A_163 = arith.cmpf oeq, %select_n3A_139, %eq3A_162 : vector<16xf32>
      %jit3A_164 = arith.constant 0xFF800000 : f32
      %broadcast_in_dim3A_165 = vector.broadcast %jit3A_164 : f32 to vector<16xf32>
      %select_n3A_166 = arith.select %eq3A_163, %broadcast_in_dim3A_165, %select_n3A_139 : vector<16xi1>, vector<16xf32>
      %eq3A_167 = vector.broadcast %reduce_max3A_151 : f32 to vector<16xf32>
      %eq3A_168 = arith.cmpf oeq, %select_n3A_144, %eq3A_167 : vector<16xf32>
      %jit3A_169 = arith.constant 0xFF800000 : f32
      %broadcast_in_dim3A_170 = vector.broadcast %jit3A_169 : f32 to vector<16xf32>
      %select_n3A_171 = arith.select %eq3A_168, %broadcast_in_dim3A_170, %select_n3A_144 : vector<16xi1>, vector<16xf32>
      %max3A_172 = arith.maximumf %select_n3A_156, %select_n3A_161 : vector<16xf32>
      %max3A_173 = arith.maximumf %select_n3A_166, %select_n3A_171 : vector<16xf32>
      %max3A_174 = arith.maximumf %max3A_172, %max3A_173 : vector<16xf32>
      %reduce_max3A_175 = arith.constant true
      %reduce_max3A_176 = vector.broadcast %reduce_max3A_175 : i1 to vector<16xi1>
      %reduce_max3A_177 = tpu.scan <max>, %max3A_174 masked %reduce_max3A_176 : vector<16xf32>, vector<16xi1> -> vector<16xf32>
      %reduce_max3A_178 = vector.extract %reduce_max3A_177[15] : f32 from vector<16xf32>
      %eq3A_179 = vector.broadcast %reduce_max3A_178 : f32 to vector<16xf32>
      %eq3A_180 = arith.cmpf oeq, %select_n3A_156, %eq3A_179 : vector<16xf32>
      %jit3A_181 = arith.constant 0xFF800000 : f32
      %broadcast_in_dim3A_182 = vector.broadcast %jit3A_181 : f32 to vector<16xf32>
      %select_n3A_183 = arith.select %eq3A_180, %broadcast_in_dim3A_182, %select_n3A_156 : vector<16xi1>, vector<16xf32>
      %eq3A_184 = vector.broadcast %reduce_max3A_178 : f32 to vector<16xf32>
      %eq3A_185 = arith.cmpf oeq, %select_n3A_161, %eq3A_184 : vector<16xf32>
      %jit3A_186 = arith.constant 0xFF800000 : f32
      %broadcast_in_dim3A_187 = vector.broadcast %jit3A_186 : f32 to vector<16xf32>
      %select_n3A_188 = arith.select %eq3A_185, %broadcast_in_dim3A_187, %select_n3A_161 : vector<16xi1>, vector<16xf32>
      %eq3A_189 = vector.broadcast %reduce_max3A_178 : f32 to vector<16xf32>
      %eq3A_190 = arith.cmpf oeq, %select_n3A_166, %eq3A_189 : vector<16xf32>
      %jit3A_191 = arith.constant 0xFF800000 : f32
      %broadcast_in_dim3A_192 = vector.broadcast %jit3A_191 : f32 to vector<16xf32>
      %select_n3A_193 = arith.select %eq3A_190, %broadcast_in_dim3A_192, %select_n3A_166 : vector<16xi1>, vector<16xf32>
      %eq3A_194 = vector.broadcast %reduce_max3A_178 : f32 to vector<16xf32>
      %eq3A_195 = arith.cmpf oeq, %select_n3A_171, %eq3A_194 : vector<16xf32>
      %jit3A_196 = arith.constant 0xFF800000 : f32
      %broadcast_in_dim3A_197 = vector.broadcast %jit3A_196 : f32 to vector<16xf32>
      %select_n3A_198 = arith.select %eq3A_195, %broadcast_in_dim3A_197, %select_n3A_171 : vector<16xi1>, vector<16xf32>
      %max3A_199 = arith.maximumf %select_n3A_183, %select_n3A_188 : vector<16xf32>
      %max3A_200 = arith.maximumf %select_n3A_193, %select_n3A_198 : vector<16xf32>
      %max3A_201 = arith.maximumf %max3A_199, %max3A_200 : vector<16xf32>
      %reduce_max3A_202 = arith.constant true
      %reduce_max3A_203 = vector.broadcast %reduce_max3A_202 : i1 to vector<16xi1>
      %reduce_max3A_204 = tpu.scan <max>, %max3A_201 masked %reduce_max3A_203 : vector<16xf32>, vector<16xi1> -> vector<16xf32>
      %reduce_max3A_205 = vector.extract %reduce_max3A_204[15] : f32 from vector<16xf32>
      %eq3A_206 = vector.broadcast %reduce_max3A_205 : f32 to vector<16xf32>
      %eq3A_207 = arith.cmpf oeq, %select_n3A_183, %eq3A_206 : vector<16xf32>
      %jit3A_208 = arith.constant 0xFF800000 : f32
      %broadcast_in_dim3A_209 = vector.broadcast %jit3A_208 : f32 to vector<16xf32>
      %select_n3A_210 = arith.select %eq3A_207, %broadcast_in_dim3A_209, %select_n3A_183 : vector<16xi1>, vector<16xf32>
      %eq3A_211 = vector.broadcast %reduce_max3A_205 : f32 to vector<16xf32>
      %eq3A_212 = arith.cmpf oeq, %select_n3A_188, %eq3A_211 : vector<16xf32>
      %jit3A_213 = arith.constant 0xFF800000 : f32
      %broadcast_in_dim3A_214 = vector.broadcast %jit3A_213 : f32 to vector<16xf32>
      %select_n3A_215 = arith.select %eq3A_212, %broadcast_in_dim3A_214, %select_n3A_188 : vector<16xi1>, vector<16xf32>
      %eq3A_216 = vector.broadcast %reduce_max3A_205 : f32 to vector<16xf32>
      %eq3A_217 = arith.cmpf oeq, %select_n3A_193, %eq3A_216 : vector<16xf32>
      %jit3A_218 = arith.constant 0xFF800000 : f32
      %broadcast_in_dim3A_219 = vector.broadcast %jit3A_218 : f32 to vector<16xf32>
      %select_n3A_220 = arith.select %eq3A_217, %broadcast_in_dim3A_219, %select_n3A_193 : vector<16xi1>, vector<16xf32>
      %eq3A_221 = vector.broadcast %reduce_max3A_205 : f32 to vector<16xf32>
      %eq3A_222 = arith.cmpf oeq, %select_n3A_198, %eq3A_221 : vector<16xf32>
      %jit3A_223 = arith.constant 0xFF800000 : f32
      %broadcast_in_dim3A_224 = vector.broadcast %jit3A_223 : f32 to vector<16xf32>
      %select_n3A_225 = arith.select %eq3A_222, %broadcast_in_dim3A_224, %select_n3A_198 : vector<16xi1>, vector<16xf32>
      %max3A_226 = arith.maximumf %select_n3A_210, %select_n3A_215 : vector<16xf32>
      %max3A_227 = arith.maximumf %select_n3A_220, %select_n3A_225 : vector<16xf32>
      %max3A_228 = arith.maximumf %max3A_226, %max3A_227 : vector<16xf32>
      %reduce_max3A_229 = arith.constant true
      %reduce_max3A_230 = vector.broadcast %reduce_max3A_229 : i1 to vector<16xi1>
      %reduce_max3A_231 = tpu.scan <max>, %max3A_228 masked %reduce_max3A_230 : vector<16xf32>, vector<16xi1> -> vector<16xf32>
      %reduce_max3A_232 = vector.extract %reduce_max3A_231[15] : f32 from vector<16xf32>
      %eq3A_233 = vector.broadcast %reduce_max3A_232 : f32 to vector<16xf32>
      %eq3A_234 = arith.cmpf oeq, %select_n3A_210, %eq3A_233 : vector<16xf32>
      %jit3A_235 = arith.constant 0xFF800000 : f32
      %broadcast_in_dim3A_236 = vector.broadcast %jit3A_235 : f32 to vector<16xf32>
      %select_n3A_237 = arith.select %eq3A_234, %broadcast_in_dim3A_236, %select_n3A_210 : vector<16xi1>, vector<16xf32>
      %eq3A_238 = vector.broadcast %reduce_max3A_232 : f32 to vector<16xf32>
      %eq3A_239 = arith.cmpf oeq, %select_n3A_215, %eq3A_238 : vector<16xf32>
      %jit3A_240 = arith.constant 0xFF800000 : f32
      %broadcast_in_dim3A_241 = vector.broadcast %jit3A_240 : f32 to vector<16xf32>
      %select_n3A_242 = arith.select %eq3A_239, %broadcast_in_dim3A_241, %select_n3A_215 : vector<16xi1>, vector<16xf32>
      %eq3A_243 = vector.broadcast %reduce_max3A_232 : f32 to vector<16xf32>
      %eq3A_244 = arith.cmpf oeq, %select_n3A_220, %eq3A_243 : vector<16xf32>
      %jit3A_245 = arith.constant 0xFF800000 : f32
      %broadcast_in_dim3A_246 = vector.broadcast %jit3A_245 : f32 to vector<16xf32>
      %select_n3A_247 = arith.select %eq3A_244, %broadcast_in_dim3A_246, %select_n3A_220 : vector<16xi1>, vector<16xf32>
      %eq3A_248 = vector.broadcast %reduce_max3A_232 : f32 to vector<16xf32>
      %eq3A_249 = arith.cmpf oeq, %select_n3A_225, %eq3A_248 : vector<16xf32>
      %jit3A_250 = arith.constant 0xFF800000 : f32
      %broadcast_in_dim3A_251 = vector.broadcast %jit3A_250 : f32 to vector<16xf32>
      %select_n3A_252 = arith.select %eq3A_249, %broadcast_in_dim3A_251, %select_n3A_225 : vector<16xi1>, vector<16xf32>
      %max3A_253 = arith.maximumf %select_n3A_237, %select_n3A_242 : vector<16xf32>
      %max3A_254 = arith.maximumf %select_n3A_247, %select_n3A_252 : vector<16xf32>
      %max3A_255 = arith.maximumf %max3A_253, %max3A_254 : vector<16xf32>
      %reduce_max3A_256 = arith.constant true
      %reduce_max3A_257 = vector.broadcast %reduce_max3A_256 : i1 to vector<16xi1>
      %reduce_max3A_258 = tpu.scan <max>, %max3A_255 masked %reduce_max3A_257 : vector<16xf32>, vector<16xi1> -> vector<16xf32>
      %reduce_max3A_259 = vector.extract %reduce_max3A_258[15] : f32 from vector<16xf32>
      %ge3A = vector.broadcast %reduce_max3A_259 : f32 to vector<16xf32>
      %ge3A_260 = arith.cmpf oge, %get3A_60, %ge3A : vector<16xf32>
      %broadcast_in_dim3A_261 = vector.broadcast %scan3A_16 : f32 to vector<16xf32>
      %select_n3A_262 = arith.select %ge3A_260, %get3A_3, %broadcast_in_dim3A_261 : vector<16xi1>, vector<16xf32>
      %swap3A = arith.index_cast %add3A_57 : i32 to index
      %swap3A_263 = arith.constant 0 : index
      %swap3A_264 = tpu.vector_load %arg7[%swap3A, %swap3A_263] {strides = array<i32>} : memref<128x64xf32, #tpu.memory_space<vmem>>, vector<16xf32>,
      tpu.vector_store %arg7[%swap3A, %swap3A_263], %select_n3A_262 {strides = array<i32>} : memref<128x64xf32, #tpu.memory_space<vmem>>, vector<16xf32>,
      %ge3A_265 = vector.broadcast %reduce_max3A_259 : f32 to vector<16xf32>
      %ge3A_266 = arith.cmpf oge, %get3A_63, %ge3A_265 : vector<16xf32>
      %broadcast_in_dim3A_267 = vector.broadcast %scan3A_16 : f32 to vector<16xf32>
      %select_n3A_268 = arith.select %ge3A_266, %get3A_3, %broadcast_in_dim3A_267 : vector<16xi1>, vector<16xf32>
      %swap3A_269 = arith.index_cast %add3A_57 : i32 to index
      %swap3A_270 = arith.constant 16 : index
      %swap3A_271 = tpu.vector_load %arg7[%swap3A_269, %swap3A_270] {strides = array<i32>} : memref<128x64xf32, #tpu.memory_space<vmem>>, vector<16xf32>,
      tpu.vector_store %arg7[%swap3A_269, %swap3A_270], %select_n3A_268 {strides = array<i32>} : memref<128x64xf32, #tpu.memory_space<vmem>>, vector<16xf32>,
      %ge3A_272 = vector.broadcast %reduce_max3A_259 : f32 to vector<16xf32>
      %ge3A_273 = arith.cmpf oge, %get3A_66, %ge3A_272 : vector<16xf32>
      %broadcast_in_dim3A_274 = vector.broadcast %scan3A_16 : f32 to vector<16xf32>
      %select_n3A_275 = arith.select %ge3A_273, %get3A_3, %broadcast_in_dim3A_274 : vector<16xi1>, vector<16xf32>
      %swap3A_276 = arith.index_cast %add3A_57 : i32 to index
      %swap3A_277 = arith.constant 32 : index
      %swap3A_278 = tpu.vector_load %arg7[%swap3A_276, %swap3A_277] {strides = array<i32>} : memref<128x64xf32, #tpu.memory_space<vmem>>, vector<16xf32>,
      tpu.vector_store %arg7[%swap3A_276, %swap3A_277], %select_n3A_275 {strides = array<i32>} : memref<128x64xf32, #tpu.memory_space<vmem>>, vector<16xf32>,
      %ge3A_279 = vector.broadcast %reduce_max3A_259 : f32 to vector<16xf32>
      %ge3A_280 = arith.cmpf oge, %get3A_69, %ge3A_279 : vector<16xf32>
      %broadcast_in_dim3A_281 = vector.broadcast %scan3A_16 : f32 to vector<16xf32>
      %select_n3A_282 = arith.select %ge3A_280, %get3A_3, %broadcast_in_dim3A_281 : vector<16xi1>, vector<16xf32>
      %swap3A_283 = arith.index_cast %add3A_57 : i32 to index
      %swap3A_284 = arith.constant 48 : index
      %swap3A_285 = tpu.vector_load %arg7[%swap3A_283, %swap3A_284] {strides = array<i32>} : memref<128x64xf32, #tpu.memory_space<vmem>>, vector<16xf32>,
      tpu.vector_store %arg7[%swap3A_283, %swap3A_284], %select_n3A_282 {strides = array<i32>} : memref<128x64xf32, #tpu.memory_space<vmem>>, vector<16xf32>,
      %mul3A_286 = arith.constant 4 : i32
      %mul3A_287 = arith.muli %scan3A_53, %mul3A_286 : i32
      %add3A_288 = arith.constant 1 : i32
      %add3A_289 = arith.addi %mul3A_287, %add3A_288 : i32
      %get3A_290 = arith.index_cast %add3A_289 : i32 to index
      %get3A_291 = arith.constant 0 : index
      %get3A_292 = tpu.vector_load %arg5[%get3A_290, %get3A_291] {strides = array<i32>} : memref<128x64xf32, #tpu.memory_space<vmem>>, vector<16xf32>,
      %get3A_293 = arith.index_cast %add3A_289 : i32 to index
      %get3A_294 = arith.constant 16 : index
      %get3A_295 = tpu.vector_load %arg5[%get3A_293, %get3A_294] {strides = array<i32>} : memref<128x64xf32, #tpu.memory_space<vmem>>, vector<16xf32>,
      %get3A_296 = arith.index_cast %add3A_289 : i32 to index
      %get3A_297 = arith.constant 32 : index
      %get3A_298 = tpu.vector_load %arg5[%get3A_296, %get3A_297] {strides = array<i32>} : memref<128x64xf32, #tpu.memory_space<vmem>>, vector<16xf32>,
      %get3A_299 = arith.index_cast %add3A_289 : i32 to index
      %get3A_300 = arith.constant 48 : index
      %get3A_301 = tpu.vector_load %arg5[%get3A_299, %get3A_300] {strides = array<i32>} : memref<128x64xf32, #tpu.memory_space<vmem>>, vector<16xf32>,
      %max3A_302 = arith.maximumf %get3A_292, %get3A_295 : vector<16xf32>
      %max3A_303 = arith.maximumf %get3A_298, %get3A_301 : vector<16xf32>
      %max3A_304 = arith.maximumf %max3A_302, %max3A_303 : vector<16xf32>
      %reduce_max3A_305 = arith.constant true
      %reduce_max3A_306 = vector.broadcast %reduce_max3A_305 : i1 to vector<16xi1>
      %reduce_max3A_307 = tpu.scan <max>, %max3A_304 masked %reduce_max3A_306 : vector<16xf32>, vector<16xi1> -> vector<16xf32>
      %reduce_max3A_308 = vector.extract %reduce_max3A_307[15] : f32 from vector<16xf32>
      %eq3A_309 = vector.broadcast %reduce_max3A_308 : f32 to vector<16xf32>
      %eq3A_310 = arith.cmpf oeq, %get3A_292, %eq3A_309 : vector<16xf32>
      %jit3A_311 = arith.constant 0xFF800000 : f32
      %broadcast_in_dim3A_312 = vector.broadcast %jit3A_311 : f32 to vector<16xf32>
      %select_n3A_313 = arith.select %eq3A_310, %broadcast_in_dim3A_312, %get3A_292 : vector<16xi1>, vector<16xf32>
      %eq3A_314 = vector.broadcast %reduce_max3A_308 : f32 to vector<16xf32>
      %eq3A_315 = arith.cmpf oeq, %get3A_295, %eq3A_314 : vector<16xf32>
      %jit3A_316 = arith.constant 0xFF800000 : f32
      %broadcast_in_dim3A_317 = vector.broadcast %jit3A_316 : f32 to vector<16xf32>
      %select_n3A_318 = arith.select %eq3A_315, %broadcast_in_dim3A_317, %get3A_295 : vector<16xi1>, vector<16xf32>
      %eq3A_319 = vector.broadcast %reduce_max3A_308 : f32 to vector<16xf32>
      %eq3A_320 = arith.cmpf oeq, %get3A_298, %eq3A_319 : vector<16xf32>
      %jit3A_321 = arith.constant 0xFF800000 : f32
      %broadcast_in_dim3A_322 = vector.broadcast %jit3A_321 : f32 to vector<16xf32>
      %select_n3A_323 = arith.select %eq3A_320, %broadcast_in_dim3A_322, %get3A_298 : vector<16xi1>, vector<16xf32>
      %eq3A_324 = vector.broadcast %reduce_max3A_308 : f32 to vector<16xf32>
      %eq3A_325 = arith.cmpf oeq, %get3A_301, %eq3A_324 : vector<16xf32>
      %jit3A_326 = arith.constant 0xFF800000 : f32
      %broadcast_in_dim3A_327 = vector.broadcast %jit3A_326 : f32 to vector<16xf32>
      %select_n3A_328 = arith.select %eq3A_325, %broadcast_in_dim3A_327, %get3A_301 : vector<16xi1>, vector<16xf32>
      %max3A_329 = arith.maximumf %select_n3A_313, %select_n3A_318 : vector<16xf32>
      %max3A_330 = arith.maximumf %select_n3A_323, %select_n3A_328 : vector<16xf32>
      %max3A_331 = arith.maximumf %max3A_329, %max3A_330 : vector<16xf32>
      %reduce_max3A_332 = arith.constant true
      %reduce_max3A_333 = vector.broadcast %reduce_max3A_332 : i1 to vector<16xi1>
      %reduce_max3A_334 = tpu.scan <max>, %max3A_331 masked %reduce_max3A_333 : vector<16xf32>, vector<16xi1> -> vector<16xf32>
      %reduce_max3A_335 = vector.extract %reduce_max3A_334[15] : f32 from vector<16xf32>
      %eq3A_336 = vector.broadcast %reduce_max3A_335 : f32 to vector<16xf32>
      %eq3A_337 = arith.cmpf oeq, %select_n3A_313, %eq3A_336 : vector<16xf32>
      %jit3A_338 = arith.constant 0xFF800000 : f32
      %broadcast_in_dim3A_339 = vector.broadcast %jit3A_338 : f32 to vector<16xf32>
      %select_n3A_340 = arith.select %eq3A_337, %broadcast_in_dim3A_339, %select_n3A_313 : vector<16xi1>, vector<16xf32>
      %eq3A_341 = vector.broadcast %reduce_max3A_335 : f32 to vector<16xf32>
      %eq3A_342 = arith.cmpf oeq, %select_n3A_318, %eq3A_341 : vector<16xf32>
      %jit3A_343 = arith.constant 0xFF800000 : f32
      %broadcast_in_dim3A_344 = vector.broadcast %jit3A_343 : f32 to vector<16xf32>
      %select_n3A_345 = arith.select %eq3A_342, %broadcast_in_dim3A_344, %select_n3A_318 : vector<16xi1>, vector<16xf32>
      %eq3A_346 = vector.broadcast %reduce_max3A_335 : f32 to vector<16xf32>
      %eq3A_347 = arith.cmpf oeq, %select_n3A_323, %eq3A_346 : vector<16xf32>
      %jit3A_348 = arith.constant 0xFF800000 : f32
      %broadcast_in_dim3A_349 = vector.broadcast %jit3A_348 : f32 to vector<16xf32>
      %select_n3A_350 = arith.select %eq3A_347, %broadcast_in_dim3A_349, %select_n3A_323 : vector<16xi1>, vector<16xf32>
      %eq3A_351 = vector.broadcast %reduce_max3A_335 : f32 to vector<16xf32>
      %eq3A_352 = arith.cmpf oeq, %select_n3A_328, %eq3A_351 : vector<16xf32>
      %jit3A_353 = arith.constant 0xFF800000 : f32
      %broadcast_in_dim3A_354 = vector.broadcast %jit3A_353 : f32 to vector<16xf32>
      %select_n3A_355 = arith.select %eq3A_352, %broadcast_in_dim3A_354, %select_n3A_328 : vector<16xi1>, vector<16xf32>
      %max3A_356 = arith.maximumf %select_n3A_340, %select_n3A_345 : vector<16xf32>
      %max3A_357 = arith.maximumf %select_n3A_350, %select_n3A_355 : vector<16xf32>
      %max3A_358 = arith.maximumf %max3A_356, %max3A_357 : vector<16xf32>
      %reduce_max3A_359 = arith.constant true
      %reduce_max3A_360 = vector.broadcast %reduce_max3A_359 : i1 to vector<16xi1>
      %reduce_max3A_361 = tpu.scan <max>, %max3A_358 masked %reduce_max3A_360 : vector<16xf32>, vector<16xi1> -> vector<16xf32>
      %reduce_max3A_362 = vector.extract %reduce_max3A_361[15] : f32 from vector<16xf32>
      %eq3A_363 = vector.broadcast %reduce_max3A_362 : f32 to vector<16xf32>
      %eq3A_364 = arith.cmpf oeq, %select_n3A_340, %eq3A_363 : vector<16xf32>
      %jit3A_365 = arith.constant 0xFF800000 : f32
      %broadcast_in_dim3A_366 = vector.broadcast %jit3A_365 : f32 to vector<16xf32>
      %select_n3A_367 = arith.select %eq3A_364, %broadcast_in_dim3A_366, %select_n3A_340 : vector<16xi1>, vector<16xf32>
      %eq3A_368 = vector.broadcast %reduce_max3A_362 : f32 to vector<16xf32>
      %eq3A_369 = arith.cmpf oeq, %select_n3A_345, %eq3A_368 : vector<16xf32>
      %jit3A_370 = arith.constant 0xFF800000 : f32
      %broadcast_in_dim3A_371 = vector.broadcast %jit3A_370 : f32 to vector<16xf32>
      %select_n3A_372 = arith.select %eq3A_369, %broadcast_in_dim3A_371, %select_n3A_345 : vector<16xi1>, vector<16xf32>
      %eq3A_373 = vector.broadcast %reduce_max3A_362 : f32 to vector<16xf32>
      %eq3A_374 = arith.cmpf oeq, %select_n3A_350, %eq3A_373 : vector<16xf32>
      %jit3A_375 = arith.constant 0xFF800000 : f32
      %broadcast_in_dim3A_376 = vector.broadcast %jit3A_375 : f32 to vector<16xf32>
      %select_n3A_377 = arith.select %eq3A_374, %broadcast_in_dim3A_376, %select_n3A_350 : vector<16xi1>, vector<16xf32>
      %eq3A_378 = vector.broadcast %reduce_max3A_362 : f32 to vector<16xf32>
      %eq3A_379 = arith.cmpf oeq, %select_n3A_355, %eq3A_378 : vector<16xf32>
      %jit3A_380 = arith.constant 0xFF800000 : f32
      %broadcast_in_dim3A_381 = vector.broadcast %jit3A_380 : f32 to vector<16xf32>
      %select_n3A_382 = arith.select %eq3A_379, %broadcast_in_dim3A_381, %select_n3A_355 : vector<16xi1>, vector<16xf32>
      %max3A_383 = arith.maximumf %select_n3A_367, %select_n3A_372 : vector<16xf32>
      %max3A_384 = arith.maximumf %select_n3A_377, %select_n3A_382 : vector<16xf32>
      %max3A_385 = arith.maximumf %max3A_383, %max3A_384 : vector<16xf32>
      %reduce_max3A_386 = arith.constant true
      %reduce_max3A_387 = vector.broadcast %reduce_max3A_386 : i1 to vector<16xi1>
      %reduce_max3A_388 = tpu.scan <max>, %max3A_385 masked %reduce_max3A_387 : vector<16xf32>, vector<16xi1> -> vector<16xf32>
      %reduce_max3A_389 = vector.extract %reduce_max3A_388[15] : f32 from vector<16xf32>
      %eq3A_390 = vector.broadcast %reduce_max3A_389 : f32 to vector<16xf32>
      %eq3A_391 = arith.cmpf oeq, %select_n3A_367, %eq3A_390 : vector<16xf32>
      %jit3A_392 = arith.constant 0xFF800000 : f32
      %broadcast_in_dim3A_393 = vector.broadcast %jit3A_392 : f32 to vector<16xf32>
      %select_n3A_394 = arith.select %eq3A_391, %broadcast_in_dim3A_393, %select_n3A_367 : vector<16xi1>, vector<16xf32>
      %eq3A_395 = vector.broadcast %reduce_max3A_389 : f32 to vector<16xf32>
      %eq3A_396 = arith.cmpf oeq, %select_n3A_372, %eq3A_395 : vector<16xf32>
      %jit3A_397 = arith.constant 0xFF800000 : f32
      %broadcast_in_dim3A_398 = vector.broadcast %jit3A_397 : f32 to vector<16xf32>
      %select_n3A_399 = arith.select %eq3A_396, %broadcast_in_dim3A_398, %select_n3A_372 : vector<16xi1>, vector<16xf32>
      %eq3A_400 = vector.broadcast %reduce_max3A_389 : f32 to vector<16xf32>
      %eq3A_401 = arith.cmpf oeq, %select_n3A_377, %eq3A_400 : vector<16xf32>
      %jit3A_402 = arith.constant 0xFF800000 : f32
      %broadcast_in_dim3A_403 = vector.broadcast %jit3A_402 : f32 to vector<16xf32>
      %select_n3A_404 = arith.select %eq3A_401, %broadcast_in_dim3A_403, %select_n3A_377 : vector<16xi1>, vector<16xf32>
      %eq3A_405 = vector.broadcast %reduce_max3A_389 : f32 to vector<16xf32>
      %eq3A_406 = arith.cmpf oeq, %select_n3A_382, %eq3A_405 : vector<16xf32>
      %jit3A_407 = arith.constant 0xFF800000 : f32
      %broadcast_in_dim3A_408 = vector.broadcast %jit3A_407 : f32 to vector<16xf32>
      %select_n3A_409 = arith.select %eq3A_406, %broadcast_in_dim3A_408, %select_n3A_382 : vector<16xi1>, vector<16xf32>
      %max3A_410 = arith.maximumf %select_n3A_394, %select_n3A_399 : vector<16xf32>
      %max3A_411 = arith.maximumf %select_n3A_404, %select_n3A_409 : vector<16xf32>
      %max3A_412 = arith.maximumf %max3A_410, %max3A_411 : vector<16xf32>
      %reduce_max3A_413 = arith.constant true
      %reduce_max3A_414 = vector.broadcast %reduce_max3A_413 : i1 to vector<16xi1>
      %reduce_max3A_415 = tpu.scan <max>, %max3A_412 masked %reduce_max3A_414 : vector<16xf32>, vector<16xi1> -> vector<16xf32>
      %reduce_max3A_416 = vector.extract %reduce_max3A_415[15] : f32 from vector<16xf32>
      %eq3A_417 = vector.broadcast %reduce_max3A_416 : f32 to vector<16xf32>
      %eq3A_418 = arith.cmpf oeq, %select_n3A_394, %eq3A_417 : vector<16xf32>
      %jit3A_419 = arith.constant 0xFF800000 : f32
      %broadcast_in_dim3A_420 = vector.broadcast %jit3A_419 : f32 to vector<16xf32>
      %select_n3A_421 = arith.select %eq3A_418, %broadcast_in_dim3A_420, %select_n3A_394 : vector<16xi1>, vector<16xf32>
      %eq3A_422 = vector.broadcast %reduce_max3A_416 : f32 to vector<16xf32>
      %eq3A_423 = arith.cmpf oeq, %select_n3A_399, %eq3A_422 : vector<16xf32>
      %jit3A_424 = arith.constant 0xFF800000 : f32
      %broadcast_in_dim3A_425 = vector.broadcast %jit3A_424 : f32 to vector<16xf32>
      %select_n3A_426 = arith.select %eq3A_423, %broadcast_in_dim3A_425, %select_n3A_399 : vector<16xi1>, vector<16xf32>
      %eq3A_427 = vector.broadcast %reduce_max3A_416 : f32 to vector<16xf32>
      %eq3A_428 = arith.cmpf oeq, %select_n3A_404, %eq3A_427 : vector<16xf32>
      %jit3A_429 = arith.constant 0xFF800000 : f32
      %broadcast_in_dim3A_430 = vector.broadcast %jit3A_429 : f32 to vector<16xf32>
      %select_n3A_431 = arith.select %eq3A_428, %broadcast_in_dim3A_430, %select_n3A_404 : vector<16xi1>, vector<16xf32>
      %eq3A_432 = vector.broadcast %reduce_max3A_416 : f32 to vector<16xf32>
      %eq3A_433 = arith.cmpf oeq, %select_n3A_409, %eq3A_432 : vector<16xf32>
      %jit3A_434 = arith.constant 0xFF800000 : f32
      %broadcast_in_dim3A_435 = vector.broadcast %jit3A_434 : f32 to vector<16xf32>
      %select_n3A_436 = arith.select %eq3A_433, %broadcast_in_dim3A_435, %select_n3A_409 : vector<16xi1>, vector<16xf32>
      %max3A_437 = arith.maximumf %select_n3A_421, %select_n3A_426 : vector<16xf32>
      %max3A_438 = arith.maximumf %select_n3A_431, %select_n3A_436 : vector<16xf32>
      %max3A_439 = arith.maximumf %max3A_437, %max3A_438 : vector<16xf32>
      %reduce_max3A_440 = arith.constant true
      %reduce_max3A_441 = vector.broadcast %reduce_max3A_440 : i1 to vector<16xi1>
      %reduce_max3A_442 = tpu.scan <max>, %max3A_439 masked %reduce_max3A_441 : vector<16xf32>, vector<16xi1> -> vector<16xf32>
      %reduce_max3A_443 = vector.extract %reduce_max3A_442[15] : f32 from vector<16xf32>
      %eq3A_444 = vector.broadcast %reduce_max3A_443 : f32 to vector<16xf32>
      %eq3A_445 = arith.cmpf oeq, %select_n3A_421, %eq3A_444 : vector<16xf32>
      %jit3A_446 = arith.constant 0xFF800000 : f32
      %broadcast_in_dim3A_447 = vector.broadcast %jit3A_446 : f32 to vector<16xf32>
      %select_n3A_448 = arith.select %eq3A_445, %broadcast_in_dim3A_447, %select_n3A_421 : vector<16xi1>, vector<16xf32>
      %eq3A_449 = vector.broadcast %reduce_max3A_443 : f32 to vector<16xf32>
      %eq3A_450 = arith.cmpf oeq, %select_n3A_426, %eq3A_449 : vector<16xf32>
      %jit3A_451 = arith.constant 0xFF800000 : f32
      %broadcast_in_dim3A_452 = vector.broadcast %jit3A_451 : f32 to vector<16xf32>
      %select_n3A_453 = arith.select %eq3A_450, %broadcast_in_dim3A_452, %select_n3A_426 : vector<16xi1>, vector<16xf32>
      %eq3A_454 = vector.broadcast %reduce_max3A_443 : f32 to vector<16xf32>
      %eq3A_455 = arith.cmpf oeq, %select_n3A_431, %eq3A_454 : vector<16xf32>
      %jit3A_456 = arith.constant 0xFF800000 : f32
      %broadcast_in_dim3A_457 = vector.broadcast %jit3A_456 : f32 to vector<16xf32>
      %select_n3A_458 = arith.select %eq3A_455, %broadcast_in_dim3A_457, %select_n3A_431 : vector<16xi1>, vector<16xf32>
      %eq3A_459 = vector.broadcast %reduce_max3A_443 : f32 to vector<16xf32>
      %eq3A_460 = arith.cmpf oeq, %select_n3A_436, %eq3A_459 : vector<16xf32>
      %jit3A_461 = arith.constant 0xFF800000 : f32
      %broadcast_in_dim3A_462 = vector.broadcast %jit3A_461 : f32 to vector<16xf32>
      %select_n3A_463 = arith.select %eq3A_460, %broadcast_in_dim3A_462, %select_n3A_436 : vector<16xi1>, vector<16xf32>
      %max3A_464 = arith.maximumf %select_n3A_448, %select_n3A_453 : vector<16xf32>
      %max3A_465 = arith.maximumf %select_n3A_458, %select_n3A_463 : vector<16xf32>
      %max3A_466 = arith.maximumf %max3A_464, %max3A_465 : vector<16xf32>
      %reduce_max3A_467 = arith.constant true
      %reduce_max3A_468 = vector.broadcast %reduce_max3A_467 : i1 to vector<16xi1>
      %reduce_max3A_469 = tpu.scan <max>, %max3A_466 masked %reduce_max3A_468 : vector<16xf32>, vector<16xi1> -> vector<16xf32>
      %reduce_max3A_470 = vector.extract %reduce_max3A_469[15] : f32 from vector<16xf32>
      %eq3A_471 = vector.broadcast %reduce_max3A_470 : f32 to vector<16xf32>
      %eq3A_472 = arith.cmpf oeq, %select_n3A_448, %eq3A_471 : vector<16xf32>
      %jit3A_473 = arith.constant 0xFF800000 : f32
      %broadcast_in_dim3A_474 = vector.broadcast %jit3A_473 : f32 to vector<16xf32>
      %select_n3A_475 = arith.select %eq3A_472, %broadcast_in_dim3A_474, %select_n3A_448 : vector<16xi1>, vector<16xf32>
      %eq3A_476 = vector.broadcast %reduce_max3A_470 : f32 to vector<16xf32>
      %eq3A_477 = arith.cmpf oeq, %select_n3A_453, %eq3A_476 : vector<16xf32>
      %jit3A_478 = arith.constant 0xFF800000 : f32
      %broadcast_in_dim3A_479 = vector.broadcast %jit3A_478 : f32 to vector<16xf32>
      %select_n3A_480 = arith.select %eq3A_477, %broadcast_in_dim3A_479, %select_n3A_453 : vector<16xi1>, vector<16xf32>
      %eq3A_481 = vector.broadcast %reduce_max3A_470 : f32 to vector<16xf32>
      %eq3A_482 = arith.cmpf oeq, %select_n3A_458, %eq3A_481 : vector<16xf32>
      %jit3A_483 = arith.constant 0xFF800000 : f32
      %broadcast_in_dim3A_484 = vector.broadcast %jit3A_483 : f32 to vector<16xf32>
      %select_n3A_485 = arith.select %eq3A_482, %broadcast_in_dim3A_484, %select_n3A_458 : vector<16xi1>, vector<16xf32>
      %eq3A_486 = vector.broadcast %reduce_max3A_470 : f32 to vector<16xf32>
      %eq3A_487 = arith.cmpf oeq, %select_n3A_463, %eq3A_486 : vector<16xf32>
      %jit3A_488 = arith.constant 0xFF800000 : f32
      %broadcast_in_dim3A_489 = vector.broadcast %jit3A_488 : f32 to vector<16xf32>
      %select_n3A_490 = arith.select %eq3A_487, %broadcast_in_dim3A_489, %select_n3A_463 : vector<16xi1>, vector<16xf32>
      %max3A_491 = arith.maximumf %select_n3A_475, %select_n3A_480 : vector<16xf32>
      %max3A_492 = arith.maximumf %select_n3A_485, %select_n3A_490 : vector<16xf32>
      %max3A_493 = arith.maximumf %max3A_491, %max3A_492 : vector<16xf32>
      %reduce_max3A_494 = arith.constant true
      %reduce_max3A_495 = vector.broadcast %reduce_max3A_494 : i1 to vector<16xi1>
      %reduce_max3A_496 = tpu.scan <max>, %max3A_493 masked %reduce_max3A_495 : vector<16xf32>, vector<16xi1> -> vector<16xf32>
      %reduce_max3A_497 = vector.extract %reduce_max3A_496[15] : f32 from vector<16xf32>
      %ge3A_498 = vector.broadcast %reduce_max3A_497 : f32 to vector<16xf32>
      %ge3A_499 = arith.cmpf oge, %get3A_292, %ge3A_498 : vector<16xf32>
      %broadcast_in_dim3A_500 = vector.broadcast %scan3A_16 : f32 to vector<16xf32>
      %select_n3A_501 = arith.select %ge3A_499, %get3A_3, %broadcast_in_dim3A_500 : vector<16xi1>, vector<16xf32>
      %swap3A_502 = arith.index_cast %add3A_289 : i32 to index
      %swap3A_503 = arith.constant 0 : index
      %swap3A_504 = tpu.vector_load %arg7[%swap3A_502, %swap3A_503] {strides = array<i32>} : memref<128x64xf32, #tpu.memory_space<vmem>>, vector<16xf32>,
      tpu.vector_store %arg7[%swap3A_502, %swap3A_503], %select_n3A_501 {strides = array<i32>} : memref<128x64xf32, #tpu.memory_space<vmem>>, vector<16xf32>,
      %ge3A_505 = vector.broadcast %reduce_max3A_497 : f32 to vector<16xf32>
      %ge3A_506 = arith.cmpf oge, %get3A_295, %ge3A_505 : vector<16xf32>
      %broadcast_in_dim3A_507 = vector.broadcast %scan3A_16 : f32 to vector<16xf32>
      %select_n3A_508 = arith.select %ge3A_506, %get3A_3, %broadcast_in_dim3A_507 : vector<16xi1>, vector<16xf32>
      %swap3A_509 = arith.index_cast %add3A_289 : i32 to index
      %swap3A_510 = arith.constant 16 : index
      %swap3A_511 = tpu.vector_load %arg7[%swap3A_509, %swap3A_510] {strides = array<i32>} : memref<128x64xf32, #tpu.memory_space<vmem>>, vector<16xf32>,
      tpu.vector_store %arg7[%swap3A_509, %swap3A_510], %select_n3A_508 {strides = array<i32>} : memref<128x64xf32, #tpu.memory_space<vmem>>, vector<16xf32>,
      %ge3A_512 = vector.broadcast %reduce_max3A_497 : f32 to vector<16xf32>
      %ge3A_513 = arith.cmpf oge, %get3A_298, %ge3A_512 : vector<16xf32>
      %broadcast_in_dim3A_514 = vector.broadcast %scan3A_16 : f32 to vector<16xf32>
      %select_n3A_515 = arith.select %ge3A_513, %get3A_3, %broadcast_in_dim3A_514 : vector<16xi1>, vector<16xf32>
      %swap3A_516 = arith.index_cast %add3A_289 : i32 to index
      %swap3A_517 = arith.constant 32 : index
      %swap3A_518 = tpu.vector_load %arg7[%swap3A_516, %swap3A_517] {strides = array<i32>} : memref<128x64xf32, #tpu.memory_space<vmem>>, vector<16xf32>,
      tpu.vector_store %arg7[%swap3A_516, %swap3A_517], %select_n3A_515 {strides = array<i32>} : memref<128x64xf32, #tpu.memory_space<vmem>>, vector<16xf32>,
      %ge3A_519 = vector.broadcast %reduce_max3A_497 : f32 to vector<16xf32>
      %ge3A_520 = arith.cmpf oge, %get3A_301, %ge3A_519 : vector<16xf32>
      %broadcast_in_dim3A_521 = vector.broadcast %scan3A_16 : f32 to vector<16xf32>
      %select_n3A_522 = arith.select %ge3A_520, %get3A_3, %broadcast_in_dim3A_521 : vector<16xi1>, vector<16xf32>
      %swap3A_523 = arith.index_cast %add3A_289 : i32 to index
      %swap3A_524 = arith.constant 48 : index
      %swap3A_525 = tpu.vector_load %arg7[%swap3A_523, %swap3A_524] {strides = array<i32>} : memref<128x64xf32, #tpu.memory_space<vmem>>, vector<16xf32>,
      tpu.vector_store %arg7[%swap3A_523, %swap3A_524], %select_n3A_522 {strides = array<i32>} : memref<128x64xf32, #tpu.memory_space<vmem>>, vector<16xf32>,
      %mul3A_526 = arith.constant 4 : i32
      %mul3A_527 = arith.muli %scan3A_53, %mul3A_526 : i32
      %add3A_528 = arith.constant 2 : i32
      %add3A_529 = arith.addi %mul3A_527, %add3A_528 : i32
      %get3A_530 = arith.index_cast %add3A_529 : i32 to index
      %get3A_531 = arith.constant 0 : index
      %get3A_532 = tpu.vector_load %arg5[%get3A_530, %get3A_531] {strides = array<i32>} : memref<128x64xf32, #tpu.memory_space<vmem>>, vector<16xf32>,
      %get3A_533 = arith.index_cast %add3A_529 : i32 to index
      %get3A_534 = arith.constant 16 : index
      %get3A_535 = tpu.vector_load %arg5[%get3A_533, %get3A_534] {strides = array<i32>} : memref<128x64xf32, #tpu.memory_space<vmem>>, vector<16xf32>,
      %get3A_536 = arith.index_cast %add3A_529 : i32 to index
      %get3A_537 = arith.constant 32 : index
      %get3A_538 = tpu.vector_load %arg5[%get3A_536, %get3A_537] {strides = array<i32>} : memref<128x64xf32, #tpu.memory_space<vmem>>, vector<16xf32>,
      %get3A_539 = arith.index_cast %add3A_529 : i32 to index
      %get3A_540 = arith.constant 48 : index
      %get3A_541 = tpu.vector_load %arg5[%get3A_539, %get3A_540] {strides = array<i32>} : memref<128x64xf32, #tpu.memory_space<vmem>>, vector<16xf32>,
      %max3A_542 = arith.maximumf %get3A_532, %get3A_535 : vector<16xf32>
      %max3A_543 = arith.maximumf %get3A_538, %get3A_541 : vector<16xf32>
      %max3A_544 = arith.maximumf %max3A_542, %max3A_543 : vector<16xf32>
      %reduce_max3A_545 = arith.constant true
      %reduce_max3A_546 = vector.broadcast %reduce_max3A_545 : i1 to vector<16xi1>
      %reduce_max3A_547 = tpu.scan <max>, %max3A_544 masked %reduce_max3A_546 : vector<16xf32>, vector<16xi1> -> vector<16xf32>
      %reduce_max3A_548 = vector.extract %reduce_max3A_547[15] : f32 from vector<16xf32>
      %eq3A_549 = vector.broadcast %reduce_max3A_548 : f32 to vector<16xf32>
      %eq3A_550 = arith.cmpf oeq, %get3A_532, %eq3A_549 : vector<16xf32>
      %jit3A_551 = arith.constant 0xFF800000 : f32
      %broadcast_in_dim3A_552 = vector.broadcast %jit3A_551 : f32 to vector<16xf32>
      %select_n3A_553 = arith.select %eq3A_550, %broadcast_in_dim3A_552, %get3A_532 : vector<16xi1>, vector<16xf32>
      %eq3A_554 = vector.broadcast %reduce_max3A_548 : f32 to vector<16xf32>
      %eq3A_555 = arith.cmpf oeq, %get3A_535, %eq3A_554 : vector<16xf32>
      %jit3A_556 = arith.constant 0xFF800000 : f32
      %broadcast_in_dim3A_557 = vector.broadcast %jit3A_556 : f32 to vector<16xf32>
      %select_n3A_558 = arith.select %eq3A_555, %broadcast_in_dim3A_557, %get3A_535 : vector<16xi1>, vector<16xf32>
      %eq3A_559 = vector.broadcast %reduce_max3A_548 : f32 to vector<16xf32>
      %eq3A_560 = arith.cmpf oeq, %get3A_538, %eq3A_559 : vector<16xf32>
      %jit3A_561 = arith.constant 0xFF800000 : f32
      %broadcast_in_dim3A_562 = vector.broadcast %jit3A_561 : f32 to vector<16xf32>
      %select_n3A_563 = arith.select %eq3A_560, %broadcast_in_dim3A_562, %get3A_538 : vector<16xi1>, vector<16xf32>
      %eq3A_564 = vector.broadcast %reduce_max3A_548 : f32 to vector<16xf32>
      %eq3A_565 = arith.cmpf oeq, %get3A_541, %eq3A_564 : vector<16xf32>
      %jit3A_566 = arith.constant 0xFF800000 : f32
      %broadcast_in_dim3A_567 = vector.broadcast %jit3A_566 : f32 to vector<16xf32>
      %select_n3A_568 = arith.select %eq3A_565, %broadcast_in_dim3A_567, %get3A_541 : vector<16xi1>, vector<16xf32>
      %max3A_569 = arith.maximumf %select_n3A_553, %select_n3A_558 : vector<16xf32>
      %max3A_570 = arith.maximumf %select_n3A_563, %select_n3A_568 : vector<16xf32>
      %max3A_571 = arith.maximumf %max3A_569, %max3A_570 : vector<16xf32>
      %reduce_max3A_572 = arith.constant true
      %reduce_max3A_573 = vector.broadcast %reduce_max3A_572 : i1 to vector<16xi1>
      %reduce_max3A_574 = tpu.scan <max>, %max3A_571 masked %reduce_max3A_573 : vector<16xf32>, vector<16xi1> -> vector<16xf32>
      %reduce_max3A_575 = vector.extract %reduce_max3A_574[15] : f32 from vector<16xf32>
      %eq3A_576 = vector.broadcast %reduce_max3A_575 : f32 to vector<16xf32>
      %eq3A_577 = arith.cmpf oeq, %select_n3A_553, %eq3A_576 : vector<16xf32>
      %jit3A_578 = arith.constant 0xFF800000 : f32
      %broadcast_in_dim3A_579 = vector.broadcast %jit3A_578 : f32 to vector<16xf32>
      %select_n3A_580 = arith.select %eq3A_577, %broadcast_in_dim3A_579, %select_n3A_553 : vector<16xi1>, vector<16xf32>
      %eq3A_581 = vector.broadcast %reduce_max3A_575 : f32 to vector<16xf32>
      %eq3A_582 = arith.cmpf oeq, %select_n3A_558, %eq3A_581 : vector<16xf32>
      %jit3A_583 = arith.constant 0xFF800000 : f32
      %broadcast_in_dim3A_584 = vector.broadcast %jit3A_583 : f32 to vector<16xf32>
      %select_n3A_585 = arith.select %eq3A_582, %broadcast_in_dim3A_584, %select_n3A_558 : vector<16xi1>, vector<16xf32>
      %eq3A_586 = vector.broadcast %reduce_max3A_575 : f32 to vector<16xf32>
      %eq3A_587 = arith.cmpf oeq, %select_n3A_563, %eq3A_586 : vector<16xf32>
      %jit3A_588 = arith.constant 0xFF800000 : f32
      %broadcast_in_dim3A_589 = vector.broadcast %jit3A_588 : f32 to vector<16xf32>
      %select_n3A_590 = arith.select %eq3A_587, %broadcast_in_dim3A_589, %select_n3A_563 : vector<16xi1>, vector<16xf32>
      %eq3A_591 = vector.broadcast %reduce_max3A_575 : f32 to vector<16xf32>
      %eq3A_592 = arith.cmpf oeq, %select_n3A_568, %eq3A_591 : vector<16xf32>
      %jit3A_593 = arith.constant 0xFF800000 : f32
      %broadcast_in_dim3A_594 = vector.broadcast %jit3A_593 : f32 to vector<16xf32>
      %select_n3A_595 = arith.select %eq3A_592, %broadcast_in_dim3A_594, %select_n3A_568 : vector<16xi1>, vector<16xf32>
      %max3A_596 = arith.maximumf %select_n3A_580, %select_n3A_585 : vector<16xf32>
      %max3A_597 = arith.maximumf %select_n3A_590, %select_n3A_595 : vector<16xf32>
      %max3A_598 = arith.maximumf %max3A_596, %max3A_597 : vector<16xf32>
      %reduce_max3A_599 = arith.constant true
      %reduce_max3A_600 = vector.broadcast %reduce_max3A_599 : i1 to vector<16xi1>
      %reduce_max3A_601 = tpu.scan <max>, %max3A_598 masked %reduce_max3A_600 : vector<16xf32>, vector<16xi1> -> vector<16xf32>
      %reduce_max3A_602 = vector.extract %reduce_max3A_601[15] : f32 from vector<16xf32>
      %eq3A_603 = vector.broadcast %reduce_max3A_602 : f32 to vector<16xf32>
      %eq3A_604 = arith.cmpf oeq, %select_n3A_580, %eq3A_603 : vector<16xf32>
      %jit3A_605 = arith.constant 0xFF800000 : f32
      %broadcast_in_dim3A_606 = vector.broadcast %jit3A_605 : f32 to vector<16xf32>
      %select_n3A_607 = arith.select %eq3A_604, %broadcast_in_dim3A_606, %select_n3A_580 : vector<16xi1>, vector<16xf32>
      %eq3A_608 = vector.broadcast %reduce_max3A_602 : f32 to vector<16xf32>
      %eq3A_609 = arith.cmpf oeq, %select_n3A_585, %eq3A_608 : vector<16xf32>
      %jit3A_610 = arith.constant 0xFF800000 : f32
      %broadcast_in_dim3A_611 = vector.broadcast %jit3A_610 : f32 to vector<16xf32>
      %select_n3A_612 = arith.select %eq3A_609, %broadcast_in_dim3A_611, %select_n3A_585 : vector<16xi1>, vector<16xf32>
      %eq3A_613 = vector.broadcast %reduce_max3A_602 : f32 to vector<16xf32>
      %eq3A_614 = arith.cmpf oeq, %select_n3A_590, %eq3A_613 : vector<16xf32>
      %jit3A_615 = arith.constant 0xFF800000 : f32
      %broadcast_in_dim3A_616 = vector.broadcast %jit3A_615 : f32 to vector<16xf32>
      %select_n3A_617 = arith.select %eq3A_614, %broadcast_in_dim3A_616, %select_n3A_590 : vector<16xi1>, vector<16xf32>
      %eq3A_618 = vector.broadcast %reduce_max3A_602 : f32 to vector<16xf32>
      %eq3A_619 = arith.cmpf oeq, %select_n3A_595, %eq3A_618 : vector<16xf32>
      %jit3A_620 = arith.constant 0xFF800000 : f32
      %broadcast_in_dim3A_621 = vector.broadcast %jit3A_620 : f32 to vector<16xf32>
      %select_n3A_622 = arith.select %eq3A_619, %broadcast_in_dim3A_621, %select_n3A_595 : vector<16xi1>, vector<16xf32>
      %max3A_623 = arith.maximumf %select_n3A_607, %select_n3A_612 : vector<16xf32>
      %max3A_624 = arith.maximumf %select_n3A_617, %select_n3A_622 : vector<16xf32>
      %max3A_625 = arith.maximumf %max3A_623, %max3A_624 : vector<16xf32>
      %reduce_max3A_626 = arith.constant true
      %reduce_max3A_627 = vector.broadcast %reduce_max3A_626 : i1 to vector<16xi1>
      %reduce_max3A_628 = tpu.scan <max>, %max3A_625 masked %reduce_max3A_627 : vector<16xf32>, vector<16xi1> -> vector<16xf32>
      %reduce_max3A_629 = vector.extract %reduce_max3A_628[15] : f32 from vector<16xf32>
      %eq3A_630 = vector.broadcast %reduce_max3A_629 : f32 to vector<16xf32>
      %eq3A_631 = arith.cmpf oeq, %select_n3A_607, %eq3A_630 : vector<16xf32>
      %jit3A_632 = arith.constant 0xFF800000 : f32
      %broadcast_in_dim3A_633 = vector.broadcast %jit3A_632 : f32 to vector<16xf32>
      %select_n3A_634 = arith.select %eq3A_631, %broadcast_in_dim3A_633, %select_n3A_607 : vector<16xi1>, vector<16xf32>
      %eq3A_635 = vector.broadcast %reduce_max3A_629 : f32 to vector<16xf32>
      %eq3A_636 = arith.cmpf oeq, %select_n3A_612, %eq3A_635 : vector<16xf32>
      %jit3A_637 = arith.constant 0xFF800000 : f32
      %broadcast_in_dim3A_638 = vector.broadcast %jit3A_637 : f32 to vector<16xf32>
      %select_n3A_639 = arith.select %eq3A_636, %broadcast_in_dim3A_638, %select_n3A_612 : vector<16xi1>, vector<16xf32>
      %eq3A_640 = vector.broadcast %reduce_max3A_629 : f32 to vector<16xf32>
      %eq3A_641 = arith.cmpf oeq, %select_n3A_617, %eq3A_640 : vector<16xf32>
      %jit3A_642 = arith.constant 0xFF800000 : f32
      %broadcast_in_dim3A_643 = vector.broadcast %jit3A_642 : f32 to vector<16xf32>
      %select_n3A_644 = arith.select %eq3A_641, %broadcast_in_dim3A_643, %select_n3A_617 : vector<16xi1>, vector<16xf32>
      %eq3A_645 = vector.broadcast %reduce_max3A_629 : f32 to vector<16xf32>
      %eq3A_646 = arith.cmpf oeq, %select_n3A_622, %eq3A_645 : vector<16xf32>
      %jit3A_647 = arith.constant 0xFF800000 : f32
      %broadcast_in_dim3A_648 = vector.broadcast %jit3A_647 : f32 to vector<16xf32>
      %select_n3A_649 = arith.select %eq3A_646, %broadcast_in_dim3A_648, %select_n3A_622 : vector<16xi1>, vector<16xf32>
      %max3A_650 = arith.maximumf %select_n3A_634, %select_n3A_639 : vector<16xf32>
      %max3A_651 = arith.maximumf %select_n3A_644, %select_n3A_649 : vector<16xf32>
      %max3A_652 = arith.maximumf %max3A_650, %max3A_651 : vector<16xf32>
      %reduce_max3A_653 = arith.constant true
      %reduce_max3A_654 = vector.broadcast %reduce_max3A_653 : i1 to vector<16xi1>
      %reduce_max3A_655 = tpu.scan <max>, %max3A_652 masked %reduce_max3A_654 : vector<16xf32>, vector<16xi1> -> vector<16xf32>
      %reduce_max3A_656 = vector.extract %reduce_max3A_655[15] : f32 from vector<16xf32>
      %eq3A_657 = vector.broadcast %reduce_max3A_656 : f32 to vector<16xf32>
      %eq3A_658 = arith.cmpf oeq, %select_n3A_634, %eq3A_657 : vector<16xf32>
      %jit3A_659 = arith.constant 0xFF800000 : f32
      %broadcast_in_dim3A_660 = vector.broadcast %jit3A_659 : f32 to vector<16xf32>
      %select_n3A_661 = arith.select %eq3A_658, %broadcast_in_dim3A_660, %select_n3A_634 : vector<16xi1>, vector<16xf32>
      %eq3A_662 = vector.broadcast %reduce_max3A_656 : f32 to vector<16xf32>
      %eq3A_663 = arith.cmpf oeq, %select_n3A_639, %eq3A_662 : vector<16xf32>
      %jit3A_664 = arith.constant 0xFF800000 : f32
      %broadcast_in_dim3A_665 = vector.broadcast %jit3A_664 : f32 to vector<16xf32>
      %select_n3A_666 = arith.select %eq3A_663, %broadcast_in_dim3A_665, %select_n3A_639 : vector<16xi1>, vector<16xf32>
      %eq3A_667 = vector.broadcast %reduce_max3A_656 : f32 to vector<16xf32>
      %eq3A_668 = arith.cmpf oeq, %select_n3A_644, %eq3A_667 : vector<16xf32>
      %jit3A_669 = arith.constant 0xFF800000 : f32
      %broadcast_in_dim3A_670 = vector.broadcast %jit3A_669 : f32 to vector<16xf32>
      %select_n3A_671 = arith.select %eq3A_668, %broadcast_in_dim3A_670, %select_n3A_644 : vector<16xi1>, vector<16xf32>
      %eq3A_672 = vector.broadcast %reduce_max3A_656 : f32 to vector<16xf32>
      %eq3A_673 = arith.cmpf oeq, %select_n3A_649, %eq3A_672 : vector<16xf32>
      %jit3A_674 = arith.constant 0xFF800000 : f32
      %broadcast_in_dim3A_675 = vector.broadcast %jit3A_674 : f32 to vector<16xf32>
      %select_n3A_676 = arith.select %eq3A_673, %broadcast_in_dim3A_675, %select_n3A_649 : vector<16xi1>, vector<16xf32>
      %max3A_677 = arith.maximumf %select_n3A_661, %select_n3A_666 : vector<16xf32>
      %max3A_678 = arith.maximumf %select_n3A_671, %select_n3A_676 : vector<16xf32>
      %max3A_679 = arith.maximumf %max3A_677, %max3A_678 : vector<16xf32>
      %reduce_max3A_680 = arith.constant true
      %reduce_max3A_681 = vector.broadcast %reduce_max3A_680 : i1 to vector<16xi1>
      %reduce_max3A_682 = tpu.scan <max>, %max3A_679 masked %reduce_max3A_681 : vector<16xf32>, vector<16xi1> -> vector<16xf32>
      %reduce_max3A_683 = vector.extract %reduce_max3A_682[15] : f32 from vector<16xf32>
      %eq3A_684 = vector.broadcast %reduce_max3A_683 : f32 to vector<16xf32>
      %eq3A_685 = arith.cmpf oeq, %select_n3A_661, %eq3A_684 : vector<16xf32>
      %jit3A_686 = arith.constant 0xFF800000 : f32
      %broadcast_in_dim3A_687 = vector.broadcast %jit3A_686 : f32 to vector<16xf32>
      %select_n3A_688 = arith.select %eq3A_685, %broadcast_in_dim3A_687, %select_n3A_661 : vector<16xi1>, vector<16xf32>
      %eq3A_689 = vector.broadcast %reduce_max3A_683 : f32 to vector<16xf32>
      %eq3A_690 = arith.cmpf oeq, %select_n3A_666, %eq3A_689 : vector<16xf32>
      %jit3A_691 = arith.constant 0xFF800000 : f32
      %broadcast_in_dim3A_692 = vector.broadcast %jit3A_691 : f32 to vector<16xf32>
      %select_n3A_693 = arith.select %eq3A_690, %broadcast_in_dim3A_692, %select_n3A_666 : vector<16xi1>, vector<16xf32>
      %eq3A_694 = vector.broadcast %reduce_max3A_683 : f32 to vector<16xf32>
      %eq3A_695 = arith.cmpf oeq, %select_n3A_671, %eq3A_694 : vector<16xf32>
      %jit3A_696 = arith.constant 0xFF800000 : f32
      %broadcast_in_dim3A_697 = vector.broadcast %jit3A_696 : f32 to vector<16xf32>
      %select_n3A_698 = arith.select %eq3A_695, %broadcast_in_dim3A_697, %select_n3A_671 : vector<16xi1>, vector<16xf32>
      %eq3A_699 = vector.broadcast %reduce_max3A_683 : f32 to vector<16xf32>
      %eq3A_700 = arith.cmpf oeq, %select_n3A_676, %eq3A_699 : vector<16xf32>
      %jit3A_701 = arith.constant 0xFF800000 : f32
      %broadcast_in_dim3A_702 = vector.broadcast %jit3A_701 : f32 to vector<16xf32>
      %select_n3A_703 = arith.select %eq3A_700, %broadcast_in_dim3A_702, %select_n3A_676 : vector<16xi1>, vector<16xf32>
      %max3A_704 = arith.maximumf %select_n3A_688, %select_n3A_693 : vector<16xf32>
      %max3A_705 = arith.maximumf %select_n3A_698, %select_n3A_703 : vector<16xf32>
      %max3A_706 = arith.maximumf %max3A_704, %max3A_705 : vector<16xf32>
      %reduce_max3A_707 = arith.constant true
      %reduce_max3A_708 = vector.broadcast %reduce_max3A_707 : i1 to vector<16xi1>
      %reduce_max3A_709 = tpu.scan <max>, %max3A_706 masked %reduce_max3A_708 : vector<16xf32>, vector<16xi1> -> vector<16xf32>
      %reduce_max3A_710 = vector.extract %reduce_max3A_709[15] : f32 from vector<16xf32>
      %eq3A_711 = vector.broadcast %reduce_max3A_710 : f32 to vector<16xf32>
      %eq3A_712 = arith.cmpf oeq, %select_n3A_688, %eq3A_711 : vector<16xf32>
      %jit3A_713 = arith.constant 0xFF800000 : f32
      %broadcast_in_dim3A_714 = vector.broadcast %jit3A_713 : f32 to vector<16xf32>
      %select_n3A_715 = arith.select %eq3A_712, %broadcast_in_dim3A_714, %select_n3A_688 : vector<16xi1>, vector<16xf32>
      %eq3A_716 = vector.broadcast %reduce_max3A_710 : f32 to vector<16xf32>
      %eq3A_717 = arith.cmpf oeq, %select_n3A_693, %eq3A_716 : vector<16xf32>
      %jit3A_718 = arith.constant 0xFF800000 : f32
      %broadcast_in_dim3A_719 = vector.broadcast %jit3A_718 : f32 to vector<16xf32>
      %select_n3A_720 = arith.select %eq3A_717, %broadcast_in_dim3A_719, %select_n3A_693 : vector<16xi1>, vector<16xf32>
      %eq3A_721 = vector.broadcast %reduce_max3A_710 : f32 to vector<16xf32>
      %eq3A_722 = arith.cmpf oeq, %select_n3A_698, %eq3A_721 : vector<16xf32>
      %jit3A_723 = arith.constant 0xFF800000 : f32
      %broadcast_in_dim3A_724 = vector.broadcast %jit3A_723 : f32 to vector<16xf32>
      %select_n3A_725 = arith.select %eq3A_722, %broadcast_in_dim3A_724, %select_n3A_698 : vector<16xi1>, vector<16xf32>
      %eq3A_726 = vector.broadcast %reduce_max3A_710 : f32 to vector<16xf32>
      %eq3A_727 = arith.cmpf oeq, %select_n3A_703, %eq3A_726 : vector<16xf32>
      %jit3A_728 = arith.constant 0xFF800000 : f32
      %broadcast_in_dim3A_729 = vector.broadcast %jit3A_728 : f32 to vector<16xf32>
      %select_n3A_730 = arith.select %eq3A_727, %broadcast_in_dim3A_729, %select_n3A_703 : vector<16xi1>, vector<16xf32>
      %max3A_731 = arith.maximumf %select_n3A_715, %select_n3A_720 : vector<16xf32>
      %max3A_732 = arith.maximumf %select_n3A_725, %select_n3A_730 : vector<16xf32>
      %max3A_733 = arith.maximumf %max3A_731, %max3A_732 : vector<16xf32>
      %reduce_max3A_734 = arith.constant true
      %reduce_max3A_735 = vector.broadcast %reduce_max3A_734 : i1 to vector<16xi1>
      %reduce_max3A_736 = tpu.scan <max>, %max3A_733 masked %reduce_max3A_735 : vector<16xf32>, vector<16xi1> -> vector<16xf32>
      %reduce_max3A_737 = vector.extract %reduce_max3A_736[15] : f32 from vector<16xf32>
      %ge3A_738 = vector.broadcast %reduce_max3A_737 : f32 to vector<16xf32>
      %ge3A_739 = arith.cmpf oge, %get3A_532, %ge3A_738 : vector<16xf32>
      %broadcast_in_dim3A_740 = vector.broadcast %scan3A_16 : f32 to vector<16xf32>
      %select_n3A_741 = arith.select %ge3A_739, %get3A_3, %broadcast_in_dim3A_740 : vector<16xi1>, vector<16xf32>
      %swap3A_742 = arith.index_cast %add3A_529 : i32 to index
      %swap3A_743 = arith.constant 0 : index
      %swap3A_744 = tpu.vector_load %arg7[%swap3A_742, %swap3A_743] {strides = array<i32>} : memref<128x64xf32, #tpu.memory_space<vmem>>, vector<16xf32>,
      tpu.vector_store %arg7[%swap3A_742, %swap3A_743], %select_n3A_741 {strides = array<i32>} : memref<128x64xf32, #tpu.memory_space<vmem>>, vector<16xf32>,
      %ge3A_745 = vector.broadcast %reduce_max3A_737 : f32 to vector<16xf32>
      %ge3A_746 = arith.cmpf oge, %get3A_535, %ge3A_745 : vector<16xf32>
      %broadcast_in_dim3A_747 = vector.broadcast %scan3A_16 : f32 to vector<16xf32>
      %select_n3A_748 = arith.select %ge3A_746, %get3A_3, %broadcast_in_dim3A_747 : vector<16xi1>, vector<16xf32>
      %swap3A_749 = arith.index_cast %add3A_529 : i32 to index
      %swap3A_750 = arith.constant 16 : index
      %swap3A_751 = tpu.vector_load %arg7[%swap3A_749, %swap3A_750] {strides = array<i32>} : memref<128x64xf32, #tpu.memory_space<vmem>>, vector<16xf32>,
      tpu.vector_store %arg7[%swap3A_749, %swap3A_750], %select_n3A_748 {strides = array<i32>} : memref<128x64xf32, #tpu.memory_space<vmem>>, vector<16xf32>,
      %ge3A_752 = vector.broadcast %reduce_max3A_737 : f32 to vector<16xf32>
      %ge3A_753 = arith.cmpf oge, %get3A_538, %ge3A_752 : vector<16xf32>
      %broadcast_in_dim3A_754 = vector.broadcast %scan3A_16 : f32 to vector<16xf32>
      %select_n3A_755 = arith.select %ge3A_753, %get3A_3, %broadcast_in_dim3A_754 : vector<16xi1>, vector<16xf32>
      %swap3A_756 = arith.index_cast %add3A_529 : i32 to index
      %swap3A_757 = arith.constant 32 : index
      %swap3A_758 = tpu.vector_load %arg7[%swap3A_756, %swap3A_757] {strides = array<i32>} : memref<128x64xf32, #tpu.memory_space<vmem>>, vector<16xf32>,
      tpu.vector_store %arg7[%swap3A_756, %swap3A_757], %select_n3A_755 {strides = array<i32>} : memref<128x64xf32, #tpu.memory_space<vmem>>, vector<16xf32>,
      %ge3A_759 = vector.broadcast %reduce_max3A_737 : f32 to vector<16xf32>
      %ge3A_760 = arith.cmpf oge, %get3A_541, %ge3A_759 : vector<16xf32>
      %broadcast_in_dim3A_761 = vector.broadcast %scan3A_16 : f32 to vector<16xf32>
      %select_n3A_762 = arith.select %ge3A_760, %get3A_3, %broadcast_in_dim3A_761 : vector<16xi1>, vector<16xf32>
      %swap3A_763 = arith.index_cast %add3A_529 : i32 to index
      %swap3A_764 = arith.constant 48 : index
      %swap3A_765 = tpu.vector_load %arg7[%swap3A_763, %swap3A_764] {strides = array<i32>} : memref<128x64xf32, #tpu.memory_space<vmem>>, vector<16xf32>,
      tpu.vector_store %arg7[%swap3A_763, %swap3A_764], %select_n3A_762 {strides = array<i32>} : memref<128x64xf32, #tpu.memory_space<vmem>>, vector<16xf32>,
      %mul3A_766 = arith.constant 4 : i32
      %mul3A_767 = arith.muli %scan3A_53, %mul3A_766 : i32
      %add3A_768 = arith.constant 3 : i32
      %add3A_769 = arith.addi %mul3A_767, %add3A_768 : i32
      %get3A_770 = arith.index_cast %add3A_769 : i32 to index
      %get3A_771 = arith.constant 0 : index
      %get3A_772 = tpu.vector_load %arg5[%get3A_770, %get3A_771] {strides = array<i32>} : memref<128x64xf32, #tpu.memory_space<vmem>>, vector<16xf32>,
      %get3A_773 = arith.index_cast %add3A_769 : i32 to index
      %get3A_774 = arith.constant 16 : index
      %get3A_775 = tpu.vector_load %arg5[%get3A_773, %get3A_774] {strides = array<i32>} : memref<128x64xf32, #tpu.memory_space<vmem>>, vector<16xf32>,
      %get3A_776 = arith.index_cast %add3A_769 : i32 to index
      %get3A_777 = arith.constant 32 : index
      %get3A_778 = tpu.vector_load %arg5[%get3A_776, %get3A_777] {strides = array<i32>} : memref<128x64xf32, #tpu.memory_space<vmem>>, vector<16xf32>,
      %get3A_779 = arith.index_cast %add3A_769 : i32 to index
      %get3A_780 = arith.constant 48 : index
      %get3A_781 = tpu.vector_load %arg5[%get3A_779, %get3A_780] {strides = array<i32>} : memref<128x64xf32, #tpu.memory_space<vmem>>, vector<16xf32>,
      %max3A_782 = arith.maximumf %get3A_772, %get3A_775 : vector<16xf32>
      %max3A_783 = arith.maximumf %get3A_778, %get3A_781 : vector<16xf32>
      %max3A_784 = arith.maximumf %max3A_782, %max3A_783 : vector<16xf32>
      %reduce_max3A_785 = arith.constant true
      %reduce_max3A_786 = vector.broadcast %reduce_max3A_785 : i1 to vector<16xi1>
      %reduce_max3A_787 = tpu.scan <max>, %max3A_784 masked %reduce_max3A_786 : vector<16xf32>, vector<16xi1> -> vector<16xf32>
      %reduce_max3A_788 = vector.extract %reduce_max3A_787[15] : f32 from vector<16xf32>
      %eq3A_789 = vector.broadcast %reduce_max3A_788 : f32 to vector<16xf32>
      %eq3A_790 = arith.cmpf oeq, %get3A_772, %eq3A_789 : vector<16xf32>
      %jit3A_791 = arith.constant 0xFF800000 : f32
      %broadcast_in_dim3A_792 = vector.broadcast %jit3A_791 : f32 to vector<16xf32>
      %select_n3A_793 = arith.select %eq3A_790, %broadcast_in_dim3A_792, %get3A_772 : vector<16xi1>, vector<16xf32>
      %eq3A_794 = vector.broadcast %reduce_max3A_788 : f32 to vector<16xf32>
      %eq3A_795 = arith.cmpf oeq, %get3A_775, %eq3A_794 : vector<16xf32>
      %jit3A_796 = arith.constant 0xFF800000 : f32
      %broadcast_in_dim3A_797 = vector.broadcast %jit3A_796 : f32 to vector<16xf32>
      %select_n3A_798 = arith.select %eq3A_795, %broadcast_in_dim3A_797, %get3A_775 : vector<16xi1>, vector<16xf32>
      %eq3A_799 = vector.broadcast %reduce_max3A_788 : f32 to vector<16xf32>
      %eq3A_800 = arith.cmpf oeq, %get3A_778, %eq3A_799 : vector<16xf32>
      %jit3A_801 = arith.constant 0xFF800000 : f32
      %broadcast_in_dim3A_802 = vector.broadcast %jit3A_801 : f32 to vector<16xf32>
      %select_n3A_803 = arith.select %eq3A_800, %broadcast_in_dim3A_802, %get3A_778 : vector<16xi1>, vector<16xf32>
      %eq3A_804 = vector.broadcast %reduce_max3A_788 : f32 to vector<16xf32>
      %eq3A_805 = arith.cmpf oeq, %get3A_781, %eq3A_804 : vector<16xf32>
      %jit3A_806 = arith.constant 0xFF800000 : f32
      %broadcast_in_dim3A_807 = vector.broadcast %jit3A_806 : f32 to vector<16xf32>
      %select_n3A_808 = arith.select %eq3A_805, %broadcast_in_dim3A_807, %get3A_781 : vector<16xi1>, vector<16xf32>
      %max3A_809 = arith.maximumf %select_n3A_793, %select_n3A_798 : vector<16xf32>
      %max3A_810 = arith.maximumf %select_n3A_803, %select_n3A_808 : vector<16xf32>
      %max3A_811 = arith.maximumf %max3A_809, %max3A_810 : vector<16xf32>
      %reduce_max3A_812 = arith.constant true
      %reduce_max3A_813 = vector.broadcast %reduce_max3A_812 : i1 to vector<16xi1>
      %reduce_max3A_814 = tpu.scan <max>, %max3A_811 masked %reduce_max3A_813 : vector<16xf32>, vector<16xi1> -> vector<16xf32>
      %reduce_max3A_815 = vector.extract %reduce_max3A_814[15] : f32 from vector<16xf32>
      %eq3A_816 = vector.broadcast %reduce_max3A_815 : f32 to vector<16xf32>
      %eq3A_817 = arith.cmpf oeq, %select_n3A_793, %eq3A_816 : vector<16xf32>
      %jit3A_818 = arith.constant 0xFF800000 : f32
      %broadcast_in_dim3A_819 = vector.broadcast %jit3A_818 : f32 to vector<16xf32>
      %select_n3A_820 = arith.select %eq3A_817, %broadcast_in_dim3A_819, %select_n3A_793 : vector<16xi1>, vector<16xf32>
      %eq3A_821 = vector.broadcast %reduce_max3A_815 : f32 to vector<16xf32>
      %eq3A_822 = arith.cmpf oeq, %select_n3A_798, %eq3A_821 : vector<16xf32>
      %jit3A_823 = arith.constant 0xFF800000 : f32
      %broadcast_in_dim3A_824 = vector.broadcast %jit3A_823 : f32 to vector<16xf32>
      %select_n3A_825 = arith.select %eq3A_822, %broadcast_in_dim3A_824, %select_n3A_798 : vector<16xi1>, vector<16xf32>
      %eq3A_826 = vector.broadcast %reduce_max3A_815 : f32 to vector<16xf32>
      %eq3A_827 = arith.cmpf oeq, %select_n3A_803, %eq3A_826 : vector<16xf32>
      %jit3A_828 = arith.constant 0xFF800000 : f32
      %broadcast_in_dim3A_829 = vector.broadcast %jit3A_828 : f32 to vector<16xf32>
      %select_n3A_830 = arith.select %eq3A_827, %broadcast_in_dim3A_829, %select_n3A_803 : vector<16xi1>, vector<16xf32>
      %eq3A_831 = vector.broadcast %reduce_max3A_815 : f32 to vector<16xf32>
      %eq3A_832 = arith.cmpf oeq, %select_n3A_808, %eq3A_831 : vector<16xf32>
      %jit3A_833 = arith.constant 0xFF800000 : f32
      %broadcast_in_dim3A_834 = vector.broadcast %jit3A_833 : f32 to vector<16xf32>
      %select_n3A_835 = arith.select %eq3A_832, %broadcast_in_dim3A_834, %select_n3A_808 : vector<16xi1>, vector<16xf32>
      %max3A_836 = arith.maximumf %select_n3A_820, %select_n3A_825 : vector<16xf32>
      %max3A_837 = arith.maximumf %select_n3A_830, %select_n3A_835 : vector<16xf32>
      %max3A_838 = arith.maximumf %max3A_836, %max3A_837 : vector<16xf32>
      %reduce_max3A_839 = arith.constant true
      %reduce_max3A_840 = vector.broadcast %reduce_max3A_839 : i1 to vector<16xi1>
      %reduce_max3A_841 = tpu.scan <max>, %max3A_838 masked %reduce_max3A_840 : vector<16xf32>, vector<16xi1> -> vector<16xf32>
      %reduce_max3A_842 = vector.extract %reduce_max3A_841[15] : f32 from vector<16xf32>
      %eq3A_843 = vector.broadcast %reduce_max3A_842 : f32 to vector<16xf32>
      %eq3A_844 = arith.cmpf oeq, %select_n3A_820, %eq3A_843 : vector<16xf32>
      %jit3A_845 = arith.constant 0xFF800000 : f32
      %broadcast_in_dim3A_846 = vector.broadcast %jit3A_845 : f32 to vector<16xf32>
      %select_n3A_847 = arith.select %eq3A_844, %broadcast_in_dim3A_846, %select_n3A_820 : vector<16xi1>, vector<16xf32>
      %eq3A_848 = vector.broadcast %reduce_max3A_842 : f32 to vector<16xf32>
      %eq3A_849 = arith.cmpf oeq, %select_n3A_825, %eq3A_848 : vector<16xf32>
      %jit3A_850 = arith.constant 0xFF800000 : f32
      %broadcast_in_dim3A_851 = vector.broadcast %jit3A_850 : f32 to vector<16xf32>
      %select_n3A_852 = arith.select %eq3A_849, %broadcast_in_dim3A_851, %select_n3A_825 : vector<16xi1>, vector<16xf32>
      %eq3A_853 = vector.broadcast %reduce_max3A_842 : f32 to vector<16xf32>
      %eq3A_854 = arith.cmpf oeq, %select_n3A_830, %eq3A_853 : vector<16xf32>
      %jit3A_855 = arith.constant 0xFF800000 : f32
      %broadcast_in_dim3A_856 = vector.broadcast %jit3A_855 : f32 to vector<16xf32>
      %select_n3A_857 = arith.select %eq3A_854, %broadcast_in_dim3A_856, %select_n3A_830 : vector<16xi1>, vector<16xf32>
      %eq3A_858 = vector.broadcast %reduce_max3A_842 : f32 to vector<16xf32>
      %eq3A_859 = arith.cmpf oeq, %select_n3A_835, %eq3A_858 : vector<16xf32>
      %jit3A_860 = arith.constant 0xFF800000 : f32
      %broadcast_in_dim3A_861 = vector.broadcast %jit3A_860 : f32 to vector<16xf32>
      %select_n3A_862 = arith.select %eq3A_859, %broadcast_in_dim3A_861, %select_n3A_835 : vector<16xi1>, vector<16xf32>
      %max3A_863 = arith.maximumf %select_n3A_847, %select_n3A_852 : vector<16xf32>
      %max3A_864 = arith.maximumf %select_n3A_857, %select_n3A_862 : vector<16xf32>
      %max3A_865 = arith.maximumf %max3A_863, %max3A_864 : vector<16xf32>
      %reduce_max3A_866 = arith.constant true
      %reduce_max3A_867 = vector.broadcast %reduce_max3A_866 : i1 to vector<16xi1>
      %reduce_max3A_868 = tpu.scan <max>, %max3A_865 masked %reduce_max3A_867 : vector<16xf32>, vector<16xi1> -> vector<16xf32>
      %reduce_max3A_869 = vector.extract %reduce_max3A_868[15] : f32 from vector<16xf32>
      %eq3A_870 = vector.broadcast %reduce_max3A_869 : f32 to vector<16xf32>
      %eq3A_871 = arith.cmpf oeq, %select_n3A_847, %eq3A_870 : vector<16xf32>
      %jit3A_872 = arith.constant 0xFF800000 : f32
      %broadcast_in_dim3A_873 = vector.broadcast %jit3A_872 : f32 to vector<16xf32>
      %select_n3A_874 = arith.select %eq3A_871, %broadcast_in_dim3A_873, %select_n3A_847 : vector<16xi1>, vector<16xf32>
      %eq3A_875 = vector.broadcast %reduce_max3A_869 : f32 to vector<16xf32>
      %eq3A_876 = arith.cmpf oeq, %select_n3A_852, %eq3A_875 : vector<16xf32>
      %jit3A_877 = arith.constant 0xFF800000 : f32
      %broadcast_in_dim3A_878 = vector.broadcast %jit3A_877 : f32 to vector<16xf32>
      %select_n3A_879 = arith.select %eq3A_876, %broadcast_in_dim3A_878, %select_n3A_852 : vector<16xi1>, vector<16xf32>
      %eq3A_880 = vector.broadcast %reduce_max3A_869 : f32 to vector<16xf32>
      %eq3A_881 = arith.cmpf oeq, %select_n3A_857, %eq3A_880 : vector<16xf32>
      %jit3A_882 = arith.constant 0xFF800000 : f32
      %broadcast_in_dim3A_883 = vector.broadcast %jit3A_882 : f32 to vector<16xf32>
      %select_n3A_884 = arith.select %eq3A_881, %broadcast_in_dim3A_883, %select_n3A_857 : vector<16xi1>, vector<16xf32>
      %eq3A_885 = vector.broadcast %reduce_max3A_869 : f32 to vector<16xf32>
      %eq3A_886 = arith.cmpf oeq, %select_n3A_862, %eq3A_885 : vector<16xf32>
      %jit3A_887 = arith.constant 0xFF800000 : f32
      %broadcast_in_dim3A_888 = vector.broadcast %jit3A_887 : f32 to vector<16xf32>
      %select_n3A_889 = arith.select %eq3A_886, %broadcast_in_dim3A_888, %select_n3A_862 : vector<16xi1>, vector<16xf32>
      %max3A_890 = arith.maximumf %select_n3A_874, %select_n3A_879 : vector<16xf32>
      %max3A_891 = arith.maximumf %select_n3A_884, %select_n3A_889 : vector<16xf32>
      %max3A_892 = arith.maximumf %max3A_890, %max3A_891 : vector<16xf32>
      %reduce_max3A_893 = arith.constant true
      %reduce_max3A_894 = vector.broadcast %reduce_max3A_893 : i1 to vector<16xi1>
      %reduce_max3A_895 = tpu.scan <max>, %max3A_892 masked %reduce_max3A_894 : vector<16xf32>, vector<16xi1> -> vector<16xf32>
      %reduce_max3A_896 = vector.extract %reduce_max3A_895[15] : f32 from vector<16xf32>
      %eq3A_897 = vector.broadcast %reduce_max3A_896 : f32 to vector<16xf32>
      %eq3A_898 = arith.cmpf oeq, %select_n3A_874, %eq3A_897 : vector<16xf32>
      %jit3A_899 = arith.constant 0xFF800000 : f32
      %broadcast_in_dim3A_900 = vector.broadcast %jit3A_899 : f32 to vector<16xf32>
      %select_n3A_901 = arith.select %eq3A_898, %broadcast_in_dim3A_900, %select_n3A_874 : vector<16xi1>, vector<16xf32>
      %eq3A_902 = vector.broadcast %reduce_max3A_896 : f32 to vector<16xf32>
      %eq3A_903 = arith.cmpf oeq, %select_n3A_879, %eq3A_902 : vector<16xf32>
      %jit3A_904 = arith.constant 0xFF800000 : f32
      %broadcast_in_dim3A_905 = vector.broadcast %jit3A_904 : f32 to vector<16xf32>
      %select_n3A_906 = arith.select %eq3A_903, %broadcast_in_dim3A_905, %select_n3A_879 : vector<16xi1>, vector<16xf32>
      %eq3A_907 = vector.broadcast %reduce_max3A_896 : f32 to vector<16xf32>
      %eq3A_908 = arith.cmpf oeq, %select_n3A_884, %eq3A_907 : vector<16xf32>
      %jit3A_909 = arith.constant 0xFF800000 : f32
      %broadcast_in_dim3A_910 = vector.broadcast %jit3A_909 : f32 to vector<16xf32>
      %select_n3A_911 = arith.select %eq3A_908, %broadcast_in_dim3A_910, %select_n3A_884 : vector<16xi1>, vector<16xf32>
      %eq3A_912 = vector.broadcast %reduce_max3A_896 : f32 to vector<16xf32>
      %eq3A_913 = arith.cmpf oeq, %select_n3A_889, %eq3A_912 : vector<16xf32>
      %jit3A_914 = arith.constant 0xFF800000 : f32
      %broadcast_in_dim3A_915 = vector.broadcast %jit3A_914 : f32 to vector<16xf32>
      %select_n3A_916 = arith.select %eq3A_913, %broadcast_in_dim3A_915, %select_n3A_889 : vector<16xi1>, vector<16xf32>
      %max3A_917 = arith.maximumf %select_n3A_901, %select_n3A_906 : vector<16xf32>
      %max3A_918 = arith.maximumf %select_n3A_911, %select_n3A_916 : vector<16xf32>
      %max3A_919 = arith.maximumf %max3A_917, %max3A_918 : vector<16xf32>
      %reduce_max3A_920 = arith.constant true
      %reduce_max3A_921 = vector.broadcast %reduce_max3A_920 : i1 to vector<16xi1>
      %reduce_max3A_922 = tpu.scan <max>, %max3A_919 masked %reduce_max3A_921 : vector<16xf32>, vector<16xi1> -> vector<16xf32>
      %reduce_max3A_923 = vector.extract %reduce_max3A_922[15] : f32 from vector<16xf32>
      %eq3A_924 = vector.broadcast %reduce_max3A_923 : f32 to vector<16xf32>
      %eq3A_925 = arith.cmpf oeq, %select_n3A_901, %eq3A_924 : vector<16xf32>
      %jit3A_926 = arith.constant 0xFF800000 : f32
      %broadcast_in_dim3A_927 = vector.broadcast %jit3A_926 : f32 to vector<16xf32>
      %select_n3A_928 = arith.select %eq3A_925, %broadcast_in_dim3A_927, %select_n3A_901 : vector<16xi1>, vector<16xf32>
      %eq3A_929 = vector.broadcast %reduce_max3A_923 : f32 to vector<16xf32>
      %eq3A_930 = arith.cmpf oeq, %select_n3A_906, %eq3A_929 : vector<16xf32>
      %jit3A_931 = arith.constant 0xFF800000 : f32
      %broadcast_in_dim3A_932 = vector.broadcast %jit3A_931 : f32 to vector<16xf32>
      %select_n3A_933 = arith.select %eq3A_930, %broadcast_in_dim3A_932, %select_n3A_906 : vector<16xi1>, vector<16xf32>
      %eq3A_934 = vector.broadcast %reduce_max3A_923 : f32 to vector<16xf32>
      %eq3A_935 = arith.cmpf oeq, %select_n3A_911, %eq3A_934 : vector<16xf32>
      %jit3A_936 = arith.constant 0xFF800000 : f32
      %broadcast_in_dim3A_937 = vector.broadcast %jit3A_936 : f32 to vector<16xf32>
      %select_n3A_938 = arith.select %eq3A_935, %broadcast_in_dim3A_937, %select_n3A_911 : vector<16xi1>, vector<16xf32>
      %eq3A_939 = vector.broadcast %reduce_max3A_923 : f32 to vector<16xf32>
      %eq3A_940 = arith.cmpf oeq, %select_n3A_916, %eq3A_939 : vector<16xf32>
      %jit3A_941 = arith.constant 0xFF800000 : f32
      %broadcast_in_dim3A_942 = vector.broadcast %jit3A_941 : f32 to vector<16xf32>
      %select_n3A_943 = arith.select %eq3A_940, %broadcast_in_dim3A_942, %select_n3A_916 : vector<16xi1>, vector<16xf32>
      %max3A_944 = arith.maximumf %select_n3A_928, %select_n3A_933 : vector<16xf32>
      %max3A_945 = arith.maximumf %select_n3A_938, %select_n3A_943 : vector<16xf32>
      %max3A_946 = arith.maximumf %max3A_944, %max3A_945 : vector<16xf32>
      %reduce_max3A_947 = arith.constant true
      %reduce_max3A_948 = vector.broadcast %reduce_max3A_947 : i1 to vector<16xi1>
      %reduce_max3A_949 = tpu.scan <max>, %max3A_946 masked %reduce_max3A_948 : vector<16xf32>, vector<16xi1> -> vector<16xf32>
      %reduce_max3A_950 = vector.extract %reduce_max3A_949[15] : f32 from vector<16xf32>
      %eq3A_951 = vector.broadcast %reduce_max3A_950 : f32 to vector<16xf32>
      %eq3A_952 = arith.cmpf oeq, %select_n3A_928, %eq3A_951 : vector<16xf32>
      %jit3A_953 = arith.constant 0xFF800000 : f32
      %broadcast_in_dim3A_954 = vector.broadcast %jit3A_953 : f32 to vector<16xf32>
      %select_n3A_955 = arith.select %eq3A_952, %broadcast_in_dim3A_954, %select_n3A_928 : vector<16xi1>, vector<16xf32>
      %eq3A_956 = vector.broadcast %reduce_max3A_950 : f32 to vector<16xf32>
      %eq3A_957 = arith.cmpf oeq, %select_n3A_933, %eq3A_956 : vector<16xf32>
      %jit3A_958 = arith.constant 0xFF800000 : f32
      %broadcast_in_dim3A_959 = vector.broadcast %jit3A_958 : f32 to vector<16xf32>
      %select_n3A_960 = arith.select %eq3A_957, %broadcast_in_dim3A_959, %select_n3A_933 : vector<16xi1>, vector<16xf32>
      %eq3A_961 = vector.broadcast %reduce_max3A_950 : f32 to vector<16xf32>
      %eq3A_962 = arith.cmpf oeq, %select_n3A_938, %eq3A_961 : vector<16xf32>
      %jit3A_963 = arith.constant 0xFF800000 : f32
      %broadcast_in_dim3A_964 = vector.broadcast %jit3A_963 : f32 to vector<16xf32>
      %select_n3A_965 = arith.select %eq3A_962, %broadcast_in_dim3A_964, %select_n3A_938 : vector<16xi1>, vector<16xf32>
      %eq3A_966 = vector.broadcast %reduce_max3A_950 : f32 to vector<16xf32>
      %eq3A_967 = arith.cmpf oeq, %select_n3A_943, %eq3A_966 : vector<16xf32>
      %jit3A_968 = arith.constant 0xFF800000 : f32
      %broadcast_in_dim3A_969 = vector.broadcast %jit3A_968 : f32 to vector<16xf32>
      %select_n3A_970 = arith.select %eq3A_967, %broadcast_in_dim3A_969, %select_n3A_943 : vector<16xi1>, vector<16xf32>
      %max3A_971 = arith.maximumf %select_n3A_955, %select_n3A_960 : vector<16xf32>
      %max3A_972 = arith.maximumf %select_n3A_965, %select_n3A_970 : vector<16xf32>
      %max3A_973 = arith.maximumf %max3A_971, %max3A_972 : vector<16xf32>
      %reduce_max3A_974 = arith.constant true
      %reduce_max3A_975 = vector.broadcast %reduce_max3A_974 : i1 to vector<16xi1>
      %reduce_max3A_976 = tpu.scan <max>, %max3A_973 masked %reduce_max3A_975 : vector<16xf32>, vector<16xi1> -> vector<16xf32>
      %reduce_max3A_977 = vector.extract %reduce_max3A_976[15] : f32 from vector<16xf32>
      %ge3A_978 = vector.broadcast %reduce_max3A_977 : f32 to vector<16xf32>
      %ge3A_979 = arith.cmpf oge, %get3A_772, %ge3A_978 : vector<16xf32>
      %broadcast_in_dim3A_980 = vector.broadcast %scan3A_16 : f32 to vector<16xf32>
      %select_n3A_981 = arith.select %ge3A_979, %get3A_3, %broadcast_in_dim3A_980 : vector<16xi1>, vector<16xf32>
      %swap3A_982 = arith.index_cast %add3A_769 : i32 to index
      %swap3A_983 = arith.constant 0 : index
      %swap3A_984 = tpu.vector_load %arg7[%swap3A_982, %swap3A_983] {strides = array<i32>} : memref<128x64xf32, #tpu.memory_space<vmem>>, vector<16xf32>,
      tpu.vector_store %arg7[%swap3A_982, %swap3A_983], %select_n3A_981 {strides = array<i32>} : memref<128x64xf32, #tpu.memory_space<vmem>>, vector<16xf32>,
      %ge3A_985 = vector.broadcast %reduce_max3A_977 : f32 to vector<16xf32>
      %ge3A_986 = arith.cmpf oge, %get3A_775, %ge3A_985 : vector<16xf32>
      %broadcast_in_dim3A_987 = vector.broadcast %scan3A_16 : f32 to vector<16xf32>
      %select_n3A_988 = arith.select %ge3A_986, %get3A_3, %broadcast_in_dim3A_987 : vector<16xi1>, vector<16xf32>
      %swap3A_989 = arith.index_cast %add3A_769 : i32 to index
      %swap3A_990 = arith.constant 16 : index
      %swap3A_991 = tpu.vector_load %arg7[%swap3A_989, %swap3A_990] {strides = array<i32>} : memref<128x64xf32, #tpu.memory_space<vmem>>, vector<16xf32>,
      tpu.vector_store %arg7[%swap3A_989, %swap3A_990], %select_n3A_988 {strides = array<i32>} : memref<128x64xf32, #tpu.memory_space<vmem>>, vector<16xf32>,
      %ge3A_992 = vector.broadcast %reduce_max3A_977 : f32 to vector<16xf32>
      %ge3A_993 = arith.cmpf oge, %get3A_778, %ge3A_992 : vector<16xf32>
      %broadcast_in_dim3A_994 = vector.broadcast %scan3A_16 : f32 to vector<16xf32>
      %select_n3A_995 = arith.select %ge3A_993, %get3A_3, %broadcast_in_dim3A_994 : vector<16xi1>, vector<16xf32>
      %swap3A_996 = arith.index_cast %add3A_769 : i32 to index
      %swap3A_997 = arith.constant 32 : index
      %swap3A_998 = tpu.vector_load %arg7[%swap3A_996, %swap3A_997] {strides = array<i32>} : memref<128x64xf32, #tpu.memory_space<vmem>>, vector<16xf32>,
      tpu.vector_store %arg7[%swap3A_996, %swap3A_997], %select_n3A_995 {strides = array<i32>} : memref<128x64xf32, #tpu.memory_space<vmem>>, vector<16xf32>,
      %ge3A_999 = vector.broadcast %reduce_max3A_977 : f32 to vector<16xf32>
      %ge3A_1000 = arith.cmpf oge, %get3A_781, %ge3A_999 : vector<16xf32>
      %broadcast_in_dim3A_1001 = vector.broadcast %scan3A_16 : f32 to vector<16xf32>
      %select_n3A_1002 = arith.select %ge3A_1000, %get3A_3, %broadcast_in_dim3A_1001 : vector<16xi1>, vector<16xf32>
      %swap3A_1003 = arith.index_cast %add3A_769 : i32 to index
      %swap3A_1004 = arith.constant 48 : index
      %swap3A_1005 = tpu.vector_load %arg7[%swap3A_1003, %swap3A_1004] {strides = array<i32>} : memref<128x64xf32, #tpu.memory_space<vmem>>, vector<16xf32>,
      tpu.vector_store %arg7[%swap3A_1003, %swap3A_1004], %select_n3A_1002 {strides = array<i32>} : memref<128x64xf32, #tpu.memory_space<vmem>>, vector<16xf32>,
    }
    %scan3A_21 = arith.constant 32 : i32
    %add3A_22 = arith.constant 0 : i32
    %add3A_23 = arith.addi %mul3A_2, %add3A_22 : i32
    %dma_start3A_24 = arith.constant 0 : i32
    %dma_start3A_25 = tpu.memref_slice %arg4[%add3A_23, %dma_start3A_24] : memref<8192x64xf32, #tpu.memory_space<hbm>> -> memref<128x64xf32, #tpu.memory_space<hbm>>
    %dma_start3A_26 = arith.constant 0 : i32
    %dma_start3A_27 = tpu.memref_slice %arg4[%add3A_23, %dma_start3A_26] : memref<8192x64xf32, #tpu.memory_space<hbm>> -> memref<128x64xf32, #tpu.memory_space<hbm>>
    tpu.enqueue_dma source(%arg7 : memref<128x64xf32, #tpu.memory_space<vmem>>) target(%dma_start3A_27 : memref<128x64xf32, #tpu.memory_space<hbm>>) target_semaphore(%arg12 : memref<!tpu.dma_semaphore, #tpu.memory_space<semaphore_mem>>)
    %dma_wait3A_28 = arith.constant 0 : i32
    %dma_wait3A_29 = tpu.memref_slice %arg2[%add3A_11, %dma_wait3A_28] : memref<8192x64xf32, #tpu.memory_space<hbm>> -> memref<128x64xf32, #tpu.memory_space<hbm>>
    %dma_wait3A_30 = arith.constant 0 : i32
    %dma_wait3A_31 = tpu.memref_slice %arg2[%add3A_11, %dma_wait3A_30] : memref<8192x64xf32, #tpu.memory_space<hbm>> -> memref<128x64xf32, #tpu.memory_space<hbm>>
    tpu.wait_dma2 semaphore(%arg11 : memref<!tpu.dma_semaphore, #tpu.memory_space<semaphore_mem>>) src(%dma_wait3A_31 : memref<128x64xf32, #tpu.memory_space<hbm>>) dst(%arg6 : memref<128x64xf32, #tpu.memory_space<vmem>>)
    %scan3A_32 = arith.constant 0 : i32
    %scan3A_33 = arith.constant 0.000000e+00 : f32
    %scan3A_34 = arith.constant 0 : i32
    %scan3A_35 = arith.constant 32 : i32
    %scan3A_36 = arith.addi %scan3A_34, %scan3A_35 : i32
    %scan3A_37 = arith.constant 1 : i32
    scf.for %scan3A_53 = %scan3A_34 to %scan3A_36 step %scan3A_37  : i32 {
      %mul3A_54 = arith.constant 4 : i32
      %mul3A_55 = arith.muli %scan3A_53, %mul3A_54 : i32
      %add3A_56 = arith.constant 0 : i32
      %add3A_57 = arith.addi %mul3A_55, %add3A_56 : i32
      %get3A_58 = arith.index_cast %add3A_57 : i32 to index
      %get3A_59 = arith.constant 0 : index
      %get3A_60 = tpu.vector_load %arg6[%get3A_58, %get3A_59] {strides = array<i32>} : memref<128x64xf32, #tpu.memory_space<vmem>>, vector<16xf32>,
      %get3A_61 = arith.index_cast %add3A_57 : i32 to index
      %get3A_62 = arith.constant 16 : index
      %get3A_63 = tpu.vector_load %arg6[%get3A_61, %get3A_62] {strides = array<i32>} : memref<128x64xf32, #tpu.memory_space<vmem>>, vector<16xf32>,
      %get3A_64 = arith.index_cast %add3A_57 : i32 to index
      %get3A_65 = arith.constant 32 : index
      %get3A_66 = tpu.vector_load %arg6[%get3A_64, %get3A_65] {strides = array<i32>} : memref<128x64xf32, #tpu.memory_space<vmem>>, vector<16xf32>,
      %get3A_67 = arith.index_cast %add3A_57 : i32 to index
      %get3A_68 = arith.constant 48 : index
      %get3A_69 = tpu.vector_load %arg6[%get3A_67, %get3A_68] {strides = array<i32>} : memref<128x64xf32, #tpu.memory_space<vmem>>, vector<16xf32>,
      %max3A = arith.maximumf %get3A_60, %get3A_63 : vector<16xf32>
      %max3A_70 = arith.maximumf %get3A_66, %get3A_69 : vector<16xf32>
      %max3A_71 = arith.maximumf %max3A, %max3A_70 : vector<16xf32>
      %reduce_max3A = arith.constant true
      %reduce_max3A_72 = vector.broadcast %reduce_max3A : i1 to vector<16xi1>
      %reduce_max3A_73 = tpu.scan <max>, %max3A_71 masked %reduce_max3A_72 : vector<16xf32>, vector<16xi1> -> vector<16xf32>
      %reduce_max3A_74 = vector.extract %reduce_max3A_73[15] : f32 from vector<16xf32>
      %eq3A = vector.broadcast %reduce_max3A_74 : f32 to vector<16xf32>
      %eq3A_75 = arith.cmpf oeq, %get3A_60, %eq3A : vector<16xf32>
      %jit3A = arith.constant 0xFF800000 : f32
      %broadcast_in_dim3A = vector.broadcast %jit3A : f32 to vector<16xf32>
      %select_n3A = arith.select %eq3A_75, %broadcast_in_dim3A, %get3A_60 : vector<16xi1>, vector<16xf32>
      %eq3A_76 = vector.broadcast %reduce_max3A_74 : f32 to vector<16xf32>
      %eq3A_77 = arith.cmpf oeq, %get3A_63, %eq3A_76 : vector<16xf32>
      %jit3A_78 = arith.constant 0xFF800000 : f32
      %broadcast_in_dim3A_79 = vector.broadcast %jit3A_78 : f32 to vector<16xf32>
      %select_n3A_80 = arith.select %eq3A_77, %broadcast_in_dim3A_79, %get3A_63 : vector<16xi1>, vector<16xf32>
      %eq3A_81 = vector.broadcast %reduce_max3A_74 : f32 to vector<16xf32>
      %eq3A_82 = arith.cmpf oeq, %get3A_66, %eq3A_81 : vector<16xf32>
      %jit3A_83 = arith.constant 0xFF800000 : f32
      %broadcast_in_dim3A_84 = vector.broadcast %jit3A_83 : f32 to vector<16xf32>
      %select_n3A_85 = arith.select %eq3A_82, %broadcast_in_dim3A_84, %get3A_66 : vector<16xi1>, vector<16xf32>
      %eq3A_86 = vector.broadcast %reduce_max3A_74 : f32 to vector<16xf32>
      %eq3A_87 = arith.cmpf oeq, %get3A_69, %eq3A_86 : vector<16xf32>
      %jit3A_88 = arith.constant 0xFF800000 : f32
      %broadcast_in_dim3A_89 = vector.broadcast %jit3A_88 : f32 to vector<16xf32>
      %select_n3A_90 = arith.select %eq3A_87, %broadcast_in_dim3A_89, %get3A_69 : vector<16xi1>, vector<16xf32>
      %max3A_91 = arith.maximumf %select_n3A, %select_n3A_80 : vector<16xf32>
      %max3A_92 = arith.maximumf %select_n3A_85, %select_n3A_90 : vector<16xf32>
      %max3A_93 = arith.maximumf %max3A_91, %max3A_92 : vector<16xf32>
      %reduce_max3A_94 = arith.constant true
      %reduce_max3A_95 = vector.broadcast %reduce_max3A_94 : i1 to vector<16xi1>
      %reduce_max3A_96 = tpu.scan <max>, %max3A_93 masked %reduce_max3A_95 : vector<16xf32>, vector<16xi1> -> vector<16xf32>
      %reduce_max3A_97 = vector.extract %reduce_max3A_96[15] : f32 from vector<16xf32>
      %eq3A_98 = vector.broadcast %reduce_max3A_97 : f32 to vector<16xf32>
      %eq3A_99 = arith.cmpf oeq, %select_n3A, %eq3A_98 : vector<16xf32>
      %jit3A_100 = arith.constant 0xFF800000 : f32
      %broadcast_in_dim3A_101 = vector.broadcast %jit3A_100 : f32 to vector<16xf32>
      %select_n3A_102 = arith.select %eq3A_99, %broadcast_in_dim3A_101, %select_n3A : vector<16xi1>, vector<16xf32>
      %eq3A_103 = vector.broadcast %reduce_max3A_97 : f32 to vector<16xf32>
      %eq3A_104 = arith.cmpf oeq, %select_n3A_80, %eq3A_103 : vector<16xf32>
      %jit3A_105 = arith.constant 0xFF800000 : f32
      %broadcast_in_dim3A_106 = vector.broadcast %jit3A_105 : f32 to vector<16xf32>
      %select_n3A_107 = arith.select %eq3A_104, %broadcast_in_dim3A_106, %select_n3A_80 : vector<16xi1>, vector<16xf32>
      %eq3A_108 = vector.broadcast %reduce_max3A_97 : f32 to vector<16xf32>
      %eq3A_109 = arith.cmpf oeq, %select_n3A_85, %eq3A_108 : vector<16xf32>
      %jit3A_110 = arith.constant 0xFF800000 : f32
      %broadcast_in_dim3A_111 = vector.broadcast %jit3A_110 : f32 to vector<16xf32>
      %select_n3A_112 = arith.select %eq3A_109, %broadcast_in_dim3A_111, %select_n3A_85 : vector<16xi1>, vector<16xf32>
      %eq3A_113 = vector.broadcast %reduce_max3A_97 : f32 to vector<16xf32>
      %eq3A_114 = arith.cmpf oeq, %select_n3A_90, %eq3A_113 : vector<16xf32>
      %jit3A_115 = arith.constant 0xFF800000 : f32
      %broadcast_in_dim3A_116 = vector.broadcast %jit3A_115 : f32 to vector<16xf32>
      %select_n3A_117 = arith.select %eq3A_114, %broadcast_in_dim3A_116, %select_n3A_90 : vector<16xi1>, vector<16xf32>
      %max3A_118 = arith.maximumf %select_n3A_102, %select_n3A_107 : vector<16xf32>
      %max3A_119 = arith.maximumf %select_n3A_112, %select_n3A_117 : vector<16xf32>
      %max3A_120 = arith.maximumf %max3A_118, %max3A_119 : vector<16xf32>
      %reduce_max3A_121 = arith.constant true
      %reduce_max3A_122 = vector.broadcast %reduce_max3A_121 : i1 to vector<16xi1>
      %reduce_max3A_123 = tpu.scan <max>, %max3A_120 masked %reduce_max3A_122 : vector<16xf32>, vector<16xi1> -> vector<16xf32>
      %reduce_max3A_124 = vector.extract %reduce_max3A_123[15] : f32 from vector<16xf32>
      %eq3A_125 = vector.broadcast %reduce_max3A_124 : f32 to vector<16xf32>
      %eq3A_126 = arith.cmpf oeq, %select_n3A_102, %eq3A_125 : vector<16xf32>
      %jit3A_127 = arith.constant 0xFF800000 : f32
      %broadcast_in_dim3A_128 = vector.broadcast %jit3A_127 : f32 to vector<16xf32>
      %select_n3A_129 = arith.select %eq3A_126, %broadcast_in_dim3A_128, %select_n3A_102 : vector<16xi1>, vector<16xf32>
      %eq3A_130 = vector.broadcast %reduce_max3A_124 : f32 to vector<16xf32>
      %eq3A_131 = arith.cmpf oeq, %select_n3A_107, %eq3A_130 : vector<16xf32>
      %jit3A_132 = arith.constant 0xFF800000 : f32
      %broadcast_in_dim3A_133 = vector.broadcast %jit3A_132 : f32 to vector<16xf32>
      %select_n3A_134 = arith.select %eq3A_131, %broadcast_in_dim3A_133, %select_n3A_107 : vector<16xi1>, vector<16xf32>
      %eq3A_135 = vector.broadcast %reduce_max3A_124 : f32 to vector<16xf32>
      %eq3A_136 = arith.cmpf oeq, %select_n3A_112, %eq3A_135 : vector<16xf32>
      %jit3A_137 = arith.constant 0xFF800000 : f32
      %broadcast_in_dim3A_138 = vector.broadcast %jit3A_137 : f32 to vector<16xf32>
      %select_n3A_139 = arith.select %eq3A_136, %broadcast_in_dim3A_138, %select_n3A_112 : vector<16xi1>, vector<16xf32>
      %eq3A_140 = vector.broadcast %reduce_max3A_124 : f32 to vector<16xf32>
      %eq3A_141 = arith.cmpf oeq, %select_n3A_117, %eq3A_140 : vector<16xf32>
      %jit3A_142 = arith.constant 0xFF800000 : f32
      %broadcast_in_dim3A_143 = vector.broadcast %jit3A_142 : f32 to vector<16xf32>
      %select_n3A_144 = arith.select %eq3A_141, %broadcast_in_dim3A_143, %select_n3A_117 : vector<16xi1>, vector<16xf32>
      %max3A_145 = arith.maximumf %select_n3A_129, %select_n3A_134 : vector<16xf32>
      %max3A_146 = arith.maximumf %select_n3A_139, %select_n3A_144 : vector<16xf32>
      %max3A_147 = arith.maximumf %max3A_145, %max3A_146 : vector<16xf32>
      %reduce_max3A_148 = arith.constant true
      %reduce_max3A_149 = vector.broadcast %reduce_max3A_148 : i1 to vector<16xi1>
      %reduce_max3A_150 = tpu.scan <max>, %max3A_147 masked %reduce_max3A_149 : vector<16xf32>, vector<16xi1> -> vector<16xf32>
      %reduce_max3A_151 = vector.extract %reduce_max3A_150[15] : f32 from vector<16xf32>
      %eq3A_152 = vector.broadcast %reduce_max3A_151 : f32 to vector<16xf32>
      %eq3A_153 = arith.cmpf oeq, %select_n3A_129, %eq3A_152 : vector<16xf32>
      %jit3A_154 = arith.constant 0xFF800000 : f32
      %broadcast_in_dim3A_155 = vector.broadcast %jit3A_154 : f32 to vector<16xf32>
      %select_n3A_156 = arith.select %eq3A_153, %broadcast_in_dim3A_155, %select_n3A_129 : vector<16xi1>, vector<16xf32>
      %eq3A_157 = vector.broadcast %reduce_max3A_151 : f32 to vector<16xf32>
      %eq3A_158 = arith.cmpf oeq, %select_n3A_134, %eq3A_157 : vector<16xf32>
      %jit3A_159 = arith.constant 0xFF800000 : f32
      %broadcast_in_dim3A_160 = vector.broadcast %jit3A_159 : f32 to vector<16xf32>
      %select_n3A_161 = arith.select %eq3A_158, %broadcast_in_dim3A_160, %select_n3A_134 : vector<16xi1>, vector<16xf32>
      %eq3A_162 = vector.broadcast %reduce_max3A_151 : f32 to vector<16xf32>
      %eq3A_163 = arith.cmpf oeq, %select_n3A_139, %eq3A_162 : vector<16xf32>
      %jit3A_164 = arith.constant 0xFF800000 : f32
      %broadcast_in_dim3A_165 = vector.broadcast %jit3A_164 : f32 to vector<16xf32>
      %select_n3A_166 = arith.select %eq3A_163, %broadcast_in_dim3A_165, %select_n3A_139 : vector<16xi1>, vector<16xf32>
      %eq3A_167 = vector.broadcast %reduce_max3A_151 : f32 to vector<16xf32>
      %eq3A_168 = arith.cmpf oeq, %select_n3A_144, %eq3A_167 : vector<16xf32>
      %jit3A_169 = arith.constant 0xFF800000 : f32
      %broadcast_in_dim3A_170 = vector.broadcast %jit3A_169 : f32 to vector<16xf32>
      %select_n3A_171 = arith.select %eq3A_168, %broadcast_in_dim3A_170, %select_n3A_144 : vector<16xi1>, vector<16xf32>
      %max3A_172 = arith.maximumf %select_n3A_156, %select_n3A_161 : vector<16xf32>
      %max3A_173 = arith.maximumf %select_n3A_166, %select_n3A_171 : vector<16xf32>
      %max3A_174 = arith.maximumf %max3A_172, %max3A_173 : vector<16xf32>
      %reduce_max3A_175 = arith.constant true
      %reduce_max3A_176 = vector.broadcast %reduce_max3A_175 : i1 to vector<16xi1>
      %reduce_max3A_177 = tpu.scan <max>, %max3A_174 masked %reduce_max3A_176 : vector<16xf32>, vector<16xi1> -> vector<16xf32>
      %reduce_max3A_178 = vector.extract %reduce_max3A_177[15] : f32 from vector<16xf32>
      %eq3A_179 = vector.broadcast %reduce_max3A_178 : f32 to vector<16xf32>
      %eq3A_180 = arith.cmpf oeq, %select_n3A_156, %eq3A_179 : vector<16xf32>
      %jit3A_181 = arith.constant 0xFF800000 : f32
      %broadcast_in_dim3A_182 = vector.broadcast %jit3A_181 : f32 to vector<16xf32>
      %select_n3A_183 = arith.select %eq3A_180, %broadcast_in_dim3A_182, %select_n3A_156 : vector<16xi1>, vector<16xf32>
      %eq3A_184 = vector.broadcast %reduce_max3A_178 : f32 to vector<16xf32>
      %eq3A_185 = arith.cmpf oeq, %select_n3A_161, %eq3A_184 : vector<16xf32>
      %jit3A_186 = arith.constant 0xFF800000 : f32
      %broadcast_in_dim3A_187 = vector.broadcast %jit3A_186 : f32 to vector<16xf32>
      %select_n3A_188 = arith.select %eq3A_185, %broadcast_in_dim3A_187, %select_n3A_161 : vector<16xi1>, vector<16xf32>
      %eq3A_189 = vector.broadcast %reduce_max3A_178 : f32 to vector<16xf32>
      %eq3A_190 = arith.cmpf oeq, %select_n3A_166, %eq3A_189 : vector<16xf32>
      %jit3A_191 = arith.constant 0xFF800000 : f32
      %broadcast_in_dim3A_192 = vector.broadcast %jit3A_191 : f32 to vector<16xf32>
      %select_n3A_193 = arith.select %eq3A_190, %broadcast_in_dim3A_192, %select_n3A_166 : vector<16xi1>, vector<16xf32>
      %eq3A_194 = vector.broadcast %reduce_max3A_178 : f32 to vector<16xf32>
      %eq3A_195 = arith.cmpf oeq, %select_n3A_171, %eq3A_194 : vector<16xf32>
      %jit3A_196 = arith.constant 0xFF800000 : f32
      %broadcast_in_dim3A_197 = vector.broadcast %jit3A_196 : f32 to vector<16xf32>
      %select_n3A_198 = arith.select %eq3A_195, %broadcast_in_dim3A_197, %select_n3A_171 : vector<16xi1>, vector<16xf32>
      %max3A_199 = arith.maximumf %select_n3A_183, %select_n3A_188 : vector<16xf32>
      %max3A_200 = arith.maximumf %select_n3A_193, %select_n3A_198 : vector<16xf32>
      %max3A_201 = arith.maximumf %max3A_199, %max3A_200 : vector<16xf32>
      %reduce_max3A_202 = arith.constant true
      %reduce_max3A_203 = vector.broadcast %reduce_max3A_202 : i1 to vector<16xi1>
      %reduce_max3A_204 = tpu.scan <max>, %max3A_201 masked %reduce_max3A_203 : vector<16xf32>, vector<16xi1> -> vector<16xf32>
      %reduce_max3A_205 = vector.extract %reduce_max3A_204[15] : f32 from vector<16xf32>
      %eq3A_206 = vector.broadcast %reduce_max3A_205 : f32 to vector<16xf32>
      %eq3A_207 = arith.cmpf oeq, %select_n3A_183, %eq3A_206 : vector<16xf32>
      %jit3A_208 = arith.constant 0xFF800000 : f32
      %broadcast_in_dim3A_209 = vector.broadcast %jit3A_208 : f32 to vector<16xf32>
      %select_n3A_210 = arith.select %eq3A_207, %broadcast_in_dim3A_209, %select_n3A_183 : vector<16xi1>, vector<16xf32>
      %eq3A_211 = vector.broadcast %reduce_max3A_205 : f32 to vector<16xf32>
      %eq3A_212 = arith.cmpf oeq, %select_n3A_188, %eq3A_211 : vector<16xf32>
      %jit3A_213 = arith.constant 0xFF800000 : f32
      %broadcast_in_dim3A_214 = vector.broadcast %jit3A_213 : f32 to vector<16xf32>
      %select_n3A_215 = arith.select %eq3A_212, %broadcast_in_dim3A_214, %select_n3A_188 : vector<16xi1>, vector<16xf32>
      %eq3A_216 = vector.broadcast %reduce_max3A_205 : f32 to vector<16xf32>
      %eq3A_217 = arith.cmpf oeq, %select_n3A_193, %eq3A_216 : vector<16xf32>
      %jit3A_218 = arith.constant 0xFF800000 : f32
      %broadcast_in_dim3A_219 = vector.broadcast %jit3A_218 : f32 to vector<16xf32>
      %select_n3A_220 = arith.select %eq3A_217, %broadcast_in_dim3A_219, %select_n3A_193 : vector<16xi1>, vector<16xf32>
      %eq3A_221 = vector.broadcast %reduce_max3A_205 : f32 to vector<16xf32>
      %eq3A_222 = arith.cmpf oeq, %select_n3A_198, %eq3A_221 : vector<16xf32>
      %jit3A_223 = arith.constant 0xFF800000 : f32
      %broadcast_in_dim3A_224 = vector.broadcast %jit3A_223 : f32 to vector<16xf32>
      %select_n3A_225 = arith.select %eq3A_222, %broadcast_in_dim3A_224, %select_n3A_198 : vector<16xi1>, vector<16xf32>
      %max3A_226 = arith.maximumf %select_n3A_210, %select_n3A_215 : vector<16xf32>
      %max3A_227 = arith.maximumf %select_n3A_220, %select_n3A_225 : vector<16xf32>
      %max3A_228 = arith.maximumf %max3A_226, %max3A_227 : vector<16xf32>
      %reduce_max3A_229 = arith.constant true
      %reduce_max3A_230 = vector.broadcast %reduce_max3A_229 : i1 to vector<16xi1>
      %reduce_max3A_231 = tpu.scan <max>, %max3A_228 masked %reduce_max3A_230 : vector<16xf32>, vector<16xi1> -> vector<16xf32>
      %reduce_max3A_232 = vector.extract %reduce_max3A_231[15] : f32 from vector<16xf32>
      %eq3A_233 = vector.broadcast %reduce_max3A_232 : f32 to vector<16xf32>
      %eq3A_234 = arith.cmpf oeq, %select_n3A_210, %eq3A_233 : vector<16xf32>
      %jit3A_235 = arith.constant 0xFF800000 : f32
      %broadcast_in_dim3A_236 = vector.broadcast %jit3A_235 : f32 to vector<16xf32>
      %select_n3A_237 = arith.select %eq3A_234, %broadcast_in_dim3A_236, %select_n3A_210 : vector<16xi1>, vector<16xf32>
      %eq3A_238 = vector.broadcast %reduce_max3A_232 : f32 to vector<16xf32>
      %eq3A_239 = arith.cmpf oeq, %select_n3A_215, %eq3A_238 : vector<16xf32>
      %jit3A_240 = arith.constant 0xFF800000 : f32
      %broadcast_in_dim3A_241 = vector.broadcast %jit3A_240 : f32 to vector<16xf32>
      %select_n3A_242 = arith.select %eq3A_239, %broadcast_in_dim3A_241, %select_n3A_215 : vector<16xi1>, vector<16xf32>
      %eq3A_243 = vector.broadcast %reduce_max3A_232 : f32 to vector<16xf32>
      %eq3A_244 = arith.cmpf oeq, %select_n3A_220, %eq3A_243 : vector<16xf32>
      %jit3A_245 = arith.constant 0xFF800000 : f32
      %broadcast_in_dim3A_246 = vector.broadcast %jit3A_245 : f32 to vector<16xf32>
      %select_n3A_247 = arith.select %eq3A_244, %broadcast_in_dim3A_246, %select_n3A_220 : vector<16xi1>, vector<16xf32>
      %eq3A_248 = vector.broadcast %reduce_max3A_232 : f32 to vector<16xf32>
      %eq3A_249 = arith.cmpf oeq, %select_n3A_225, %eq3A_248 : vector<16xf32>
      %jit3A_250 = arith.constant 0xFF800000 : f32
      %broadcast_in_dim3A_251 = vector.broadcast %jit3A_250 : f32 to vector<16xf32>
      %select_n3A_252 = arith.select %eq3A_249, %broadcast_in_dim3A_251, %select_n3A_225 : vector<16xi1>, vector<16xf32>
      %max3A_253 = arith.maximumf %select_n3A_237, %select_n3A_242 : vector<16xf32>
      %max3A_254 = arith.maximumf %select_n3A_247, %select_n3A_252 : vector<16xf32>
      %max3A_255 = arith.maximumf %max3A_253, %max3A_254 : vector<16xf32>
      %reduce_max3A_256 = arith.constant true
      %reduce_max3A_257 = vector.broadcast %reduce_max3A_256 : i1 to vector<16xi1>
      %reduce_max3A_258 = tpu.scan <max>, %max3A_255 masked %reduce_max3A_257 : vector<16xf32>, vector<16xi1> -> vector<16xf32>
      %reduce_max3A_259 = vector.extract %reduce_max3A_258[15] : f32 from vector<16xf32>
      %ge3A = vector.broadcast %reduce_max3A_259 : f32 to vector<16xf32>
      %ge3A_260 = arith.cmpf oge, %get3A_60, %ge3A : vector<16xf32>
      %broadcast_in_dim3A_261 = vector.broadcast %scan3A_33 : f32 to vector<16xf32>
      %select_n3A_262 = arith.select %ge3A_260, %get3A_3, %broadcast_in_dim3A_261 : vector<16xi1>, vector<16xf32>
      %swap3A = arith.index_cast %add3A_57 : i32 to index
      %swap3A_263 = arith.constant 0 : index
      %swap3A_264 = tpu.vector_load %arg8[%swap3A, %swap3A_263] {strides = array<i32>} : memref<128x64xf32, #tpu.memory_space<vmem>>, vector<16xf32>,
      tpu.vector_store %arg8[%swap3A, %swap3A_263], %select_n3A_262 {strides = array<i32>} : memref<128x64xf32, #tpu.memory_space<vmem>>, vector<16xf32>,
      %ge3A_265 = vector.broadcast %reduce_max3A_259 : f32 to vector<16xf32>
      %ge3A_266 = arith.cmpf oge, %get3A_63, %ge3A_265 : vector<16xf32>
      %broadcast_in_dim3A_267 = vector.broadcast %scan3A_33 : f32 to vector<16xf32>
      %select_n3A_268 = arith.select %ge3A_266, %get3A_3, %broadcast_in_dim3A_267 : vector<16xi1>, vector<16xf32>
      %swap3A_269 = arith.index_cast %add3A_57 : i32 to index
      %swap3A_270 = arith.constant 16 : index
      %swap3A_271 = tpu.vector_load %arg8[%swap3A_269, %swap3A_270] {strides = array<i32>} : memref<128x64xf32, #tpu.memory_space<vmem>>, vector<16xf32>,
      tpu.vector_store %arg8[%swap3A_269, %swap3A_270], %select_n3A_268 {strides = array<i32>} : memref<128x64xf32, #tpu.memory_space<vmem>>, vector<16xf32>,
      %ge3A_272 = vector.broadcast %reduce_max3A_259 : f32 to vector<16xf32>
      %ge3A_273 = arith.cmpf oge, %get3A_66, %ge3A_272 : vector<16xf32>
      %broadcast_in_dim3A_274 = vector.broadcast %scan3A_33 : f32 to vector<16xf32>
      %select_n3A_275 = arith.select %ge3A_273, %get3A_3, %broadcast_in_dim3A_274 : vector<16xi1>, vector<16xf32>
      %swap3A_276 = arith.index_cast %add3A_57 : i32 to index
      %swap3A_277 = arith.constant 32 : index
      %swap3A_278 = tpu.vector_load %arg8[%swap3A_276, %swap3A_277] {strides = array<i32>} : memref<128x64xf32, #tpu.memory_space<vmem>>, vector<16xf32>,
      tpu.vector_store %arg8[%swap3A_276, %swap3A_277], %select_n3A_275 {strides = array<i32>} : memref<128x64xf32, #tpu.memory_space<vmem>>, vector<16xf32>,
      %ge3A_279 = vector.broadcast %reduce_max3A_259 : f32 to vector<16xf32>
      %ge3A_280 = arith.cmpf oge, %get3A_69, %ge3A_279 : vector<16xf32>
      %broadcast_in_dim3A_281 = vector.broadcast %scan3A_33 : f32 to vector<16xf32>
      %select_n3A_282 = arith.select %ge3A_280, %get3A_3, %broadcast_in_dim3A_281 : vector<16xi1>, vector<16xf32>
      %swap3A_283 = arith.index_cast %add3A_57 : i32 to index
      %swap3A_284 = arith.constant 48 : index
      %swap3A_285 = tpu.vector_load %arg8[%swap3A_283, %swap3A_284] {strides = array<i32>} : memref<128x64xf32, #tpu.memory_space<vmem>>, vector<16xf32>,
      tpu.vector_store %arg8[%swap3A_283, %swap3A_284], %select_n3A_282 {strides = array<i32>} : memref<128x64xf32, #tpu.memory_space<vmem>>, vector<16xf32>,
      %mul3A_286 = arith.constant 4 : i32
      %mul3A_287 = arith.muli %scan3A_53, %mul3A_286 : i32
      %add3A_288 = arith.constant 1 : i32
      %add3A_289 = arith.addi %mul3A_287, %add3A_288 : i32
      %get3A_290 = arith.index_cast %add3A_289 : i32 to index
      %get3A_291 = arith.constant 0 : index
      %get3A_292 = tpu.vector_load %arg6[%get3A_290, %get3A_291] {strides = array<i32>} : memref<128x64xf32, #tpu.memory_space<vmem>>, vector<16xf32>,
      %get3A_293 = arith.index_cast %add3A_289 : i32 to index
      %get3A_294 = arith.constant 16 : index
      %get3A_295 = tpu.vector_load %arg6[%get3A_293, %get3A_294] {strides = array<i32>} : memref<128x64xf32, #tpu.memory_space<vmem>>, vector<16xf32>,
      %get3A_296 = arith.index_cast %add3A_289 : i32 to index
      %get3A_297 = arith.constant 32 : index
      %get3A_298 = tpu.vector_load %arg6[%get3A_296, %get3A_297] {strides = array<i32>} : memref<128x64xf32, #tpu.memory_space<vmem>>, vector<16xf32>,
      %get3A_299 = arith.index_cast %add3A_289 : i32 to index
      %get3A_300 = arith.constant 48 : index
      %get3A_301 = tpu.vector_load %arg6[%get3A_299, %get3A_300] {strides = array<i32>} : memref<128x64xf32, #tpu.memory_space<vmem>>, vector<16xf32>,
      %max3A_302 = arith.maximumf %get3A_292, %get3A_295 : vector<16xf32>
      %max3A_303 = arith.maximumf %get3A_298, %get3A_301 : vector<16xf32>
      %max3A_304 = arith.maximumf %max3A_302, %max3A_303 : vector<16xf32>
      %reduce_max3A_305 = arith.constant true
      %reduce_max3A_306 = vector.broadcast %reduce_max3A_305 : i1 to vector<16xi1>
      %reduce_max3A_307 = tpu.scan <max>, %max3A_304 masked %reduce_max3A_306 : vector<16xf32>, vector<16xi1> -> vector<16xf32>
      %reduce_max3A_308 = vector.extract %reduce_max3A_307[15] : f32 from vector<16xf32>
      %eq3A_309 = vector.broadcast %reduce_max3A_308 : f32 to vector<16xf32>
      %eq3A_310 = arith.cmpf oeq, %get3A_292, %eq3A_309 : vector<16xf32>
      %jit3A_311 = arith.constant 0xFF800000 : f32
      %broadcast_in_dim3A_312 = vector.broadcast %jit3A_311 : f32 to vector<16xf32>
      %select_n3A_313 = arith.select %eq3A_310, %broadcast_in_dim3A_312, %get3A_292 : vector<16xi1>, vector<16xf32>
      %eq3A_314 = vector.broadcast %reduce_max3A_308 : f32 to vector<16xf32>
      %eq3A_315 = arith.cmpf oeq, %get3A_295, %eq3A_314 : vector<16xf32>
      %jit3A_316 = arith.constant 0xFF800000 : f32
      %broadcast_in_dim3A_317 = vector.broadcast %jit3A_316 : f32 to vector<16xf32>
      %select_n3A_318 = arith.select %eq3A_315, %broadcast_in_dim3A_317, %get3A_295 : vector<16xi1>, vector<16xf32>
      %eq3A_319 = vector.broadcast %reduce_max3A_308 : f32 to vector<16xf32>
      %eq3A_320 = arith.cmpf oeq, %get3A_298, %eq3A_319 : vector<16xf32>
      %jit3A_321 = arith.constant 0xFF800000 : f32
      %broadcast_in_dim3A_322 = vector.broadcast %jit3A_321 : f32 to vector<16xf32>
      %select_n3A_323 = arith.select %eq3A_320, %broadcast_in_dim3A_322, %get3A_298 : vector<16xi1>, vector<16xf32>
      %eq3A_324 = vector.broadcast %reduce_max3A_308 : f32 to vector<16xf32>
      %eq3A_325 = arith.cmpf oeq, %get3A_301, %eq3A_324 : vector<16xf32>
      %jit3A_326 = arith.constant 0xFF800000 : f32
      %broadcast_in_dim3A_327 = vector.broadcast %jit3A_326 : f32 to vector<16xf32>
      %select_n3A_328 = arith.select %eq3A_325, %broadcast_in_dim3A_327, %get3A_301 : vector<16xi1>, vector<16xf32>
      %max3A_329 = arith.maximumf %select_n3A_313, %select_n3A_318 : vector<16xf32>
      %max3A_330 = arith.maximumf %select_n3A_323, %select_n3A_328 : vector<16xf32>
      %max3A_331 = arith.maximumf %max3A_329, %max3A_330 : vector<16xf32>
      %reduce_max3A_332 = arith.constant true
      %reduce_max3A_333 = vector.broadcast %reduce_max3A_332 : i1 to vector<16xi1>
      %reduce_max3A_334 = tpu.scan <max>, %max3A_331 masked %reduce_max3A_333 : vector<16xf32>, vector<16xi1> -> vector<16xf32>
      %reduce_max3A_335 = vector.extract %reduce_max3A_334[15] : f32 from vector<16xf32>
      %eq3A_336 = vector.broadcast %reduce_max3A_335 : f32 to vector<16xf32>
      %eq3A_337 = arith.cmpf oeq, %select_n3A_313, %eq3A_336 : vector<16xf32>
      %jit3A_338 = arith.constant 0xFF800000 : f32
      %broadcast_in_dim3A_339 = vector.broadcast %jit3A_338 : f32 to vector<16xf32>
      %select_n3A_340 = arith.select %eq3A_337, %broadcast_in_dim3A_339, %select_n3A_313 : vector<16xi1>, vector<16xf32>
      %eq3A_341 = vector.broadcast %reduce_max3A_335 : f32 to vector<16xf32>
      %eq3A_342 = arith.cmpf oeq, %select_n3A_318, %eq3A_341 : vector<16xf32>
      %jit3A_343 = arith.constant 0xFF800000 : f32
      %broadcast_in_dim3A_344 = vector.broadcast %jit3A_343 : f32 to vector<16xf32>
      %select_n3A_345 = arith.select %eq3A_342, %broadcast_in_dim3A_344, %select_n3A_318 : vector<16xi1>, vector<16xf32>
      %eq3A_346 = vector.broadcast %reduce_max3A_335 : f32 to vector<16xf32>
      %eq3A_347 = arith.cmpf oeq, %select_n3A_323, %eq3A_346 : vector<16xf32>
      %jit3A_348 = arith.constant 0xFF800000 : f32
      %broadcast_in_dim3A_349 = vector.broadcast %jit3A_348 : f32 to vector<16xf32>
      %select_n3A_350 = arith.select %eq3A_347, %broadcast_in_dim3A_349, %select_n3A_323 : vector<16xi1>, vector<16xf32>
      %eq3A_351 = vector.broadcast %reduce_max3A_335 : f32 to vector<16xf32>
      %eq3A_352 = arith.cmpf oeq, %select_n3A_328, %eq3A_351 : vector<16xf32>
      %jit3A_353 = arith.constant 0xFF800000 : f32
      %broadcast_in_dim3A_354 = vector.broadcast %jit3A_353 : f32 to vector<16xf32>
      %select_n3A_355 = arith.select %eq3A_352, %broadcast_in_dim3A_354, %select_n3A_328 : vector<16xi1>, vector<16xf32>
      %max3A_356 = arith.maximumf %select_n3A_340, %select_n3A_345 : vector<16xf32>
      %max3A_357 = arith.maximumf %select_n3A_350, %select_n3A_355 : vector<16xf32>
      %max3A_358 = arith.maximumf %max3A_356, %max3A_357 : vector<16xf32>
      %reduce_max3A_359 = arith.constant true
      %reduce_max3A_360 = vector.broadcast %reduce_max3A_359 : i1 to vector<16xi1>
      %reduce_max3A_361 = tpu.scan <max>, %max3A_358 masked %reduce_max3A_360 : vector<16xf32>, vector<16xi1> -> vector<16xf32>
      %reduce_max3A_362 = vector.extract %reduce_max3A_361[15] : f32 from vector<16xf32>
      %eq3A_363 = vector.broadcast %reduce_max3A_362 : f32 to vector<16xf32>
      %eq3A_364 = arith.cmpf oeq, %select_n3A_340, %eq3A_363 : vector<16xf32>
      %jit3A_365 = arith.constant 0xFF800000 : f32
      %broadcast_in_dim3A_366 = vector.broadcast %jit3A_365 : f32 to vector<16xf32>
      %select_n3A_367 = arith.select %eq3A_364, %broadcast_in_dim3A_366, %select_n3A_340 : vector<16xi1>, vector<16xf32>
      %eq3A_368 = vector.broadcast %reduce_max3A_362 : f32 to vector<16xf32>
      %eq3A_369 = arith.cmpf oeq, %select_n3A_345, %eq3A_368 : vector<16xf32>
      %jit3A_370 = arith.constant 0xFF800000 : f32
      %broadcast_in_dim3A_371 = vector.broadcast %jit3A_370 : f32 to vector<16xf32>
      %select_n3A_372 = arith.select %eq3A_369, %broadcast_in_dim3A_371, %select_n3A_345 : vector<16xi1>, vector<16xf32>
      %eq3A_373 = vector.broadcast %reduce_max3A_362 : f32 to vector<16xf32>
      %eq3A_374 = arith.cmpf oeq, %select_n3A_350, %eq3A_373 : vector<16xf32>
      %jit3A_375 = arith.constant 0xFF800000 : f32
      %broadcast_in_dim3A_376 = vector.broadcast %jit3A_375 : f32 to vector<16xf32>
      %select_n3A_377 = arith.select %eq3A_374, %broadcast_in_dim3A_376, %select_n3A_350 : vector<16xi1>, vector<16xf32>
      %eq3A_378 = vector.broadcast %reduce_max3A_362 : f32 to vector<16xf32>
      %eq3A_379 = arith.cmpf oeq, %select_n3A_355, %eq3A_378 : vector<16xf32>
      %jit3A_380 = arith.constant 0xFF800000 : f32
      %broadcast_in_dim3A_381 = vector.broadcast %jit3A_380 : f32 to vector<16xf32>
      %select_n3A_382 = arith.select %eq3A_379, %broadcast_in_dim3A_381, %select_n3A_355 : vector<16xi1>, vector<16xf32>
      %max3A_383 = arith.maximumf %select_n3A_367, %select_n3A_372 : vector<16xf32>
      %max3A_384 = arith.maximumf %select_n3A_377, %select_n3A_382 : vector<16xf32>
      %max3A_385 = arith.maximumf %max3A_383, %max3A_384 : vector<16xf32>
      %reduce_max3A_386 = arith.constant true
      %reduce_max3A_387 = vector.broadcast %reduce_max3A_386 : i1 to vector<16xi1>
      %reduce_max3A_388 = tpu.scan <max>, %max3A_385 masked %reduce_max3A_387 : vector<16xf32>, vector<16xi1> -> vector<16xf32>
      %reduce_max3A_389 = vector.extract %reduce_max3A_388[15] : f32 from vector<16xf32>
      %eq3A_390 = vector.broadcast %reduce_max3A_389 : f32 to vector<16xf32>
      %eq3A_391 = arith.cmpf oeq, %select_n3A_367, %eq3A_390 : vector<16xf32>
      %jit3A_392 = arith.constant 0xFF800000 : f32
      %broadcast_in_dim3A_393 = vector.broadcast %jit3A_392 : f32 to vector<16xf32>
      %select_n3A_394 = arith.select %eq3A_391, %broadcast_in_dim3A_393, %select_n3A_367 : vector<16xi1>, vector<16xf32>
      %eq3A_395 = vector.broadcast %reduce_max3A_389 : f32 to vector<16xf32>
      %eq3A_396 = arith.cmpf oeq, %select_n3A_372, %eq3A_395 : vector<16xf32>
      %jit3A_397 = arith.constant 0xFF800000 : f32
      %broadcast_in_dim3A_398 = vector.broadcast %jit3A_397 : f32 to vector<16xf32>
      %select_n3A_399 = arith.select %eq3A_396, %broadcast_in_dim3A_398, %select_n3A_372 : vector<16xi1>, vector<16xf32>
      %eq3A_400 = vector.broadcast %reduce_max3A_389 : f32 to vector<16xf32>
      %eq3A_401 = arith.cmpf oeq, %select_n3A_377, %eq3A_400 : vector<16xf32>
      %jit3A_402 = arith.constant 0xFF800000 : f32
      %broadcast_in_dim3A_403 = vector.broadcast %jit3A_402 : f32 to vector<16xf32>
      %select_n3A_404 = arith.select %eq3A_401, %broadcast_in_dim3A_403, %select_n3A_377 : vector<16xi1>, vector<16xf32>
      %eq3A_405 = vector.broadcast %reduce_max3A_389 : f32 to vector<16xf32>
      %eq3A_406 = arith.cmpf oeq, %select_n3A_382, %eq3A_405 : vector<16xf32>
      %jit3A_407 = arith.constant 0xFF800000 : f32
      %broadcast_in_dim3A_408 = vector.broadcast %jit3A_407 : f32 to vector<16xf32>
      %select_n3A_409 = arith.select %eq3A_406, %broadcast_in_dim3A_408, %select_n3A_382 : vector<16xi1>, vector<16xf32>
      %max3A_410 = arith.maximumf %select_n3A_394, %select_n3A_399 : vector<16xf32>
      %max3A_411 = arith.maximumf %select_n3A_404, %select_n3A_409 : vector<16xf32>
      %max3A_412 = arith.maximumf %max3A_410, %max3A_411 : vector<16xf32>
      %reduce_max3A_413 = arith.constant true
      %reduce_max3A_414 = vector.broadcast %reduce_max3A_413 : i1 to vector<16xi1>
      %reduce_max3A_415 = tpu.scan <max>, %max3A_412 masked %reduce_max3A_414 : vector<16xf32>, vector<16xi1> -> vector<16xf32>
      %reduce_max3A_416 = vector.extract %reduce_max3A_415[15] : f32 from vector<16xf32>
      %eq3A_417 = vector.broadcast %reduce_max3A_416 : f32 to vector<16xf32>
      %eq3A_418 = arith.cmpf oeq, %select_n3A_394, %eq3A_417 : vector<16xf32>
      %jit3A_419 = arith.constant 0xFF800000 : f32
      %broadcast_in_dim3A_420 = vector.broadcast %jit3A_419 : f32 to vector<16xf32>
      %select_n3A_421 = arith.select %eq3A_418, %broadcast_in_dim3A_420, %select_n3A_394 : vector<16xi1>, vector<16xf32>
      %eq3A_422 = vector.broadcast %reduce_max3A_416 : f32 to vector<16xf32>
      %eq3A_423 = arith.cmpf oeq, %select_n3A_399, %eq3A_422 : vector<16xf32>
      %jit3A_424 = arith.constant 0xFF800000 : f32
      %broadcast_in_dim3A_425 = vector.broadcast %jit3A_424 : f32 to vector<16xf32>
      %select_n3A_426 = arith.select %eq3A_423, %broadcast_in_dim3A_425, %select_n3A_399 : vector<16xi1>, vector<16xf32>
      %eq3A_427 = vector.broadcast %reduce_max3A_416 : f32 to vector<16xf32>
      %eq3A_428 = arith.cmpf oeq, %select_n3A_404, %eq3A_427 : vector<16xf32>
      %jit3A_429 = arith.constant 0xFF800000 : f32
      %broadcast_in_dim3A_430 = vector.broadcast %jit3A_429 : f32 to vector<16xf32>
      %select_n3A_431 = arith.select %eq3A_428, %broadcast_in_dim3A_430, %select_n3A_404 : vector<16xi1>, vector<16xf32>
      %eq3A_432 = vector.broadcast %reduce_max3A_416 : f32 to vector<16xf32>
      %eq3A_433 = arith.cmpf oeq, %select_n3A_409, %eq3A_432 : vector<16xf32>
      %jit3A_434 = arith.constant 0xFF800000 : f32
      %broadcast_in_dim3A_435 = vector.broadcast %jit3A_434 : f32 to vector<16xf32>
      %select_n3A_436 = arith.select %eq3A_433, %broadcast_in_dim3A_435, %select_n3A_409 : vector<16xi1>, vector<16xf32>
      %max3A_437 = arith.maximumf %select_n3A_421, %select_n3A_426 : vector<16xf32>
      %max3A_438 = arith.maximumf %select_n3A_431, %select_n3A_436 : vector<16xf32>
      %max3A_439 = arith.maximumf %max3A_437, %max3A_438 : vector<16xf32>
      %reduce_max3A_440 = arith.constant true
      %reduce_max3A_441 = vector.broadcast %reduce_max3A_440 : i1 to vector<16xi1>
      %reduce_max3A_442 = tpu.scan <max>, %max3A_439 masked %reduce_max3A_441 : vector<16xf32>, vector<16xi1> -> vector<16xf32>
      %reduce_max3A_443 = vector.extract %reduce_max3A_442[15] : f32 from vector<16xf32>
      %eq3A_444 = vector.broadcast %reduce_max3A_443 : f32 to vector<16xf32>
      %eq3A_445 = arith.cmpf oeq, %select_n3A_421, %eq3A_444 : vector<16xf32>
      %jit3A_446 = arith.constant 0xFF800000 : f32
      %broadcast_in_dim3A_447 = vector.broadcast %jit3A_446 : f32 to vector<16xf32>
      %select_n3A_448 = arith.select %eq3A_445, %broadcast_in_dim3A_447, %select_n3A_421 : vector<16xi1>, vector<16xf32>
      %eq3A_449 = vector.broadcast %reduce_max3A_443 : f32 to vector<16xf32>
      %eq3A_450 = arith.cmpf oeq, %select_n3A_426, %eq3A_449 : vector<16xf32>
      %jit3A_451 = arith.constant 0xFF800000 : f32
      %broadcast_in_dim3A_452 = vector.broadcast %jit3A_451 : f32 to vector<16xf32>
      %select_n3A_453 = arith.select %eq3A_450, %broadcast_in_dim3A_452, %select_n3A_426 : vector<16xi1>, vector<16xf32>
      %eq3A_454 = vector.broadcast %reduce_max3A_443 : f32 to vector<16xf32>
      %eq3A_455 = arith.cmpf oeq, %select_n3A_431, %eq3A_454 : vector<16xf32>
      %jit3A_456 = arith.constant 0xFF800000 : f32
      %broadcast_in_dim3A_457 = vector.broadcast %jit3A_456 : f32 to vector<16xf32>
      %select_n3A_458 = arith.select %eq3A_455, %broadcast_in_dim3A_457, %select_n3A_431 : vector<16xi1>, vector<16xf32>
      %eq3A_459 = vector.broadcast %reduce_max3A_443 : f32 to vector<16xf32>
      %eq3A_460 = arith.cmpf oeq, %select_n3A_436, %eq3A_459 : vector<16xf32>
      %jit3A_461 = arith.constant 0xFF800000 : f32
      %broadcast_in_dim3A_462 = vector.broadcast %jit3A_461 : f32 to vector<16xf32>
      %select_n3A_463 = arith.select %eq3A_460, %broadcast_in_dim3A_462, %select_n3A_436 : vector<16xi1>, vector<16xf32>
      %max3A_464 = arith.maximumf %select_n3A_448, %select_n3A_453 : vector<16xf32>
      %max3A_465 = arith.maximumf %select_n3A_458, %select_n3A_463 : vector<16xf32>
      %max3A_466 = arith.maximumf %max3A_464, %max3A_465 : vector<16xf32>
      %reduce_max3A_467 = arith.constant true
      %reduce_max3A_468 = vector.broadcast %reduce_max3A_467 : i1 to vector<16xi1>
      %reduce_max3A_469 = tpu.scan <max>, %max3A_466 masked %reduce_max3A_468 : vector<16xf32>, vector<16xi1> -> vector<16xf32>
      %reduce_max3A_470 = vector.extract %reduce_max3A_469[15] : f32 from vector<16xf32>
      %eq3A_471 = vector.broadcast %reduce_max3A_470 : f32 to vector<16xf32>
      %eq3A_472 = arith.cmpf oeq, %select_n3A_448, %eq3A_471 : vector<16xf32>
      %jit3A_473 = arith.constant 0xFF800000 : f32
      %broadcast_in_dim3A_474 = vector.broadcast %jit3A_473 : f32 to vector<16xf32>
      %select_n3A_475 = arith.select %eq3A_472, %broadcast_in_dim3A_474, %select_n3A_448 : vector<16xi1>, vector<16xf32>
      %eq3A_476 = vector.broadcast %reduce_max3A_470 : f32 to vector<16xf32>
      %eq3A_477 = arith.cmpf oeq, %select_n3A_453, %eq3A_476 : vector<16xf32>
      %jit3A_478 = arith.constant 0xFF800000 : f32
      %broadcast_in_dim3A_479 = vector.broadcast %jit3A_478 : f32 to vector<16xf32>
      %select_n3A_480 = arith.select %eq3A_477, %broadcast_in_dim3A_479, %select_n3A_453 : vector<16xi1>, vector<16xf32>
      %eq3A_481 = vector.broadcast %reduce_max3A_470 : f32 to vector<16xf32>
      %eq3A_482 = arith.cmpf oeq, %select_n3A_458, %eq3A_481 : vector<16xf32>
      %jit3A_483 = arith.constant 0xFF800000 : f32
      %broadcast_in_dim3A_484 = vector.broadcast %jit3A_483 : f32 to vector<16xf32>
      %select_n3A_485 = arith.select %eq3A_482, %broadcast_in_dim3A_484, %select_n3A_458 : vector<16xi1>, vector<16xf32>
      %eq3A_486 = vector.broadcast %reduce_max3A_470 : f32 to vector<16xf32>
      %eq3A_487 = arith.cmpf oeq, %select_n3A_463, %eq3A_486 : vector<16xf32>
      %jit3A_488 = arith.constant 0xFF800000 : f32
      %broadcast_in_dim3A_489 = vector.broadcast %jit3A_488 : f32 to vector<16xf32>
      %select_n3A_490 = arith.select %eq3A_487, %broadcast_in_dim3A_489, %select_n3A_463 : vector<16xi1>, vector<16xf32>
      %max3A_491 = arith.maximumf %select_n3A_475, %select_n3A_480 : vector<16xf32>
      %max3A_492 = arith.maximumf %select_n3A_485, %select_n3A_490 : vector<16xf32>
      %max3A_493 = arith.maximumf %max3A_491, %max3A_492 : vector<16xf32>
      %reduce_max3A_494 = arith.constant true
      %reduce_max3A_495 = vector.broadcast %reduce_max3A_494 : i1 to vector<16xi1>
      %reduce_max3A_496 = tpu.scan <max>, %max3A_493 masked %reduce_max3A_495 : vector<16xf32>, vector<16xi1> -> vector<16xf32>
      %reduce_max3A_497 = vector.extract %reduce_max3A_496[15] : f32 from vector<16xf32>
      %ge3A_498 = vector.broadcast %reduce_max3A_497 : f32 to vector<16xf32>
      %ge3A_499 = arith.cmpf oge, %get3A_292, %ge3A_498 : vector<16xf32>
      %broadcast_in_dim3A_500 = vector.broadcast %scan3A_33 : f32 to vector<16xf32>
      %select_n3A_501 = arith.select %ge3A_499, %get3A_3, %broadcast_in_dim3A_500 : vector<16xi1>, vector<16xf32>
      %swap3A_502 = arith.index_cast %add3A_289 : i32 to index
      %swap3A_503 = arith.constant 0 : index
      %swap3A_504 = tpu.vector_load %arg8[%swap3A_502, %swap3A_503] {strides = array<i32>} : memref<128x64xf32, #tpu.memory_space<vmem>>, vector<16xf32>,
      tpu.vector_store %arg8[%swap3A_502, %swap3A_503], %select_n3A_501 {strides = array<i32>} : memref<128x64xf32, #tpu.memory_space<vmem>>, vector<16xf32>,
      %ge3A_505 = vector.broadcast %reduce_max3A_497 : f32 to vector<16xf32>
      %ge3A_506 = arith.cmpf oge, %get3A_295, %ge3A_505 : vector<16xf32>
      %broadcast_in_dim3A_507 = vector.broadcast %scan3A_33 : f32 to vector<16xf32>
      %select_n3A_508 = arith.select %ge3A_506, %get3A_3, %broadcast_in_dim3A_507 : vector<16xi1>, vector<16xf32>
      %swap3A_509 = arith.index_cast %add3A_289 : i32 to index
      %swap3A_510 = arith.constant 16 : index
      %swap3A_511 = tpu.vector_load %arg8[%swap3A_509, %swap3A_510] {strides = array<i32>} : memref<128x64xf32, #tpu.memory_space<vmem>>, vector<16xf32>,
      tpu.vector_store %arg8[%swap3A_509, %swap3A_510], %select_n3A_508 {strides = array<i32>} : memref<128x64xf32, #tpu.memory_space<vmem>>, vector<16xf32>,
      %ge3A_512 = vector.broadcast %reduce_max3A_497 : f32 to vector<16xf32>
      %ge3A_513 = arith.cmpf oge, %get3A_298, %ge3A_512 : vector<16xf32>
      %broadcast_in_dim3A_514 = vector.broadcast %scan3A_33 : f32 to vector<16xf32>
      %select_n3A_515 = arith.select %ge3A_513, %get3A_3, %broadcast_in_dim3A_514 : vector<16xi1>, vector<16xf32>
      %swap3A_516 = arith.index_cast %add3A_289 : i32 to index
      %swap3A_517 = arith.constant 32 : index
      %swap3A_518 = tpu.vector_load %arg8[%swap3A_516, %swap3A_517] {strides = array<i32>} : memref<128x64xf32, #tpu.memory_space<vmem>>, vector<16xf32>,
      tpu.vector_store %arg8[%swap3A_516, %swap3A_517], %select_n3A_515 {strides = array<i32>} : memref<128x64xf32, #tpu.memory_space<vmem>>, vector<16xf32>,
      %ge3A_519 = vector.broadcast %reduce_max3A_497 : f32 to vector<16xf32>
      %ge3A_520 = arith.cmpf oge, %get3A_301, %ge3A_519 : vector<16xf32>
      %broadcast_in_dim3A_521 = vector.broadcast %scan3A_33 : f32 to vector<16xf32>
      %select_n3A_522 = arith.select %ge3A_520, %get3A_3, %broadcast_in_dim3A_521 : vector<16xi1>, vector<16xf32>
      %swap3A_523 = arith.index_cast %add3A_289 : i32 to index
      %swap3A_524 = arith.constant 48 : index
      %swap3A_525 = tpu.vector_load %arg8[%swap3A_523, %swap3A_524] {strides = array<i32>} : memref<128x64xf32, #tpu.memory_space<vmem>>, vector<16xf32>,
      tpu.vector_store %arg8[%swap3A_523, %swap3A_524], %select_n3A_522 {strides = array<i32>} : memref<128x64xf32, #tpu.memory_space<vmem>>, vector<16xf32>,
      %mul3A_526 = arith.constant 4 : i32
      %mul3A_527 = arith.muli %scan3A_53, %mul3A_526 : i32
      %add3A_528 = arith.constant 2 : i32
      %add3A_529 = arith.addi %mul3A_527, %add3A_528 : i32
      %get3A_530 = arith.index_cast %add3A_529 : i32 to index
      %get3A_531 = arith.constant 0 : index
      %get3A_532 = tpu.vector_load %arg6[%get3A_530, %get3A_531] {strides = array<i32>} : memref<128x64xf32, #tpu.memory_space<vmem>>, vector<16xf32>,
      %get3A_533 = arith.index_cast %add3A_529 : i32 to index
      %get3A_534 = arith.constant 16 : index
      %get3A_535 = tpu.vector_load %arg6[%get3A_533, %get3A_534] {strides = array<i32>} : memref<128x64xf32, #tpu.memory_space<vmem>>, vector<16xf32>,
      %get3A_536 = arith.index_cast %add3A_529 : i32 to index
      %get3A_537 = arith.constant 32 : index
      %get3A_538 = tpu.vector_load %arg6[%get3A_536, %get3A_537] {strides = array<i32>} : memref<128x64xf32, #tpu.memory_space<vmem>>, vector<16xf32>,
      %get3A_539 = arith.index_cast %add3A_529 : i32 to index
      %get3A_540 = arith.constant 48 : index
      %get3A_541 = tpu.vector_load %arg6[%get3A_539, %get3A_540] {strides = array<i32>} : memref<128x64xf32, #tpu.memory_space<vmem>>, vector<16xf32>,
      %max3A_542 = arith.maximumf %get3A_532, %get3A_535 : vector<16xf32>
      %max3A_543 = arith.maximumf %get3A_538, %get3A_541 : vector<16xf32>
      %max3A_544 = arith.maximumf %max3A_542, %max3A_543 : vector<16xf32>
      %reduce_max3A_545 = arith.constant true
      %reduce_max3A_546 = vector.broadcast %reduce_max3A_545 : i1 to vector<16xi1>
      %reduce_max3A_547 = tpu.scan <max>, %max3A_544 masked %reduce_max3A_546 : vector<16xf32>, vector<16xi1> -> vector<16xf32>
      %reduce_max3A_548 = vector.extract %reduce_max3A_547[15] : f32 from vector<16xf32>
      %eq3A_549 = vector.broadcast %reduce_max3A_548 : f32 to vector<16xf32>
      %eq3A_550 = arith.cmpf oeq, %get3A_532, %eq3A_549 : vector<16xf32>
      %jit3A_551 = arith.constant 0xFF800000 : f32
      %broadcast_in_dim3A_552 = vector.broadcast %jit3A_551 : f32 to vector<16xf32>
      %select_n3A_553 = arith.select %eq3A_550, %broadcast_in_dim3A_552, %get3A_532 : vector<16xi1>, vector<16xf32>
      %eq3A_554 = vector.broadcast %reduce_max3A_548 : f32 to vector<16xf32>
      %eq3A_555 = arith.cmpf oeq, %get3A_535, %eq3A_554 : vector<16xf32>
      %jit3A_556 = arith.constant 0xFF800000 : f32
      %broadcast_in_dim3A_557 = vector.broadcast %jit3A_556 : f32 to vector<16xf32>
      %select_n3A_558 = arith.select %eq3A_555, %broadcast_in_dim3A_557, %get3A_535 : vector<16xi1>, vector<16xf32>
      %eq3A_559 = vector.broadcast %reduce_max3A_548 : f32 to vector<16xf32>
      %eq3A_560 = arith.cmpf oeq, %get3A_538, %eq3A_559 : vector<16xf32>
      %jit3A_561 = arith.constant 0xFF800000 : f32
      %broadcast_in_dim3A_562 = vector.broadcast %jit3A_561 : f32 to vector<16xf32>
      %select_n3A_563 = arith.select %eq3A_560, %broadcast_in_dim3A_562, %get3A_538 : vector<16xi1>, vector<16xf32>
      %eq3A_564 = vector.broadcast %reduce_max3A_548 : f32 to vector<16xf32>
      %eq3A_565 = arith.cmpf oeq, %get3A_541, %eq3A_564 : vector<16xf32>
      %jit3A_566 = arith.constant 0xFF800000 : f32
      %broadcast_in_dim3A_567 = vector.broadcast %jit3A_566 : f32 to vector<16xf32>
      %select_n3A_568 = arith.select %eq3A_565, %broadcast_in_dim3A_567, %get3A_541 : vector<16xi1>, vector<16xf32>
      %max3A_569 = arith.maximumf %select_n3A_553, %select_n3A_558 : vector<16xf32>
      %max3A_570 = arith.maximumf %select_n3A_563, %select_n3A_568 : vector<16xf32>
      %max3A_571 = arith.maximumf %max3A_569, %max3A_570 : vector<16xf32>
      %reduce_max3A_572 = arith.constant true
      %reduce_max3A_573 = vector.broadcast %reduce_max3A_572 : i1 to vector<16xi1>
      %reduce_max3A_574 = tpu.scan <max>, %max3A_571 masked %reduce_max3A_573 : vector<16xf32>, vector<16xi1> -> vector<16xf32>
      %reduce_max3A_575 = vector.extract %reduce_max3A_574[15] : f32 from vector<16xf32>
      %eq3A_576 = vector.broadcast %reduce_max3A_575 : f32 to vector<16xf32>
      %eq3A_577 = arith.cmpf oeq, %select_n3A_553, %eq3A_576 : vector<16xf32>
      %jit3A_578 = arith.constant 0xFF800000 : f32
      %broadcast_in_dim3A_579 = vector.broadcast %jit3A_578 : f32 to vector<16xf32>
      %select_n3A_580 = arith.select %eq3A_577, %broadcast_in_dim3A_579, %select_n3A_553 : vector<16xi1>, vector<16xf32>
      %eq3A_581 = vector.broadcast %reduce_max3A_575 : f32 to vector<16xf32>
      %eq3A_582 = arith.cmpf oeq, %select_n3A_558, %eq3A_581 : vector<16xf32>
      %jit3A_583 = arith.constant 0xFF800000 : f32
      %broadcast_in_dim3A_584 = vector.broadcast %jit3A_583 : f32 to vector<16xf32>
      %select_n3A_585 = arith.select %eq3A_582, %broadcast_in_dim3A_584, %select_n3A_558 : vector<16xi1>, vector<16xf32>
      %eq3A_586 = vector.broadcast %reduce_max3A_575 : f32 to vector<16xf32>
      %eq3A_587 = arith.cmpf oeq, %select_n3A_563, %eq3A_586 : vector<16xf32>
      %jit3A_588 = arith.constant 0xFF800000 : f32
      %broadcast_in_dim3A_589 = vector.broadcast %jit3A_588 : f32 to vector<16xf32>
      %select_n3A_590 = arith.select %eq3A_587, %broadcast_in_dim3A_589, %select_n3A_563 : vector<16xi1>, vector<16xf32>
      %eq3A_591 = vector.broadcast %reduce_max3A_575 : f32 to vector<16xf32>
      %eq3A_592 = arith.cmpf oeq, %select_n3A_568, %eq3A_591 : vector<16xf32>
      %jit3A_593 = arith.constant 0xFF800000 : f32
      %broadcast_in_dim3A_594 = vector.broadcast %jit3A_593 : f32 to vector<16xf32>
      %select_n3A_595 = arith.select %eq3A_592, %broadcast_in_dim3A_594, %select_n3A_568 : vector<16xi1>, vector<16xf32>
      %max3A_596 = arith.maximumf %select_n3A_580, %select_n3A_585 : vector<16xf32>
      %max3A_597 = arith.maximumf %select_n3A_590, %select_n3A_595 : vector<16xf32>
      %max3A_598 = arith.maximumf %max3A_596, %max3A_597 : vector<16xf32>
      %reduce_max3A_599 = arith.constant true
      %reduce_max3A_600 = vector.broadcast %reduce_max3A_599 : i1 to vector<16xi1>
      %reduce_max3A_601 = tpu.scan <max>, %max3A_598 masked %reduce_max3A_600 : vector<16xf32>, vector<16xi1> -> vector<16xf32>
      %reduce_max3A_602 = vector.extract %reduce_max3A_601[15] : f32 from vector<16xf32>
      %eq3A_603 = vector.broadcast %reduce_max3A_602 : f32 to vector<16xf32>
      %eq3A_604 = arith.cmpf oeq, %select_n3A_580, %eq3A_603 : vector<16xf32>
      %jit3A_605 = arith.constant 0xFF800000 : f32
      %broadcast_in_dim3A_606 = vector.broadcast %jit3A_605 : f32 to vector<16xf32>
      %select_n3A_607 = arith.select %eq3A_604, %broadcast_in_dim3A_606, %select_n3A_580 : vector<16xi1>, vector<16xf32>
      %eq3A_608 = vector.broadcast %reduce_max3A_602 : f32 to vector<16xf32>
      %eq3A_609 = arith.cmpf oeq, %select_n3A_585, %eq3A_608 : vector<16xf32>
      %jit3A_610 = arith.constant 0xFF800000 : f32
      %broadcast_in_dim3A_611 = vector.broadcast %jit3A_610 : f32 to vector<16xf32>
      %select_n3A_612 = arith.select %eq3A_609, %broadcast_in_dim3A_611, %select_n3A_585 : vector<16xi1>, vector<16xf32>
      %eq3A_613 = vector.broadcast %reduce_max3A_602 : f32 to vector<16xf32>
      %eq3A_614 = arith.cmpf oeq, %select_n3A_590, %eq3A_613 : vector<16xf32>
      %jit3A_615 = arith.constant 0xFF800000 : f32
      %broadcast_in_dim3A_616 = vector.broadcast %jit3A_615 : f32 to vector<16xf32>
      %select_n3A_617 = arith.select %eq3A_614, %broadcast_in_dim3A_616, %select_n3A_590 : vector<16xi1>, vector<16xf32>
      %eq3A_618 = vector.broadcast %reduce_max3A_602 : f32 to vector<16xf32>
      %eq3A_619 = arith.cmpf oeq, %select_n3A_595, %eq3A_618 : vector<16xf32>
      %jit3A_620 = arith.constant 0xFF800000 : f32
      %broadcast_in_dim3A_621 = vector.broadcast %jit3A_620 : f32 to vector<16xf32>
      %select_n3A_622 = arith.select %eq3A_619, %broadcast_in_dim3A_621, %select_n3A_595 : vector<16xi1>, vector<16xf32>
      %max3A_623 = arith.maximumf %select_n3A_607, %select_n3A_612 : vector<16xf32>
      %max3A_624 = arith.maximumf %select_n3A_617, %select_n3A_622 : vector<16xf32>
      %max3A_625 = arith.maximumf %max3A_623, %max3A_624 : vector<16xf32>
      %reduce_max3A_626 = arith.constant true
      %reduce_max3A_627 = vector.broadcast %reduce_max3A_626 : i1 to vector<16xi1>
      %reduce_max3A_628 = tpu.scan <max>, %max3A_625 masked %reduce_max3A_627 : vector<16xf32>, vector<16xi1> -> vector<16xf32>
      %reduce_max3A_629 = vector.extract %reduce_max3A_628[15] : f32 from vector<16xf32>
      %eq3A_630 = vector.broadcast %reduce_max3A_629 : f32 to vector<16xf32>
      %eq3A_631 = arith.cmpf oeq, %select_n3A_607, %eq3A_630 : vector<16xf32>
      %jit3A_632 = arith.constant 0xFF800000 : f32
      %broadcast_in_dim3A_633 = vector.broadcast %jit3A_632 : f32 to vector<16xf32>
      %select_n3A_634 = arith.select %eq3A_631, %broadcast_in_dim3A_633, %select_n3A_607 : vector<16xi1>, vector<16xf32>
      %eq3A_635 = vector.broadcast %reduce_max3A_629 : f32 to vector<16xf32>
      %eq3A_636 = arith.cmpf oeq, %select_n3A_612, %eq3A_635 : vector<16xf32>
      %jit3A_637 = arith.constant 0xFF800000 : f32
      %broadcast_in_dim3A_638 = vector.broadcast %jit3A_637 : f32 to vector<16xf32>
      %select_n3A_639 = arith.select %eq3A_636, %broadcast_in_dim3A_638, %select_n3A_612 : vector<16xi1>, vector<16xf32>
      %eq3A_640 = vector.broadcast %reduce_max3A_629 : f32 to vector<16xf32>
      %eq3A_641 = arith.cmpf oeq, %select_n3A_617, %eq3A_640 : vector<16xf32>
      %jit3A_642 = arith.constant 0xFF800000 : f32
      %broadcast_in_dim3A_643 = vector.broadcast %jit3A_642 : f32 to vector<16xf32>
      %select_n3A_644 = arith.select %eq3A_641, %broadcast_in_dim3A_643, %select_n3A_617 : vector<16xi1>, vector<16xf32>
      %eq3A_645 = vector.broadcast %reduce_max3A_629 : f32 to vector<16xf32>
      %eq3A_646 = arith.cmpf oeq, %select_n3A_622, %eq3A_645 : vector<16xf32>
      %jit3A_647 = arith.constant 0xFF800000 : f32
      %broadcast_in_dim3A_648 = vector.broadcast %jit3A_647 : f32 to vector<16xf32>
      %select_n3A_649 = arith.select %eq3A_646, %broadcast_in_dim3A_648, %select_n3A_622 : vector<16xi1>, vector<16xf32>
      %max3A_650 = arith.maximumf %select_n3A_634, %select_n3A_639 : vector<16xf32>
      %max3A_651 = arith.maximumf %select_n3A_644, %select_n3A_649 : vector<16xf32>
      %max3A_652 = arith.maximumf %max3A_650, %max3A_651 : vector<16xf32>
      %reduce_max3A_653 = arith.constant true
      %reduce_max3A_654 = vector.broadcast %reduce_max3A_653 : i1 to vector<16xi1>
      %reduce_max3A_655 = tpu.scan <max>, %max3A_652 masked %reduce_max3A_654 : vector<16xf32>, vector<16xi1> -> vector<16xf32>
      %reduce_max3A_656 = vector.extract %reduce_max3A_655[15] : f32 from vector<16xf32>
      %eq3A_657 = vector.broadcast %reduce_max3A_656 : f32 to vector<16xf32>
      %eq3A_658 = arith.cmpf oeq, %select_n3A_634, %eq3A_657 : vector<16xf32>
      %jit3A_659 = arith.constant 0xFF800000 : f32
      %broadcast_in_dim3A_660 = vector.broadcast %jit3A_659 : f32 to vector<16xf32>
      %select_n3A_661 = arith.select %eq3A_658, %broadcast_in_dim3A_660, %select_n3A_634 : vector<16xi1>, vector<16xf32>
      %eq3A_662 = vector.broadcast %reduce_max3A_656 : f32 to vector<16xf32>
      %eq3A_663 = arith.cmpf oeq, %select_n3A_639, %eq3A_662 : vector<16xf32>
      %jit3A_664 = arith.constant 0xFF800000 : f32
      %broadcast_in_dim3A_665 = vector.broadcast %jit3A_664 : f32 to vector<16xf32>
      %select_n3A_666 = arith.select %eq3A_663, %broadcast_in_dim3A_665, %select_n3A_639 : vector<16xi1>, vector<16xf32>
      %eq3A_667 = vector.broadcast %reduce_max3A_656 : f32 to vector<16xf32>
      %eq3A_668 = arith.cmpf oeq, %select_n3A_644, %eq3A_667 : vector<16xf32>
      %jit3A_669 = arith.constant 0xFF800000 : f32
      %broadcast_in_dim3A_670 = vector.broadcast %jit3A_669 : f32 to vector<16xf32>
      %select_n3A_671 = arith.select %eq3A_668, %broadcast_in_dim3A_670, %select_n3A_644 : vector<16xi1>, vector<16xf32>
      %eq3A_672 = vector.broadcast %reduce_max3A_656 : f32 to vector<16xf32>
      %eq3A_673 = arith.cmpf oeq, %select_n3A_649, %eq3A_672 : vector<16xf32>
      %jit3A_674 = arith.constant 0xFF800000 : f32
      %broadcast_in_dim3A_675 = vector.broadcast %jit3A_674 : f32 to vector<16xf32>
      %select_n3A_676 = arith.select %eq3A_673, %broadcast_in_dim3A_675, %select_n3A_649 : vector<16xi1>, vector<16xf32>
      %max3A_677 = arith.maximumf %select_n3A_661, %select_n3A_666 : vector<16xf32>
      %max3A_678 = arith.maximumf %select_n3A_671, %select_n3A_676 : vector<16xf32>
      %max3A_679 = arith.maximumf %max3A_677, %max3A_678 : vector<16xf32>
      %reduce_max3A_680 = arith.constant true
      %reduce_max3A_681 = vector.broadcast %reduce_max3A_680 : i1 to vector<16xi1>
      %reduce_max3A_682 = tpu.scan <max>, %max3A_679 masked %reduce_max3A_681 : vector<16xf32>, vector<16xi1> -> vector<16xf32>
      %reduce_max3A_683 = vector.extract %reduce_max3A_682[15] : f32 from vector<16xf32>
      %eq3A_684 = vector.broadcast %reduce_max3A_683 : f32 to vector<16xf32>
      %eq3A_685 = arith.cmpf oeq, %select_n3A_661, %eq3A_684 : vector<16xf32>
      %jit3A_686 = arith.constant 0xFF800000 : f32
      %broadcast_in_dim3A_687 = vector.broadcast %jit3A_686 : f32 to vector<16xf32>
      %select_n3A_688 = arith.select %eq3A_685, %broadcast_in_dim3A_687, %select_n3A_661 : vector<16xi1>, vector<16xf32>
      %eq3A_689 = vector.broadcast %reduce_max3A_683 : f32 to vector<16xf32>
      %eq3A_690 = arith.cmpf oeq, %select_n3A_666, %eq3A_689 : vector<16xf32>
      %jit3A_691 = arith.constant 0xFF800000 : f32
      %broadcast_in_dim3A_692 = vector.broadcast %jit3A_691 : f32 to vector<16xf32>
      %select_n3A_693 = arith.select %eq3A_690, %broadcast_in_dim3A_692, %select_n3A_666 : vector<16xi1>, vector<16xf32>
      %eq3A_694 = vector.broadcast %reduce_max3A_683 : f32 to vector<16xf32>
      %eq3A_695 = arith.cmpf oeq, %select_n3A_671, %eq3A_694 : vector<16xf32>
      %jit3A_696 = arith.constant 0xFF800000 : f32
      %broadcast_in_dim3A_697 = vector.broadcast %jit3A_696 : f32 to vector<16xf32>
      %select_n3A_698 = arith.select %eq3A_695, %broadcast_in_dim3A_697, %select_n3A_671 : vector<16xi1>, vector<16xf32>
      %eq3A_699 = vector.broadcast %reduce_max3A_683 : f32 to vector<16xf32>
      %eq3A_700 = arith.cmpf oeq, %select_n3A_676, %eq3A_699 : vector<16xf32>
      %jit3A_701 = arith.constant 0xFF800000 : f32
      %broadcast_in_dim3A_702 = vector.broadcast %jit3A_701 : f32 to vector<16xf32>
      %select_n3A_703 = arith.select %eq3A_700, %broadcast_in_dim3A_702, %select_n3A_676 : vector<16xi1>, vector<16xf32>
      %max3A_704 = arith.maximumf %select_n3A_688, %select_n3A_693 : vector<16xf32>
      %max3A_705 = arith.maximumf %select_n3A_698, %select_n3A_703 : vector<16xf32>
      %max3A_706 = arith.maximumf %max3A_704, %max3A_705 : vector<16xf32>
      %reduce_max3A_707 = arith.constant true
      %reduce_max3A_708 = vector.broadcast %reduce_max3A_707 : i1 to vector<16xi1>
      %reduce_max3A_709 = tpu.scan <max>, %max3A_706 masked %reduce_max3A_708 : vector<16xf32>, vector<16xi1> -> vector<16xf32>
      %reduce_max3A_710 = vector.extract %reduce_max3A_709[15] : f32 from vector<16xf32>
      %eq3A_711 = vector.broadcast %reduce_max3A_710 : f32 to vector<16xf32>
      %eq3A_712 = arith.cmpf oeq, %select_n3A_688, %eq3A_711 : vector<16xf32>
      %jit3A_713 = arith.constant 0xFF800000 : f32
      %broadcast_in_dim3A_714 = vector.broadcast %jit3A_713 : f32 to vector<16xf32>
      %select_n3A_715 = arith.select %eq3A_712, %broadcast_in_dim3A_714, %select_n3A_688 : vector<16xi1>, vector<16xf32>
      %eq3A_716 = vector.broadcast %reduce_max3A_710 : f32 to vector<16xf32>
      %eq3A_717 = arith.cmpf oeq, %select_n3A_693, %eq3A_716 : vector<16xf32>
      %jit3A_718 = arith.constant 0xFF800000 : f32
      %broadcast_in_dim3A_719 = vector.broadcast %jit3A_718 : f32 to vector<16xf32>
      %select_n3A_720 = arith.select %eq3A_717, %broadcast_in_dim3A_719, %select_n3A_693 : vector<16xi1>, vector<16xf32>
      %eq3A_721 = vector.broadcast %reduce_max3A_710 : f32 to vector<16xf32>
      %eq3A_722 = arith.cmpf oeq, %select_n3A_698, %eq3A_721 : vector<16xf32>
      %jit3A_723 = arith.constant 0xFF800000 : f32
      %broadcast_in_dim3A_724 = vector.broadcast %jit3A_723 : f32 to vector<16xf32>
      %select_n3A_725 = arith.select %eq3A_722, %broadcast_in_dim3A_724, %select_n3A_698 : vector<16xi1>, vector<16xf32>
      %eq3A_726 = vector.broadcast %reduce_max3A_710 : f32 to vector<16xf32>
      %eq3A_727 = arith.cmpf oeq, %select_n3A_703, %eq3A_726 : vector<16xf32>
      %jit3A_728 = arith.constant 0xFF800000 : f32
      %broadcast_in_dim3A_729 = vector.broadcast %jit3A_728 : f32 to vector<16xf32>
      %select_n3A_730 = arith.select %eq3A_727, %broadcast_in_dim3A_729, %select_n3A_703 : vector<16xi1>, vector<16xf32>
      %max3A_731 = arith.maximumf %select_n3A_715, %select_n3A_720 : vector<16xf32>
      %max3A_732 = arith.maximumf %select_n3A_725, %select_n3A_730 : vector<16xf32>
      %max3A_733 = arith.maximumf %max3A_731, %max3A_732 : vector<16xf32>
      %reduce_max3A_734 = arith.constant true
      %reduce_max3A_735 = vector.broadcast %reduce_max3A_734 : i1 to vector<16xi1>
      %reduce_max3A_736 = tpu.scan <max>, %max3A_733 masked %reduce_max3A_735 : vector<16xf32>, vector<16xi1> -> vector<16xf32>
      %reduce_max3A_737 = vector.extract %reduce_max3A_736[15] : f32 from vector<16xf32>
      %ge3A_738 = vector.broadcast %reduce_max3A_737 : f32 to vector<16xf32>
      %ge3A_739 = arith.cmpf oge, %get3A_532, %ge3A_738 : vector<16xf32>
      %broadcast_in_dim3A_740 = vector.broadcast %scan3A_33 : f32 to vector<16xf32>
      %select_n3A_741 = arith.select %ge3A_739, %get3A_3, %broadcast_in_dim3A_740 : vector<16xi1>, vector<16xf32>
      %swap3A_742 = arith.index_cast %add3A_529 : i32 to index
      %swap3A_743 = arith.constant 0 : index
      %swap3A_744 = tpu.vector_load %arg8[%swap3A_742, %swap3A_743] {strides = array<i32>} : memref<128x64xf32, #tpu.memory_space<vmem>>, vector<16xf32>,
      tpu.vector_store %arg8[%swap3A_742, %swap3A_743], %select_n3A_741 {strides = array<i32>} : memref<128x64xf32, #tpu.memory_space<vmem>>, vector<16xf32>,
      %ge3A_745 = vector.broadcast %reduce_max3A_737 : f32 to vector<16xf32>
      %ge3A_746 = arith.cmpf oge, %get3A_535, %ge3A_745 : vector<16xf32>
      %broadcast_in_dim3A_747 = vector.broadcast %scan3A_33 : f32 to vector<16xf32>
      %select_n3A_748 = arith.select %ge3A_746, %get3A_3, %broadcast_in_dim3A_747 : vector<16xi1>, vector<16xf32>
      %swap3A_749 = arith.index_cast %add3A_529 : i32 to index
      %swap3A_750 = arith.constant 16 : index
      %swap3A_751 = tpu.vector_load %arg8[%swap3A_749, %swap3A_750] {strides = array<i32>} : memref<128x64xf32, #tpu.memory_space<vmem>>, vector<16xf32>,
      tpu.vector_store %arg8[%swap3A_749, %swap3A_750], %select_n3A_748 {strides = array<i32>} : memref<128x64xf32, #tpu.memory_space<vmem>>, vector<16xf32>,
      %ge3A_752 = vector.broadcast %reduce_max3A_737 : f32 to vector<16xf32>
      %ge3A_753 = arith.cmpf oge, %get3A_538, %ge3A_752 : vector<16xf32>
      %broadcast_in_dim3A_754 = vector.broadcast %scan3A_33 : f32 to vector<16xf32>
      %select_n3A_755 = arith.select %ge3A_753, %get3A_3, %broadcast_in_dim3A_754 : vector<16xi1>, vector<16xf32>
      %swap3A_756 = arith.index_cast %add3A_529 : i32 to index
      %swap3A_757 = arith.constant 32 : index
      %swap3A_758 = tpu.vector_load %arg8[%swap3A_756, %swap3A_757] {strides = array<i32>} : memref<128x64xf32, #tpu.memory_space<vmem>>, vector<16xf32>,
      tpu.vector_store %arg8[%swap3A_756, %swap3A_757], %select_n3A_755 {strides = array<i32>} : memref<128x64xf32, #tpu.memory_space<vmem>>, vector<16xf32>,
      %ge3A_759 = vector.broadcast %reduce_max3A_737 : f32 to vector<16xf32>
      %ge3A_760 = arith.cmpf oge, %get3A_541, %ge3A_759 : vector<16xf32>
      %broadcast_in_dim3A_761 = vector.broadcast %scan3A_33 : f32 to vector<16xf32>
      %select_n3A_762 = arith.select %ge3A_760, %get3A_3, %broadcast_in_dim3A_761 : vector<16xi1>, vector<16xf32>
      %swap3A_763 = arith.index_cast %add3A_529 : i32 to index
      %swap3A_764 = arith.constant 48 : index
      %swap3A_765 = tpu.vector_load %arg8[%swap3A_763, %swap3A_764] {strides = array<i32>} : memref<128x64xf32, #tpu.memory_space<vmem>>, vector<16xf32>,
      tpu.vector_store %arg8[%swap3A_763, %swap3A_764], %select_n3A_762 {strides = array<i32>} : memref<128x64xf32, #tpu.memory_space<vmem>>, vector<16xf32>,
      %mul3A_766 = arith.constant 4 : i32
      %mul3A_767 = arith.muli %scan3A_53, %mul3A_766 : i32
      %add3A_768 = arith.constant 3 : i32
      %add3A_769 = arith.addi %mul3A_767, %add3A_768 : i32
      %get3A_770 = arith.index_cast %add3A_769 : i32 to index
      %get3A_771 = arith.constant 0 : index
      %get3A_772 = tpu.vector_load %arg6[%get3A_770, %get3A_771] {strides = array<i32>} : memref<128x64xf32, #tpu.memory_space<vmem>>, vector<16xf32>,
      %get3A_773 = arith.index_cast %add3A_769 : i32 to index
      %get3A_774 = arith.constant 16 : index
      %get3A_775 = tpu.vector_load %arg6[%get3A_773, %get3A_774] {strides = array<i32>} : memref<128x64xf32, #tpu.memory_space<vmem>>, vector<16xf32>,
      %get3A_776 = arith.index_cast %add3A_769 : i32 to index
      %get3A_777 = arith.constant 32 : index
      %get3A_778 = tpu.vector_load %arg6[%get3A_776, %get3A_777] {strides = array<i32>} : memref<128x64xf32, #tpu.memory_space<vmem>>, vector<16xf32>,
      %get3A_779 = arith.index_cast %add3A_769 : i32 to index
      %get3A_780 = arith.constant 48 : index
      %get3A_781 = tpu.vector_load %arg6[%get3A_779, %get3A_780] {strides = array<i32>} : memref<128x64xf32, #tpu.memory_space<vmem>>, vector<16xf32>,
      %max3A_782 = arith.maximumf %get3A_772, %get3A_775 : vector<16xf32>
      %max3A_783 = arith.maximumf %get3A_778, %get3A_781 : vector<16xf32>
      %max3A_784 = arith.maximumf %max3A_782, %max3A_783 : vector<16xf32>
      %reduce_max3A_785 = arith.constant true
      %reduce_max3A_786 = vector.broadcast %reduce_max3A_785 : i1 to vector<16xi1>
      %reduce_max3A_787 = tpu.scan <max>, %max3A_784 masked %reduce_max3A_786 : vector<16xf32>, vector<16xi1> -> vector<16xf32>
      %reduce_max3A_788 = vector.extract %reduce_max3A_787[15] : f32 from vector<16xf32>
      %eq3A_789 = vector.broadcast %reduce_max3A_788 : f32 to vector<16xf32>
      %eq3A_790 = arith.cmpf oeq, %get3A_772, %eq3A_789 : vector<16xf32>
      %jit3A_791 = arith.constant 0xFF800000 : f32
      %broadcast_in_dim3A_792 = vector.broadcast %jit3A_791 : f32 to vector<16xf32>
      %select_n3A_793 = arith.select %eq3A_790, %broadcast_in_dim3A_792, %get3A_772 : vector<16xi1>, vector<16xf32>
      %eq3A_794 = vector.broadcast %reduce_max3A_788 : f32 to vector<16xf32>
      %eq3A_795 = arith.cmpf oeq, %get3A_775, %eq3A_794 : vector<16xf32>
      %jit3A_796 = arith.constant 0xFF800000 : f32
      %broadcast_in_dim3A_797 = vector.broadcast %jit3A_796 : f32 to vector<16xf32>
      %select_n3A_798 = arith.select %eq3A_795, %broadcast_in_dim3A_797, %get3A_775 : vector<16xi1>, vector<16xf32>
      %eq3A_799 = vector.broadcast %reduce_max3A_788 : f32 to vector<16xf32>
      %eq3A_800 = arith.cmpf oeq, %get3A_778, %eq3A_799 : vector<16xf32>
      %jit3A_801 = arith.constant 0xFF800000 : f32
      %broadcast_in_dim3A_802 = vector.broadcast %jit3A_801 : f32 to vector<16xf32>
      %select_n3A_803 = arith.select %eq3A_800, %broadcast_in_dim3A_802, %get3A_778 : vector<16xi1>, vector<16xf32>
      %eq3A_804 = vector.broadcast %reduce_max3A_788 : f32 to vector<16xf32>
      %eq3A_805 = arith.cmpf oeq, %get3A_781, %eq3A_804 : vector<16xf32>
      %jit3A_806 = arith.constant 0xFF800000 : f32
      %broadcast_in_dim3A_807 = vector.broadcast %jit3A_806 : f32 to vector<16xf32>
      %select_n3A_808 = arith.select %eq3A_805, %broadcast_in_dim3A_807, %get3A_781 : vector<16xi1>, vector<16xf32>
      %max3A_809 = arith.maximumf %select_n3A_793, %select_n3A_798 : vector<16xf32>
      %max3A_810 = arith.maximumf %select_n3A_803, %select_n3A_808 : vector<16xf32>
      %max3A_811 = arith.maximumf %max3A_809, %max3A_810 : vector<16xf32>
      %reduce_max3A_812 = arith.constant true
      %reduce_max3A_813 = vector.broadcast %reduce_max3A_812 : i1 to vector<16xi1>
      %reduce_max3A_814 = tpu.scan <max>, %max3A_811 masked %reduce_max3A_813 : vector<16xf32>, vector<16xi1> -> vector<16xf32>
      %reduce_max3A_815 = vector.extract %reduce_max3A_814[15] : f32 from vector<16xf32>
      %eq3A_816 = vector.broadcast %reduce_max3A_815 : f32 to vector<16xf32>
      %eq3A_817 = arith.cmpf oeq, %select_n3A_793, %eq3A_816 : vector<16xf32>
      %jit3A_818 = arith.constant 0xFF800000 : f32
      %broadcast_in_dim3A_819 = vector.broadcast %jit3A_818 : f32 to vector<16xf32>
      %select_n3A_820 = arith.select %eq3A_817, %broadcast_in_dim3A_819, %select_n3A_793 : vector<16xi1>, vector<16xf32>
      %eq3A_821 = vector.broadcast %reduce_max3A_815 : f32 to vector<16xf32>
      %eq3A_822 = arith.cmpf oeq, %select_n3A_798, %eq3A_821 : vector<16xf32>
      %jit3A_823 = arith.constant 0xFF800000 : f32
      %broadcast_in_dim3A_824 = vector.broadcast %jit3A_823 : f32 to vector<16xf32>
      %select_n3A_825 = arith.select %eq3A_822, %broadcast_in_dim3A_824, %select_n3A_798 : vector<16xi1>, vector<16xf32>
      %eq3A_826 = vector.broadcast %reduce_max3A_815 : f32 to vector<16xf32>
      %eq3A_827 = arith.cmpf oeq, %select_n3A_803, %eq3A_826 : vector<16xf32>
      %jit3A_828 = arith.constant 0xFF800000 : f32
      %broadcast_in_dim3A_829 = vector.broadcast %jit3A_828 : f32 to vector<16xf32>
      %select_n3A_830 = arith.select %eq3A_827, %broadcast_in_dim3A_829, %select_n3A_803 : vector<16xi1>, vector<16xf32>
      %eq3A_831 = vector.broadcast %reduce_max3A_815 : f32 to vector<16xf32>
      %eq3A_832 = arith.cmpf oeq, %select_n3A_808, %eq3A_831 : vector<16xf32>
      %jit3A_833 = arith.constant 0xFF800000 : f32
      %broadcast_in_dim3A_834 = vector.broadcast %jit3A_833 : f32 to vector<16xf32>
      %select_n3A_835 = arith.select %eq3A_832, %broadcast_in_dim3A_834, %select_n3A_808 : vector<16xi1>, vector<16xf32>
      %max3A_836 = arith.maximumf %select_n3A_820, %select_n3A_825 : vector<16xf32>
      %max3A_837 = arith.maximumf %select_n3A_830, %select_n3A_835 : vector<16xf32>
      %max3A_838 = arith.maximumf %max3A_836, %max3A_837 : vector<16xf32>
      %reduce_max3A_839 = arith.constant true
      %reduce_max3A_840 = vector.broadcast %reduce_max3A_839 : i1 to vector<16xi1>
      %reduce_max3A_841 = tpu.scan <max>, %max3A_838 masked %reduce_max3A_840 : vector<16xf32>, vector<16xi1> -> vector<16xf32>
      %reduce_max3A_842 = vector.extract %reduce_max3A_841[15] : f32 from vector<16xf32>
      %eq3A_843 = vector.broadcast %reduce_max3A_842 : f32 to vector<16xf32>
      %eq3A_844 = arith.cmpf oeq, %select_n3A_820, %eq3A_843 : vector<16xf32>
      %jit3A_845 = arith.constant 0xFF800000 : f32
      %broadcast_in_dim3A_846 = vector.broadcast %jit3A_845 : f32 to vector<16xf32>
      %select_n3A_847 = arith.select %eq3A_844, %broadcast_in_dim3A_846, %select_n3A_820 : vector<16xi1>, vector<16xf32>
      %eq3A_848 = vector.broadcast %reduce_max3A_842 : f32 to vector<16xf32>
      %eq3A_849 = arith.cmpf oeq, %select_n3A_825, %eq3A_848 : vector<16xf32>
      %jit3A_850 = arith.constant 0xFF800000 : f32
      %broadcast_in_dim3A_851 = vector.broadcast %jit3A_850 : f32 to vector<16xf32>
      %select_n3A_852 = arith.select %eq3A_849, %broadcast_in_dim3A_851, %select_n3A_825 : vector<16xi1>, vector<16xf32>
      %eq3A_853 = vector.broadcast %reduce_max3A_842 : f32 to vector<16xf32>
      %eq3A_854 = arith.cmpf oeq, %select_n3A_830, %eq3A_853 : vector<16xf32>
      %jit3A_855 = arith.constant 0xFF800000 : f32
      %broadcast_in_dim3A_856 = vector.broadcast %jit3A_855 : f32 to vector<16xf32>
      %select_n3A_857 = arith.select %eq3A_854, %broadcast_in_dim3A_856, %select_n3A_830 : vector<16xi1>, vector<16xf32>
      %eq3A_858 = vector.broadcast %reduce_max3A_842 : f32 to vector<16xf32>
      %eq3A_859 = arith.cmpf oeq, %select_n3A_835, %eq3A_858 : vector<16xf32>
      %jit3A_860 = arith.constant 0xFF800000 : f32
      %broadcast_in_dim3A_861 = vector.broadcast %jit3A_860 : f32 to vector<16xf32>
      %select_n3A_862 = arith.select %eq3A_859, %broadcast_in_dim3A_861, %select_n3A_835 : vector<16xi1>, vector<16xf32>
      %max3A_863 = arith.maximumf %select_n3A_847, %select_n3A_852 : vector<16xf32>
      %max3A_864 = arith.maximumf %select_n3A_857, %select_n3A_862 : vector<16xf32>
      %max3A_865 = arith.maximumf %max3A_863, %max3A_864 : vector<16xf32>
      %reduce_max3A_866 = arith.constant true
      %reduce_max3A_867 = vector.broadcast %reduce_max3A_866 : i1 to vector<16xi1>
      %reduce_max3A_868 = tpu.scan <max>, %max3A_865 masked %reduce_max3A_867 : vector<16xf32>, vector<16xi1> -> vector<16xf32>
      %reduce_max3A_869 = vector.extract %reduce_max3A_868[15] : f32 from vector<16xf32>
      %eq3A_870 = vector.broadcast %reduce_max3A_869 : f32 to vector<16xf32>
      %eq3A_871 = arith.cmpf oeq, %select_n3A_847, %eq3A_870 : vector<16xf32>
      %jit3A_872 = arith.constant 0xFF800000 : f32
      %broadcast_in_dim3A_873 = vector.broadcast %jit3A_872 : f32 to vector<16xf32>
      %select_n3A_874 = arith.select %eq3A_871, %broadcast_in_dim3A_873, %select_n3A_847 : vector<16xi1>, vector<16xf32>
      %eq3A_875 = vector.broadcast %reduce_max3A_869 : f32 to vector<16xf32>
      %eq3A_876 = arith.cmpf oeq, %select_n3A_852, %eq3A_875 : vector<16xf32>
      %jit3A_877 = arith.constant 0xFF800000 : f32
      %broadcast_in_dim3A_878 = vector.broadcast %jit3A_877 : f32 to vector<16xf32>
      %select_n3A_879 = arith.select %eq3A_876, %broadcast_in_dim3A_878, %select_n3A_852 : vector<16xi1>, vector<16xf32>
      %eq3A_880 = vector.broadcast %reduce_max3A_869 : f32 to vector<16xf32>
      %eq3A_881 = arith.cmpf oeq, %select_n3A_857, %eq3A_880 : vector<16xf32>
      %jit3A_882 = arith.constant 0xFF800000 : f32
      %broadcast_in_dim3A_883 = vector.broadcast %jit3A_882 : f32 to vector<16xf32>
      %select_n3A_884 = arith.select %eq3A_881, %broadcast_in_dim3A_883, %select_n3A_857 : vector<16xi1>, vector<16xf32>
      %eq3A_885 = vector.broadcast %reduce_max3A_869 : f32 to vector<16xf32>
      %eq3A_886 = arith.cmpf oeq, %select_n3A_862, %eq3A_885 : vector<16xf32>
      %jit3A_887 = arith.constant 0xFF800000 : f32
      %broadcast_in_dim3A_888 = vector.broadcast %jit3A_887 : f32 to vector<16xf32>
      %select_n3A_889 = arith.select %eq3A_886, %broadcast_in_dim3A_888, %select_n3A_862 : vector<16xi1>, vector<16xf32>
      %max3A_890 = arith.maximumf %select_n3A_874, %select_n3A_879 : vector<16xf32>
      %max3A_891 = arith.maximumf %select_n3A_884, %select_n3A_889 : vector<16xf32>
      %max3A_892 = arith.maximumf %max3A_890, %max3A_891 : vector<16xf32>
      %reduce_max3A_893 = arith.constant true
      %reduce_max3A_894 = vector.broadcast %reduce_max3A_893 : i1 to vector<16xi1>
      %reduce_max3A_895 = tpu.scan <max>, %max3A_892 masked %reduce_max3A_894 : vector<16xf32>, vector<16xi1> -> vector<16xf32>
      %reduce_max3A_896 = vector.extract %reduce_max3A_895[15] : f32 from vector<16xf32>
      %eq3A_897 = vector.broadcast %reduce_max3A_896 : f32 to vector<16xf32>
      %eq3A_898 = arith.cmpf oeq, %select_n3A_874, %eq3A_897 : vector<16xf32>
      %jit3A_899 = arith.constant 0xFF800000 : f32
      %broadcast_in_dim3A_900 = vector.broadcast %jit3A_899 : f32 to vector<16xf32>
      %select_n3A_901 = arith.select %eq3A_898, %broadcast_in_dim3A_900, %select_n3A_874 : vector<16xi1>, vector<16xf32>
      %eq3A_902 = vector.broadcast %reduce_max3A_896 : f32 to vector<16xf32>
      %eq3A_903 = arith.cmpf oeq, %select_n3A_879, %eq3A_902 : vector<16xf32>
      %jit3A_904 = arith.constant 0xFF800000 : f32
      %broadcast_in_dim3A_905 = vector.broadcast %jit3A_904 : f32 to vector<16xf32>
      %select_n3A_906 = arith.select %eq3A_903, %broadcast_in_dim3A_905, %select_n3A_879 : vector<16xi1>, vector<16xf32>
      %eq3A_907 = vector.broadcast %reduce_max3A_896 : f32 to vector<16xf32>
      %eq3A_908 = arith.cmpf oeq, %select_n3A_884, %eq3A_907 : vector<16xf32>
      %jit3A_909 = arith.constant 0xFF800000 : f32
      %broadcast_in_dim3A_910 = vector.broadcast %jit3A_909 : f32 to vector<16xf32>
      %select_n3A_911 = arith.select %eq3A_908, %broadcast_in_dim3A_910, %select_n3A_884 : vector<16xi1>, vector<16xf32>
      %eq3A_912 = vector.broadcast %reduce_max3A_896 : f32 to vector<16xf32>
      %eq3A_913 = arith.cmpf oeq, %select_n3A_889, %eq3A_912 : vector<16xf32>
      %jit3A_914 = arith.constant 0xFF800000 : f32
      %broadcast_in_dim3A_915 = vector.broadcast %jit3A_914 : f32 to vector<16xf32>
      %select_n3A_916 = arith.select %eq3A_913, %broadcast_in_dim3A_915, %select_n3A_889 : vector<16xi1>, vector<16xf32>
      %max3A_917 = arith.maximumf %select_n3A_901, %select_n3A_906 : vector<16xf32>
      %max3A_918 = arith.maximumf %select_n3A_911, %select_n3A_916 : vector<16xf32>
      %max3A_919 = arith.maximumf %max3A_917, %max3A_918 : vector<16xf32>
      %reduce_max3A_920 = arith.constant true
      %reduce_max3A_921 = vector.broadcast %reduce_max3A_920 : i1 to vector<16xi1>
      %reduce_max3A_922 = tpu.scan <max>, %max3A_919 masked %reduce_max3A_921 : vector<16xf32>, vector<16xi1> -> vector<16xf32>
      %reduce_max3A_923 = vector.extract %reduce_max3A_922[15] : f32 from vector<16xf32>
      %eq3A_924 = vector.broadcast %reduce_max3A_923 : f32 to vector<16xf32>
      %eq3A_925 = arith.cmpf oeq, %select_n3A_901, %eq3A_924 : vector<16xf32>
      %jit3A_926 = arith.constant 0xFF800000 : f32
      %broadcast_in_dim3A_927 = vector.broadcast %jit3A_926 : f32 to vector<16xf32>
      %select_n3A_928 = arith.select %eq3A_925, %broadcast_in_dim3A_927, %select_n3A_901 : vector<16xi1>, vector<16xf32>
      %eq3A_929 = vector.broadcast %reduce_max3A_923 : f32 to vector<16xf32>
      %eq3A_930 = arith.cmpf oeq, %select_n3A_906, %eq3A_929 : vector<16xf32>
      %jit3A_931 = arith.constant 0xFF800000 : f32
      %broadcast_in_dim3A_932 = vector.broadcast %jit3A_931 : f32 to vector<16xf32>
      %select_n3A_933 = arith.select %eq3A_930, %broadcast_in_dim3A_932, %select_n3A_906 : vector<16xi1>, vector<16xf32>
      %eq3A_934 = vector.broadcast %reduce_max3A_923 : f32 to vector<16xf32>
      %eq3A_935 = arith.cmpf oeq, %select_n3A_911, %eq3A_934 : vector<16xf32>
      %jit3A_936 = arith.constant 0xFF800000 : f32
      %broadcast_in_dim3A_937 = vector.broadcast %jit3A_936 : f32 to vector<16xf32>
      %select_n3A_938 = arith.select %eq3A_935, %broadcast_in_dim3A_937, %select_n3A_911 : vector<16xi1>, vector<16xf32>
      %eq3A_939 = vector.broadcast %reduce_max3A_923 : f32 to vector<16xf32>
      %eq3A_940 = arith.cmpf oeq, %select_n3A_916, %eq3A_939 : vector<16xf32>
      %jit3A_941 = arith.constant 0xFF800000 : f32
      %broadcast_in_dim3A_942 = vector.broadcast %jit3A_941 : f32 to vector<16xf32>
      %select_n3A_943 = arith.select %eq3A_940, %broadcast_in_dim3A_942, %select_n3A_916 : vector<16xi1>, vector<16xf32>
      %max3A_944 = arith.maximumf %select_n3A_928, %select_n3A_933 : vector<16xf32>
      %max3A_945 = arith.maximumf %select_n3A_938, %select_n3A_943 : vector<16xf32>
      %max3A_946 = arith.maximumf %max3A_944, %max3A_945 : vector<16xf32>
      %reduce_max3A_947 = arith.constant true
      %reduce_max3A_948 = vector.broadcast %reduce_max3A_947 : i1 to vector<16xi1>
      %reduce_max3A_949 = tpu.scan <max>, %max3A_946 masked %reduce_max3A_948 : vector<16xf32>, vector<16xi1> -> vector<16xf32>
      %reduce_max3A_950 = vector.extract %reduce_max3A_949[15] : f32 from vector<16xf32>
      %eq3A_951 = vector.broadcast %reduce_max3A_950 : f32 to vector<16xf32>
      %eq3A_952 = arith.cmpf oeq, %select_n3A_928, %eq3A_951 : vector<16xf32>
      %jit3A_953 = arith.constant 0xFF800000 : f32
      %broadcast_in_dim3A_954 = vector.broadcast %jit3A_953 : f32 to vector<16xf32>
      %select_n3A_955 = arith.select %eq3A_952, %broadcast_in_dim3A_954, %select_n3A_928 : vector<16xi1>, vector<16xf32>
      %eq3A_956 = vector.broadcast %reduce_max3A_950 : f32 to vector<16xf32>
      %eq3A_957 = arith.cmpf oeq, %select_n3A_933, %eq3A_956 : vector<16xf32>
      %jit3A_958 = arith.constant 0xFF800000 : f32
      %broadcast_in_dim3A_959 = vector.broadcast %jit3A_958 : f32 to vector<16xf32>
      %select_n3A_960 = arith.select %eq3A_957, %broadcast_in_dim3A_959, %select_n3A_933 : vector<16xi1>, vector<16xf32>
      %eq3A_961 = vector.broadcast %reduce_max3A_950 : f32 to vector<16xf32>
      %eq3A_962 = arith.cmpf oeq, %select_n3A_938, %eq3A_961 : vector<16xf32>
      %jit3A_963 = arith.constant 0xFF800000 : f32
      %broadcast_in_dim3A_964 = vector.broadcast %jit3A_963 : f32 to vector<16xf32>
      %select_n3A_965 = arith.select %eq3A_962, %broadcast_in_dim3A_964, %select_n3A_938 : vector<16xi1>, vector<16xf32>
      %eq3A_966 = vector.broadcast %reduce_max3A_950 : f32 to vector<16xf32>
      %eq3A_967 = arith.cmpf oeq, %select_n3A_943, %eq3A_966 : vector<16xf32>
      %jit3A_968 = arith.constant 0xFF800000 : f32
      %broadcast_in_dim3A_969 = vector.broadcast %jit3A_968 : f32 to vector<16xf32>
      %select_n3A_970 = arith.select %eq3A_967, %broadcast_in_dim3A_969, %select_n3A_943 : vector<16xi1>, vector<16xf32>
      %max3A_971 = arith.maximumf %select_n3A_955, %select_n3A_960 : vector<16xf32>
      %max3A_972 = arith.maximumf %select_n3A_965, %select_n3A_970 : vector<16xf32>
      %max3A_973 = arith.maximumf %max3A_971, %max3A_972 : vector<16xf32>
      %reduce_max3A_974 = arith.constant true
      %reduce_max3A_975 = vector.broadcast %reduce_max3A_974 : i1 to vector<16xi1>
      %reduce_max3A_976 = tpu.scan <max>, %max3A_973 masked %reduce_max3A_975 : vector<16xf32>, vector<16xi1> -> vector<16xf32>
      %reduce_max3A_977 = vector.extract %reduce_max3A_976[15] : f32 from vector<16xf32>
      %ge3A_978 = vector.broadcast %reduce_max3A_977 : f32 to vector<16xf32>
      %ge3A_979 = arith.cmpf oge, %get3A_772, %ge3A_978 : vector<16xf32>
      %broadcast_in_dim3A_980 = vector.broadcast %scan3A_33 : f32 to vector<16xf32>
      %select_n3A_981 = arith.select %ge3A_979, %get3A_3, %broadcast_in_dim3A_980 : vector<16xi1>, vector<16xf32>
      %swap3A_982 = arith.index_cast %add3A_769 : i32 to index
      %swap3A_983 = arith.constant 0 : index
      %swap3A_984 = tpu.vector_load %arg8[%swap3A_982, %swap3A_983] {strides = array<i32>} : memref<128x64xf32, #tpu.memory_space<vmem>>, vector<16xf32>,
      tpu.vector_store %arg8[%swap3A_982, %swap3A_983], %select_n3A_981 {strides = array<i32>} : memref<128x64xf32, #tpu.memory_space<vmem>>, vector<16xf32>,
      %ge3A_985 = vector.broadcast %reduce_max3A_977 : f32 to vector<16xf32>
      %ge3A_986 = arith.cmpf oge, %get3A_775, %ge3A_985 : vector<16xf32>
      %broadcast_in_dim3A_987 = vector.broadcast %scan3A_33 : f32 to vector<16xf32>
      %select_n3A_988 = arith.select %ge3A_986, %get3A_3, %broadcast_in_dim3A_987 : vector<16xi1>, vector<16xf32>
      %swap3A_989 = arith.index_cast %add3A_769 : i32 to index
      %swap3A_990 = arith.constant 16 : index
      %swap3A_991 = tpu.vector_load %arg8[%swap3A_989, %swap3A_990] {strides = array<i32>} : memref<128x64xf32, #tpu.memory_space<vmem>>, vector<16xf32>,
      tpu.vector_store %arg8[%swap3A_989, %swap3A_990], %select_n3A_988 {strides = array<i32>} : memref<128x64xf32, #tpu.memory_space<vmem>>, vector<16xf32>,
      %ge3A_992 = vector.broadcast %reduce_max3A_977 : f32 to vector<16xf32>
      %ge3A_993 = arith.cmpf oge, %get3A_778, %ge3A_992 : vector<16xf32>
      %broadcast_in_dim3A_994 = vector.broadcast %scan3A_33 : f32 to vector<16xf32>
      %select_n3A_995 = arith.select %ge3A_993, %get3A_3, %broadcast_in_dim3A_994 : vector<16xi1>, vector<16xf32>
      %swap3A_996 = arith.index_cast %add3A_769 : i32 to index
      %swap3A_997 = arith.constant 32 : index
      %swap3A_998 = tpu.vector_load %arg8[%swap3A_996, %swap3A_997] {strides = array<i32>} : memref<128x64xf32, #tpu.memory_space<vmem>>, vector<16xf32>,
      tpu.vector_store %arg8[%swap3A_996, %swap3A_997], %select_n3A_995 {strides = array<i32>} : memref<128x64xf32, #tpu.memory_space<vmem>>, vector<16xf32>,
      %ge3A_999 = vector.broadcast %reduce_max3A_977 : f32 to vector<16xf32>
      %ge3A_1000 = arith.cmpf oge, %get3A_781, %ge3A_999 : vector<16xf32>
      %broadcast_in_dim3A_1001 = vector.broadcast %scan3A_33 : f32 to vector<16xf32>
      %select_n3A_1002 = arith.select %ge3A_1000, %get3A_3, %broadcast_in_dim3A_1001 : vector<16xi1>, vector<16xf32>
      %swap3A_1003 = arith.index_cast %add3A_769 : i32 to index
      %swap3A_1004 = arith.constant 48 : index
      %swap3A_1005 = tpu.vector_load %arg8[%swap3A_1003, %swap3A_1004] {strides = array<i32>} : memref<128x64xf32, #tpu.memory_space<vmem>>, vector<16xf32>,
      tpu.vector_store %arg8[%swap3A_1003, %swap3A_1004], %select_n3A_1002 {strides = array<i32>} : memref<128x64xf32, #tpu.memory_space<vmem>>, vector<16xf32>,
    }
    %scan3A_38 = arith.constant 32 : i32
    %add3A_39 = arith.constant 128 : i32
    %add3A_40 = arith.addi %mul3A_2, %add3A_39 : i32
    %dma_start3A_41 = arith.constant 0 : i32
    %dma_start3A_42 = tpu.memref_slice %arg4[%add3A_40, %dma_start3A_41] : memref<8192x64xf32, #tpu.memory_space<hbm>> -> memref<128x64xf32, #tpu.memory_space<hbm>>
    %dma_start3A_43 = arith.constant 0 : i32
    %dma_start3A_44 = tpu.memref_slice %arg4[%add3A_40, %dma_start3A_43] : memref<8192x64xf32, #tpu.memory_space<hbm>> -> memref<128x64xf32, #tpu.memory_space<hbm>>
    tpu.enqueue_dma source(%arg8 : memref<128x64xf32, #tpu.memory_space<vmem>>) target(%dma_start3A_44 : memref<128x64xf32, #tpu.memory_space<hbm>>) target_semaphore(%arg13 : memref<!tpu.dma_semaphore, #tpu.memory_space<semaphore_mem>>)
    %dma_wait3A_45 = arith.constant 0 : i32
    %dma_wait3A_46 = tpu.memref_slice %arg4[%add3A_40, %dma_wait3A_45] : memref<8192x64xf32, #tpu.memory_space<hbm>> -> memref<128x64xf32, #tpu.memory_space<hbm>>
    %dma_wait3A_47 = arith.constant 0 : i32
    %dma_wait3A_48 = tpu.memref_slice %arg4[%add3A_40, %dma_wait3A_47] : memref<8192x64xf32, #tpu.memory_space<hbm>> -> memref<128x64xf32, #tpu.memory_space<hbm>>
    tpu.wait_dma2 semaphore(%arg13 : memref<!tpu.dma_semaphore, #tpu.memory_space<semaphore_mem>>) src(%arg8 : memref<128x64xf32, #tpu.memory_space<vmem>>) dst(%dma_wait3A_48 : memref<128x64xf32, #tpu.memory_space<hbm>>)
    %dma_wait3A_49 = arith.constant 0 : i32
    %dma_wait3A_50 = tpu.memref_slice %arg4[%add3A_23, %dma_wait3A_49] : memref<8192x64xf32, #tpu.memory_space<hbm>> -> memref<128x64xf32, #tpu.memory_space<hbm>>
    %dma_wait3A_51 = arith.constant 0 : i32
    %dma_wait3A_52 = tpu.memref_slice %arg4[%add3A_23, %dma_wait3A_51] : memref<8192x64xf32, #tpu.memory_space<hbm>> -> memref<128x64xf32, #tpu.memory_space<hbm>>
    tpu.wait_dma2 semaphore(%arg12 : memref<!tpu.dma_semaphore, #tpu.memory_space<semaphore_mem>>) src(%arg7 : memref<128x64xf32, #tpu.memory_space<vmem>>) dst(%dma_wait3A_52 : memref<128x64xf32, #tpu.memory_space<hbm>>)
    return
  }
}

module attributes {stable_mosaic.version = 14 : i64} {
  func.func @_mm_kernel(%arg0: i32, %arg1: memref<1024x2000xf32, #tpu.memory_space<vmem>>, %arg2: memref<2000x64xf32, #tpu.memory_space<vmem>>, %arg3: memref<1024x64xf32, #tpu.memory_space<vmem>>) attributes {dimension_semantics = [#tpu.dimension_semantics<arbitrary>], iteration_bounds = array<i64: 8>, scalar_prefetch = 0 : i64, scratch_operands = 0 : i64, tpu.core_type = #tpu.core_type<tc>, window_params = [{transform_indices = @transform_0, window_bounds = array<i64: 1024, 2000>}, {pipeline_mode = #tpu.pipeline_mode<synchronous>, transform_indices = @transform_1, window_bounds = array<i64: 2000, 64>}, {transform_indices = @transform_2, window_bounds = array<i64: 1024, 64>}]} {
    %get3A = arith.constant 0 : index
    %get3A_0 = arith.constant 0 : index
    %get3A_1 = vector.load %arg1[%get3A, %get3A_0] : memref<1024x2000xf32, #tpu.memory_space<vmem>>, vector<1024x2000xf32>
    %get3A_2 = arith.constant 0 : index
    %get3A_3 = arith.constant 0 : index
    %get3A_4 = vector.load %arg2[%get3A_2, %get3A_3] : memref<2000x64xf32, #tpu.memory_space<vmem>>, vector<2000x64xf32>
    %dot_general3A = arith.constant dense<0.000000e+00> : vector<1024x64xf32>
    %dot_general3A_5 = tpu.matmul %get3A_1, %get3A_4, %dot_general3A {dimension_numbers = #tpu.dot_dimension_numbers<[1], [0], [0], [1], [0, 0, 1, 1], [], []>, transpose_lhs_hint = false} : vector<1024x2000xf32>, vector<2000x64xf32>, vector<1024x64xf32> -> vector<1024x64xf32>
    %swap3A = arith.constant 0 : index
    %swap3A_6 = arith.constant 0 : index
    %swap3A_7 = vector.load %arg3[%swap3A, %swap3A_6] : memref<1024x64xf32, #tpu.memory_space<vmem>>, vector<1024x64xf32>
    tpu.vector_store %arg3[%swap3A, %swap3A_6], %dot_general3A_5 {strides = array<i32>} : memref<1024x64xf32, #tpu.memory_space<vmem>>, vector<1024x64xf32>,
    return
  }
  func.func @transform_0(%arg0: i32) -> (i32, i32) {
    %add3A = arith.constant 0 : i32
    %add3A_0 = arith.addi %arg0, %add3A : i32
    %c0_i32 = arith.constant 0 : i32
    %c0_i32_1 = arith.constant 0 : i32
    return %add3A_0, %c0_i32 : i32, i32
  }
  func.func @transform_1(%arg0: i32) -> (i32, i32) {
    %c0_i32 = arith.constant 0 : i32
    %c0_i32_0 = arith.constant 0 : i32
    %c0_i32_1 = arith.constant 0 : i32
    return %c0_i32, %c0_i32_0 : i32, i32
  }
  func.func @transform_2(%arg0: i32) -> (i32, i32) {
    %c0_i32 = arith.constant 0 : i32
    %c0_i32_0 = arith.constant 0 : i32
    return %arg0, %c0_i32 : i32, i32
  }
}

module attributes {stable_mosaic.version = 14 : i64} {
  func.func @_fused_tc_kernel(%arg0: i32, %arg1: memref<1024x2000xf32, #tpu.memory_space<vmem>>, %arg2: memref<2000x64xf32, #tpu.memory_space<vmem>>, %arg3: memref<1xf32, #tpu.memory_space<smem>>, %arg4: memref<1024x64xf32, #tpu.memory_space<vmem>>) attributes {dimension_semantics = [#tpu.dimension_semantics<arbitrary>], iteration_bounds = array<i64: 8>, scalar_prefetch = 0 : i64, scratch_operands = 0 : i64, tpu.core_type = #tpu.core_type<tc>, window_params = [{transform_indices = @transform_0, window_bounds = array<i64: 1024, 2000>}, {pipeline_mode = #tpu.pipeline_mode<synchronous>, transform_indices = @transform_1, window_bounds = array<i64: 2000, 64>}, {transform_indices = @transform_2, window_bounds = array<i64: 1>}, {transform_indices = @transform_3, window_bounds = array<i64: 1024, 64>}]} {
    %get3A = arith.constant 0 : index
    %get3A_0 = arith.constant 0 : index
    %get3A_1 = vector.load %arg1[%get3A, %get3A_0] : memref<1024x2000xf32, #tpu.memory_space<vmem>>, vector<1024x2000xf32>
    %get3A_2 = arith.constant 0 : index
    %get3A_3 = arith.constant 0 : index
    %get3A_4 = vector.load %arg2[%get3A_2, %get3A_3] : memref<2000x64xf32, #tpu.memory_space<vmem>>, vector<2000x64xf32>
    %dot_general3A = arith.constant dense<0.000000e+00> : vector<1024x64xf32>
    %dot_general3A_5 = tpu.matmul %get3A_1, %get3A_4, %dot_general3A {dimension_numbers = #tpu.dot_dimension_numbers<[1], [0], [0], [1], [0, 0, 1, 1], [], []>, transpose_lhs_hint = false} : vector<1024x2000xf32>, vector<2000x64xf32>, vector<1024x64xf32> -> vector<1024x64xf32>
    %get3A_6 = arith.constant 0 : index
    %get3A_7 = memref.load %arg3[%get3A_6] : memref<1xf32, #tpu.memory_space<smem>>
    %transpose3A = tpu.transpose %dot_general3A_5, [1, 0] : vector<1024x64xf32> -> vector<64x1024xf32>
    %reduce_max3A = arith.constant dense<0xFF800000> : vector<1024xf32>
    %reduce_max3A_8 = vector.multi_reduction <maximumf>, %transpose3A, %reduce_max3A [0] : vector<64x1024xf32> to vector<1024xf32>
    %broadcast_in_dim3A = vector.shape_cast %reduce_max3A_8 : vector<1024xf32> to vector<1x1024xf32>
    %eq3A = vector.broadcast %broadcast_in_dim3A : vector<1x1024xf32> to vector<64x1024xf32>
    %eq3A_9 = arith.cmpf oeq, %transpose3A, %eq3A : vector<64x1024xf32>
    %jit3A = arith.constant 0xFF800000 : f32
    %broadcast_in_dim3A_10 = vector.broadcast %jit3A : f32 to vector<64x1024xf32>
    %select_n3A = arith.select %eq3A_9, %broadcast_in_dim3A_10, %transpose3A : vector<64x1024xi1>, vector<64x1024xf32>
    %reduce_max3A_11 = arith.constant dense<0xFF800000> : vector<1024xf32>
    %reduce_max3A_12 = vector.multi_reduction <maximumf>, %select_n3A, %reduce_max3A_11 [0] : vector<64x1024xf32> to vector<1024xf32>
    %broadcast_in_dim3A_13 = vector.shape_cast %reduce_max3A_12 : vector<1024xf32> to vector<1x1024xf32>
    %eq3A_14 = vector.broadcast %broadcast_in_dim3A_13 : vector<1x1024xf32> to vector<64x1024xf32>
    %eq3A_15 = arith.cmpf oeq, %select_n3A, %eq3A_14 : vector<64x1024xf32>
    %jit3A_16 = arith.constant 0xFF800000 : f32
    %broadcast_in_dim3A_17 = vector.broadcast %jit3A_16 : f32 to vector<64x1024xf32>
    %select_n3A_18 = arith.select %eq3A_15, %broadcast_in_dim3A_17, %select_n3A : vector<64x1024xi1>, vector<64x1024xf32>
    %reduce_max3A_19 = arith.constant dense<0xFF800000> : vector<1024xf32>
    %reduce_max3A_20 = vector.multi_reduction <maximumf>, %select_n3A_18, %reduce_max3A_19 [0] : vector<64x1024xf32> to vector<1024xf32>
    %broadcast_in_dim3A_21 = vector.shape_cast %reduce_max3A_20 : vector<1024xf32> to vector<1x1024xf32>
    %eq3A_22 = vector.broadcast %broadcast_in_dim3A_21 : vector<1x1024xf32> to vector<64x1024xf32>
    %eq3A_23 = arith.cmpf oeq, %select_n3A_18, %eq3A_22 : vector<64x1024xf32>
    %jit3A_24 = arith.constant 0xFF800000 : f32
    %broadcast_in_dim3A_25 = vector.broadcast %jit3A_24 : f32 to vector<64x1024xf32>
    %select_n3A_26 = arith.select %eq3A_23, %broadcast_in_dim3A_25, %select_n3A_18 : vector<64x1024xi1>, vector<64x1024xf32>
    %reduce_max3A_27 = arith.constant dense<0xFF800000> : vector<1024xf32>
    %reduce_max3A_28 = vector.multi_reduction <maximumf>, %select_n3A_26, %reduce_max3A_27 [0] : vector<64x1024xf32> to vector<1024xf32>
    %broadcast_in_dim3A_29 = vector.shape_cast %reduce_max3A_28 : vector<1024xf32> to vector<1x1024xf32>
    %eq3A_30 = vector.broadcast %broadcast_in_dim3A_29 : vector<1x1024xf32> to vector<64x1024xf32>
    %eq3A_31 = arith.cmpf oeq, %select_n3A_26, %eq3A_30 : vector<64x1024xf32>
    %jit3A_32 = arith.constant 0xFF800000 : f32
    %broadcast_in_dim3A_33 = vector.broadcast %jit3A_32 : f32 to vector<64x1024xf32>
    %select_n3A_34 = arith.select %eq3A_31, %broadcast_in_dim3A_33, %select_n3A_26 : vector<64x1024xi1>, vector<64x1024xf32>
    %reduce_max3A_35 = arith.constant dense<0xFF800000> : vector<1024xf32>
    %reduce_max3A_36 = vector.multi_reduction <maximumf>, %select_n3A_34, %reduce_max3A_35 [0] : vector<64x1024xf32> to vector<1024xf32>
    %broadcast_in_dim3A_37 = vector.shape_cast %reduce_max3A_36 : vector<1024xf32> to vector<1x1024xf32>
    %eq3A_38 = vector.broadcast %broadcast_in_dim3A_37 : vector<1x1024xf32> to vector<64x1024xf32>
    %eq3A_39 = arith.cmpf oeq, %select_n3A_34, %eq3A_38 : vector<64x1024xf32>
    %jit3A_40 = arith.constant 0xFF800000 : f32
    %broadcast_in_dim3A_41 = vector.broadcast %jit3A_40 : f32 to vector<64x1024xf32>
    %select_n3A_42 = arith.select %eq3A_39, %broadcast_in_dim3A_41, %select_n3A_34 : vector<64x1024xi1>, vector<64x1024xf32>
    %reduce_max3A_43 = arith.constant dense<0xFF800000> : vector<1024xf32>
    %reduce_max3A_44 = vector.multi_reduction <maximumf>, %select_n3A_42, %reduce_max3A_43 [0] : vector<64x1024xf32> to vector<1024xf32>
    %broadcast_in_dim3A_45 = vector.shape_cast %reduce_max3A_44 : vector<1024xf32> to vector<1x1024xf32>
    %eq3A_46 = vector.broadcast %broadcast_in_dim3A_45 : vector<1x1024xf32> to vector<64x1024xf32>
    %eq3A_47 = arith.cmpf oeq, %select_n3A_42, %eq3A_46 : vector<64x1024xf32>
    %jit3A_48 = arith.constant 0xFF800000 : f32
    %broadcast_in_dim3A_49 = vector.broadcast %jit3A_48 : f32 to vector<64x1024xf32>
    %select_n3A_50 = arith.select %eq3A_47, %broadcast_in_dim3A_49, %select_n3A_42 : vector<64x1024xi1>, vector<64x1024xf32>
    %reduce_max3A_51 = arith.constant dense<0xFF800000> : vector<1024xf32>
    %reduce_max3A_52 = vector.multi_reduction <maximumf>, %select_n3A_50, %reduce_max3A_51 [0] : vector<64x1024xf32> to vector<1024xf32>
    %broadcast_in_dim3A_53 = vector.shape_cast %reduce_max3A_52 : vector<1024xf32> to vector<1x1024xf32>
    %eq3A_54 = vector.broadcast %broadcast_in_dim3A_53 : vector<1x1024xf32> to vector<64x1024xf32>
    %eq3A_55 = arith.cmpf oeq, %select_n3A_50, %eq3A_54 : vector<64x1024xf32>
    %jit3A_56 = arith.constant 0xFF800000 : f32
    %broadcast_in_dim3A_57 = vector.broadcast %jit3A_56 : f32 to vector<64x1024xf32>
    %select_n3A_58 = arith.select %eq3A_55, %broadcast_in_dim3A_57, %select_n3A_50 : vector<64x1024xi1>, vector<64x1024xf32>
    %reduce_max3A_59 = arith.constant dense<0xFF800000> : vector<1024xf32>
    %reduce_max3A_60 = vector.multi_reduction <maximumf>, %select_n3A_58, %reduce_max3A_59 [0] : vector<64x1024xf32> to vector<1024xf32>
    %broadcast_in_dim3A_61 = vector.shape_cast %reduce_max3A_60 : vector<1024xf32> to vector<1x1024xf32>
    %reshape3A = vector.shape_cast %broadcast_in_dim3A_61 : vector<1x1024xf32> to vector<1024x1xf32>
    %ge3A = vector.broadcast %reshape3A : vector<1024x1xf32> to vector<1024x64xf32>
    %ge3A_62 = arith.cmpf oge, %dot_general3A_5, %ge3A : vector<1024x64xf32>
    %jit3A_63 = arith.constant 0.000000e+00 : f32
    %broadcast_in_dim3A_64 = vector.broadcast %get3A_7 : f32 to vector<1024x64xf32>
    %broadcast_in_dim3A_65 = vector.broadcast %jit3A_63 : f32 to vector<1024x64xf32>
    %select_n3A_66 = arith.select %ge3A_62, %broadcast_in_dim3A_64, %broadcast_in_dim3A_65 : vector<1024x64xi1>, vector<1024x64xf32>
    %swap3A = arith.constant 0 : index
    %swap3A_67 = arith.constant 0 : index
    %swap3A_68 = vector.load %arg4[%swap3A, %swap3A_67] : memref<1024x64xf32, #tpu.memory_space<vmem>>, vector<1024x64xf32>
    tpu.vector_store %arg4[%swap3A, %swap3A_67], %select_n3A_66 {strides = array<i32>} : memref<1024x64xf32, #tpu.memory_space<vmem>>, vector<1024x64xf32>,
    return
  }
  func.func @transform_0(%arg0: i32) -> (i32, i32) {
    %add3A = arith.constant 8 : i32
    %add3A_0 = arith.addi %arg0, %add3A : i32
    %c0_i32 = arith.constant 0 : i32
    %c0_i32_1 = arith.constant 0 : i32
    return %add3A_0, %c0_i32 : i32, i32
  }
  func.func @transform_1(%arg0: i32) -> (i32, i32) {
    %c0_i32 = arith.constant 0 : i32
    %c0_i32_0 = arith.constant 0 : i32
    %c0_i32_1 = arith.constant 0 : i32
    return %c0_i32, %c0_i32_0 : i32, i32
  }
  func.func @transform_2(%arg0: i32) -> i32 {
    %c0_i32 = arith.constant 0 : i32
    %c0_i32_0 = arith.constant 0 : i32
    return %c0_i32 : i32
  }
  func.func @transform_3(%arg0: i32) -> (i32, i32) {
    %add3A = arith.constant 8 : i32
    %add3A_0 = arith.addi %arg0, %add3A : i32
    %c0_i32 = arith.constant 0 : i32
    %c0_i32_1 = arith.constant 0 : i32
    return %add3A_0, %c0_i32 : i32, i32
  }
}

</mosaic_0001>

<sc_bundles>
// kernel: kernel.5.cloned.1.call-start
scs
__scs_entry_jumppad:
0x0: {  	(pc) =	sbr.rel $0x88, $3  }
0x1: {  	(tag) =	ssettag $0x0;
	lr =	simm.s32 $0x1  }
0x2: {  	[smem:$0x3F9E] =	sst lr;
	_ =	strace $0xD0000000  }
0x3: {  	_ = 	snop  }
0x4: {  	_ = 	snop  }
0x5: {  	_ = 	snop  }
0x6: {  	_ = 	snop  }
0x7: {  	_ = 	snop  }
__scs_overlays_trampoline_lowered:
0x8: {  	[smem:$0x3FAD] =	sst s0  }
0x9: {  	[smem:$0x3FAE] =	sst s1  }
0xa: {  	[smem:$0x3FAF] =	sst s2  }
0xb: {  	[smem:$0x3FB0] =	sst s3  }
0xc: {  	[smem:$0x3FB1] =	sst s4  }
0xd: {  	[smem:$0x3FB2] =	sst s5  }
0xe: {  	[smem:$0x3FB3] =	sst s6  }
0xf: {  	[smem:$0x3FB4] =	sst s7  }
0x10: {  	[smem:$0x3FB5] =	sst s8  }
0x11: {  	[smem:$0x3FB6] =	sst s9;
	s0 =	simm.s32 @!p0 $0x0  }
0x12: {  	s1 =	sld [smem:$0x3F9C];
	s0 =	simm.s32 @p0 $0x1  }
0x13: {  	[smem:$0x3FB7] =	sst s0;
	s0 =	simm.s32 @!p1 $0x0  }
0x14: {  	s2 =	sld [smem:$0x3F9B];
	s0 =	simm.s32 @p1 $0x1  }
0x15: {  	[smem:$0x3FB8] =	sst s0;
	s0 =	simm.s32 @!p2 $0x0  }
0x16: {  	s3 =	sld [smem:$0x3FDB];
	s0 =	simm.s32 @p2 $0x1  }
0x17: {  	s4 =	simm.s32 $0x1BF5;
	[smem:$0x3FBA] =	sst s0  }
0x18: {  	s0 =	sld [smem:$0x3F9D];
	_ =	swait.ge [sflag:s4], $0x0  }
0x19: {  	s7 =	sld [smem:$0x3F9E]  }
0x1a: {  	s8 =	sadd.s32 $0xFFFFE003, lr  }
0x1b: {  	s9 =	sadd.s32 $0xFFFFFEF7, lr;
	s5 =	simm.s32 $0xFFFFFFFF;
	p2 =	slt.u32 s8, $0xFFFFF086  }
0x1c: {  	p1 =	slt.u32 s9, $0xF7A;
	s5 =	simm.s32 @!p2 $0x0  }
0x1d: {  	s5 =	simm.s32 @p1 $0x1;
	p0 =	seq.s32 s7, s2  }
0x1e: {  	s7 =	smul.u32 @!p0 $0xF7A, s2;
	p2 =	seq.s32 @!p0 s5, $0x0  }
0x1f: {  	s9 =	smul.u32 $0xF7A, s1;
	s8 =	simm.s32 @!p0 $0x1BF5;
	p2 =	por !p2, p0  }
0x20: {  	[sflag:s8] =	ssyncset.s32 @!p0 $0xFFFFF086;
	s6 =	sadd.s32 @!p0 s3, s7;
	s7 =	simm.s32 @!p0 $0x108  }
0x21: {  	s3 =	sadd.s32 s3, s9;
	s6 =	sadd.s32 @!p0 $0x88, s6;
	s7 =	simm.s32 @p2 $0x1082  }
0x22: {  	[simem:s7], [sflag:s8] =	dma.local @!p0 [hbm:s6], $0xF7A  }
0x23: {  	s9 =	sor.u32 $0xD0000000, s2;
	s6 =	simm.s32 $0x108;
	_ =	swait.ge @!p0 [sflag:s8], $0x0  }
0x24: {  	s3 =	sadd.s32 $0x88, s3;
	s6 =	simm.s32 @!p1 $0x1082;
	[sflag:s4] =	ssyncset.s32 $0xFFFFF086  }
0x25: {  	[simem:s6], [sflag:s4] =	dma.local [hbm:s3], $0xF7A  }
0x26: {  	[smem:$0x3F9E] =	sst s1;
	(tag) =	ssettag s2;
	_ =	strace s9  }
0x27: {  	s1 =	sld [smem:$0x3FAE]  }
0x28: {  	s2 =	sld [smem:$0x3FAF]  }
0x29: {  	s4 =	sld [smem:$0x3FB1]  }
0x2a: {  	p0 =	seq.s32 s5, $0x0;
	s5 =	sld [smem:$0x3FB2]  }
0x2b: {  	s6 =	sld [smem:$0x3FB3]  }
0x2c: {  	s7 =	sld [smem:$0x3FB4]  }
0x2d: {  	s3 =	simm.s32 $0x108;
	s8 =	sld [smem:$0x3FB5]  }
0x2e: {  	s3 =	simm.s32 @!p0 $0x1082;
	s9 =	sld [smem:$0x3FB6]  }
0x2f: {  	lr =	sadd.s32 s0, s3;
	s0 =	sld [smem:$0x3FAD]  }
0x30: {  	s3 =	sld [smem:$0x3FB0]  }
0x31: {  	[smem:$0x3FB9] =	sst s10  }
0x32: {  	s10 =	sld [smem:$0x3FB7];
	_ =	sdelay $0x3  }
0x33: {  	p0 =	seq.s32 s10, $0x1;
	s10 =	sld [smem:$0x3FB9];
	_ =	sdelay $0x3  }
0x34: {  	[smem:$0x3FB9] =	sst s10  }
0x35: {  	s10 =	sld [smem:$0x3FB8];
	_ =	sdelay $0x3  }
0x36: {  	p1 =	seq.s32 s10, $0x1;
	s10 =	sld [smem:$0x3FB9];
	_ =	sdelay $0x3  }
0x37: {  	[smem:$0x3FB9] =	sst s10  }
0x38: {  	s10 =	sld [smem:$0x3FBA]  }
0x39: {  	_ = 	snop;
	(pc) =	sbr.ind lr, $3  }
0x3a: {  	_ = 	snop  }
0x3b: {  	_ = 	snop  }
0x3c: {  	p2 =	seq.s32 s10, $0x1;
	s10 =	sld [smem:$0x3FB9]  }
0x3d: {  	_ =	shalt  }
0x3e: {  	_ =	shalt  }
0x3f: {  	_ =	shalt  }
0x40: {  	_ =	shalt  }
0x41: {  	_ =	shalt  }
0x42: {  	_ =	shalt  }
0x43: {  	_ =	shalt  }
0x44: {  	_ =	shalt  }
0x45: {  	_ =	shalt  }
0x46: {  	_ =	shalt  }
0x47: {  	_ =	shalt  }
0x48: {  	_ =	shalt  }
0x49: {  	_ =	shalt  }
0x4a: {  	_ =	shalt  }
0x4b: {  	_ =	shalt  }
0x4c: {  	_ =	shalt  }
0x4d: {  	_ =	shalt  }
0x4e: {  	_ =	shalt  }
0x4f: {  	_ =	shalt  }
0x50: {  	_ =	shalt  }
0x51: {  	_ =	shalt  }
0x52: {  	_ =	shalt  }
0x53: {  	_ =	shalt  }
0x54: {  	_ =	shalt  }
0x55: {  	_ =	shalt  }
0x56: {  	_ =	shalt  }
0x57: {  	_ =	shalt  }
0x58: {  	_ =	shalt  }
0x59: {  	_ =	shalt  }
0x5a: {  	_ =	shalt  }
0x5b: {  	_ =	shalt  }
0x5c: {  	_ =	shalt  }
0x5d: {  	_ =	shalt  }
0x5e: {  	_ =	shalt  }
0x5f: {  	_ =	shalt  }
0x60: {  	_ =	shalt  }
0x61: {  	_ =	shalt  }
0x62: {  	_ =	shalt  }
0x63: {  	_ =	shalt  }
0x64: {  	_ =	shalt  }
0x65: {  	_ =	shalt  }
0x66: {  	_ =	shalt  }
0x67: {  	_ =	shalt  }
0x68: {  	_ =	shalt  }
0x69: {  	_ =	shalt  }
0x6a: {  	_ =	shalt  }
0x6b: {  	_ =	shalt  }
0x6c: {  	_ =	shalt  }
0x6d: {  	_ =	shalt  }
0x6e: {  	_ =	shalt  }
0x6f: {  	_ =	shalt  }
0x70: {  	_ =	shalt  }
0x71: {  	_ =	shalt  }
0x72: {  	_ =	shalt  }
0x73: {  	_ =	shalt  }
0x74: {  	_ =	shalt  }
0x75: {  	_ =	shalt  }
0x76: {  	_ =	shalt  }
0x77: {  	_ =	shalt  }
0x78: {  	_ =	shalt  }
0x79: {  	_ =	shalt  }
0x7a: {  	_ =	shalt  }
0x7b: {  	_ =	shalt  }
0x7c: {  	_ =	shalt  }
0x7d: {  	_ =	shalt  }
0x7e: {  	_ =	shalt  }
0x7f: {  	_ =	shalt  }
0x80: {  	_ =	shalt  }
0x81: {  	_ =	shalt  }
0x82: {  	_ =	shalt  }
0x83: {  	_ =	shalt  }
0x84: {  	_ =	shalt  }
0x85: {  	_ =	shalt  }
0x86: {  	_ =	shalt  }
0x87: {  	_ =	shalt  }
.Lfunc_end0:
.L_simem_size_0:
called_computation_lowered:
.L_overlay_start_0:
0x88: {  	s2 =	sld [smem:$0x3FD9]  }
0x89: {  	s3 =	sld [smem:$0x3FFE];
	_ =	sdelay $0x1  }
0x8a: {  	s1 =	srdreg.scid  }
0x8b: {  	s0 =	sand.u32 $0x1, s1  }
0x8c: {  	s17 =	sshll.u32 s0, $0xA;
	s2 =	sadd.s32 s3, s2  }
0x8d: {  	s2 =	sadd.s32 s2, s17  }
0x8e: {  	[smem:$0x3FC5] =	sst s2  }
0x8f: {  	_ = 	snop  }
0x90: {  	s2 =	sld [smem:$0x3FD0];
	(tm) =	ssettm $0x1  }
0x91: {  	s18 =	sld [smem:$0x3FFB];
	_ =	sdelay $0x3  }
0x92: {  	_ =	strace s18  }
0x93: {  	s3 =	sld [smem:$0x3FFC];
	_ =	sdelay $0x3  }
0x94: {  	_ =	strace s3  }
0x95: {  	s3 =	sld [smem:$0x3FFD];
	_ =	sdelay $0x3  }
0x96: {  	_ =	strace s3  }
0x97: {  	_ =	strace $0x8FFFFFFF  }
0x98: {  	s19 =	sld [smem:$0x3FDB];
	_ =	sdelay $0x1  }
0x99: {  	s4 =	simm.s32 $_scs_section_size  }
0x9a: {  	s5 =	simm.s32 $_size__tile_overlayer_lowered;
	s6 =	simm.s32 $_tile_overlayer_lowered  }
0x9b: {  	s22 =	simm.s32 $0x1BFF;
	s21 =	sshll.u32 s6, $0x1;
	s3 =	sadd.s32 s4, s19  }
0x9c: {  	s7 =	simm.s32 $0x0;
	s20 =	sshll.u32 s5, $0x1;
	s5 =	sadd.s32 s21, s3  }
0x9d: {  	[timem:s7], [sflag:s22] =	dma.local [hbm:s5], s20  }
0x9e: {  	_ =	swait.ge [sflag:s22], s20  }
0x9f: {  	s4 =	ssub.s32 $0x0, s20;
	[sflag:s22] =	ssyncset.done $0x0  }
0xa0: {  	[sflag:s22] =	ssyncadd.s32 s4;
	_ =	sdelay $0x1  }
0xa1: {  	s23 =	simm.s32 $0x1B8B  }
0xa2: {  	_ =	swait.ge [sflag:s23], $0x1  }
0xa3: {  	[sflag:s23] =	ssyncset.done $0x0  }
0xa4: {  	s25 =	simm.s32 $0x1B8E;
	s24 =	sld [smem:$0x3FFE];
	[sflag:s23] =	ssyncadd.s32 $0xFFFFFFFF  }
0xa5: {  	s26 =	simm.s32 $execute0_lowered;
	[smem:$0x3FD2] =	sst s25  }
0xa6: {  	s5 =	sshll.u32 s26, $0x1;
	_ =	strace $0x80000046;
	[dreg:$0x1] =	wrdreg $0xFFFFFFFF  }
0xa7: {  	s28 =	simm.s32 $_size_execute0_lowered;
	s3 =	sadd.s32 s3, s5;
	[dreg:$0x0] =	wrdreg $0x0  }
0xa8: {  	s5 =	sshll.u32 s28, $0x1;
	[dreg:$0x2] =	wrdreg s3  }
0xa9: {  	[dreg:$0x3] =	wrdreg s5  }
0xaa: {  	[dreg:$0x4] =	wrdreg $0xC0  }
0xab: {  	_ =	task [dreg:s7], $0x5FFFF  }
0xac: {  	[dreg:$0x1] =	wrdreg $0xFFFFFFFF  }
0xad: {  	[dreg:$0x0] =	wrdreg $0x60  }
0xae: {  	[dreg:$0x2] =	wrdreg s2  }
0xaf: {  	[dreg:$0x3] =	wrdreg s24  }
0xb0: {  	[dreg:$0x4] =	wrdreg $0x9  }
0xb1: {  	_ =	task.clear_ibuf [dreg:s7], $0x5FFFF;
	_ =	strace $0x90000046  }
0xb2: {  	s29 =	simm.s32 $0x9;
	_ =	strace $0x80000048  }
0xb3: {  	_ =	swait.ge [sflag:s29], $0x1  }
0xb4: {  	[sflag:s29] =	ssyncadd.s32 $0xFFFFFFFF  }
0xb5: {  	_ =	strace $0x90000048  }
0xb6: {  	_ =	sfence  }
0xb7: {  	s30 =	sld [smem:$0x0];
	_ =	sdelay $0x2  }
0xb8: {  	s31 =	sshll.u32 s1, $0xD;
	s1 =	sshrl.u32 s1, $0x2  }
0xb9: {  	s3 =	sand.u32 $0x4000, s31;
	s1 =	sadd.s32 s1, s30  }
0xba: {  	s0 =	sor.u32 s3, s0;
	s1 =	sshll.u32 s1, $0x11  }
0xbb: {  	s0 =	sor.u32 s1, s0  }
0xbc: {  	s0 =	sadd.s32 $0x8F2B, s0  }
0xbd: {  	[sflag:s0] =	ssyncadd.remote.s32 $0x1  }
0xbe: {  	_ =	sfence.sel $0xFFFF  }
0xbf: {  	[dreg:$0x0] =	wrdreg $0xFFFFFFFF;
	(pc) =	sbr.abs _section_cstart, $3  }
0xc0: {  	[dreg:$0x1] =	wrdreg $0xFFFFFFFF  }
0xc1: {  	_ =	task.clear_ibuf [dreg:s7], $0x2FFFF;
	_ =	strace $0x9FFFFFFF  }
0xc2: {  	(tm) =	ssettm $0x7FFFFFFF  }
0xc3: {  	_ =	shalt  }
tec
execute0_lowered:
.L_overlay_start_1:
0x0: {  	(tag) =	ssettag $0x1  }
0x1: {  	s5 =	rddreg [dreg:$0x0]  }
0x2: {  	s4 =	rddreg [dreg:$0x1]  }
0x3: {  	s0 =	rddreg [dreg:$0x2]  }
0x4: {  	s2 =	simm.s32 $0x0;
	s3 =	srdreg.scid;
	s1 =	stileid.u32  }
0x5: {  	s11 =	simm.s32 $0x1;
	s12 =	simm.s32 $0x4000;
	s13 =	simm.s32 $0x8000  }
0x6: {  	s14 =	simm.s32 $0x2;
	s15 =	simm.s32 $0xC000;
	s16 =	simm.s32 $0x4  }
0x7: {  	s17 =	simm.s32 $0x3;
	s18 =	simm.s32 $0x0;
	[smem:$0x7FF] =	sst s2  }
0x8: {  	s3 =	sand.u32 $0x1, s3;
	s7 =	sshll.u32 s1, $0xD;
	s31 =	sadd.s32 $0x400C00, s4  }
0x9: {  	_ =	strace $0x80000047;
	s6 =	ssub.s32 $0x2, s3;
	s8 =	sshll.u32 s3, $0xC  }
0xa: {  	s3 =	sadd.s32 $0x400A00, s4;
	s9 =	sshrl.u32 s6, $0x1;
	s7 =	sor.u32 s8, s7  }
0xb: {  	s9 =	ssub.s32 s6, s9;
	s10 =	sor.u32 $0x800, s7;
	s4 =	sadd.s32 s5, s7  }
0xc: {  	s6 =	sadd.s32 s31, s7;
	s5 =	sadd.s32 s5, s10;
	s7 =	sadd.s32 s31, s10  }
0xd: {  	s8 =	smax.u32 s9, $0x1;
	s9 =	simm.s32 $0x10000;
	s10 =	simm.s32 $0x5  }
.LBB2_1:
0xe: {  	[tilespmem:s9], [sflag:$0x5] =	stream.linear.gather [hbm4b:s3+s2], $0x80, $0x38;
	[tilespmem:$0x10080] =	vst v63  }
0xf: {  	_ =	swait.ge [sflag:s10], $0x80  }
0x10: {  	[sflag:s10] =	ssyncset.done $0x0  }
0x11: {  	[sflag:s10] =	ssyncadd.s32 $0xFFFFFF80  }
0x12: {  	v0 =	vld [tilespmem:$0x10000];
	[tilespmem:s2], [sflag:$0x1] =	stream.linear.gather [hbm4b:s4+s2], $0x4000, $0x38  }
0x13: {  	_ =	swait.ge [sflag:s11], $0x4000  }
0x14: {  	[sflag:s11] =	ssyncset.done $0x0  }
0x15: {  	s19 =	simm.s32 $0x0;
	[sflag:s11] =	ssyncadd.s32 $0xFFFFC000  }
0x16: {  	[tilespmem:s12], [sflag:$0x2] =	stream.linear.gather [hbm4b:s5+s2], $0x4000, $0x38;
	[tilespmem:$0x10080] =	vst v63  }
0x17: {  	v27 =	vld [tilespmem:s19+$0x180]  }
0x18: {  	v26 =	vld [tilespmem:s19+$0x190]  }
0x19: {  	v25 =	vld [tilespmem:s19+$0x1A0]  }
0x1a: {  	v1 =	vld [tilespmem:s19+$0x1B0]  }
0x1b: {  	v24 =	vld [tilespmem:s19+$0x0]  }
0x1c: {  	v23 =	vld [tilespmem:s19+$0x10]  }
0x1d: {  	v22 =	vld [tilespmem:s19+$0x20]  }
0x1e: {  	v16 =	vld [tilespmem:s19+$0x30]  }
0x1f: {  	v13 =	vld [tilespmem:s19+$0x80]  }
0x20: {  	v10 =	vld [tilespmem:s19+$0x90];
	v2 =	vmax.f32 v27, v26;
	v3 =	vmax.f32 v25, v1  }
0x21: {  	v12 =	vld [tilespmem:s19+$0xA0];
	v2 =	vmax.f32 v2, v3  }
0x22: {  	v11 =	vld [tilespmem:s19+$0xB0];
	(xrf0) =	vmax.scan.msk.f32 $0xffff, v2;
	_ =	sdelay $0x2  }
0x23: {  	v3 =	vmax.f32 v22, v16;
	v2 =	vmax.f32 v24, v23  }
0x24: {  	v2 =	vmax.f32 v2, v3  }
0x25: {  	v3 =	vmax.f32 v13, v10;
	(xrf0) =	vmax.scan.msk.f32 $0xffff, v2;
	v2 =	vmax.f32 v12, v11  }
0x26: {  	v2 =	vmax.f32 v3, v2;
	v4, _, _ =	vpop (xrf0)  }
0x27: {  	(xrf0) =	vmax.scan.msk.f32 $0xffff, v2;
	v3 =	vbroadcast v4, $0xF;
	_ =	sdelay $0x1  }
0x28: {  	v18 =	vld [tilespmem:s19+$0x100];
	vm0 =	veq.f32 v27, v3;
	vm1 =	veq.f32 v26, v3  }
0x29: {  	v19 =	vld [tilespmem:s19+$0x110];
	vm2 =	veq.f32 v1, v3;
	v2 =	vsel vm0, $0xFF800000, v27;
	vm0 =	veq.f32 v25, v3  }
0x2a: {  	v20 =	vld [tilespmem:s19+$0x120];
	v6, _, _ =	vpop (xrf0);
	v3 =	vsel vm1, $0xFF800000, v26;
	v5 =	vsel vm2, $0xFF800000, v1;
	v4 =	vsel vm0, $0xFF800000, v25  }
0x2b: {  	v21 =	vld [tilespmem:s19+$0x130];
	v6 =	vbroadcast v6, $0xF;
	v7 =	vmax.f32 v2, v3;
	v8 =	vmax.f32 v4, v5  }
0x2c: {  	v9, _, _ =	vpop (xrf0);
	v7 =	vmax.f32 v7, v8  }
0x2d: {  	vm0 =	veq.f32 v24, v6;
	v9 =	vbroadcast v9, $0xF;
	(xrf0) =	vmax.scan.msk.f32 $0xffff, v7  }
0x2e: {  	v14 =	vmovc v10;
	vm1 =	veq.f32 v23, v6;
	vm2 =	veq.f32 v16, v6;
	v8 =	vmax.f32 v18, v19  }
0x2f: {  	v15 =	vmovc v12;
	vm3 =	veq.f32 v13, v9;
	vm4 =	veq.f32 v10, v9;
	vm5 =	veq.f32 v12, v9  }
0x30: {  	[tilespmem:$0x1FFE0] =	vst v12;
	v7 =	vmax.f32 v20, v21;
	v12 =	vsel vm4, $0xFF800000, v14;
	v30 =	vsel vm5, $0xFF800000, v15  }
0x31: {  	[tilespmem:$0x1FFC0] =	vst v13;
	v7 =	vmax.f32 v8, v7;
	v8 =	vsel vm0, $0xFF800000, v24;
	vm0 =	veq.f32 v22, v6  }
0x32: {  	v17 =	vmovc v13;
	[tilespmem:$0x1FFD0] =	vst v10;
	v13 =	vmovc v11;
	v6 =	vsel vm1, $0xFF800000, v23;
	v10 =	vsel vm0, $0xFF800000, v22;
	vm0 =	veq.f32 v11, v9  }
0x33: {  	[tilespmem:$0x1FFF0] =	vst v11;
	v9 =	vsel vm2, $0xFF800000, v16;
	v11 =	vsel vm3, $0xFF800000, v17;
	v28 =	vmax.f32 v8, v6;
	v29, _, _ =	vpop (xrf0)  }
0x34: {  	(xrf0) =	vmax.scan.msk.f32 $0xffff, v7;
	v31 =	vmax.f32 v10, v9;
	v7 =	vsel vm0, $0xFF800000, v13;
	v29 =	vbroadcast v29, $0xF  }
0x35: {  	v32 =	vmax.f32 v11, v12;
	v28 =	vmax.f32 v28, v31;
	v31 =	vmax.f32 v30, v7  }
0x36: {  	vm0 =	veq.f32 v2, v29;
	vm1 =	veq.f32 v3, v29;
	vm2 =	veq.f32 v5, v29  }
0x37: {  	v2 =	vsel vm0, $0xFF800000, v2;
	vm0 =	veq.f32 v4, v29;
	v3 =	vsel vm1, $0xFF800000, v3  }
0x38: {  	(xrf0) =	vmax.scan.msk.f32 $0xffff, v28;
	v5 =	vsel vm2, $0xFF800000, v5;
	v29 =	vmax.f32 v32, v31;
	v4 =	vsel vm0, $0xFF800000, v4  }
0x39: {  	v28 =	vmax.f32 v2, v3;
	v31 =	vmax.f32 v4, v5  }
0x3a: {  	(xrf0) =	vmax.scan.msk.f32 $0xffff, v29;
	v28 =	vmax.f32 v28, v31  }
0x3b: {  	v29, _, _ =	vpop (xrf0);
	(xrf0) =	vmax.scan.msk.f32 $0xffff, v28  }
0x3c: {  	v28 =	vbroadcast v29, $0xF;
	_ =	sdelay $0x1  }
0x3d: {  	v31, _, _ =	vpop (xrf0);
	vm0 =	veq.f32 v18, v28  }
0x3e: {  	vm1 =	veq.f32 v19, v28;
	vm2 =	veq.f32 v20, v28;
	v31 =	vbroadcast v31, $0xF  }
0x3f: {  	v29 =	vsel vm0, $0xFF800000, v18;
	v47 =	vsel vm1, $0xFF800000, v19;
	vm0 =	veq.f32 v21, v28;
	v33, _, _ =	vpop (xrf0)  }
0x40: {  	v28 =	vsel vm2, $0xFF800000, v20;
	v34 =	vsel vm0, $0xFF800000, v21;
	v35 =	vmax.f32 v29, v47;
	v36, _, _ =	vpop (xrf0)  }
0x41: {  	v33 =	vbroadcast v33, $0xF;
	vm0 =	veq.f32 v8, v31;
	v36 =	vbroadcast v36, $0xF  }
0x42: {  	vm1 =	veq.f32 v6, v31;
	vm2 =	veq.f32 v10, v31;
	v37 =	vmax.f32 v28, v34  }
0x43: {  	v35 =	vmax.f32 v35, v37;
	vm3 =	veq.f32 v2, v36;
	vm4 =	veq.f32 v3, v36  }
0x44: {  	(xrf0) =	vmax.scan.msk.f32 $0xffff, v35;
	vm5 =	veq.f32 v5, v36;
	v2 =	vsel vm3, $0xFF800000, v2;
	vm3 =	veq.f32 v4, v36  }
0x45: {  	v3 =	vsel vm4, $0xFF800000, v3;
	v5 =	vsel vm5, $0xFF800000, v5;
	v4 =	vsel vm3, $0xFF800000, v4  }
0x46: {  	vm3 =	veq.f32 v9, v31;
	v31 =	vmax.f32 v2, v3;
	v48 =	vmax.f32 v4, v5  }
0x47: {  	v8 =	vsel vm0, $0xFF800000, v8;
	v6 =	vsel vm1, $0xFF800000, v6;
	v31 =	vmax.f32 v31, v48  }
0x48: {  	v10 =	vsel vm2, $0xFF800000, v10;
	vm0 =	veq.f32 v30, v33;
	vm6 =	veq.f32 v7, v33;
	(xrf0) =	vmax.scan.msk.f32 $0xffff, v31  }
0x49: {  	v30 =	vsel vm0, $0xFF800000, v30;
	vm4 =	veq.f32 v11, v33;
	vm5 =	veq.f32 v12, v33  }
0x4a: {  	v7 =	vsel vm6, $0xFF800000, v7;
	v11 =	vsel vm4, $0xFF800000, v11;
	v12 =	vsel vm5, $0xFF800000, v12;
	v31, _, _ =	vpop (xrf0)  }
0x4b: {  	v52 =	vmax.f32 v30, v7;
	v51 =	vmax.f32 v11, v12;
	v31 =	vbroadcast v31, $0xF  }
0x4c: {  	v49 =	vmax.f32 v8, v6;
	v9 =	vsel vm3, $0xFF800000, v9;
	v53 =	vmax.f32 v51, v52  }
0x4d: {  	vm0 =	veq.f32 v29, v31;
	vm1 =	veq.f32 v47, v31;
	vm2 =	veq.f32 v28, v31  }
0x4e: {  	v29 =	vsel vm0, $0xFF800000, v29;
	v32 =	vsel vm1, $0xFF800000, v47;
	vm0 =	veq.f32 v34, v31;
	v50, _, _ =	vpop (xrf0)  }
0x4f: {  	v31 =	vmax.f32 v10, v9;
	v28 =	vsel vm2, $0xFF800000, v28;
	v35 =	vbroadcast v50, $0xF  }
0x50: {  	v34 =	vsel vm0, $0xFF800000, v34;
	v38 =	vmax.f32 v29, v32;
	v31 =	vmax.f32 v49, v31  }
0x51: {  	v54 =	vmax.f32 v28, v34;
	vm0 =	veq.f32 v2, v35;
	vm1 =	veq.f32 v3, v35  }
0x52: {  	vm2 =	veq.f32 v5, v35;
	v2 =	vsel vm0, $0xFF800000, v2;
	vm0 =	veq.f32 v4, v35  }
0x53: {  	(xrf0) =	vmax.scan.msk.f32 $0xffff, v31;
	v3 =	vsel vm1, $0xFF800000, v3;
	v5 =	vsel vm2, $0xFF800000, v5;
	v4 =	vsel vm0, $0xFF800000, v4  }
0x54: {  	v31 =	vmax.f32 v38, v54;
	(xrf0) =	vmax.scan.msk.f32 $0xffff, v53;
	v55 =	vmax.f32 v2, v3;
	v56 =	vmax.f32 v4, v5  }
0x55: {  	(xrf0) =	vmax.scan.msk.f32 $0xffff, v31;
	v31 =	vmax.f32 v55, v56  }
0x56: {  	(xrf0) =	vmax.scan.msk.f32 $0xffff, v31;
	_ =	sdelay $0x2  }
0x57: {  	v31, _, _ =	vpop (xrf0)  }
0x58: {  	v31 =	vbroadcast v31, $0xF;
	v57, _, _ =	vpop (xrf0)  }
0x59: {  	v58, _, _ =	vpop (xrf0)  }
0x5a: {  	v33 =	vbroadcast v57, $0xF;
	vm0 =	veq.f32 v8, v31;
	v59, _, _ =	vpop (xrf0)  }
0x5b: {  	vm1 =	veq.f32 v6, v31;
	v35 =	vbroadcast v58, $0xF;
	v36 =	vbroadcast v59, $0xF  }
0x5c: {  	vm2 =	veq.f32 v10, v31;
	vm3 =	veq.f32 v9, v31;
	vm4 =	veq.f32 v11, v33  }
0x5d: {  	vm5 =	veq.f32 v12, v33;
	vm6 =	veq.f32 v2, v36;
	vm7 =	veq.f32 v3, v36  }
0x5e: {  	vm8 =	veq.f32 v5, v36;
	v2 =	vsel vm6, $0xFF800000, v2;
	vm6 =	veq.f32 v4, v36  }
0x5f: {  	v3 =	vsel vm7, $0xFF800000, v3;
	v5 =	vsel vm8, $0xFF800000, v5;
	v4 =	vsel vm6, $0xFF800000, v4  }
0x60: {  	v8 =	vsel vm0, $0xFF800000, v8;
	v31 =	vmax.f32 v2, v3;
	v60 =	vmax.f32 v4, v5  }
0x61: {  	v6 =	vsel vm1, $0xFF800000, v6;
	v10 =	vsel vm2, $0xFF800000, v10;
	v31 =	vmax.f32 v31, v60  }
0x62: {  	v9 =	vsel vm3, $0xFF800000, v9;
	vm9 =	veq.f32 v32, v35;
	vm10 =	veq.f32 v28, v35;
	(xrf0) =	vmax.scan.msk.f32 $0xffff, v31  }
0x63: {  	vm0 =	veq.f32 v34, v35;
	v11 =	vsel vm4, $0xFF800000, v11;
	v12 =	vsel vm5, $0xFF800000, v12  }
0x64: {  	v61 =	vmax.f32 v8, v6;
	v28 =	vsel vm10, $0xFF800000, v28;
	v62 =	vsel vm0, $0xFF800000, v34  }
0x65: {  	v63 =	vmax.f32 v10, v9;
	v40 =	vmax.f32 v11, v12;
	v44 =	vmax.f32 v28, v62  }
0x66: {  	vm7 =	veq.f32 v7, v33;
	vm8 =	veq.f32 v29, v35;
	vm6 =	veq.f32 v30, v33  }
0x67: {  	v7 =	vsel vm7, $0xFF800000, v7;
	v29 =	vsel vm8, $0xFF800000, v29;
	v30 =	vsel vm6, $0xFF800000, v30  }
0x68: {  	v41 =	vmax.f32 v30, v7;
	v31 =	vsel vm9, $0xFF800000, v32;
	v32 =	vmax.f32 v61, v63;
	v43, _, _ =	vpop (xrf0)  }
0x69: {  	v35 =	vmax.f32 v40, v41;
	v42 =	vmax.f32 v29, v31;
	(xrf0) =	vmax.scan.msk.f32 $0xffff, v32;
	v45 =	vbroadcast v43, $0xF  }
0x6a: {  	v46 =	vmax.f32 v42, v44;
	(xrf0) =	vmax.scan.msk.f32 $0xffff, v35  }
0x6b: {  	(xrf0) =	vmax.scan.msk.f32 $0xffff, v46;
	vm0 =	veq.f32 v2, v45;
	vm1 =	veq.f32 v3, v45  }
0x6c: {  	vm2 =	veq.f32 v5, v45;
	v2 =	vsel vm0, $0xFF800000, v2;
	vm0 =	veq.f32 v4, v45  }
0x6d: {  	v3 =	vsel vm1, $0xFF800000, v3;
	v5 =	vsel vm2, $0xFF800000, v5;
	v4 =	vsel vm0, $0xFF800000, v4  }
0x6e: {  	v47 =	vmax.f32 v2, v3;
	v48 =	vmax.f32 v4, v5  }
0x6f: {  	v49, _, _ =	vpop (xrf0);
	v32 =	vmax.f32 v47, v48  }
0x70: {  	v50 =	vbroadcast v49, $0xF;
	v51, _, _ =	vpop (xrf0);
	(xrf0) =	vmax.scan.msk.f32 $0xffff, v32  }
0x71: {  	v52 =	vbroadcast v51, $0xF;
	v53, _, _ =	vpop (xrf0)  }
0x72: {  	v35 =	vbroadcast v53, $0xF;
	vm1 =	veq.f32 v6, v50;
	vm2 =	veq.f32 v10, v50  }
0x73: {  	vm3 =	veq.f32 v9, v50;
	vm0 =	veq.f32 v8, v50;
	vm4 =	veq.f32 v11, v52  }
0x74: {  	vm5 =	veq.f32 v12, v52;
	vm6 =	veq.f32 v30, v52;
	vm7 =	veq.f32 v7, v52  }
0x75: {  	v6 =	vsel vm1, $0xFF800000, v6;
	v10 =	vsel vm2, $0xFF800000, v10;
	v9 =	vsel vm3, $0xFF800000, v9  }
0x76: {  	vm8 =	veq.f32 v29, v35;
	vm9 =	veq.f32 v31, v35;
	vm10 =	veq.f32 v28, v35;
	v54, _, _ =	vpop (xrf0)  }
0x77: {  	v8 =	vsel vm0, $0xFF800000, v8;
	vm0 =	veq.f32 v62, v35;
	v32 =	vbroadcast v54, $0xF  }
0x78: {  	v11 =	vsel vm4, $0xFF800000, v11;
	v12 =	vsel vm5, $0xFF800000, v12;
	v55 =	vsel vm6, $0xFF800000, v30  }
0x79: {  	v7 =	vsel vm7, $0xFF800000, v7;
	vm1 =	veq.f32 v3, v32;
	vm2 =	veq.f32 v5, v32  }
0x7a: {  	vm3 =	veq.f32 v2, v32;
	v3 =	vsel vm1, $0xFF800000, v3;
	v5 =	vsel vm2, $0xFF800000, v5  }
0x7b: {  	vm1 =	veq.f32 v4, v32;
	v2 =	vmax.f32 v2, v3;
	v4 =	vmax.f32 v4, v5  }
0x7c: {  	v56 =	vsel vm8, $0xFF800000, v29;
	v2 =	vsel vm3, v3, v2;
	v3 =	vsel vm1, v5, v4  }
0x7d: {  	v4 =	vmax.f32 v8, v6;
	v5 =	vmax.f32 v10, v9;
	v2 =	vmax.f32 v2, v3  }
0x7e: {  	v57 =	vsel vm10, $0xFF800000, v28;
	v28 =	vmax.f32 v55, v7;
	v4 =	vmax.f32 v4, v5;
	(xrf0) =	vmax.scan.msk.f32 $0xffff, v2  }
0x7f: {  	v3 =	vsel vm9, $0xFF800000, v31;
	v5 =	vsel vm0, $0xFF800000, v62;
	v2 =	vmax.f32 v11, v12;
	(xrf0) =	vmax.scan.msk.f32 $0xffff, v4  }
0x80: {  	v29 =	vmax.f32 v57, v5;
	v4 =	vmax.f32 v56, v3;
	v2 =	vmax.f32 v2, v28  }
0x81: {  	v4 =	vmax.f32 v4, v29;
	(xrf0) =	vmax.scan.msk.f32 $0xffff, v2  }
0x82: {  	(xrf0) =	vmax.scan.msk.f32 $0xffff, v4;
	_ =	sdelay $0x1  }
0x83: {  	v2, _, _ =	vpop (xrf0)  }
0x84: {  	v4, _, _ =	vpop (xrf0)  }
0x85: {  	v32 =	vbroadcast v2, $0xF;
	v2 =	vbroadcast v4, $0xF  }
0x86: {  	v4, _, _ =	vpop (xrf0)  }
0x87: {  	v4 =	vbroadcast v4, $0xF;
	vm0 =	vge.f32 v1, v32;
	v1, _, _ =	vpop (xrf0);
	vm1 =	veq.f32 v8, v2  }
0x88: {  	v1 =	vbroadcast v1, $0xF;
	v28 =	vnsel vm0, $0x0, v0;
	vm0 =	veq.f32 v6, v2  }
0x89: {  	vm2 =	veq.f32 v10, v2;
	vm3 =	veq.f32 v9, v2;
	vm4 =	veq.f32 v11, v4  }
0x8a: {  	s20 =	simm.s32 $0x200;
	[tilespmem:s19+$0x81B0] =	vst v28;
	vm5 =	veq.f32 v12, v4;
	vm6 =	veq.f32 v55, v4;
	vm7 =	veq.f32 v7, v4  }
0x8b: {  	v37 =	vsel vm1, $0xFF800000, v8;
	v38 =	vsel vm0, $0xFF800000, v6;
	v39 =	vsel vm2, $0xFF800000, v10;
	v30 =	vld [tilespmem:s20+$0x180]  }
0x8c: {  	v40 =	vsel vm3, $0xFF800000, v9;
	vm8 =	veq.f32 v56, v1;
	vm9 =	veq.f32 v3, v1;
	v29 =	vld [tilespmem:s20+$0x190]  }
0x8d: {  	vm1 =	veq.f32 v57, v1;
	vm10 =	veq.f32 v5, v1;
	v41 =	vsel vm4, $0xFF800000, v11;
	v28 =	vld [tilespmem:s20+$0x1A0]  }
0x8e: {  	v42 =	vsel vm5, $0xFF800000, v12;
	v43 =	vsel vm6, $0xFF800000, v55;
	v44 =	vsel vm7, $0xFF800000, v7;
	v31 =	vld [tilespmem:s20+$0x1B0]  }
0x8f: {  	v4 =	vmax.f32 v39, v40;
	v34 =	vsel vm8, $0xFF800000, v56;
	v33 =	vsel vm9, $0xFF800000, v3  }
0x90: {  	v2 =	vld [tilespmem:s20+$0x0];
	v3 =	vmax.f32 v37, v38;
	v35 =	vsel vm1, $0xFF800000, v57;
	v36 =	vsel vm10, $0xFF800000, v5  }
0x91: {  	v1 =	vld [tilespmem:s20+$0x10];
	v5 =	vmax.f32 v41, v42;
	v6 =	vmax.f32 v43, v44;
	v4 =	vmax.f32 v3, v4  }
0x92: {  	v3 =	vld [tilespmem:s20+$0x20];
	v7 =	vmax.f32 v34, v33;
	v8 =	vmax.f32 v35, v36;
	v5 =	vmax.f32 v5, v6;
	(xrf0) =	vmax.scan.msk.f32 $0xffff, v4  }
0x93: {  	v4 =	vld [tilespmem:s20+$0x30];
	v6 =	vmax.f32 v7, v8;
	(xrf0) =	vmax.scan.msk.f32 $0xffff, v5;
	v8 =	vmax.f32 v30, v29;
	v9 =	vmax.f32 v28, v31  }
0x94: {  	v7 =	vld [tilespmem:s20+$0x80];
	(xrf0) =	vmax.scan.msk.f32 $0xffff, v6;
	v8 =	vmax.f32 v8, v9  }
0x95: {  	v5 =	vld [tilespmem:s20+$0x90];
	(xrf0) =	vmax.scan.msk.f32 $0xffff, v8  }
0x96: {  	v6 =	vld [tilespmem:s20+$0xA0]  }
0x97: {  	v8 =	vld [tilespmem:s20+$0xB0]  }
0x98: {  	v10 =	vmax.f32 v2, v1;
	v12 =	vmax.f32 v3, v4;
	v9, _, _ =	vpop (xrf0)  }
0x99: {  	v12 =	vmax.f32 v10, v12;
	v11 =	vbroadcast v9, $0xF;
	v9, _, _ =	vpop (xrf0)  }
0x9a: {  	(xrf0) =	vmax.scan.msk.f32 $0xffff, v12;
	v45 =	vbroadcast v9, $0xF;
	v9, _, _ =	vpop (xrf0)  }
0x9b: {  	v10 =	vld [tilespmem:s20+$0x100];
	v46 =	vmax.f32 v7, v5;
	vm0 =	veq.f32 v37, v11;
	v47, _, _ =	vpop (xrf0)  }
0x9c: {  	v12 =	vmax.f32 v6, v8;
	v48 =	vbroadcast v9, $0xF;
	v9 =	vld [tilespmem:s20+$0x110];
	v47 =	vbroadcast v47, $0xF  }
0x9d: {  	vm1 =	veq.f32 v38, v11;
	vm2 =	veq.f32 v39, v11;
	vm3 =	veq.f32 v40, v11;
	v11 =	vld [tilespmem:s20+$0x130]  }
0x9e: {  	v46 =	vmax.f32 v46, v12;
	v12 =	vld [tilespmem:s20+$0x120];
	vm4 =	veq.f32 v41, v45;
	vm5 =	veq.f32 v30, v47  }
0x9f: {  	(xrf0) =	vmax.scan.msk.f32 $0xffff, v46;
	vm6 =	veq.f32 v29, v47;
	vm7 =	veq.f32 v31, v47;
	v46 =	vsel vm5, $0xFF800000, v30  }
0xa0: {  	v51, _, _ =	vpop (xrf0);
	vm5 =	veq.f32 v28, v47;
	v47 =	vsel vm6, $0xFF800000, v29;
	v50 =	vsel vm7, $0xFF800000, v31  }
0xa1: {  	vm6 =	veq.f32 v43, v45;
	v51 =	vbroadcast v51, $0xF;
	vm7 =	veq.f32 v44, v45  }
0xa2: {  	v58 =	vmax.f32 v10, v9;
	v49 =	vsel vm5, $0xFF800000, v28;
	vm5 =	veq.f32 v42, v45  }
0xa3: {  	v52 =	vmax.f32 v46, v47;
	v59 =	vmax.f32 v12, v11;
	v53 =	vmax.f32 v49, v50  }
0xa4: {  	v45 =	vmax.f32 v58, v59;
	vm8 =	veq.f32 v2, v51;
	vm9 =	veq.f32 v1, v51  }
0xa5: {  	vm10 =	veq.f32 v4, v51;
	v52 =	vmax.f32 v52, v53;
	v54, _, _ =	vpop (xrf0);
	v53 =	vsel vm8, $0xFF800000, v2  }
0xa6: {  	vm8 =	veq.f32 v3, v51;
	v51 =	vsel vm9, $0xFF800000, v1;
	(xrf0) =	vmax.scan.msk.f32 $0xffff, v52;
	v60 =	vbroadcast v54, $0xF  }
0xa7: {  	v54 =	vsel vm8, $0xFF800000, v3;
	v56 =	vmax.f32 v53, v51;
	(xrf0) =	vmax.scan.msk.f32 $0xffff, v45  }
0xa8: {  	v45 =	vsel vm10, $0xFF800000, v4;
	vm11 =	veq.f32 v7, v60;
	vm12 =	veq.f32 v5, v60  }
0xa9: {  	vm13 =	veq.f32 v6, v60;
	v52 =	vsel vm11, $0xFF800000, v7;
	v55 =	vsel vm12, $0xFF800000, v5  }
0xaa: {  	vm8 =	veq.f32 v8, v60;
	v60 =	vmax.f32 v54, v45;
	v61 =	vmax.f32 v52, v55  }
0xab: {  	v57 =	vsel vm13, $0xFF800000, v6;
	v59 =	vsel vm8, $0xFF800000, v8;
	v56 =	vmax.f32 v56, v60  }
0xac: {  	v60 =	vmax.f32 v57, v59;
	(xrf0) =	vmax.scan.msk.f32 $0xffff, v56;
	v58, _, _ =	vpop (xrf0)  }
0xad: {  	v60 =	vmax.f32 v61, v60;
	v58 =	vbroadcast v58, $0xF;
	v61, _, _ =	vpop (xrf0)  }
0xae: {  	v40 =	vsel vm3, $0xFF800000, v40;
	(xrf0) =	vmax.scan.msk.f32 $0xffff, v60;
	v56 =	vbroadcast v61, $0xF  }
0xaf: {  	vm8 =	veq.f32 v46, v58;
	vm9 =	veq.f32 v47, v58;
	vm10 =	veq.f32 v50, v58  }
0xb0: {  	v46 =	vsel vm8, $0xFF800000, v46;
	vm8 =	veq.f32 v49, v58;
	v47 =	vsel vm9, $0xFF800000, v47  }
0xb1: {  	v50 =	vsel vm10, $0xFF800000, v50;
	vm9 =	veq.f32 v34, v48;
	v49 =	vsel vm8, $0xFF800000, v49  }
0xb2: {  	vm10 =	veq.f32 v35, v48;
	v62, _, _ =	vpop (xrf0);
	v58 =	vmax.f32 v46, v47;
	v60 =	vmax.f32 v49, v50  }
0xb3: {  	vm11 =	veq.f32 v10, v56;
	v62 =	vbroadcast v62, $0xF;
	v58 =	vmax.f32 v58, v60  }
0xb4: {  	vm12 =	veq.f32 v9, v56;
	vm13 =	veq.f32 v12, v56;
	vm8 =	veq.f32 v33, v48;
	v14, _, _ =	vpop (xrf0);
	(xrf0) =	vmax.scan.msk.f32 $0xffff, v58  }
0xb5: {  	v60 =	vsel vm13, $0xFF800000, v12;
	v14 =	vbroadcast v14, $0xF;
	vm13 =	veq.f32 v51, v62  }
0xb6: {  	vm14 =	veq.f32 v54, v62;
	v58 =	vsel vm11, $0xFF800000, v10;
	vm11 =	veq.f32 v11, v56  }
0xb7: {  	v56 =	vsel vm12, $0xFF800000, v9;
	vm12 =	veq.f32 v53, v62;
	v61 =	vsel vm11, $0xFF800000, v11  }
0xb8: {  	v51 =	vsel vm13, $0xFF800000, v51;
	v63 =	vmax.f32 v58, v56;
	v13 =	vmax.f32 v60, v61  }
0xb9: {  	vm11 =	veq.f32 v36, v48;
	v15 =	vsel vm12, $0xFF800000, v53;
	v13 =	vmax.f32 v63, v13  }
0xba: {  	vm12 =	veq.f32 v45, v62;
	vm13 =	veq.f32 v52, v14;
	v53 =	vsel vm14, $0xFF800000, v54;
	(xrf0) =	vmax.scan.msk.f32 $0xffff, v13;
	v62, _, _ =	vpop (xrf0)  }
0xbb: {  	vm14 =	veq.f32 v55, v14;
	v54 =	vsel vm12, $0xFF800000, v45;
	v48 =	vbroadcast v62, $0xF  }
0xbc: {  	vm12 =	veq.f32 v57, v14;
	v52 =	vsel vm13, $0xFF800000, v52;
	v55 =	vsel vm14, $0xFF800000, v55  }
0xbd: {  	v57 =	vsel vm12, $0xFF800000, v57;
	vm13 =	veq.f32 v46, v48;
	vm12 =	veq.f32 v47, v48  }
0xbe: {  	vm14 =	veq.f32 v50, v48;
	v62 =	vsel vm13, $0xFF800000, v46;
	vm13 =	veq.f32 v49, v48  }
0xbf: {  	v48 =	vsel vm12, $0xFF800000, v47;
	vm12 =	veq.f32 v59, v14;
	v50 =	vsel vm14, $0xFF800000, v50  }
0xc0: {  	v14, _, _ =	vpop (xrf0);
	v46 =	vmax.f32 v15, v51;
	v47 =	vsel vm1, $0xFF800000, v38;
	v49 =	vsel vm13, $0xFF800000, v49  }
0xc1: {  	v14 =	vbroadcast v14, $0xF;
	v45 =	vmax.f32 v62, v48;
	v63 =	vmax.f32 v49, v50  }
0xc2: {  	v38 =	vsel vm4, $0xFF800000, v41;
	v59 =	vsel vm12, $0xFF800000, v59;
	v45 =	vmax.f32 v45, v63  }
0xc3: {  	vm12 =	veq.f32 v58, v14;
	vm13 =	veq.f32 v56, v14;
	vm14 =	veq.f32 v60, v14;
	(xrf0) =	vmax.scan.msk.f32 $0xffff, v45  }
0xc4: {  	v63 =	vmax.f32 v57, v59;
	v58 =	vsel vm12, $0xFF800000, v58;
	v56 =	vsel vm13, $0xFF800000, v56  }
0xc5: {  	vm12 =	veq.f32 v61, v14;
	v14 =	vmax.f32 v53, v54;
	v60 =	vsel vm14, $0xFF800000, v60  }
0xc6: {  	v45 =	vmax.f32 v52, v55;
	v61 =	vsel vm12, $0xFF800000, v61;
	v14 =	vmax.f32 v46, v14  }
0xc7: {  	v63 =	vmax.f32 v45, v63;
	v45 =	vmax.f32 v58, v56;
	v46 =	vmax.f32 v60, v61  }
0xc8: {  	v41 =	vsel vm5, $0xFF800000, v42;
	v13 =	vmax.f32 v45, v46;
	v45 =	vsel vm0, $0xFF800000, v37  }
0xc9: {  	v46 =	vsel vm2, $0xFF800000, v39;
	v37 =	vsel vm6, $0xFF800000, v43;
	v39 =	vsel vm7, $0xFF800000, v44;
	v42, _, _ =	vpop (xrf0)  }
0xca: {  	v43 =	vmax.f32 v45, v47;
	v44 =	vmax.f32 v46, v40;
	v42 =	vbroadcast v42, $0xF  }
0xcb: {  	v17 =	vmax.f32 v37, v39;
	v43 =	vmax.f32 v43, v44;
	v44 =	vmax.f32 v38, v41  }
0xcc: {  	v34 =	vsel vm9, $0xFF800000, v34;
	v17 =	vmax.f32 v44, v17;
	vm0 =	veq.f32 v62, v42  }
0xcd: {  	(xrf0) =	vmax.scan.msk.f32 $0xffff, v14;
	vm1 =	veq.f32 v48, v42;
	vm2 =	veq.f32 v49, v42;
	vm3 =	veq.f32 v50, v42  }
0xce: {  	(xrf0) =	vmax.scan.msk.f32 $0xffff, v63;
	v42 =	vsel vm8, $0xFF800000, v33;
	v33 =	vsel vm10, $0xFF800000, v35;
	v35 =	vsel vm11, $0xFF800000, v36  }
0xcf: {  	(xrf0) =	vmax.scan.msk.f32 $0xffff, v13;
	v13 =	vmax.f32 v34, v42;
	v14 =	vsel vm0, $0xFF800000, v62;
	v36 =	vmax.f32 v33, v35  }
0xd0: {  	(xrf0) =	vmax.scan.msk.f32 $0xffff, v43;
	v43 =	vsel vm1, $0xFF800000, v48;
	v44 =	vsel vm2, $0xFF800000, v49;
	v48 =	vsel vm3, $0xFF800000, v50  }
0xd1: {  	(xrf0) =	vmax.scan.msk.f32 $0xffff, v17;
	v13 =	vmax.f32 v13, v36;
	v17 =	vmax.f32 v14, v43;
	v62 =	vmax.f32 v44, v48  }
0xd2: {  	(xrf0) =	vmax.scan.msk.f32 $0xffff, v13;
	v13 =	vmax.f32 v17, v62;
	_ =	sdelay $0x1  }
0xd3: {  	v17, _, _ =	vpop (xrf0);
	(xrf0) =	vmax.scan.msk.f32 $0xffff, v13  }
0xd4: {  	v13, _, _ =	vpop (xrf0)  }
0xd5: {  	v17 =	vbroadcast v17, $0xF;
	v36, _, _ =	vpop (xrf0)  }
0xd6: {  	v13 =	vbroadcast v13, $0xF;
	v49, _, _ =	vpop (xrf0)  }
0xd7: {  	vm0 =	veq.f32 v15, v17;
	vm1 =	veq.f32 v51, v17;
	vm2 =	veq.f32 v53, v17;
	v50, _, _ =	vpop (xrf0)  }
0xd8: {  	vm3 =	veq.f32 v54, v17;
	vm4 =	veq.f32 v52, v13;
	vm5 =	veq.f32 v55, v13;
	v62, _, _ =	vpop (xrf0)  }
0xd9: {  	vm6 =	veq.f32 v57, v13;
	vm7 =	veq.f32 v59, v13;
	v13 =	vbroadcast v36, $0xF;
	v17, _, _ =	vpop (xrf0)  }
0xda: {  	v17 =	vbroadcast v17, $0xF  }
0xdb: {  	vm12 =	veq.f32 v58, v13  }
0xdc: {  	vm8 =	veq.f32 v14, v17;
	vm9 =	veq.f32 v43, v17;
	vm10 =	veq.f32 v44, v17  }
0xdd: {  	vm11 =	veq.f32 v48, v17;
	v14 =	vsel vm8, $0xFF800000, v14;
	v17 =	vsel vm9, $0xFF800000, v43  }
0xde: {  	v36 =	vsel vm10, $0xFF800000, v44;
	v43 =	vsel vm11, $0xFF800000, v48;
	vm8 =	veq.f32 v56, v13  }
0xdf: {  	vm9 =	veq.f32 v60, v13;
	v63 =	vmax.f32 v14, v17;
	v48 =	vmax.f32 v36, v43  }
0xe0: {  	vm10 =	veq.f32 v61, v13;
	v44 =	vsel vm2, $0xFF800000, v53;
	v13 =	vmax.f32 v63, v48  }
0xe1: {  	v53 =	vsel vm6, $0xFF800000, v57;
	v48 =	vsel vm3, $0xFF800000, v54;
	v54 =	vsel vm7, $0xFF800000, v59;
	(xrf0) =	vmax.scan.msk.f32 $0xffff, v13  }
0xe2: {  	v13 =	vsel vm0, $0xFF800000, v15;
	v15 =	vsel vm1, $0xFF800000, v51;
	v51 =	vsel vm4, $0xFF800000, v52  }
0xe3: {  	v52 =	vsel vm5, $0xFF800000, v55;
	v57 =	vmax.f32 v44, v48;
	v55 =	vmax.f32 v13, v15  }
0xe4: {  	v63 =	vmax.f32 v53, v54;
	v59 =	vmax.f32 v51, v52;
	v55 =	vmax.f32 v55, v57  }
0xe5: {  	v58 =	vsel vm12, $0xFF800000, v58;
	v63 =	vmax.f32 v59, v63;
	(xrf0) =	vmax.scan.msk.f32 $0xffff, v55  }
0xe6: {  	v59 =	vsel vm10, $0xFF800000, v61;
	v55 =	vsel vm8, $0xFF800000, v56;
	v56 =	vsel vm9, $0xFF800000, v60  }
0xe7: {  	v57 =	vmax.f32 v58, v55;
	v60 =	vmax.f32 v56, v59;
	v61, _, _ =	vpop (xrf0)  }
0xe8: {  	(xrf0) =	vmax.scan.msk.f32 $0xffff, v63;
	v57 =	vmax.f32 v57, v60;
	v60 =	vbroadcast v61, $0xF  }
0xe9: {  	v50 =	vbroadcast v50, $0xF;
	vm2 =	vge.f32 v27, v32;
	vm1 =	vge.f32 v26, v32  }
0xea: {  	vm0 =	veq.f32 v14, v60;
	vm3 =	veq.f32 v17, v60;
	vm4 =	veq.f32 v43, v60  }
0xeb: {  	(xrf0) =	vmax.scan.msk.f32 $0xffff, v57;
	v26, _, _ =	vpop (xrf0);
	v14 =	vsel vm0, $0xFF800000, v14;
	vm0 =	veq.f32 v36, v60;
	v17 =	vsel vm3, $0xFF800000, v17  }
0xec: {  	v26 =	vbroadcast v26, $0xF;
	v27 =	vsel vm0, $0xFF800000, v36;
	v36 =	vsel vm4, $0xFF800000, v43  }
0xed: {  	vm3 =	vge.f32 v25, v32;
	v57 =	vmax.f32 v14, v17;
	v60 =	vmax.f32 v27, v36  }
0xee: {  	v43, _, _ =	vpop (xrf0);
	vm0 =	veq.f32 v13, v26;
	vm4 =	veq.f32 v15, v26;
	v25 =	vmax.f32 v57, v60  }
0xef: {  	vm5 =	veq.f32 v44, v26;
	vm6 =	veq.f32 v48, v26;
	v60 =	vbroadcast v43, $0xF  }
0xf0: {  	v26 =	vbroadcast v49, $0xF;
	v13 =	vsel vm0, $0xFF800000, v13;
	v15 =	vsel vm4, $0xFF800000, v15  }
0xf1: {  	(xrf0) =	vmax.scan.msk.f32 $0xffff, v25;
	v63 =	vmax.f32 v13, v15;
	vm7 =	veq.f32 v51, v60;
	vm8 =	veq.f32 v52, v60;
	v25, _, _ =	vpop (xrf0)  }
0xf2: {  	vm9 =	veq.f32 v53, v60;
	vm10 =	veq.f32 v54, v60;
	v25 =	vbroadcast v25, $0xF  }
0xf3: {  	v49 =	vsel vm8, $0xFF800000, v52;
	v52 =	vsel vm10, $0xFF800000, v54;
	vm8 =	veq.f32 v39, v50  }
0xf4: {  	vm10 =	veq.f32 v37, v50;
	vm11 =	veq.f32 v58, v25;
	vm12 =	veq.f32 v55, v25  }
0xf5: {  	vm13 =	veq.f32 v56, v25;
	vm0 =	veq.f32 v59, v25;
	v25 =	vsel vm5, $0xFF800000, v44  }
0xf6: {  	v44 =	vsel vm6, $0xFF800000, v48;
	v48 =	vsel vm7, $0xFF800000, v51;
	v51 =	vsel vm9, $0xFF800000, v53  }
0xf7: {  	vm6 =	veq.f32 v46, v26;
	vm7 =	veq.f32 v41, v50;
	vm9 =	veq.f32 v38, v50;
	v61, _, _ =	vpop (xrf0)  }
0xf8: {  	v53 =	vsel vm11, $0xFF800000, v58;
	v54 =	vsel vm12, $0xFF800000, v55;
	v32 =	vbroadcast v61, $0xF  }
0xf9: {  	v55 =	vsel vm13, $0xFF800000, v56;
	v56 =	vsel vm0, $0xFF800000, v59;
	v59 =	vmax.f32 v25, v44  }
0xfa: {  	vm0 =	veq.f32 v17, v32;
	vm4 =	veq.f32 v36, v32;
	vm5 =	veq.f32 v14, v32  }
0xfb: {  	v17 =	vsel vm0, $0xFF800000, v17;
	vm0 =	veq.f32 v27, v32;
	v36 =	vsel vm4, $0xFF800000, v36  }
0xfc: {  	vm4 =	veq.f32 v40, v26;
	v14 =	vmax.f32 v14, v17;
	v27 =	vmax.f32 v27, v36  }
0xfd: {  	v14 =	vsel vm5, v17, v14;
	v27 =	vsel vm0, v36, v27;
	vm0 =	veq.f32 v47, v26  }
0xfe: {  	vm5 =	veq.f32 v45, v26;
	v26 =	vbroadcast v62, $0xF;
	v14 =	vmax.f32 v14, v27  }
0xff: {  	v60 =	vmax.f32 v51, v52;
	v57 =	vsel vm7, $0xFF800000, v41;
	v32 =	vmax.f32 v63, v59;
	(xrf0) =	vmax.scan.msk.f32 $0xffff, v14  }
0x100: {  	v17 =	vmax.f32 v48, v49;
	vm11 =	veq.f32 v42, v26;
	vm12 =	veq.f32 v35, v26;
	(xrf0) =	vmax.scan.msk.f32 $0xffff, v32  }
0x101: {  	vm13 =	veq.f32 v34, v26;
	vm14 =	veq.f32 v33, v26;
	v26 =	vsel vm4, $0xFF800000, v40  }
0x102: {  	v61 =	vmax.f32 v53, v54;
	v17 =	vmax.f32 v17, v60;
	v40 =	vmax.f32 v46, v26  }
0x103: {  	v63 =	vmax.f32 v55, v56;
	v14 =	vsel vm0, $0xFF800000, v47;
	(xrf0) =	vmax.scan.msk.f32 $0xffff, v17;
	v17 =	vsel vm6, v26, v40  }
0x104: {  	v59 =	vsel vm8, $0xFF800000, v39;
	v27 =	vmax.f32 v61, v63;
	v58 =	vmax.f32 v45, v14  }
0x105: {  	v61 =	vmax.f32 v37, v59;
	v14 =	vsel vm5, v14, v58;
	v26 =	vmax.f32 v38, v57;
	(xrf0) =	vmax.scan.msk.f32 $0xffff, v27;
	v62, _, _ =	vpop (xrf0)  }
0x106: {  	v32 =	vsel vm10, v59, v61;
	v26 =	vsel vm9, v57, v26;
	v14 =	vmax.f32 v14, v17;
	v17, _, _ =	vpop (xrf0)  }
0x107: {  	v27 =	vsel vm12, $0xFF800000, v35;
	v63 =	vbroadcast v62, $0xF;
	v17 =	vbroadcast v17, $0xF  }
0x108: {  	v60 =	vsel vm11, $0xFF800000, v42;
	v33 =	vmax.f32 v33, v27;
	v26 =	vmax.f32 v26, v32  }
0x109: {  	v27 =	vsel vm14, v27, v33;
	(xrf0) =	vmax.scan.msk.f32 $0xffff, v14;
	v14 =	vnsel vm1, $0x0, v0;
	vm0 =	vge.f32 v31, v63;
	v31, _, _ =	vpop (xrf0)  }
0x10a: {  	vm14 =	vge.f32 v30, v63;
	v31 =	vbroadcast v31, $0xF;
	vm5 =	veq.f32 v13, v17  }
0x10b: {  	vm6 =	veq.f32 v15, v17;
	vm7 =	veq.f32 v25, v17;
	vm8 =	veq.f32 v44, v17;
	v17, _, _ =	vpop (xrf0)  }
0x10c: {  	v30 =	vnsel vm2, $0x0, v0;
	(xrf0) =	vmax.scan.msk.f32 $0xffff, v26;
	vm9 =	veq.f32 v48, v31;
	v17 =	vbroadcast v17, $0xF  }
0x10d: {  	vm10 =	veq.f32 v49, v31;
	vm11 =	veq.f32 v51, v31;
	vm12 =	veq.f32 v52, v31  }
0x10e: {  	v31 =	vnsel vm3, $0x0, v0;
	vm3 =	veq.f32 v53, v17;
	vm4 =	veq.f32 v54, v17  }
0x10f: {  	vm1 =	veq.f32 v55, v17;
	vm2 =	veq.f32 v56, v17;
	v17 =	vnsel vm0, $0x0, v0  }
0x110: {  	[tilespmem:$0x1FF70] =	vst v1;
	v1 =	vld [tilespmem:$0x1FFC0];
	v32 =	vsel vm5, $0xFF800000, v13  }
0x111: {  	v37 =	vsel vm6, $0xFF800000, v15;
	v43 =	vsel vm7, $0xFF800000, v25;
	v38 =	vsel vm8, $0xFF800000, v44;
	v13, _, _ =	vpop (xrf0);
	[tilespmem:s20+$0x81B0] =	vst v17  }
0x112: {  	v15 =	vmax.f32 v43, v38;
	[tilespmem:s19+$0x8190] =	vst v14;
	v14 =	vmax.f32 v32, v37;
	v17, _, _ =	vpop (xrf0)  }
0x113: {  	v14 =	vmax.f32 v14, v15;
	v15 =	vbroadcast v17, $0xF;
	_ =	sdelay $0x1  }
0x114: {  	v33 =	vsel vm11, $0xFF800000, v51;
	vm11 =	vge.f32 v1, v15;
	v1 =	vld [tilespmem:$0x1FFD0];
	_ =	sdelay $0x1  }
0x115: {  	v34 =	vmax.f32 v34, v60  }
0x116: {  	v34 =	vsel vm13, v60, v34  }
0x117: {  	v27 =	vmax.f32 v34, v27;
	v13 =	vbroadcast v13, $0xF  }
0x118: {  	(xrf0) =	vmax.scan.msk.f32 $0xffff, v27;
	v42 =	vsel vm9, $0xFF800000, v48;
	vm9 =	vge.f32 v1, v15;
	v1 =	vld [tilespmem:$0x1FFE0]  }
0x119: {  	v39 =	vsel vm10, $0xFF800000, v49;
	v35 =	vsel vm12, $0xFF800000, v52;
	vm12 =	vge.f32 v22, v13;
	[tilespmem:s19+$0x8180] =	vst v30  }
0x11a: {  	s21 =	simm.s32 $0x400;
	v22 =	vmax.f32 v42, v39;
	vm10 =	vge.f32 v16, v13;
	v16 =	vmax.f32 v33, v35;
	[tilespmem:s19+$0x81A0] =	vst v31  }
0x11b: {  	vm0 =	vge.f32 v24, v13;
	vm13 =	vge.f32 v23, v13;
	v16 =	vmax.f32 v22, v16;
	v13 =	vld [tilespmem:s21+$0x180]  }
0x11c: {  	v25 =	vld [tilespmem:s21+$0x190]  }
0x11d: {  	(xrf0) =	vmax.scan.msk.f32 $0xffff, v14;
	vm7 =	vge.f32 v1, v15;
	v1 =	vld [tilespmem:$0x1FFF0]  }
0x11e: {  	v41 =	vsel vm3, $0xFF800000, v53;
	v40 =	vsel vm4, $0xFF800000, v54;
	v36 =	vsel vm1, $0xFF800000, v55;
	v22 =	vld [tilespmem:s21+$0x1A0];
	(xrf0) =	vmax.scan.msk.f32 $0xffff, v16;
	v16, _, _ =	vpop (xrf0)  }
0x11f: {  	[tilespmem:$0x1FF60] =	vst v2;
	v34 =	vsel vm2, $0xFF800000, v56;
	vm2 =	vge.f32 v29, v63;
	v14 =	vld [tilespmem:s21+$0x1B0];
	v16 =	vbroadcast v16, $0xF  }
0x120: {  	[tilespmem:$0x1FF80] =	vst v3;
	vm3 =	vge.f32 v28, v63;
	v26 =	vnsel vm0, $0x0, v0;
	v23 =	vld [tilespmem:s21+$0x0];
	v17 =	vmax.f32 v41, v40  }
0x121: {  	[tilespmem:$0x1FF90] =	vst v5;
	v24 =	vld [tilespmem:s21+$0x10];
	vm5 =	vge.f32 v18, v16;
	vm6 =	vge.f32 v19, v16;
	vm15 =	vge.f32 v20, v16  }
0x122: {  	[tilespmem:$0x1FFA0] =	vst v6;
	vm4 =	vge.f32 v21, v16;
	v16 =	vld [tilespmem:s21+$0x30];
	vm8 =	vge.f32 v1, v15;
	v15 =	vmax.f32 v36, v34  }
0x123: {  	[tilespmem:$0x1FFB0] =	vst v8;
	v19 =	vnsel vm13, $0x0, v0;
	v20 =	vmax.f32 v13, v25;
	v18, _, _ =	vpop (xrf0);
	v15 =	vmax.f32 v17, v15;
	v17 =	vld [tilespmem:s21+$0x20]  }
0x124: {  	s22 =	simm.s32 $0x1800;
	v21 =	vmax.f32 v22, v14;
	v30 =	vbroadcast v18, $0xF;
	(xrf0) =	vmax.scan.msk.f32 $0xffff, v15;
	v15 =	vld [tilespmem:s21+$0x80];
	[tilespmem:s19+$0x8000] =	vst v26;
	v26, _, _ =	vpop (xrf0)  }
.LBB2_2:
0x125: {  	v1 =	vimm.s32 $0x0  }
0x126: {  	v1 =	vsel vm15, $0xFFFFFFFF, v1  }
0x127: {  	[tilespmem:$0x1FF10] =	vst v1;
	v1 =	vimm.s32 $0x0  }
0x128: {  	v1 =	vsel vm14, $0xFFFFFFFF, v1  }
0x129: {  	[tilespmem:$0x1FF20] =	vst v1;
	v1 =	vimm.s32 $0x0  }
0x12a: {  	v1 =	vsel vm6, $0xFFFFFFFF, v1  }
0x12b: {  	[tilespmem:$0x1FF00] =	vst v1;
	v1 =	vimm.s32 $0x0  }
0x12c: {  	v18 =	vld [tilespmem:s21+$0x90];
	[tilespmem:s19+$0x8010] =	vst v19;
	v1 =	vsel vm5, $0xFFFFFFFF, v1  }
0x12d: {  	v20 =	vmax.f32 v20, v21;
	v27 =	vbroadcast v26, $0xF;
	[tilespmem:$0x1FEF0] =	vst v1;
	v1 =	vimm.s32 $0x0  }
0x12e: {  	v26 =	vnsel vm12, $0x0, v0;
	v19 =	vld [tilespmem:s21+$0xA0];
	vm12 =	veq.f32 v32, v30;
	v1 =	vsel vm3, $0xFFFFFFFF, v1  }
0x12f: {  	vm1 =	veq.f32 v42, v27;
	v21, _, _ =	vpop (xrf0);
	(xrf0) =	vmax.scan.msk.f32 $0xffff, v20;
	v20 =	vld [tilespmem:s21+$0xB0];
	[tilespmem:$0x1FF50] =	vst v1;
	v1 =	vimm.s32 $0x0  }
0x130: {  	v28 =	vmax.f32 v23, v24;
	v29 =	vbroadcast v21, $0xF;
	v1 =	vsel vm2, $0xFFFFFFFF, v1  }
0x131: {  	vm6 =	veq.f32 v43, v30;
	vm5 =	veq.f32 v37, v30;
	[tilespmem:$0x1FF40] =	vst v1;
	v1 =	vimm.s32 $0x0  }
0x132: {  	[tilespmem:s19+$0x8020] =	vst v26;
	v1 =	vsel vm4, $0xFFFFFFFF, v1;
	vm4 =	veq.f32 v38, v30;
	v30 =	vmax.f32 v17, v16  }
0x133: {  	v32 =	vsel vm12, $0xFF800000, v32;
	vm14 =	veq.f32 v35, v27;
	[tilespmem:$0x1FF30] =	vst v1;
	v1 =	vmax.f32 v28, v30  }
0x134: {  	v3 =	vld [tilespmem:$0x1FF80];
	v31 =	vmax.f32 v15, v18;
	vm15 =	veq.f32 v41, v29;
	(xrf0) =	vmax.scan.msk.f32 $0xffff, v1;
	v1 =	vmax.f32 v19, v20  }
0x135: {  	v21 =	vmovc v10;
	vm0 =	veq.f32 v40, v29;
	vm13 =	veq.f32 v36, v29;
	v58 =	vmax.f32 v31, v1;
	v1 =	vld [tilespmem:$0x1FF60]  }
0x136: {  	v10 =	vld [tilespmem:s21+$0x100];
	vm12 =	veq.f32 v34, v29;
	v37 =	vsel vm5, $0xFF800000, v37;
	v40 =	vsel vm0, $0xFF800000, v40;
	v44, _, _ =	vpop (xrf0)  }
0x137: {  	v26 =	vmovc v9;
	v9 =	vld [tilespmem:s21+$0x110];
	vm3 =	veq.f32 v33, v27;
	v29 =	vmovc v22;
	v22 =	vsel vm1, $0xFF800000, v42;
	v44 =	vbroadcast v44, $0xF  }
0x138: {  	v42 =	vsel vm14, $0xFF800000, v35;
	v35 =	vsel vm15, $0xFF800000, v41;
	vm2 =	veq.f32 v39, v27;
	v27 =	vmovc v12;
	v12 =	vld [tilespmem:s21+$0x120]  }
0x139: {  	v33 =	vsel vm3, $0xFF800000, v33;
	v39 =	vsel vm2, $0xFF800000, v39;
	vm1 =	veq.f32 v13, v44;
	v28 =	vmovc v11;
	v11 =	vld [tilespmem:s21+$0x130]  }
0x13a: {  	vm3 =	veq.f32 v14, v44;
	v30 =	vmovc v25;
	v25 =	vsel vm6, $0xFF800000, v43;
	(xrf0) =	vmax.scan.msk.f32 $0xffff, v58;
	v31 =	vmov v1;
	v1 =	vld [tilespmem:$0x1FF70]  }
0x13b: {  	v43 =	vsel vm1, $0xFF800000, v13;
	vm1 =	veq.f32 v29, v44;
	vm2 =	veq.f32 v30, v44  }
0x13c: {  	v47 =	vsel vm3, $0xFF800000, v14;
	v46 =	vsel vm1, $0xFF800000, v29;
	v60 =	vsel vm2, $0xFF800000, v30  }
0x13d: {  	v2 =	vmovc v23;
	v45 =	vmax.f32 v10, v9;
	v50 =	vmax.f32 v46, v47;
	v49 =	vmax.f32 v43, v60  }
0x13e: {  	v38 =	vsel vm4, $0xFF800000, v38;
	v48 =	vmax.f32 v12, v11;
	v61 =	vmax.f32 v49, v50;
	v59, _, _ =	vpop (xrf0)  }
0x13f: {  	v51 =	vbroadcast v59, $0xF;
	v23 =	vmovc v1;
	v1 =	vmovc v24;
	v24 =	vmov v3;
	v3 =	vmov v17  }
0x140: {  	v17 =	vmov v4;
	v4 =	vmov v16;
	v16 =	vmov v7;
	v7, _, _ =	vpop (xrf0);
	(xrf0) =	vmax.scan.msk.f32 $0xffff, v61  }
0x141: {  	v45 =	vmax.f32 v45, v48;
	vm0 =	veq.f32 v2, v51;
	vm1 =	veq.f32 v1, v51  }
0x142: {  	v62 =	vbroadcast v7, $0xF;
	(xrf0) =	vmax.scan.msk.f32 $0xffff, v45;
	v45 =	vsel vm0, $0xFF800000, v2;
	vm0 =	veq.f32 v3, v51  }
0x143: {  	v7 =	vmovc v15;
	vm2 =	veq.f32 v4, v51;
	v48 =	vsel vm1, $0xFF800000, v1;
	v49 =	vsel vm0, $0xFF800000, v3  }
0x144: {  	v41 =	vsel vm2, $0xFF800000, v4;
	vm3 =	veq.f32 v7, v62;
	vm4 =	veq.f32 v18, v62  }
0x145: {  	vm5 =	veq.f32 v19, v62;
	vm0 =	veq.f32 v20, v62;
	v15 =	vmax.f32 v45, v48  }
0x146: {  	v55 =	vmax.f32 v49, v41;
	v50 =	vsel vm3, $0xFF800000, v7;
	v51 =	vsel vm4, $0xFF800000, v18;
	v54, _, _ =	vpop (xrf0)  }
0x147: {  	v52 =	vsel vm5, $0xFF800000, v19;
	v53 =	vsel vm0, $0xFF800000, v20;
	v54 =	vbroadcast v54, $0xF  }
0x148: {  	v15 =	vmax.f32 v15, v55;
	v56 =	vmax.f32 v50, v51;
	v63 =	vmax.f32 v52, v53  }
0x149: {  	v55 =	vmax.f32 v56, v63;
	v57, _, _ =	vpop (xrf0);
	(xrf0) =	vmax.scan.msk.f32 $0xffff, v15;
	vm0 =	veq.f32 v43, v54;
	vm1 =	veq.f32 v60, v54  }
0x14a: {  	vm2 =	veq.f32 v47, v54;
	v43 =	vsel vm0, $0xFF800000, v43;
	vm0 =	veq.f32 v46, v54  }
0x14b: {  	(xrf0) =	vmax.scan.msk.f32 $0xffff, v55;
	v44 =	vsel vm1, $0xFF800000, v60;
	v47 =	vsel vm2, $0xFF800000, v47;
	v46 =	vsel vm0, $0xFF800000, v46  }
0x14c: {  	v57 =	vbroadcast v57, $0xF;
	v15 =	vmax.f32 v43, v44;
	v59 =	vmax.f32 v46, v47  }
0x14d: {  	v34 =	vsel vm12, $0xFF800000, v34;
	[tilespmem:$0x1FF70] =	vst v1;
	v63 =	vmax.f32 v35, v40;
	v1 =	vmax.f32 v15, v59  }
0x14e: {  	vm1 =	veq.f32 v9, v57;
	vm2 =	veq.f32 v12, v57;
	vm0 =	veq.f32 v10, v57;
	(xrf0) =	vmax.scan.msk.f32 $0xffff, v1  }
0x14f: {  	v55 =	vsel vm1, $0xFF800000, v9;
	v54 =	vsel vm0, $0xFF800000, v10;
	vm0 =	veq.f32 v11, v57;
	v15, _, _ =	vpop (xrf0)  }
0x150: {  	v56 =	vsel vm2, $0xFF800000, v12;
	v57 =	vsel vm0, $0xFF800000, v11;
	v59 =	vbroadcast v15, $0xF  }
0x151: {  	v58 =	vmax.f32 v54, v55;
	v60 =	vmax.f32 v56, v57;
	v61, _, _ =	vpop (xrf0);
	v15 =	vsel vm13, $0xFF800000, v36  }
0x152: {  	v58 =	vmax.f32 v58, v60;
	v1 =	vbroadcast v61, $0xF;
	vm0 =	veq.f32 v45, v59  }
0x153: {  	(xrf0) =	vmax.scan.msk.f32 $0xffff, v58;
	vm1 =	veq.f32 v48, v59;
	vm2 =	veq.f32 v49, v59;
	vm3 =	veq.f32 v41, v59  }
0x154: {  	vm4 =	veq.f32 v50, v1;
	vm5 =	veq.f32 v51, v1;
	v45 =	vsel vm0, $0xFF800000, v45;
	v60, _, _ =	vpop (xrf0)  }
0x155: {  	vm0 =	veq.f32 v52, v1;
	vm6 =	veq.f32 v53, v1;
	v1 =	vbroadcast v60, $0xF  }
0x156: {  	v48 =	vsel vm1, $0xFF800000, v48;
	v49 =	vsel vm2, $0xFF800000, v49;
	v41 =	vsel vm3, $0xFF800000, v41  }
0x157: {  	v52 =	vsel vm0, $0xFF800000, v52;
	vm0 =	veq.f32 v43, v1;
	vm1 =	veq.f32 v44, v1  }
0x158: {  	vm2 =	veq.f32 v47, v1;
	v43 =	vsel vm0, $0xFF800000, v43;
	vm0 =	veq.f32 v46, v1  }
0x159: {  	v61, _, _ =	vpop (xrf0);
	v44 =	vsel vm1, $0xFF800000, v44;
	v47 =	vsel vm2, $0xFF800000, v47;
	v46 =	vsel vm0, $0xFF800000, v46  }
0x15a: {  	v36 =	vbroadcast v61, $0xF;
	v58 =	vmax.f32 v43, v44;
	v59 =	vmax.f32 v46, v47  }
0x15b: {  	v50 =	vsel vm4, $0xFF800000, v50;
	v51 =	vsel vm5, $0xFF800000, v51;
	v58 =	vmax.f32 v58, v59  }
0x15c: {  	v53 =	vsel vm6, $0xFF800000, v53;
	v60 =	vmax.f32 v45, v48;
	vm0 =	veq.f32 v54, v36;
	(xrf0) =	vmax.scan.msk.f32 $0xffff, v58  }
0x15d: {  	vm1 =	veq.f32 v55, v36;
	vm2 =	veq.f32 v56, v36;
	v54 =	vsel vm0, $0xFF800000, v54  }
0x15e: {  	v55 =	vsel vm1, $0xFF800000, v55;
	vm0 =	veq.f32 v57, v36;
	v36 =	vmax.f32 v49, v41  }
0x15f: {  	v56 =	vsel vm2, $0xFF800000, v56;
	v57 =	vsel vm0, $0xFF800000, v57;
	v58 =	vmax.f32 v50, v51  }
0x160: {  	v59 =	vmax.f32 v52, v53;
	v61 =	vmax.f32 v54, v55;
	v36 =	vmax.f32 v60, v36  }
0x161: {  	v60 =	vmax.f32 v25, v38;
	v62 =	vmax.f32 v56, v57;
	v1 =	vmax.f32 v58, v59;
	(xrf0) =	vmax.scan.msk.f32 $0xffff, v36  }
0x162: {  	v59 =	vmax.f32 v61, v62;
	v36 =	vmax.f32 v32, v37;
	v61 =	vmax.f32 v22, v39;
	(xrf0) =	vmax.scan.msk.f32 $0xffff, v1;
	v58, _, _ =	vpop (xrf0)  }
0x163: {  	v62 =	vmax.f32 v33, v42;
	(xrf0) =	vmax.scan.msk.f32 $0xffff, v59;
	v59 =	vmax.f32 v15, v34;
	v58 =	vbroadcast v58, $0xF  }
0x164: {  	v36 =	vmax.f32 v36, v60;
	v60 =	vmax.f32 v61, v62;
	v59 =	vmax.f32 v63, v59  }
0x165: {  	(xrf0) =	vmax.scan.msk.f32 $0xffff, v36;
	v36 =	vnsel vm10, $0x0, v0;
	vm0 =	veq.f32 v43, v58;
	vm1 =	veq.f32 v44, v58  }
0x166: {  	vm2 =	veq.f32 v47, v58;
	v43 =	vsel vm0, $0xFF800000, v43;
	vm0 =	veq.f32 v46, v58  }
0x167: {  	v44 =	vsel vm1, $0xFF800000, v44;
	v47 =	vsel vm2, $0xFF800000, v47;
	v46 =	vsel vm0, $0xFF800000, v46  }
0x168: {  	v63, _, _ =	vpop (xrf0);
	(xrf0) =	vmax.scan.msk.f32 $0xffff, v60;
	v5 =	vmax.f32 v43, v44;
	v1 =	vmax.f32 v46, v47  }
0x169: {  	[tilespmem:$0x1FF60] =	vst v2;
	v2 =	vbroadcast v63, $0xF;
	(xrf0) =	vmax.scan.msk.f32 $0xffff, v59;
	v59, _, _ =	vpop (xrf0);
	v1 =	vmax.f32 v5, v1  }
0x16a: {  	v61 =	vnsel vm9, $0x0, v0;
	v60 =	vnsel vm11, $0x0, v0;
	[tilespmem:s19+$0x8030] =	vst v36;
	v36, _, _ =	vpop (xrf0);
	(xrf0) =	vmax.scan.msk.f32 $0xffff, v1  }
0x16b: {  	vm1 =	veq.f32 v48, v2;
	vm2 =	veq.f32 v49, v2;
	vm3 =	veq.f32 v41, v2  }
0x16c: {  	[tilespmem:$0x1FF80] =	vst v3;
	v3 =	vbroadcast v59, $0xF;
	vm0 =	veq.f32 v45, v2;
	v48 =	vsel vm1, $0xFF800000, v48  }
0x16d: {  	v49 =	vsel vm2, $0xFF800000, v49;
	v41 =	vsel vm3, $0xFF800000, v41;
	v45 =	vsel vm0, $0xFF800000, v45;
	v58, _, _ =	vpop (xrf0)  }
0x16e: {  	[tilespmem:s19+$0x8090] =	vst v61;
	v59 =	vbroadcast v36, $0xF;
	vm4 =	veq.f32 v50, v3;
	vm5 =	veq.f32 v51, v3;
	v36, _, _ =	vpop (xrf0)  }
0x16f: {  	[tilespmem:s19+$0x8080] =	vst v60;
	vm6 =	veq.f32 v52, v3;
	vm9 =	veq.f32 v53, v3;
	v61 =	vmax.f32 v45, v48;
	v60, _, _ =	vpop (xrf0)  }
0x170: {  	v50 =	vsel vm4, $0xFF800000, v50;
	vm10 =	veq.f32 v54, v59;
	vm11 =	veq.f32 v55, v59;
	v62, _, _ =	vpop (xrf0)  }
0x171: {  	vm12 =	veq.f32 v56, v59;
	vm0 =	veq.f32 v57, v59;
	v59 =	vbroadcast v62, $0xF  }
0x172: {  	v51 =	vsel vm5, $0xFF800000, v51;
	v52 =	vsel vm6, $0xFF800000, v52;
	v53 =	vsel vm9, $0xFF800000, v53  }
0x173: {  	v57 =	vsel vm0, $0xFF800000, v57;
	vm0 =	veq.f32 v43, v59;
	vm1 =	veq.f32 v44, v59  }
0x174: {  	vm2 =	veq.f32 v47, v59;
	v43 =	vsel vm0, $0xFF800000, v43;
	vm0 =	veq.f32 v46, v59  }
0x175: {  	v44 =	vsel vm1, $0xFF800000, v44;
	v47 =	vsel vm2, $0xFF800000, v47;
	v46 =	vsel vm0, $0xFF800000, v46  }
0x176: {  	v36 =	vbroadcast v36, $0xF;
	v63 =	vmax.f32 v43, v44;
	v5 =	vmax.f32 v46, v47  }
0x177: {  	v6 =	vmax.f32 v52, v53;
	v54 =	vsel vm10, $0xFF800000, v54;
	v5 =	vmax.f32 v63, v5  }
0x178: {  	v55 =	vsel vm11, $0xFF800000, v55;
	v56 =	vsel vm12, $0xFF800000, v56;
	vm3 =	veq.f32 v42, v36;
	(xrf0) =	vmax.scan.msk.f32 $0xffff, v5  }
0x179: {  	v8 =	vmax.f32 v54, v55;
	v42 =	vsel vm3, $0xFF800000, v42;
	v62 =	vmax.f32 v49, v41  }
0x17a: {  	v61 =	vmax.f32 v61, v62;
	v62 =	vnsel vm7, $0x0, v0;
	v63 =	vmax.f32 v56, v57  }
0x17b: {  	v59 =	vmax.f32 v50, v51;
	v5 =	vmax.f32 v8, v63;
	v8 =	vbroadcast v58, $0xF  }
0x17c: {  	vm2 =	veq.f32 v39, v36;
	v6 =	vmax.f32 v59, v6;
	v63 =	vnsel vm8, $0x0, v0;
	(xrf0) =	vmax.scan.msk.f32 $0xffff, v61  }
0x17d: {  	[tilespmem:s19+$0x80B0] =	vst v63;
	v63 =	vmax.f32 v33, v42;
	(xrf0) =	vmax.scan.msk.f32 $0xffff, v6;
	vm0 =	veq.f32 v37, v8  }
0x17e: {  	v6 =	vbroadcast v60, $0xF;
	vm1 =	veq.f32 v38, v8;
	(xrf0) =	vmax.scan.msk.f32 $0xffff, v5;
	v5 =	vsel vm0, $0xFF800000, v37;
	v60, _, _ =	vpop (xrf0)  }
0x17f: {  	v37 =	vsel vm1, $0xFF800000, v38;
	v38 =	vsel vm2, $0xFF800000, v39;
	v39 =	vbroadcast v60, $0xF  }
0x180: {  	vm4 =	veq.f32 v40, v6;
	vm5 =	veq.f32 v34, v6;
	v59 =	vmax.f32 v32, v5  }
0x181: {  	[tilespmem:s19+$0x80A0] =	vst v62;
	v62 =	vmax.f32 v22, v38;
	vm0 =	veq.f32 v43, v39;
	vm1 =	veq.f32 v44, v39  }
0x182: {  	vm2 =	veq.f32 v47, v39;
	v43 =	vsel vm0, $0xFF800000, v43;
	vm0 =	veq.f32 v46, v39  }
0x183: {  	v58, _, _ =	vpop (xrf0);
	v39 =	vsel vm1, $0xFF800000, v44;
	v44 =	vsel vm0, $0xFF800000, v46;
	v46 =	vsel vm2, $0xFF800000, v47  }
0x184: {  	v40 =	vsel vm4, $0xFF800000, v40;
	v61, _, _ =	vpop (xrf0);
	v47 =	vmax.f32 v43, v39;
	v2 =	vmax.f32 v44, v46  }
0x185: {  	v34 =	vsel vm5, $0xFF800000, v34;
	v58 =	vbroadcast v58, $0xF;
	v1, _, _ =	vpop (xrf0);
	v2 =	vmax.f32 v47, v2  }
0x186: {  	v60 =	vmax.f32 v25, v37;
	v61 =	vbroadcast v61, $0xF;
	v1 =	vbroadcast v1, $0xF;
	(xrf0) =	vmax.scan.msk.f32 $0xffff, v2  }
0x187: {  	vm1 =	veq.f32 v48, v58;
	vm3 =	veq.f32 v41, v58;
	vm0 =	veq.f32 v45, v58  }
0x188: {  	vm2 =	veq.f32 v49, v58;
	vm4 =	veq.f32 v50, v61;
	vm5 =	veq.f32 v51, v61  }
0x189: {  	vm6 =	veq.f32 v52, v61;
	vm7 =	veq.f32 v53, v61;
	v41 =	vsel vm3, $0xFF800000, v41  }
0x18a: {  	vm3 =	veq.f32 v33, v36;
	vm8 =	veq.f32 v54, v1;
	vm9 =	veq.f32 v55, v1  }
0x18b: {  	vm10 =	veq.f32 v56, v1;
	v47 =	vsel vm4, $0xFF800000, v50;
	v50 =	vsel vm7, $0xFF800000, v53  }
0x18c: {  	v53 =	vsel vm10, $0xFF800000, v56;
	v2 =	vsel vm0, $0xFF800000, v45;
	v45 =	vsel vm1, $0xFF800000, v48;
	v61, _, _ =	vpop (xrf0)  }
0x18d: {  	v48 =	vsel vm5, $0xFF800000, v51;
	v51 =	vsel vm8, $0xFF800000, v54;
	v54 =	vbroadcast v61, $0xF  }
0x18e: {  	vm4 =	veq.f32 v35, v6;
	vm0 =	veq.f32 v57, v1;
	v1 =	vsel vm2, $0xFF800000, v49  }
0x18f: {  	v56 =	vsel vm0, $0xFF800000, v57;
	vm0 =	veq.f32 v39, v54;
	vm1 =	veq.f32 v46, v54  }
0x190: {  	vm2 =	veq.f32 v43, v54;
	v39 =	vsel vm0, $0xFF800000, v39;
	v46 =	vsel vm1, $0xFF800000, v46  }
0x191: {  	vm0 =	veq.f32 v44, v54;
	v43 =	vmax.f32 v43, v39;
	v44 =	vmax.f32 v44, v46  }
0x192: {  	v49 =	vsel vm6, $0xFF800000, v52;
	v39 =	vsel vm2, v39, v43;
	v43 =	vsel vm0, v46, v44  }
0x193: {  	v52 =	vsel vm9, $0xFF800000, v55;
	vm5 =	veq.f32 v15, v6;
	v39 =	vmax.f32 v39, v43  }
0x194: {  	v55 =	vmax.f32 v2, v45;
	v57 =	vmax.f32 v1, v41;
	v58 =	vmax.f32 v47, v48;
	(xrf0) =	vmax.scan.msk.f32 $0xffff, v39  }
0x195: {  	v3 =	vmax.f32 v51, v52;
	v61 =	vmax.f32 v49, v50;
	v44 =	vmax.f32 v55, v57  }
0x196: {  	v54 =	vmax.f32 v53, v56;
	vm1 =	veq.f32 v25, v8;
	v55 =	vmax.f32 v58, v61;
	(xrf0) =	vmax.scan.msk.f32 $0xffff, v44  }
0x197: {  	v25 =	vsel vm3, v42, v63;
	v3 =	vmax.f32 v3, v54;
	vm0 =	veq.f32 v32, v8;
	(xrf0) =	vmax.scan.msk.f32 $0xffff, v55  }
0x198: {  	v57 =	vmax.f32 v35, v40;
	(xrf0) =	vmax.scan.msk.f32 $0xffff, v3;
	v3 =	vsel vm0, v5, v59;
	v5 =	vsel vm1, v37, v60  }
0x199: {  	v58 =	vmax.f32 v15, v34;
	vm2 =	veq.f32 v22, v36;
	v3 =	vmax.f32 v3, v5  }
0x19a: {  	v6 =	vsel vm2, v38, v62;
	v15 =	vsel vm4, v40, v57;
	v22 =	vsel vm5, v34, v58;
	v8, _, _ =	vpop (xrf0);
	(xrf0) =	vmax.scan.msk.f32 $0xffff, v3;
	v3 =	vld [tilespmem:$0x1FEF0]  }
0x19b: {  	v5 =	vmax.f32 v6, v25;
	v6 =	vmax.f32 v15, v22;
	v15 =	vld [tilespmem:$0x1FF00]  }
0x19c: {  	v22 =	vld [tilespmem:$0x1FF10];
	v8 =	vbroadcast v8, $0xF;
	v25, _, _ =	vpop (xrf0)  }
0x19d: {  	v59 =	vld [tilespmem:$0x1FF20];
	(xrf0) =	vmax.scan.msk.f32 $0xffff, v5;
	v25 =	vbroadcast v25, $0xF;
	v61, _, _ =	vpop (xrf0)  }
0x19e: {  	v5 =	vld [tilespmem:$0x1FF30];
	(xrf0) =	vmax.scan.msk.f32 $0xffff, v6;
	v6 =	vbroadcast v61, $0xF;
	vm14 =	vge.f32 v13, v8  }
0x19f: {  	v62 =	vld [tilespmem:$0x1FF40];
	vm1 =	veq.f32 v2, v25;
	vm2 =	veq.f32 v1, v25;
	vm0 =	vnez.u8 v3  }
0x1a0: {  	v63 =	vld [tilespmem:$0x1FF50];
	vm3 =	veq.f32 v41, v25;
	v3 =	vnsel vm0, $0x0, v0;
	vm0 =	vnez.u8 v15  }
0x1a1: {  	vm4 =	veq.f32 v47, v6;
	v15 =	vnsel vm0, $0x0, v0;
	vm0 =	vnez.u8 v22  }
0x1a2: {  	vm5 =	veq.f32 v48, v6;
	v22 =	vnsel vm0, $0x0, v0;
	vm0 =	vnez.u8 v59  }
0x1a3: {  	v32 =	vsel vm1, $0xFF800000, v2;
	v60 =	vnsel vm0, $0x0, v0;
	vm0 =	vnez.u8 v5  }
0x1a4: {  	v13, _, _ =	vpop (xrf0);
	v43 =	vsel vm2, $0xFF800000, v1;
	v5 =	vnsel vm0, $0x0, v0;
	vm0 =	vnez.u8 v62  }
0x1a5: {  	[tilespmem:s19+$0x8100] =	vst v3;
	v3 =	vbroadcast v13, $0xF;
	v34 =	vnsel vm0, $0x0, v0;
	vm0 =	vnez.u8 v63  }
0x1a6: {  	v38 =	vsel vm3, $0xFF800000, v41;
	v35 =	vnsel vm0, $0x0, v0;
	vm0 =	vge.f32 v14, v8  }
0x1a7: {  	vm8 =	veq.f32 v51, v3;
	v13 =	vnsel vm0, $0x0, v0;
	vm0 =	veq.f32 v45, v25  }
0x1a8: {  	[tilespmem:s19+$0x8110] =	vst v15;
	vm9 =	veq.f32 v52, v3;
	vm1 =	veq.f32 v53, v3;
	v37 =	vsel vm0, $0xFF800000, v45  }
0x1a9: {  	vm10 =	veq.f32 v56, v3;
	v3 =	vmax.f32 v43, v38;
	v14, _, _ =	vpop (xrf0);
	[tilespmem:s21+$0x81B0] =	vst v13;
	v1 =	vmax.f32 v32, v37  }
0x1aa: {  	vm6 =	veq.f32 v49, v6;
	vm7 =	veq.f32 v50, v6;
	v6, _, _ =	vpop (xrf0);
	[tilespmem:s19+$0x8120] =	vst v22;
	v1 =	vmax.f32 v1, v3  }
0x1ab: {  	v42 =	vsel vm4, $0xFF800000, v47;
	v2, _, _ =	vpop (xrf0);
	[tilespmem:s19+$0x8130] =	vst v5;
	s19 =	smov.u32 s20;
	(xrf0) =	vmax.scan.msk.f32 $0xffff, v1;
	v1 =	vbroadcast v14, $0xF  }
0x1ac: {  	v39 =	vsel vm5, $0xFF800000, v48;
	v33 =	vsel vm6, $0xFF800000, v49;
	v36 =	vsel vm1, $0xFF800000, v53;
	[tilespmem:s19+$0x8190] =	vst v34  }
0x1ad: {  	[tilespmem:s19+$0x81A0] =	vst v35;
	v35 =	vsel vm7, $0xFF800000, v50;
	v34 =	vsel vm10, $0xFF800000, v56;
	vm0 =	vge.f32 v31, v1  }
0x1ae: {  	vm1 =	vge.f32 v23, v1;
	vm12 =	vge.f32 v24, v1;
	vm10 =	vge.f32 v17, v1;
	v1 =	vld [tilespmem:$0x1FF90]  }
0x1af: {  	v5 =	vmax.f32 v42, v39;
	v15 =	vmax.f32 v33, v35  }
0x1b0: {  	v5 =	vmax.f32 v5, v15  }
0x1b1: {  	(xrf0) =	vmax.scan.msk.f32 $0xffff, v5;
	v5 =	vbroadcast v6, $0xF;
	_ =	sdelay $0x1  }
0x1b2: {  	v40 =	vsel vm9, $0xFF800000, v52;
	vm9 =	vge.f32 v1, v5;
	v1 =	vmov v18  }
0x1b3: {  	[tilespmem:$0x1FF90] =	vst v1;
	v1 =	vld [tilespmem:$0x1FFA0]  }
0x1b4: {  	s20 =	smov.u32 s21;
	s21 =	sshra.s32 s22, $0x2;
	[tilespmem:s19+$0x8180] =	vst v60  }
0x1b5: {  	v13 =	vld [tilespmem:s21+$0x180]  }
0x1b6: {  	v41 =	vsel vm8, $0xFF800000, v51;
	v25 =	vld [tilespmem:s21+$0x190]  }
0x1b7: {  	v3 =	vmax.f32 v41, v40;
	v22 =	vmax.f32 v36, v34;
	v14 =	vld [tilespmem:s21+$0x1B0]  }
0x1b8: {  	v2 =	vbroadcast v2, $0xF;
	v3 =	vmax.f32 v3, v22;
	vm7 =	vge.f32 v1, v5;
	v1 =	vld [tilespmem:$0x1FFB0]  }
0x1b9: {  	p0 =	sne.s32 s22, $0xF800;
	v22 =	vld [tilespmem:s21+$0x1A0]  }
.Ltmp0:
0x1ba: {  	vm2 =	vge.f32 v30, v8;
	vm3 =	vge.f32 v29, v8;
	vm5 =	vge.f32 v21, v2;
	v15 =	vld [tilespmem:s21+$0x80];
	(pc) =	sbr.rel @p0 .LBB2_2-.Ltmp0, $4  }
0x1bb: {  	vm6 =	vge.f32 v26, v2;
	vm15 =	vge.f32 v27, v2;
	v23 =	vld [tilespmem:s21+$0x0];
	(xrf0) =	vmax.scan.msk.f32 $0xffff, v3;
	v3 =	vmov v19  }
0x1bc: {  	vm4 =	vge.f32 v28, v2;
	v24 =	vld [tilespmem:s21+$0x10];
	v2 =	vmov v20;
	vm11 =	vge.f32 v16, v5;
	[tilespmem:$0x1FFA0] =	vst v3  }
0x1bd: {  	v17 =	vld [tilespmem:s21+$0x20];
	v19 =	vnsel vm1, $0x0, v0;
	[tilespmem:$0x1FFB0] =	vst v2;
	v2 =	vnsel vm0, $0x0, v0;
	vm8 =	vge.f32 v1, v5;
	v1, _, _ =	vpop (xrf0)  }
0x1be: {  	s22 =	sadd.s32 $0x800, s22;
	v16 =	vld [tilespmem:s21+$0x30];
	v20 =	vmax.f32 v13, v25;
	v21 =	vmax.f32 v22, v14;
	[tilespmem:s19+$0x8000] =	vst v2;
	v30 =	vbroadcast v1, $0xF;
	v26, _, _ =	vpop (xrf0)  }
0x1bf: {  	v1 =	vmax.f32 v20, v21;
	v20 =	vld [tilespmem:s21+$0x90];
	[tilespmem:s19+$0x8010] =	vst v19  }
0x1c0: {  	v3 =	vnsel vm12, $0x0, v0;
	v19 =	vld [tilespmem:s21+$0xA0]  }
0x1c1: {  	(xrf0) =	vmax.scan.msk.f32 $0xffff, v1;
	v18 =	vld [tilespmem:s21+$0xB0];
	[tilespmem:s19+$0x8020] =	vst v3  }
0x1c2: {  	v21 =	vld [tilespmem:s21+$0x100]  }
0x1c3: {  	v1 =	vbroadcast v26, $0xF;
	v26 =	vld [tilespmem:s21+$0x110]  }
0x1c4: {  	v27 =	vld [tilespmem:s21+$0x120]  }
0x1c5: {  	v28 =	vld [tilespmem:s21+$0x130]  }
0x1c6: {  	vm0 =	veq.f32 v32, v30;
	v2, _, _ =	vpop (xrf0);
	v5 =	vmax.f32 v23, v24;
	v8 =	vmax.f32 v17, v16  }
0x1c7: {  	vm1 =	veq.f32 v37, v30;
	v29 =	vsel vm0, $0xFF800000, v32;
	v3 =	vmax.f32 v5, v8;
	v6, _, _ =	vpop (xrf0)  }
0x1c8: {  	v5 =	vmax.f32 v15, v20;
	(xrf0) =	vmax.scan.msk.f32 $0xffff, v3;
	v3 =	vmax.f32 v19, v18;
	v6 =	vbroadcast v6, $0xF  }
0x1c9: {  	v37 =	vsel vm1, $0xFF800000, v37;
	v3 =	vmax.f32 v5, v3;
	v54 =	vmax.f32 v21, v26  }
0x1ca: {  	v55 =	vmax.f32 v27, v28;
	vm0 =	veq.f32 v13, v6;
	vm1 =	veq.f32 v25, v6  }
0x1cb: {  	(xrf0) =	vmax.scan.msk.f32 $0xffff, v3;
	v5 =	vsel vm0, $0xFF800000, v13;
	vm0 =	veq.f32 v22, v6;
	v8 =	vsel vm1, $0xFF800000, v25  }
0x1cc: {  	vm1 =	veq.f32 v14, v6;
	v6 =	vsel vm0, $0xFF800000, v22;
	vm0 =	veq.f32 v43, v30  }
0x1cd: {  	v3 =	vsel vm1, $0xFF800000, v14;
	vm1 =	veq.f32 v38, v30;
	v31 =	vmax.f32 v5, v8  }
0x1ce: {  	v52 =	vmax.f32 v6, v3;
	v30 =	vsel vm0, $0xFF800000, v43;
	vm0 =	veq.f32 v42, v1  }
0x1cf: {  	v53, _, _ =	vpop (xrf0);
	v38 =	vsel vm1, $0xFF800000, v38;
	vm1 =	veq.f32 v39, v1;
	v32 =	vmax.f32 v31, v52  }
0x1d0: {  	v44 =	vbroadcast v53, $0xF;
	v31 =	vsel vm0, $0xFF800000, v42;
	vm0 =	veq.f32 v33, v1;
	(xrf0) =	vmax.scan.msk.f32 $0xffff, v32  }
0x1d1: {  	v42 =	vsel vm1, $0xFF800000, v39;
	v56, _, _ =	vpop (xrf0);
	v32 =	vsel vm0, $0xFF800000, v33;
	v33 =	vmax.f32 v54, v55  }
0x1d2: {  	vm0 =	veq.f32 v23, v44;
	vm1 =	veq.f32 v24, v44;
	v39 =	vbroadcast v56, $0xF  }
0x1d3: {  	v45 =	vsel vm0, $0xFF800000, v23;
	vm0 =	veq.f32 v17, v44;
	v46 =	vsel vm1, $0xFF800000, v24  }
0x1d4: {  	vm1 =	veq.f32 v16, v44;
	v44 =	vsel vm0, $0xFF800000, v17;
	vm0 =	veq.f32 v15, v39  }
0x1d5: {  	v47 =	vsel vm1, $0xFF800000, v16;
	vm1 =	veq.f32 v20, v39;
	v58 =	vmax.f32 v45, v46  }
0x1d6: {  	v48 =	vsel vm0, $0xFF800000, v15;
	vm0 =	veq.f32 v19, v39;
	v49 =	vsel vm1, $0xFF800000, v20;
	v57, _, _ =	vpop (xrf0)  }
0x1d7: {  	vm1 =	veq.f32 v18, v39;
	v59 =	vmax.f32 v44, v47;
	v43 =	vbroadcast v57, $0xF  }
0x1d8: {  	(xrf0) =	vmax.scan.msk.f32 $0xffff, v33;
	v50 =	vsel vm0, $0xFF800000, v19;
	vm0 =	veq.f32 v35, v1;
	v33 =	vmax.f32 v58, v59  }
0x1d9: {  	v1 =	vsel vm1, $0xFF800000, v18;
	v51 =	vmax.f32 v48, v49;
	(xrf0) =	vmax.scan.msk.f32 $0xffff, v33;
	vm1 =	veq.f32 v5, v43  }
0x1da: {  	v60 =	vmax.f32 v50, v1;
	v5 =	vsel vm1, $0xFF800000, v5;
	vm1 =	veq.f32 v8, v43  }
0x1db: {  	v39 =	vmax.f32 v51, v60;
	v8 =	vsel vm1, $0xFF800000, v8;
	vm1 =	veq.f32 v6, v43  }
0x1dc: {  	(xrf0) =	vmax.scan.msk.f32 $0xffff, v39;
	v6 =	vsel vm1, $0xFF800000, v6;
	vm1 =	veq.f32 v3, v43  }
0x1dd: {  	v3 =	vsel vm1, $0xFF800000, v3  }
0x1de: {  	v2 =	vbroadcast v2, $0xF;
	v61, _, _ =	vpop (xrf0);
	v62 =	vmax.f32 v5, v8;
	v63 =	vmax.f32 v6, v3  }
0x1df: {  	v52 =	vbroadcast v61, $0xF;
	v58, _, _ =	vpop (xrf0);
	v43 =	vsel vm0, $0xFF800000, v35;
	v56 =	vmax.f32 v62, v63  }
0x1e0: {  	vm0 =	veq.f32 v40, v2;
	v53 =	vbroadcast v58, $0xF;
	vm1 =	veq.f32 v41, v2;
	(xrf0) =	vmax.scan.msk.f32 $0xffff, v56  }
0x1e1: {  	v39 =	vsel vm0, $0xFF800000, v40;
	vm0 =	veq.f32 v21, v52;
	v33 =	vsel vm1, $0xFF800000, v41  }
0x1e2: {  	v55, _, _ =	vpop (xrf0);
	vm1 =	veq.f32 v26, v52;
	v40 =	vsel vm0, $0xFF800000, v21;
	vm0 =	veq.f32 v27, v52  }
0x1e3: {  	v59 =	vbroadcast v55, $0xF;
	v57 =	vsel vm0, $0xFF800000, v27;
	vm0 =	veq.f32 v28, v52  }
0x1e4: {  	v41 =	vsel vm1, $0xFF800000, v26;
	vm1 =	veq.f32 v36, v2;
	v52 =	vsel vm0, $0xFF800000, v28  }
0x1e5: {  	vm0 =	veq.f32 v34, v2;
	v2 =	vmax.f32 v40, v41;
	v54 =	vmax.f32 v57, v52  }
0x1e6: {  	v35 =	vsel vm1, $0xFF800000, v36;
	vm1 =	veq.f32 v46, v53;
	v2 =	vmax.f32 v2, v54;
	v60, _, _ =	vpop (xrf0)  }
0x1e7: {  	v34 =	vsel vm0, $0xFF800000, v34;
	vm0 =	veq.f32 v45, v53;
	(xrf0) =	vmax.scan.msk.f32 $0xffff, v2;
	v2 =	vbroadcast v60, $0xF  }
0x1e8: {  	v46 =	vsel vm1, $0xFF800000, v46;
	v45 =	vsel vm0, $0xFF800000, v45;
	vm0 =	veq.f32 v44, v53  }
0x1e9: {  	vm1 =	veq.f32 v47, v53;
	v44 =	vsel vm0, $0xFF800000, v44;
	vm0 =	veq.f32 v5, v2  }
0x1ea: {  	v47 =	vsel vm1, $0xFF800000, v47;
	vm1 =	veq.f32 v8, v2;
	v5 =	vsel vm0, $0xFF800000, v5  }
0x1eb: {  	vm0 =	veq.f32 v6, v2;
	v8 =	vsel vm1, $0xFF800000, v8;
	vm1 =	veq.f32 v3, v2  }
0x1ec: {  	v56 =	vmax.f32 v30, v38;
	v2 =	vsel vm0, $0xFF800000, v6;
	v3 =	vsel vm1, $0xFF800000, v3  }
0x1ed: {  	v63 =	vmax.f32 v45, v46;
	v61 =	vmax.f32 v5, v8;
	v62 =	vmax.f32 v2, v3  }
0x1ee: {  	vm0 =	veq.f32 v48, v59;
	vm1 =	veq.f32 v49, v59;
	v6, _, _ =	vpop (xrf0);
	v53 =	vmax.f32 v61, v62  }
0x1ef: {  	v48 =	vsel vm0, $0xFF800000, v48;
	v6 =	vbroadcast v6, $0xF;
	vm0 =	veq.f32 v50, v59;
	(xrf0) =	vmax.scan.msk.f32 $0xffff, v53  }
0x1f0: {  	v49 =	vsel vm1, $0xFF800000, v49;
	vm1 =	veq.f32 v1, v59;
	v36 =	vsel vm0, $0xFF800000, v50  }
0x1f1: {  	v1 =	vsel vm1, $0xFF800000, v1;
	vm0 =	veq.f32 v40, v6;
	vm1 =	veq.f32 v41, v6  }
0x1f2: {  	v58 =	vmax.f32 v36, v1;
	v40 =	vsel vm0, $0xFF800000, v40;
	vm0 =	veq.f32 v57, v6  }
0x1f3: {  	v41 =	vsel vm1, $0xFF800000, v41;
	vm1 =	veq.f32 v52, v6;
	v6 =	vmax.f32 v44, v47  }
0x1f4: {  	v51 =	vsel vm0, $0xFF800000, v57;
	v52 =	vsel vm1, $0xFF800000, v52;
	v57 =	vmax.f32 v48, v49  }
0x1f5: {  	v59 =	vmax.f32 v40, v41;
	v6 =	vmax.f32 v63, v6;
	v63 =	vmax.f32 v29, v37;
	v62, _, _ =	vpop (xrf0)  }
0x1f6: {  	v60 =	vmax.f32 v57, v58;
	v61 =	vmax.f32 v51, v52;
	v54 =	vbroadcast v62, $0xF  }
0x1f7: {  	v57 =	vmax.f32 v31, v42;
	v58 =	vmax.f32 v32, v43;
	(xrf0) =	vmax.scan.msk.f32 $0xffff, v6;
	v6 =	vmax.f32 v33, v39  }
0x1f8: {  	v55 =	vmax.f32 v63, v56;
	v56 =	vmax.f32 v35, v34;
	vm0 =	veq.f32 v5, v54  }
0x1f9: {  	v53 =	vmax.f32 v59, v61;
	(xrf0) =	vmax.scan.msk.f32 $0xffff, v60;
	vm1 =	veq.f32 v8, v54;
	v5 =	vsel vm0, $0xFF800000, v5  }
0x1fa: {  	(xrf0) =	vmax.scan.msk.f32 $0xffff, v53;
	vm0 =	veq.f32 v2, v54;
	v8 =	vsel vm1, $0xFF800000, v8;
	vm1 =	veq.f32 v3, v54  }
0x1fb: {  	v58 =	vmax.f32 v57, v58;
	(xrf0) =	vmax.scan.msk.f32 $0xffff, v55;
	v2 =	vsel vm0, $0xFF800000, v2;
	v3 =	vsel vm1, $0xFF800000, v3  }
0x1fc: {  	v6 =	vmax.f32 v6, v56;
	(xrf0) =	vmax.scan.msk.f32 $0xffff, v58;
	v59 =	vmax.f32 v5, v8;
	v60 =	vmax.f32 v2, v3  }
0x1fd: {  	(xrf0) =	vmax.scan.msk.f32 $0xffff, v6;
	v6 =	vmax.f32 v59, v60;
	_ =	sdelay $0x1  }
0x1fe: {  	v61, _, _ =	vpop (xrf0);
	(xrf0) =	vmax.scan.msk.f32 $0xffff, v6  }
0x1ff: {  	v6, _, _ =	vpop (xrf0)  }
0x200: {  	v62, _, _ =	vpop (xrf0)  }
0x201: {  	v54, _, _ =	vpop (xrf0)  }
0x202: {  	v50 =	vbroadcast v61, $0xF;
	v55, _, _ =	vpop (xrf0)  }
0x203: {  	v56, _, _ =	vpop (xrf0)  }
0x204: {  	vm0 =	veq.f32 v45, v50;
	v63, _, _ =	vpop (xrf0)  }
0x205: {  	vm1 =	veq.f32 v46, v50;
	v45 =	vsel vm0, $0xFF800000, v45;
	v57 =	vbroadcast v63, $0xF  }
0x206: {  	v46 =	vsel vm1, $0xFF800000, v46;
	v6 =	vbroadcast v6, $0xF;
	v53 =	vbroadcast v62, $0xF  }
0x207: {  	v62 =	vmax.f32 v45, v46;
	vm0 =	veq.f32 v5, v57;
	vm1 =	veq.f32 v8, v57  }
0x208: {  	v5 =	vsel vm0, $0xFF800000, v5;
	vm0 =	veq.f32 v2, v57;
	v8 =	vsel vm1, $0xFF800000, v8  }
0x209: {  	vm1 =	veq.f32 v3, v57;
	v2 =	vsel vm0, $0xFF800000, v2;
	vm0 =	veq.f32 v44, v50  }
0x20a: {  	v3 =	vsel vm1, $0xFF800000, v3;
	vm1 =	veq.f32 v47, v50;
	v60 =	vmax.f32 v5, v8  }
0x20b: {  	v61 =	vmax.f32 v2, v3;
	v44 =	vsel vm0, $0xFF800000, v44;
	vm0 =	veq.f32 v48, v6  }
0x20c: {  	v47 =	vsel vm1, $0xFF800000, v47;
	vm1 =	veq.f32 v49, v6;
	v50 =	vmax.f32 v60, v61  }
0x20d: {  	v48 =	vsel vm0, $0xFF800000, v48;
	vm0 =	veq.f32 v36, v6;
	v49 =	vsel vm1, $0xFF800000, v49  }
0x20e: {  	vm1 =	veq.f32 v1, v6;
	v63 =	vmax.f32 v44, v47;
	(xrf0) =	vmax.scan.msk.f32 $0xffff, v50;
	v6 =	vsel vm0, $0xFF800000, v36  }
0x20f: {  	vm0 =	veq.f32 v40, v53;
	v1 =	vsel vm1, $0xFF800000, v1;
	vm1 =	veq.f32 v41, v53  }
0x210: {  	v36 =	vsel vm0, $0xFF800000, v40;
	v40 =	vsel vm1, $0xFF800000, v41;
	v41 =	vmax.f32 v62, v63  }
0x211: {  	v60 =	vmax.f32 v48, v49;
	v61 =	vmax.f32 v6, v1;
	(xrf0) =	vmax.scan.msk.f32 $0xffff, v41  }
0x212: {  	vm0 =	veq.f32 v51, v53;
	vm1 =	veq.f32 v52, v53;
	v53 =	vmax.f32 v60, v61  }
0x213: {  	(xrf0) =	vmax.scan.msk.f32 $0xffff, v53  }
0x214: {  	v54 =	vbroadcast v54, $0xF;
	v62, _, _ =	vpop (xrf0)  }
0x215: {  	v50 =	vsel vm0, $0xFF800000, v51;
	v51 =	vsel vm1, $0xFF800000, v52;
	v52 =	vbroadcast v62, $0xF  }
0x216: {  	v55 =	vbroadcast v55, $0xF;
	v63 =	vmax.f32 v36, v40;
	v59 =	vmax.f32 v50, v51  }
0x217: {  	v53 =	vbroadcast v56, $0xF;
	v41 =	vmax.f32 v63, v59;
	v60, _, _ =	vpop (xrf0);
	vm0 =	veq.f32 v5, v52  }
0x218: {  	(xrf0) =	vmax.scan.msk.f32 $0xffff, v41;
	vm1 =	veq.f32 v8, v52;
	v41 =	vbroadcast v60, $0xF;
	v5 =	vsel vm0, $0xFF800000, v5  }
0x219: {  	v63, _, _ =	vpop (xrf0);
	vm0 =	veq.f32 v2, v52;
	v8 =	vsel vm1, $0xFF800000, v8;
	vm1 =	veq.f32 v3, v52  }
0x21a: {  	v60 =	vbroadcast v63, $0xF;
	v2 =	vsel vm0, $0xFF800000, v2;
	vm0 =	veq.f32 v37, v54  }
0x21b: {  	v3 =	vsel vm1, $0xFF800000, v3;
	vm1 =	veq.f32 v38, v54;
	v61 =	vmax.f32 v5, v8  }
0x21c: {  	v37 =	vsel vm0, $0xFF800000, v37;
	v62 =	vmax.f32 v2, v3;
	vm0 =	veq.f32 v42, v55  }
0x21d: {  	v38 =	vsel vm1, $0xFF800000, v38;
	vm1 =	veq.f32 v43, v55;
	v52 =	vmax.f32 v61, v62  }
0x21e: {  	v42 =	vsel vm0, $0xFF800000, v42;
	v43 =	vsel vm1, $0xFF800000, v43;
	vm0 =	veq.f32 v45, v41;
	(xrf0) =	vmax.scan.msk.f32 $0xffff, v52  }
0x21f: {  	vm1 =	veq.f32 v46, v41;
	v58 =	vmax.f32 v29, v37;
	v59 =	vmax.f32 v30, v38  }
0x220: {  	v61, _, _ =	vpop (xrf0);
	v45 =	vsel vm0, $0xFF800000, v45;
	vm0 =	veq.f32 v44, v41;
	v46 =	vsel vm1, $0xFF800000, v46  }
0x221: {  	vm1 =	veq.f32 v47, v41;
	v56 =	vbroadcast v61, $0xF;
	v41 =	vsel vm0, $0xFF800000, v44  }
0x222: {  	vm0 =	veq.f32 v48, v60;
	v44 =	vsel vm1, $0xFF800000, v47;
	vm1 =	veq.f32 v49, v60  }
0x223: {  	v47 =	vsel vm0, $0xFF800000, v48;
	vm0 =	veq.f32 v6, v60;
	v48 =	vsel vm1, $0xFF800000, v49  }
0x224: {  	vm1 =	veq.f32 v1, v60;
	v63 =	vmax.f32 v41, v44;
	v60 =	vmax.f32 v32, v43;
	v62, _, _ =	vpop (xrf0)  }
0x225: {  	v6 =	vsel vm0, $0xFF800000, v6;
	vm0 =	veq.f32 v36, v56;
	v49 =	vbroadcast v62, $0xF  }
0x226: {  	v1 =	vsel vm1, $0xFF800000, v1;
	v36 =	vsel vm0, $0xFF800000, v36;
	vm0 =	veq.f32 v50, v56  }
0x227: {  	vm1 =	veq.f32 v40, v56;
	v50 =	vsel vm0, $0xFF800000, v50;
	vm0 =	veq.f32 v8, v49  }
0x228: {  	v40 =	vsel vm1, $0xFF800000, v40;
	v8 =	vsel vm0, $0xFF800000, v8;
	vm0 =	veq.f32 v3, v49  }
0x229: {  	v3 =	vsel vm0, $0xFF800000, v3;
	vm0 =	veq.f32 v5, v49;
	v5 =	vmax.f32 v5, v8  }
0x22a: {  	v5 =	vsel vm0, v8, v5;
	vm0 =	veq.f32 v2, v49;
	v2 =	vmax.f32 v2, v3  }
0x22b: {  	vm1 =	veq.f32 v39, v53;
	v2 =	vsel vm0, v3, v2;
	vm0 =	veq.f32 v51, v56  }
0x22c: {  	v3 =	vmax.f32 v45, v46;
	v56 =	vmax.f32 v6, v1;
	v2 =	vmax.f32 v5, v2  }
0x22d: {  	v8 =	vsel vm0, $0xFF800000, v51;
	v5 =	vmax.f32 v47, v48;
	v3 =	vmax.f32 v3, v63;
	(xrf0) =	vmax.scan.msk.f32 $0xffff, v2  }
0x22e: {  	v2 =	vmax.f32 v36, v40;
	v57 =	vmax.f32 v50, v8;
	v5 =	vmax.f32 v5, v56;
	(xrf0) =	vmax.scan.msk.f32 $0xffff, v3  }
0x22f: {  	vm0 =	veq.f32 v34, v53;
	v51 =	vnsel vm3, $0x0, v0;
	v2 =	vmax.f32 v2, v57;
	(xrf0) =	vmax.scan.msk.f32 $0xffff, v5  }
0x230: {  	v3 =	vsel vm1, $0xFF800000, v39;
	vm1 =	veq.f32 v30, v54;
	v5 =	vsel vm0, $0xFF800000, v34;
	(xrf0) =	vmax.scan.msk.f32 $0xffff, v2  }
0x231: {  	v61 =	vmax.f32 v33, v3;
	vm0 =	veq.f32 v29, v54;
	v30 =	vsel vm1, v38, v59  }
0x232: {  	vm1 =	veq.f32 v32, v55;
	v2 =	vmax.f32 v31, v42;
	v62 =	vmax.f32 v35, v5  }
0x233: {  	v29 =	vsel vm0, v37, v58;
	vm0 =	veq.f32 v31, v55;
	v49 =	vsel vm1, v43, v60;
	v63, _, _ =	vpop (xrf0)  }
0x234: {  	vm1 =	veq.f32 v35, v53;
	v2 =	vsel vm0, v42, v2;
	vm0 =	veq.f32 v33, v53;
	v42, _, _ =	vpop (xrf0)  }
0x235: {  	v5 =	vsel vm1, v5, v62;
	v3 =	vsel vm0, v3, v61;
	v32 =	vbroadcast v42, $0xF;
	v54, _, _ =	vpop (xrf0)  }
0x236: {  	v29 =	vmax.f32 v29, v30;
	v2 =	vmax.f32 v2, v49;
	v3 =	vmax.f32 v3, v5;
	v55, _, _ =	vpop (xrf0)  }
0x237: {  	v34 =	vbroadcast v54, $0xF;
	vm0 =	veq.f32 v45, v32;
	v35 =	vbroadcast v55, $0xF  }
0x238: {  	vm1 =	veq.f32 v46, v32;
	v37 =	vsel vm0, $0xFF800000, v45;
	vm0 =	veq.f32 v41, v32  }
0x239: {  	v38 =	vsel vm1, $0xFF800000, v46;
	vm1 =	veq.f32 v44, v32;
	v32 =	vsel vm0, $0xFF800000, v41  }
0x23a: {  	(xrf0) =	vmax.scan.msk.f32 $0xffff, v29;
	vm0 =	veq.f32 v47, v34;
	v56 =	vsel vm1, $0xFF800000, v44;
	vm1 =	veq.f32 v48, v34  }
0x23b: {  	(xrf0) =	vmax.scan.msk.f32 $0xffff, v2;
	v2 =	vmax.f32 v37, v38;
	v41 =	vsel vm0, $0xFF800000, v47;
	vm0 =	veq.f32 v6, v34  }
0x23c: {  	v42 =	vsel vm1, $0xFF800000, v48;
	vm1 =	veq.f32 v1, v34;
	v29 =	vmax.f32 v32, v56  }
0x23d: {  	v6 =	vsel vm0, $0xFF800000, v6;
	v1 =	vsel vm1, $0xFF800000, v1;
	vm0 =	veq.f32 v36, v35  }
0x23e: {  	(xrf0) =	vmax.scan.msk.f32 $0xffff, v3;
	v3 =	vmax.f32 v41, v42;
	v2 =	vmax.f32 v2, v29;
	v57 =	vmax.f32 v6, v1  }
0x23f: {  	v30 =	vsel vm0, $0xFF800000, v36;
	vm0 =	veq.f32 v40, v35;
	(xrf0) =	vmax.scan.msk.f32 $0xffff, v2;
	v3 =	vmax.f32 v3, v57  }
0x240: {  	v59 =	vnsel vm9, $0x0, v0;
	v33 =	vsel vm0, $0xFF800000, v40;
	vm0 =	veq.f32 v50, v35;
	(xrf0) =	vmax.scan.msk.f32 $0xffff, v3  }
0x241: {  	v60 =	vnsel vm7, $0x0, v0;
	v5 =	vsel vm0, $0xFF800000, v50;
	vm0 =	veq.f32 v8, v35  }
0x242: {  	v31 =	vnsel vm14, $0x0, v0;
	v61 =	vnsel vm8, $0x0, v0;
	v34, _, _ =	vpop (xrf0);
	v8 =	vsel vm0, $0xFF800000, v8  }
0x243: {  	v45 =	vnsel vm6, $0x0, v0;
	v43, _, _ =	vpop (xrf0);
	v29 =	vmax.f32 v30, v33;
	v58 =	vmax.f32 v5, v8  }
0x244: {  	v44 =	vnsel vm5, $0x0, v0;
	v48 =	vnsel vm4, $0x0, v0;
	v47, _, _ =	vpop (xrf0);
	v2 =	vmax.f32 v29, v58  }
0x245: {  	v34 =	vbroadcast v34, $0xF;
	v3 =	vnsel vm11, $0x0, v0;
	v29 =	vbroadcast v63, $0xF;
	(xrf0) =	vmax.scan.msk.f32 $0xffff, v2;
	v62, _, _ =	vpop (xrf0)  }
0x246: {  	v50 =	vnsel vm2, $0x0, v0;
	v2 =	vnsel vm10, $0x0, v0;
	v49 =	vbroadcast v62, $0xF;
	v63, _, _ =	vpop (xrf0)  }
0x247: {  	vm0 =	vge.f32 v13, v29;
	vm1 =	vge.f32 v14, v29;
	v13 =	vbroadcast v63, $0xF  }
0x248: {  	vm2 =	veq.f32 v37, v49;
	vm4 =	veq.f32 v32, v49;
	vm5 =	veq.f32 v56, v49  }
0x249: {  	[tilespmem:s19+$0x8030] =	vst v2;
	vm3 =	veq.f32 v38, v49;
	v2 =	vsel vm4, $0xFF800000, v32;
	v56 =	vsel vm5, $0xFF800000, v56  }
0x24a: {  	vm6 =	veq.f32 v41, v13;
	vm7 =	veq.f32 v42, v13;
	vm8 =	veq.f32 v6, v13  }
0x24b: {  	vm9 =	veq.f32 v1, v13;
	v14, _, _ =	vpop (xrf0);
	v6 =	vsel vm8, $0xFF800000, v6;
	vm8 =	vge.f32 v4, v34;
	v4 =	vld [tilespmem:$0x1FF90]  }
0x24c: {  	[tilespmem:s19+$0x8090] =	vst v59;
	v13 =	vsel vm2, $0xFF800000, v37;
	v59 =	vmax.f32 v2, v56;
	v14 =	vbroadcast v14, $0xF  }
0x24d: {  	v57 =	vsel vm6, $0xFF800000, v41;
	v41 =	vnsel vm1, $0x0, v0;
	vm1 =	vge.f32 v25, v29  }
0x24e: {  	[tilespmem:s19+$0x8100] =	vst v44;
	v44 =	vld [tilespmem:$0x1FF70];
	v25 =	vbroadcast v43, $0xF;
	vm10 =	veq.f32 v30, v14;
	vm11 =	veq.f32 v33, v14  }
0x24f: {  	[tilespmem:s19+$0x80A0] =	vst v60;
	vm2 =	veq.f32 v5, v14;
	vm12 =	veq.f32 v8, v14;
	v14 =	vsel vm3, $0xFF800000, v38  }
0x250: {  	[tilespmem:s19+$0x80B0] =	vst v61;
	v30 =	vsel vm10, $0xFF800000, v30;
	v58 =	vmax.f32 v13, v14;
	vm10 =	vge.f32 v4, v25;
	v4 =	vld [tilespmem:$0x1FFA0]  }
0x251: {  	[tilespmem:s19+$0x8080] =	vst v3;
	v3 =	vsel vm7, $0xFF800000, v42;
	v1 =	vsel vm9, $0xFF800000, v1;
	v35 =	vmax.f32 v58, v59  }
0x252: {  	v46 =	vnsel vm15, $0x0, v0;
	v43 =	vld [tilespmem:$0x1FF60];
	v60 =	vmax.f32 v57, v3;
	v61 =	vmax.f32 v6, v1;
	(xrf0) =	vmax.scan.msk.f32 $0xffff, v35  }
0x253: {  	v42 =	vbroadcast v47, $0xF;
	vm6 =	vge.f32 v44, v34;
	v47 =	vld [tilespmem:$0x1FF80];
	v38 =	vmax.f32 v60, v61  }
0x254: {  	[tilespmem:s19+$0x8110] =	vst v45;
	v33 =	vsel vm11, $0xFF800000, v33;
	v5 =	vsel vm2, $0xFF800000, v5;
	v8 =	vsel vm12, $0xFF800000, v8  }
0x255: {  	v62 =	vmax.f32 v30, v33;
	v63 =	vmax.f32 v5, v8;
	(xrf0) =	vmax.scan.msk.f32 $0xffff, v38;
	vm11 =	vge.f32 v4, v25;
	v4 =	vld [tilespmem:$0x1FFB0]  }
0x256: {  	[tilespmem:s21+$0x81B0] =	vst v41;
	vm9 =	vge.f32 v7, v25;
	vm4 =	vge.f32 v10, v42;
	v36 =	vmax.f32 v62, v63  }
0x257: {  	vm5 =	vge.f32 v9, v42;
	v9 =	vnsel vm6, $0x0, v0;
	vm2 =	vge.f32 v12, v42;
	(xrf0) =	vmax.scan.msk.f32 $0xffff, v36  }
0x258: {  	[tilespmem:s19+$0x8120] =	vst v46;
	v12 =	vnsel vm8, $0x0, v0;
	vm3 =	vge.f32 v43, v34;
	vm7 =	vge.f32 v47, v34;
	v7, _, _ =	vpop (xrf0)  }
0x259: {  	[tilespmem:s19+$0x8130] =	vst v48;
	v10 =	vnsel vm7, $0x0, v0;
	v49 =	vnsel vm10, $0x0, v0;
	v7 =	vbroadcast v7, $0xF  }
0x25a: {  	[tilespmem:s20+$0x8190] =	vst v50;
	v50 =	vnsel vm11, $0x0, v0;
	vm12 =	vge.f32 v4, v25;
	v4 =	vnsel vm3, $0x0, v0  }
0x25b: {  	[tilespmem:s20+$0x81A0] =	vst v51;
	vm3 =	vge.f32 v11, v42;
	v11, _, _ =	vpop (xrf0);
	v25 =	vnsel vm9, $0x0, v0;
	vm6 =	veq.f32 v14, v7  }
0x25c: {  	[tilespmem:s20+$0x8010] =	vst v9;
	vm7 =	veq.f32 v56, v7;
	vm9 =	veq.f32 v2, v7;
	v11 =	vbroadcast v11, $0xF  }
0x25d: {  	v48, _, _ =	vpop (xrf0);
	v51 =	vnsel vm12, $0x0, v0;
	[tilespmem:s20+$0x8000] =	vst v4;
	v4 =	vsel vm6, $0xFF800000, v14;
	v9 =	vsel vm7, $0xFF800000, v56  }
0x25e: {  	[tilespmem:s20+$0x8180] =	vst v31;
	vm7 =	veq.f32 v13, v7;
	v31 =	vbroadcast v48, $0xF;
	v14 =	vmax.f32 v13, v4  }
0x25f: {  	[tilespmem:s20+$0x8020] =	vst v10;
	v10 =	vmax.f32 v2, v9;
	vm8 =	veq.f32 v3, v11;
	vm6 =	veq.f32 v1, v11  }
0x260: {  	[tilespmem:s20+$0x8030] =	vst v12;
	v2 =	vsel vm7, v4, v14;
	v4 =	vsel vm9, v9, v10;
	vm10 =	veq.f32 v33, v31  }
0x261: {  	[tilespmem:s20+$0x8090] =	vst v49;
	vm7 =	veq.f32 v8, v31;
	v3 =	vsel vm8, $0xFF800000, v3;
	v2 =	vmax.f32 v2, v4  }
0x262: {  	v1 =	vsel vm6, $0xFF800000, v1;
	vm6 =	veq.f32 v57, v11;
	vm8 =	veq.f32 v6, v11;
	(xrf0) =	vmax.scan.msk.f32 $0xffff, v2  }
0x263: {  	[tilespmem:s20+$0x80A0] =	vst v50;
	v4 =	vsel vm10, $0xFF800000, v33;
	v7 =	vmax.f32 v57, v3;
	v2 =	vmax.f32 v6, v1  }
0x264: {  	[tilespmem:s20+$0x8080] =	vst v25;
	v6 =	vsel vm7, $0xFF800000, v8;
	v3 =	vsel vm6, v3, v7;
	v1 =	vsel vm8, v1, v2  }
0x265: {  	[tilespmem:s20+$0x80B0] =	vst v51;
	v8 =	vnsel vm5, $0x0, v0;
	vm5 =	veq.f32 v5, v31;
	v1 =	vmax.f32 v3, v1  }
0x266: {  	v2 =	vmax.f32 v30, v4;
	[tilespmem:s20+$0x8110] =	vst v8;
	v3 =	vnsel vm4, $0x0, v0;
	(xrf0) =	vmax.scan.msk.f32 $0xffff, v1  }
0x267: {  	v7 =	vmax.f32 v5, v6;
	vm4 =	veq.f32 v30, v31;
	[tilespmem:s20+$0x8100] =	vst v3;
	v1 =	vnsel vm2, $0x0, v0  }
0x268: {  	v2 =	vsel vm4, v4, v2;
	v3 =	vsel vm5, v6, v7;
	v4 =	vnsel vm3, $0x0, v0;
	[tilespmem:s20+$0x8120] =	vst v1;
	v5, _, _ =	vpop (xrf0)  }
0x269: {  	v1 =	vmax.f32 v2, v3;
	v2 =	vnsel vm0, $0x0, v0;
	[tilespmem:s20+$0x8130] =	vst v4;
	v3 =	vbroadcast v5, $0xF  }
0x26a: {  	vm0 =	vge.f32 v22, v29;
	v4 =	vnsel vm1, $0x0, v0;
	(xrf0) =	vmax.scan.msk.f32 $0xffff, v1;
	[tilespmem:s21+$0x8180] =	vst v2  }
0x26b: {  	v1 =	vnsel vm0, $0x0, v0;
	[tilespmem:s21+$0x8190] =	vst v4;
	vm0 =	vge.f32 v23, v3  }
0x26c: {  	[tilespmem:s21+$0x81A0] =	vst v1;
	v2, _, _ =	vpop (xrf0);
	vm1 =	vge.f32 v24, v3;
	v1 =	vnsel vm0, $0x0, v0  }
0x26d: {  	v2 =	vbroadcast v2, $0xF;
	vm0 =	vge.f32 v17, v3;
	v4 =	vnsel vm1, $0x0, v0;
	[tilespmem:s21+$0x8000] =	vst v1  }
0x26e: {  	vm1 =	vge.f32 v16, v3;
	[tilespmem:s21+$0x8010] =	vst v4;
	v1 =	vnsel vm0, $0x0, v0  }
0x26f: {  	vm0 =	vge.f32 v15, v2;
	[tilespmem:s21+$0x8020] =	vst v1;
	v1 =	vnsel vm1, $0x0, v0  }
0x270: {  	v3, _, _ =	vpop (xrf0);
	vm1 =	vge.f32 v20, v2;
	v4 =	vnsel vm0, $0x0, v0;
	[tilespmem:s21+$0x8030] =	vst v1  }
0x271: {  	v1 =	vbroadcast v3, $0xF;
	vm0 =	vge.f32 v19, v2;
	v3 =	vnsel vm1, $0x0, v0;
	[tilespmem:s21+$0x8080] =	vst v4  }
0x272: {  	vm1 =	vge.f32 v18, v2;
	[tilespmem:s21+$0x8090] =	vst v3;
	v2 =	vnsel vm0, $0x0, v0  }
0x273: {  	v3 =	vnsel vm1, $0x0, v0;
	vm0 =	vge.f32 v21, v1;
	[tilespmem:s21+$0x80A0] =	vst v2  }
0x274: {  	vm1 =	vge.f32 v26, v1;
	[tilespmem:s21+$0x80B0] =	vst v3;
	v2 =	vnsel vm0, $0x0, v0  }
0x275: {  	vm0 =	vge.f32 v27, v1;
	v3 =	vnsel vm1, $0x0, v0;
	[tilespmem:s21+$0x8100] =	vst v2  }
0x276: {  	vm1 =	vge.f32 v28, v1;
	v1 =	vnsel vm0, $0x0, v0;
	[tilespmem:s21+$0x8110] =	vst v3  }
0x277: {  	v2 =	vnsel vm1, $0x0, v0;
	[tilespmem:s21+$0x8120] =	vst v1  }
0x278: {  	s31 =	simm.s32 $0x0;
	[tilespmem:s21+$0x8130] =	vst v2  }
0x279: {  	[hbm4b:s6+s31] =	stream.linear.scatter [tilespmem:s13], [sflag:$0x3], $0x4000, $0x38;
	[tilespmem:$0x10080] =	vst v63  }
0x27a: {  	_ =	swait.ge [sflag:s14], $0x4000  }
0x27b: {  	[sflag:s14] =	ssyncset.done $0x0  }
0x27c: {  	s19 =	simm.s32 $0x0;
	[sflag:s14] =	ssyncadd.s32 $0xFFFFC000  }
0x27d: {  	v27 =	vld [tilespmem:s19+$0x4180]  }
0x27e: {  	v26 =	vld [tilespmem:s19+$0x4190]  }
0x27f: {  	v25 =	vld [tilespmem:s19+$0x41A0]  }
0x280: {  	v1 =	vld [tilespmem:s19+$0x41B0]  }
0x281: {  	v24 =	vld [tilespmem:s19+$0x4000]  }
0x282: {  	v23 =	vld [tilespmem:s19+$0x4010]  }
0x283: {  	v22 =	vld [tilespmem:s19+$0x4020]  }
0x284: {  	v16 =	vld [tilespmem:s19+$0x4030]  }
0x285: {  	v13 =	vld [tilespmem:s19+$0x4080]  }
0x286: {  	v10 =	vld [tilespmem:s19+$0x4090];
	v2 =	vmax.f32 v27, v26;
	v3 =	vmax.f32 v25, v1  }
0x287: {  	v12 =	vld [tilespmem:s19+$0x40A0];
	v2 =	vmax.f32 v2, v3  }
0x288: {  	v11 =	vld [tilespmem:s19+$0x40B0];
	(xrf0) =	vmax.scan.msk.f32 $0xffff, v2;
	_ =	sdelay $0x2  }
0x289: {  	v3 =	vmax.f32 v22, v16;
	v2 =	vmax.f32 v24, v23  }
0x28a: {  	v2 =	vmax.f32 v2, v3  }
0x28b: {  	v3 =	vmax.f32 v13, v10;
	(xrf0) =	vmax.scan.msk.f32 $0xffff, v2;
	v2 =	vmax.f32 v12, v11  }
0x28c: {  	v2 =	vmax.f32 v3, v2;
	v4, _, _ =	vpop (xrf0)  }
0x28d: {  	(xrf0) =	vmax.scan.msk.f32 $0xffff, v2;
	v3 =	vbroadcast v4, $0xF;
	_ =	sdelay $0x1  }
0x28e: {  	v18 =	vld [tilespmem:s19+$0x4100];
	vm0 =	veq.f32 v27, v3;
	vm1 =	veq.f32 v26, v3  }
0x28f: {  	v19 =	vld [tilespmem:s19+$0x4110];
	vm2 =	veq.f32 v1, v3;
	v2 =	vsel vm0, $0xFF800000, v27;
	vm0 =	veq.f32 v25, v3  }
0x290: {  	v21 =	vld [tilespmem:s19+$0x4120];
	v6, _, _ =	vpop (xrf0);
	v3 =	vsel vm1, $0xFF800000, v26;
	v5 =	vsel vm2, $0xFF800000, v1;
	v4 =	vsel vm0, $0xFF800000, v25  }
0x291: {  	v20 =	vld [tilespmem:s19+$0x4130];
	v6 =	vbroadcast v6, $0xF;
	v7 =	vmax.f32 v2, v3;
	v8 =	vmax.f32 v4, v5  }
0x292: {  	v9, _, _ =	vpop (xrf0);
	v7 =	vmax.f32 v7, v8  }
0x293: {  	vm0 =	veq.f32 v24, v6;
	v9 =	vbroadcast v9, $0xF;
	(xrf0) =	vmax.scan.msk.f32 $0xffff, v7  }
0x294: {  	v14 =	vmovc v10;
	vm1 =	veq.f32 v23, v6;
	vm2 =	veq.f32 v16, v6;
	v8 =	vmax.f32 v18, v19  }
0x295: {  	v15 =	vmovc v12;
	vm3 =	veq.f32 v13, v9;
	vm4 =	veq.f32 v10, v9;
	vm5 =	veq.f32 v12, v9  }
0x296: {  	[tilespmem:$0x1FEC0] =	vst v12;
	v7 =	vmax.f32 v21, v20;
	v12 =	vsel vm4, $0xFF800000, v14;
	v52 =	vsel vm5, $0xFF800000, v15  }
0x297: {  	[tilespmem:$0x1FEA0] =	vst v13;
	v7 =	vmax.f32 v8, v7;
	v8 =	vsel vm0, $0xFF800000, v24;
	vm0 =	veq.f32 v22, v6  }
0x298: {  	v17 =	vmovc v13;
	[tilespmem:$0x1FEB0] =	vst v10;
	v13 =	vmovc v11;
	v6 =	vsel vm1, $0xFF800000, v23;
	v10 =	vsel vm0, $0xFF800000, v22;
	vm0 =	veq.f32 v11, v9  }
0x299: {  	[tilespmem:$0x1FED0] =	vst v11;
	v9 =	vsel vm2, $0xFF800000, v16;
	v11 =	vsel vm3, $0xFF800000, v17;
	v28 =	vmax.f32 v8, v6;
	v29, _, _ =	vpop (xrf0)  }
0x29a: {  	(xrf0) =	vmax.scan.msk.f32 $0xffff, v7;
	v53 =	vmax.f32 v10, v9;
	v7 =	vsel vm0, $0xFF800000, v13;
	v29 =	vbroadcast v29, $0xF  }
0x29b: {  	v54 =	vmax.f32 v11, v12;
	v28 =	vmax.f32 v28, v53;
	v55 =	vmax.f32 v52, v7  }
0x29c: {  	vm0 =	veq.f32 v2, v29;
	vm1 =	veq.f32 v3, v29;
	vm2 =	veq.f32 v5, v29  }
0x29d: {  	(xrf0) =	vmax.scan.msk.f32 $0xffff, v28;
	v2 =	vsel vm0, $0xFF800000, v2;
	vm0 =	veq.f32 v4, v29;
	v3 =	vsel vm1, $0xFF800000, v3  }
0x29e: {  	v5 =	vsel vm2, $0xFF800000, v5;
	v29 =	vmax.f32 v54, v55;
	v4 =	vsel vm0, $0xFF800000, v4  }
0x29f: {  	v28 =	vmax.f32 v2, v3;
	v56 =	vmax.f32 v4, v5  }
0x2a0: {  	(xrf0) =	vmax.scan.msk.f32 $0xffff, v29;
	v28 =	vmax.f32 v28, v56  }
0x2a1: {  	v29, _, _ =	vpop (xrf0);
	(xrf0) =	vmax.scan.msk.f32 $0xffff, v28;
	_ =	sdelay $0x1  }
0x2a2: {  	v28 =	vbroadcast v29, $0xF;
	v57, _, _ =	vpop (xrf0)  }
0x2a3: {  	v31 =	vbroadcast v57, $0xF  }
0x2a4: {  	vm0 =	veq.f32 v18, v28;
	vm1 =	veq.f32 v19, v28;
	vm2 =	veq.f32 v21, v28  }
0x2a5: {  	v29 =	vsel vm0, $0xFF800000, v18;
	v58 =	vsel vm1, $0xFF800000, v19;
	vm0 =	veq.f32 v20, v28;
	v59, _, _ =	vpop (xrf0)  }
0x2a6: {  	v28 =	vsel vm2, $0xFF800000, v21;
	vm1 =	veq.f32 v6, v31;
	vm2 =	veq.f32 v10, v31;
	v62, _, _ =	vpop (xrf0)  }
0x2a7: {  	v60 =	vsel vm0, $0xFF800000, v20;
	v61 =	vmax.f32 v29, v58;
	v36 =	vbroadcast v62, $0xF  }
0x2a8: {  	v33 =	vbroadcast v59, $0xF;
	vm0 =	veq.f32 v8, v31;
	v63 =	vmax.f32 v28, v60  }
0x2a9: {  	v35 =	vmax.f32 v61, v63;
	vm3 =	veq.f32 v2, v36;
	vm4 =	veq.f32 v3, v36  }
0x2aa: {  	(xrf0) =	vmax.scan.msk.f32 $0xffff, v35;
	vm5 =	veq.f32 v5, v36;
	v2 =	vsel vm3, $0xFF800000, v2;
	vm3 =	veq.f32 v4, v36  }
0x2ab: {  	v3 =	vsel vm4, $0xFF800000, v3;
	v5 =	vsel vm5, $0xFF800000, v5;
	v4 =	vsel vm3, $0xFF800000, v4  }
0x2ac: {  	v6 =	vsel vm1, $0xFF800000, v6;
	v37 =	vmax.f32 v2, v3;
	v38 =	vmax.f32 v4, v5  }
0x2ad: {  	v10 =	vsel vm2, $0xFF800000, v10;
	vm3 =	veq.f32 v9, v31;
	v31 =	vmax.f32 v37, v38  }
0x2ae: {  	v8 =	vsel vm0, $0xFF800000, v8;
	vm0 =	veq.f32 v52, v33;
	vm6 =	veq.f32 v7, v33;
	(xrf0) =	vmax.scan.msk.f32 $0xffff, v31  }
0x2af: {  	v40 =	vmax.f32 v8, v6;
	v30 =	vsel vm0, $0xFF800000, v52;
	vm4 =	veq.f32 v11, v33  }
0x2b0: {  	v7 =	vsel vm6, $0xFF800000, v7;
	vm5 =	veq.f32 v12, v33;
	v11 =	vsel vm4, $0xFF800000, v11;
	v39, _, _ =	vpop (xrf0)  }
0x2b1: {  	v12 =	vsel vm5, $0xFF800000, v12;
	v9 =	vsel vm3, $0xFF800000, v9;
	v31 =	vbroadcast v39, $0xF  }
0x2b2: {  	v44 =	vmax.f32 v30, v7;
	v43 =	vmax.f32 v11, v12;
	v41 =	vmax.f32 v10, v9  }
0x2b3: {  	v46 =	vmax.f32 v43, v44;
	vm0 =	veq.f32 v29, v31;
	vm1 =	veq.f32 v58, v31  }
0x2b4: {  	vm2 =	veq.f32 v28, v31;
	v29 =	vsel vm0, $0xFF800000, v29;
	v32 =	vsel vm1, $0xFF800000, v58;
	v42, _, _ =	vpop (xrf0)  }
0x2b5: {  	vm0 =	veq.f32 v60, v31;
	v28 =	vsel vm2, $0xFF800000, v28;
	v35 =	vbroadcast v42, $0xF  }
0x2b6: {  	v31 =	vmax.f32 v40, v41;
	v34 =	vsel vm0, $0xFF800000, v60;
	v45 =	vmax.f32 v29, v32  }
0x2b7: {  	v47 =	vmax.f32 v28, v34;
	vm0 =	veq.f32 v2, v35;
	vm1 =	veq.f32 v3, v35  }
0x2b8: {  	vm2 =	veq.f32 v5, v35;
	v2 =	vsel vm0, $0xFF800000, v2;
	vm0 =	veq.f32 v4, v35  }
0x2b9: {  	(xrf0) =	vmax.scan.msk.f32 $0xffff, v31;
	v3 =	vsel vm1, $0xFF800000, v3;
	v5 =	vsel vm2, $0xFF800000, v5;
	v4 =	vsel vm0, $0xFF800000, v4  }
0x2ba: {  	(xrf0) =	vmax.scan.msk.f32 $0xffff, v46;
	v48 =	vmax.f32 v45, v47;
	v49 =	vmax.f32 v2, v3;
	v50 =	vmax.f32 v4, v5  }
0x2bb: {  	(xrf0) =	vmax.scan.msk.f32 $0xffff, v48;
	v51 =	vmax.f32 v49, v50  }
0x2bc: {  	(xrf0) =	vmax.scan.msk.f32 $0xffff, v51;
	_ =	sdelay $0x2  }
0x2bd: {  	v52, _, _ =	vpop (xrf0)  }
0x2be: {  	v31 =	vbroadcast v52, $0xF;
	v53, _, _ =	vpop (xrf0)  }
0x2bf: {  	v54, _, _ =	vpop (xrf0)  }
0x2c0: {  	v33 =	vbroadcast v53, $0xF;
	vm0 =	veq.f32 v8, v31;
	v55, _, _ =	vpop (xrf0)  }
0x2c1: {  	vm1 =	veq.f32 v6, v31;
	vm2 =	veq.f32 v10, v31;
	v36 =	vbroadcast v55, $0xF  }
0x2c2: {  	vm3 =	veq.f32 v9, v31;
	v35 =	vbroadcast v54, $0xF;
	vm4 =	veq.f32 v11, v33  }
0x2c3: {  	vm5 =	veq.f32 v12, v33;
	vm6 =	veq.f32 v2, v36;
	vm7 =	veq.f32 v3, v36  }
0x2c4: {  	vm8 =	veq.f32 v5, v36;
	v2 =	vsel vm6, $0xFF800000, v2;
	vm6 =	veq.f32 v4, v36  }
0x2c5: {  	v3 =	vsel vm7, $0xFF800000, v3;
	v5 =	vsel vm8, $0xFF800000, v5;
	v4 =	vsel vm6, $0xFF800000, v4  }
0x2c6: {  	v8 =	vsel vm0, $0xFF800000, v8;
	v56 =	vmax.f32 v2, v3;
	v57 =	vmax.f32 v4, v5  }
0x2c7: {  	v6 =	vsel vm1, $0xFF800000, v6;
	v10 =	vsel vm2, $0xFF800000, v10;
	v31 =	vmax.f32 v56, v57  }
0x2c8: {  	v9 =	vsel vm3, $0xFF800000, v9;
	v11 =	vsel vm4, $0xFF800000, v11;
	v12 =	vsel vm5, $0xFF800000, v12;
	(xrf0) =	vmax.scan.msk.f32 $0xffff, v31  }
0x2c9: {  	v59 =	vmax.f32 v8, v6;
	v61 =	vmax.f32 v10, v9;
	vm9 =	veq.f32 v32, v35  }
0x2ca: {  	vm10 =	veq.f32 v28, v35;
	vm0 =	veq.f32 v34, v35;
	v62 =	vmax.f32 v11, v12  }
0x2cb: {  	v58 =	vsel vm9, $0xFF800000, v32;
	v28 =	vsel vm10, $0xFF800000, v28;
	v60 =	vsel vm0, $0xFF800000, v34  }
0x2cc: {  	v32 =	vmax.f32 v59, v61;
	vm7 =	veq.f32 v7, v33;
	vm6 =	veq.f32 v30, v33  }
0x2cd: {  	vm8 =	veq.f32 v29, v35;
	v7 =	vsel vm7, $0xFF800000, v7;
	v30 =	vsel vm6, $0xFF800000, v30  }
0x2ce: {  	v42 =	vmax.f32 v28, v60;
	v29 =	vsel vm8, $0xFF800000, v29;
	v63 =	vmax.f32 v30, v7;
	v41, _, _ =	vpop (xrf0)  }
0x2cf: {  	v40 =	vmax.f32 v29, v58;
	v35 =	vmax.f32 v62, v63;
	(xrf0) =	vmax.scan.msk.f32 $0xffff, v32;
	v43 =	vbroadcast v41, $0xF  }
0x2d0: {  	v44 =	vmax.f32 v40, v42;
	(xrf0) =	vmax.scan.msk.f32 $0xffff, v35  }
0x2d1: {  	(xrf0) =	vmax.scan.msk.f32 $0xffff, v44;
	vm0 =	veq.f32 v2, v43;
	vm1 =	veq.f32 v3, v43  }
0x2d2: {  	vm2 =	veq.f32 v5, v43;
	v2 =	vsel vm0, $0xFF800000, v2;
	vm0 =	veq.f32 v4, v43  }
0x2d3: {  	v3 =	vsel vm1, $0xFF800000, v3;
	v5 =	vsel vm2, $0xFF800000, v5;
	v4 =	vsel vm0, $0xFF800000, v4  }
0x2d4: {  	v45 =	vmax.f32 v2, v3;
	v46 =	vmax.f32 v4, v5  }
0x2d5: {  	v47, _, _ =	vpop (xrf0);
	v32 =	vmax.f32 v45, v46  }
0x2d6: {  	v48 =	vbroadcast v47, $0xF;
	v49, _, _ =	vpop (xrf0);
	(xrf0) =	vmax.scan.msk.f32 $0xffff, v32  }
0x2d7: {  	v50 =	vbroadcast v49, $0xF;
	v51, _, _ =	vpop (xrf0)  }
0x2d8: {  	v35 =	vbroadcast v51, $0xF;
	vm1 =	veq.f32 v6, v48;
	vm2 =	veq.f32 v10, v48  }
0x2d9: {  	vm3 =	veq.f32 v9, v48;
	vm0 =	veq.f32 v8, v48;
	vm4 =	veq.f32 v11, v50  }
0x2da: {  	vm5 =	veq.f32 v12, v50;
	vm6 =	veq.f32 v30, v50;
	vm7 =	veq.f32 v7, v50  }
0x2db: {  	v6 =	vsel vm1, $0xFF800000, v6;
	v10 =	vsel vm2, $0xFF800000, v10;
	v9 =	vsel vm3, $0xFF800000, v9  }
0x2dc: {  	vm8 =	veq.f32 v29, v35;
	vm9 =	veq.f32 v58, v35;
	vm10 =	veq.f32 v28, v35;
	v52, _, _ =	vpop (xrf0)  }
0x2dd: {  	v8 =	vsel vm0, $0xFF800000, v8;
	vm0 =	veq.f32 v60, v35;
	v32 =	vbroadcast v52, $0xF  }
0x2de: {  	v11 =	vsel vm4, $0xFF800000, v11;
	v12 =	vsel vm5, $0xFF800000, v12;
	v30 =	vsel vm6, $0xFF800000, v30  }
0x2df: {  	v7 =	vsel vm7, $0xFF800000, v7;
	vm1 =	veq.f32 v3, v32;
	vm2 =	veq.f32 v5, v32  }
0x2e0: {  	vm3 =	veq.f32 v2, v32;
	v3 =	vsel vm1, $0xFF800000, v3;
	v5 =	vsel vm2, $0xFF800000, v5  }
0x2e1: {  	vm1 =	veq.f32 v4, v32;
	v2 =	vmax.f32 v2, v3;
	v4 =	vmax.f32 v4, v5  }
0x2e2: {  	v29 =	vsel vm8, $0xFF800000, v29;
	v2 =	vsel vm3, v3, v2;
	v3 =	vsel vm1, v5, v4  }
0x2e3: {  	v4 =	vmax.f32 v8, v6;
	v5 =	vmax.f32 v10, v9;
	v2 =	vmax.f32 v2, v3  }
0x2e4: {  	v28 =	vsel vm10, $0xFF800000, v28;
	v53 =	vmax.f32 v30, v7;
	v4 =	vmax.f32 v4, v5;
	(xrf0) =	vmax.scan.msk.f32 $0xffff, v2  }
0x2e5: {  	v3 =	vsel vm9, $0xFF800000, v58;
	v5 =	vmax.f32 v11, v12;
	v2 =	vsel vm0, $0xFF800000, v60;
	(xrf0) =	vmax.scan.msk.f32 $0xffff, v4  }
0x2e6: {  	v5 =	vmax.f32 v5, v53;
	v4 =	vmax.f32 v29, v3;
	v54 =	vmax.f32 v28, v2  }
0x2e7: {  	v4 =	vmax.f32 v4, v54;
	(xrf0) =	vmax.scan.msk.f32 $0xffff, v5  }
0x2e8: {  	(xrf0) =	vmax.scan.msk.f32 $0xffff, v4;
	_ =	sdelay $0x1  }
0x2e9: {  	v4, _, _ =	vpop (xrf0)  }
0x2ea: {  	v5, _, _ =	vpop (xrf0)  }
0x2eb: {  	v32 =	vbroadcast v4, $0xF;
	v4 =	vbroadcast v5, $0xF  }
0x2ec: {  	v5, _, _ =	vpop (xrf0)  }
0x2ed: {  	v5 =	vbroadcast v5, $0xF;
	vm0 =	vge.f32 v1, v32;
	v1, _, _ =	vpop (xrf0);
	vm1 =	veq.f32 v8, v4  }
0x2ee: {  	v1 =	vbroadcast v1, $0xF;
	v55 =	vnsel vm0, $0x0, v0;
	vm0 =	veq.f32 v6, v4  }
0x2ef: {  	vm2 =	veq.f32 v10, v4;
	vm3 =	veq.f32 v9, v4;
	vm4 =	veq.f32 v11, v5  }
0x2f0: {  	vm5 =	veq.f32 v12, v5;
	vm6 =	veq.f32 v30, v5;
	vm7 =	veq.f32 v7, v5  }
0x2f1: {  	v56 =	vsel vm1, $0xFF800000, v8;
	v34 =	vsel vm0, $0xFF800000, v6;
	v35 =	vsel vm2, $0xFF800000, v10  }
0x2f2: {  	v36 =	vsel vm3, $0xFF800000, v9;
	vm8 =	veq.f32 v29, v1;
	vm9 =	veq.f32 v3, v1  }
0x2f3: {  	s20 =	simm.s32 $0x200;
	[tilespmem:s19+$0xC1B0] =	vst v55;
	vm1 =	veq.f32 v28, v1;
	vm10 =	veq.f32 v2, v1;
	v41 =	vsel vm4, $0xFF800000, v11  }
0x2f4: {  	v42 =	vsel vm5, $0xFF800000, v12;
	v43 =	vsel vm6, $0xFF800000, v30;
	v44 =	vsel vm7, $0xFF800000, v7;
	v30 =	vld [tilespmem:s20+$0x4180]  }
0x2f5: {  	v1 =	vmax.f32 v56, v34;
	v31 =	vld [tilespmem:s20+$0x41B0];
	v40 =	vsel vm10, $0xFF800000, v2;
	v2 =	vmax.f32 v35, v36  }
0x2f6: {  	v37 =	vsel vm8, $0xFF800000, v29;
	v38 =	vsel vm9, $0xFF800000, v3;
	v29 =	vld [tilespmem:s20+$0x4190];
	v1 =	vmax.f32 v1, v2  }
0x2f7: {  	v39 =	vsel vm1, $0xFF800000, v28;
	v28 =	vld [tilespmem:s20+$0x41A0];
	v3 =	vmax.f32 v41, v42;
	v4 =	vmax.f32 v43, v44;
	(xrf0) =	vmax.scan.msk.f32 $0xffff, v1  }
0x2f8: {  	v12 =	vld [tilespmem:s20+$0x4000];
	v2 =	vmax.f32 v37, v38;
	v5 =	vmax.f32 v39, v40;
	v3 =	vmax.f32 v3, v4  }
0x2f9: {  	v8 =	vld [tilespmem:s20+$0x4010];
	v1 =	vmax.f32 v2, v5;
	(xrf0) =	vmax.scan.msk.f32 $0xffff, v3  }
0x2fa: {  	v7 =	vld [tilespmem:s20+$0x4020];
	(xrf0) =	vmax.scan.msk.f32 $0xffff, v1  }
0x2fb: {  	v9 =	vld [tilespmem:s20+$0x4030]  }
0x2fc: {  	v5 =	vld [tilespmem:s20+$0x40B0];
	v2 =	vmax.f32 v30, v29;
	v3 =	vmax.f32 v28, v31  }
0x2fd: {  	v3 =	vmax.f32 v2, v3;
	v2 =	vld [tilespmem:s20+$0x40A0];
	v4, _, _ =	vpop (xrf0)  }
0x2fe: {  	v10 =	vld [tilespmem:s20+$0x4080];
	(xrf0) =	vmax.scan.msk.f32 $0xffff, v3;
	v3 =	vbroadcast v4, $0xF  }
0x2ff: {  	v1 =	vld [tilespmem:s20+$0x4090];
	v4, _, _ =	vpop (xrf0)  }
0x300: {  	v11 =	vmax.f32 v12, v8;
	v4 =	vbroadcast v4, $0xF;
	v6, _, _ =	vpop (xrf0);
	vm6 =	veq.f32 v56, v3  }
0x301: {  	v57 =	vbroadcast v6, $0xF;
	vm10 =	veq.f32 v34, v3;
	vm8 =	veq.f32 v35, v3  }
0x302: {  	v6 =	vmax.f32 v7, v9;
	vm9 =	veq.f32 v36, v3;
	v58 =	vmax.f32 v2, v5  }
0x303: {  	vm0 =	veq.f32 v41, v4;
	v3 =	vmax.f32 v11, v6;
	vm1 =	veq.f32 v42, v4  }
0x304: {  	v6 =	vmax.f32 v10, v1;
	vm4 =	veq.f32 v43, v4;
	vm5 =	veq.f32 v44, v4;
	v4 =	vld [tilespmem:s20+$0x4130];
	(xrf0) =	vmax.scan.msk.f32 $0xffff, v3;
	v59, _, _ =	vpop (xrf0)  }
0x305: {  	v46 =	vmax.f32 v6, v58;
	v6 =	vld [tilespmem:s20+$0x4120];
	v47 =	vbroadcast v59, $0xF  }
0x306: {  	v11 =	vld [tilespmem:s20+$0x4100];
	v33 =	vsel vm6, $0xFF800000, v56;
	v34 =	vsel vm10, $0xFF800000, v34;
	(xrf0) =	vmax.scan.msk.f32 $0xffff, v46  }
0x307: {  	v3 =	vld [tilespmem:s20+$0x4110];
	vm2 =	veq.f32 v37, v57;
	vm3 =	veq.f32 v38, v57;
	vm6 =	veq.f32 v30, v47  }
0x308: {  	vm7 =	veq.f32 v29, v47;
	vm11 =	veq.f32 v31, v47;
	v46 =	vsel vm6, $0xFF800000, v30  }
0x309: {  	vm6 =	veq.f32 v28, v47;
	v47 =	vsel vm7, $0xFF800000, v29;
	v49 =	vsel vm11, $0xFF800000, v31  }
0x30a: {  	vm7 =	veq.f32 v40, v57;
	v58 =	vmax.f32 v6, v4;
	v48 =	vsel vm6, $0xFF800000, v28;
	v60, _, _ =	vpop (xrf0)  }
0x30b: {  	v61 =	vmax.f32 v46, v47;
	v62 =	vmax.f32 v48, v49;
	v63 =	vbroadcast v60, $0xF  }
0x30c: {  	vm6 =	veq.f32 v39, v57;
	v57 =	vmax.f32 v11, v3;
	v59, _, _ =	vpop (xrf0);
	v56 =	vmax.f32 v61, v62  }
0x30d: {  	v60 =	vmax.f32 v57, v58;
	v61 =	vbroadcast v59, $0xF;
	(xrf0) =	vmax.scan.msk.f32 $0xffff, v56;
	vm10 =	veq.f32 v12, v63  }
0x30e: {  	vm11 =	veq.f32 v8, v63;
	vm12 =	veq.f32 v9, v63;
	v52 =	vsel vm10, $0xFF800000, v12  }
0x30f: {  	vm10 =	veq.f32 v7, v63;
	v45 =	vsel vm11, $0xFF800000, v8;
	vm11 =	veq.f32 v10, v61;
	(xrf0) =	vmax.scan.msk.f32 $0xffff, v60  }
0x310: {  	v54 =	vsel vm12, $0xFF800000, v9;
	v53 =	vsel vm10, $0xFF800000, v7;
	vm10 =	veq.f32 v1, v61  }
0x311: {  	vm12 =	veq.f32 v2, v61;
	v50 =	vsel vm11, $0xFF800000, v10;
	v51 =	vsel vm10, $0xFF800000, v1  }
0x312: {  	vm11 =	veq.f32 v5, v61;
	v55 =	vmax.f32 v52, v45;
	v60 =	vmax.f32 v50, v51  }
0x313: {  	v56 =	vsel vm12, $0xFF800000, v2;
	v58 =	vsel vm11, $0xFF800000, v5;
	v59 =	vmax.f32 v53, v54;
	v62, _, _ =	vpop (xrf0)  }
0x314: {  	v55 =	vmax.f32 v55, v59;
	v63 =	vmax.f32 v56, v58;
	v57 =	vbroadcast v62, $0xF  }
0x315: {  	v35 =	vsel vm8, $0xFF800000, v35;
	v36 =	vsel vm9, $0xFF800000, v36;
	v59 =	vmax.f32 v60, v63;
	(xrf0) =	vmax.scan.msk.f32 $0xffff, v55;
	v60, _, _ =	vpop (xrf0)  }
0x316: {  	v55 =	vbroadcast v60, $0xF;
	vm10 =	veq.f32 v46, v57;
	vm11 =	veq.f32 v47, v57  }
0x317: {  	(xrf0) =	vmax.scan.msk.f32 $0xffff, v59;
	vm12 =	veq.f32 v49, v57;
	v46 =	vsel vm10, $0xFF800000, v46;
	vm10 =	veq.f32 v48, v57  }
0x318: {  	v47 =	vsel vm11, $0xFF800000, v47;
	v49 =	vsel vm12, $0xFF800000, v49;
	v48 =	vsel vm10, $0xFF800000, v48  }
0x319: {  	vm8 =	veq.f32 v11, v55;
	v61 =	vmax.f32 v46, v47;
	v62 =	vmax.f32 v48, v49  }
0x31a: {  	vm9 =	veq.f32 v3, v55;
	vm10 =	veq.f32 v6, v55;
	v57 =	vmax.f32 v61, v62  }
0x31b: {  	v59 =	vsel vm9, $0xFF800000, v3;
	(xrf0) =	vmax.scan.msk.f32 $0xffff, v57;
	v57 =	vsel vm8, $0xFF800000, v11;
	vm8 =	veq.f32 v4, v55;
	v55, _, _ =	vpop (xrf0)  }
0x31c: {  	v60 =	vsel vm10, $0xFF800000, v6;
	v61 =	vsel vm8, $0xFF800000, v4;
	v55 =	vbroadcast v55, $0xF  }
0x31d: {  	v14 =	vmax.f32 v33, v34;
	v62, _, _ =	vpop (xrf0);
	v63 =	vmax.f32 v57, v59;
	v13 =	vmax.f32 v60, v61  }
0x31e: {  	v62 =	vbroadcast v62, $0xF;
	v13 =	vmax.f32 v63, v13;
	vm8 =	veq.f32 v52, v55  }
0x31f: {  	vm9 =	veq.f32 v45, v55;
	vm10 =	veq.f32 v53, v55;
	vm11 =	veq.f32 v54, v55  }
0x320: {  	vm12 =	veq.f32 v50, v62;
	v15 =	vsel vm8, $0xFF800000, v52;
	vm8 =	veq.f32 v51, v62  }
0x321: {  	(xrf0) =	vmax.scan.msk.f32 $0xffff, v13;
	v55 =	vsel vm9, $0xFF800000, v45;
	vm9 =	veq.f32 v56, v62;
	v53 =	vsel vm10, $0xFF800000, v53;
	v63, _, _ =	vpop (xrf0)  }
0x322: {  	vm10 =	veq.f32 v58, v62;
	v52 =	vsel vm11, $0xFF800000, v54;
	v63 =	vbroadcast v63, $0xF  }
0x323: {  	v13 =	vmax.f32 v35, v36;
	v50 =	vsel vm12, $0xFF800000, v50;
	v51 =	vsel vm8, $0xFF800000, v51  }
0x324: {  	v54 =	vsel vm9, $0xFF800000, v56;
	vm8 =	veq.f32 v46, v63;
	vm9 =	veq.f32 v47, v63  }
0x325: {  	vm11 =	veq.f32 v49, v63;
	v56 =	vsel vm8, $0xFF800000, v46;
	vm8 =	veq.f32 v48, v63  }
0x326: {  	v47 =	vsel vm9, $0xFF800000, v47;
	v49 =	vsel vm11, $0xFF800000, v49;
	v48 =	vsel vm8, $0xFF800000, v48  }
0x327: {  	v58 =	vsel vm10, $0xFF800000, v58;
	v63, _, _ =	vpop (xrf0);
	v46 =	vmax.f32 v56, v47;
	v62 =	vmax.f32 v48, v49  }
0x328: {  	v14 =	vmax.f32 v14, v13;
	v45 =	vbroadcast v63, $0xF;
	v46 =	vmax.f32 v46, v62  }
0x329: {  	v13 =	vsel vm0, $0xFF800000, v41;
	v41 =	vsel vm4, $0xFF800000, v43;
	v63 =	vmax.f32 v15, v55;
	(xrf0) =	vmax.scan.msk.f32 $0xffff, v46  }
0x32a: {  	v62 =	vmax.f32 v54, v58;
	vm8 =	veq.f32 v57, v45;
	vm9 =	veq.f32 v59, v45  }
0x32b: {  	vm10 =	veq.f32 v60, v45;
	v46 =	vmax.f32 v50, v51;
	v57 =	vsel vm8, $0xFF800000, v57  }
0x32c: {  	v59 =	vsel vm9, $0xFF800000, v59;
	vm8 =	veq.f32 v61, v45;
	v45 =	vmax.f32 v53, v52  }
0x32d: {  	v60 =	vsel vm10, $0xFF800000, v60;
	v62 =	vmax.f32 v46, v62;
	v61 =	vsel vm8, $0xFF800000, v61  }
0x32e: {  	v63 =	vmax.f32 v63, v45;
	v45 =	vmax.f32 v57, v59;
	v46 =	vmax.f32 v60, v61  }
0x32f: {  	v45 =	vmax.f32 v45, v46;
	v46 =	vsel vm1, $0xFF800000, v42;
	v42 =	vsel vm5, $0xFF800000, v44;
	v43, _, _ =	vpop (xrf0)  }
0x330: {  	v17 =	vmax.f32 v41, v42;
	v44 =	vbroadcast v43, $0xF;
	v43 =	vmax.f32 v13, v46  }
0x331: {  	v37 =	vsel vm2, $0xFF800000, v37;
	v17 =	vmax.f32 v43, v17  }
0x332: {  	(xrf0) =	vmax.scan.msk.f32 $0xffff, v63;
	v43 =	vsel vm3, $0xFF800000, v38;
	v38 =	vsel vm6, $0xFF800000, v39;
	v39 =	vsel vm7, $0xFF800000, v40  }
0x333: {  	(xrf0) =	vmax.scan.msk.f32 $0xffff, v62;
	vm0 =	veq.f32 v56, v44;
	vm1 =	veq.f32 v47, v44;
	vm2 =	veq.f32 v48, v44  }
0x334: {  	(xrf0) =	vmax.scan.msk.f32 $0xffff, v45;
	v62 =	vmax.f32 v37, v43;
	vm3 =	veq.f32 v49, v44;
	v45 =	vsel vm0, $0xFF800000, v56  }
0x335: {  	(xrf0) =	vmax.scan.msk.f32 $0xffff, v14;
	v14 =	vsel vm1, $0xFF800000, v47;
	v47 =	vsel vm2, $0xFF800000, v48;
	v48 =	vsel vm3, $0xFF800000, v49  }
0x336: {  	v63 =	vmax.f32 v38, v39;
	(xrf0) =	vmax.scan.msk.f32 $0xffff, v17;
	v17 =	vmax.f32 v45, v14;
	v56 =	vmax.f32 v47, v48  }
0x337: {  	v40 =	vmax.f32 v62, v63;
	v17 =	vmax.f32 v17, v56  }
0x338: {  	(xrf0) =	vmax.scan.msk.f32 $0xffff, v40  }
0x339: {  	v62, _, _ =	vpop (xrf0);
	(xrf0) =	vmax.scan.msk.f32 $0xffff, v17  }
0x33a: {  	v17, _, _ =	vpop (xrf0)  }
0x33b: {  	v40 =	vbroadcast v62, $0xF;
	v44, _, _ =	vpop (xrf0)  }
0x33c: {  	v49, _, _ =	vpop (xrf0)  }
0x33d: {  	vm0 =	veq.f32 v15, v40;
	v17 =	vbroadcast v17, $0xF;
	v56, _, _ =	vpop (xrf0)  }
0x33e: {  	vm1 =	veq.f32 v55, v40;
	vm2 =	veq.f32 v53, v40;
	vm3 =	veq.f32 v52, v40;
	v62, _, _ =	vpop (xrf0)  }
0x33f: {  	vm4 =	veq.f32 v50, v17;
	vm5 =	veq.f32 v51, v17;
	vm6 =	veq.f32 v54, v17;
	v63, _, _ =	vpop (xrf0)  }
0x340: {  	vm7 =	veq.f32 v58, v17;
	v17 =	vbroadcast v44, $0xF;
	v40 =	vbroadcast v63, $0xF  }
0x341: {  	v15 =	vsel vm0, $0xFF800000, v15  }
0x342: {  	vm12 =	veq.f32 v57, v17;
	vm8 =	veq.f32 v45, v40;
	vm9 =	veq.f32 v14, v40  }
0x343: {  	vm10 =	veq.f32 v47, v40;
	vm11 =	veq.f32 v48, v40;
	v40 =	vsel vm8, $0xFF800000, v45  }
0x344: {  	v14 =	vsel vm9, $0xFF800000, v14;
	v44 =	vsel vm10, $0xFF800000, v47;
	v45 =	vsel vm11, $0xFF800000, v48  }
0x345: {  	vm8 =	veq.f32 v59, v17;
	v63 =	vmax.f32 v40, v14;
	v48 =	vmax.f32 v44, v45  }
0x346: {  	vm9 =	veq.f32 v60, v17;
	vm10 =	veq.f32 v61, v17;
	v17 =	vmax.f32 v63, v48  }
0x347: {  	v50 =	vsel vm4, $0xFF800000, v50;
	v51 =	vsel vm5, $0xFF800000, v51;
	v47 =	vsel vm1, $0xFF800000, v55;
	(xrf0) =	vmax.scan.msk.f32 $0xffff, v17  }
0x348: {  	v48 =	vsel vm2, $0xFF800000, v53;
	v53 =	vsel vm7, $0xFF800000, v58;
	v17 =	vsel vm3, $0xFF800000, v52  }
0x349: {  	v52 =	vsel vm6, $0xFF800000, v54;
	v54 =	vmax.f32 v15, v47;
	v55 =	vmax.f32 v48, v17  }
0x34a: {  	v58 =	vmax.f32 v50, v51;
	v63 =	vmax.f32 v52, v53;
	v54 =	vmax.f32 v54, v55  }
0x34b: {  	v57 =	vsel vm12, $0xFF800000, v57;
	v63 =	vmax.f32 v58, v63;
	(xrf0) =	vmax.scan.msk.f32 $0xffff, v54  }
0x34c: {  	v58 =	vsel vm9, $0xFF800000, v60;
	v54 =	vsel vm8, $0xFF800000, v59;
	v59 =	vsel vm10, $0xFF800000, v61  }
0x34d: {  	v55 =	vmax.f32 v57, v54;
	v60 =	vmax.f32 v58, v59;
	v61, _, _ =	vpop (xrf0)  }
0x34e: {  	v55 =	vmax.f32 v55, v60;
	v60 =	vbroadcast v61, $0xF  }
0x34f: {  	vm1 =	vge.f32 v26, v32;
	vm2 =	vge.f32 v27, v32;
	(xrf0) =	vmax.scan.msk.f32 $0xffff, v63  }
0x350: {  	vm0 =	veq.f32 v40, v60;
	vm3 =	veq.f32 v14, v60;
	vm4 =	veq.f32 v45, v60  }
0x351: {  	v27, _, _ =	vpop (xrf0);
	v26 =	vsel vm0, $0xFF800000, v40;
	vm0 =	veq.f32 v44, v60;
	v14 =	vsel vm3, $0xFF800000, v14  }
0x352: {  	(xrf0) =	vmax.scan.msk.f32 $0xffff, v55;
	v27 =	vbroadcast v27, $0xF;
	v40 =	vsel vm0, $0xFF800000, v44;
	v44 =	vsel vm4, $0xFF800000, v45  }
0x353: {  	vm3 =	vge.f32 v25, v32;
	v55 =	vmax.f32 v26, v14;
	v60 =	vmax.f32 v40, v44  }
0x354: {  	vm0 =	veq.f32 v15, v27;
	vm4 =	veq.f32 v47, v27;
	vm5 =	veq.f32 v48, v27  }
0x355: {  	v45, _, _ =	vpop (xrf0);
	vm6 =	veq.f32 v17, v27;
	v27 =	vbroadcast v49, $0xF;
	v25 =	vmax.f32 v55, v60  }
0x356: {  	v55 =	vbroadcast v45, $0xF;
	v15 =	vsel vm0, $0xFF800000, v15;
	v45 =	vsel vm4, $0xFF800000, v47  }
0x357: {  	v17 =	vsel vm6, $0xFF800000, v17;
	(xrf0) =	vmax.scan.msk.f32 $0xffff, v25;
	v61 =	vmax.f32 v15, v45  }
0x358: {  	vm6 =	veq.f32 v35, v27;
	vm7 =	veq.f32 v50, v55;
	vm8 =	veq.f32 v51, v55;
	v25, _, _ =	vpop (xrf0)  }
0x359: {  	vm9 =	veq.f32 v52, v55;
	vm10 =	veq.f32 v53, v55;
	v25 =	vbroadcast v25, $0xF  }
0x35a: {  	v47 =	vsel vm7, $0xFF800000, v50;
	v49 =	vsel vm9, $0xFF800000, v52;
	v50 =	vsel vm10, $0xFF800000, v53  }
0x35b: {  	vm11 =	veq.f32 v57, v25;
	vm12 =	veq.f32 v54, v25;
	vm0 =	veq.f32 v58, v25  }
0x35c: {  	vm4 =	veq.f32 v59, v25;
	v25 =	vsel vm5, $0xFF800000, v48;
	v48 =	vsel vm8, $0xFF800000, v51  }
0x35d: {  	v60, _, _ =	vpop (xrf0);
	v51 =	vsel vm11, $0xFF800000, v57;
	v52 =	vsel vm12, $0xFF800000, v54;
	v53 =	vsel vm0, $0xFF800000, v58  }
0x35e: {  	v55 =	vsel vm4, $0xFF800000, v59;
	v63 =	vmax.f32 v25, v17;
	v32 =	vbroadcast v60, $0xF  }
0x35f: {  	v57 =	vmax.f32 v49, v50;
	v58 =	vmax.f32 v51, v52;
	v59 =	vmax.f32 v53, v55  }
0x360: {  	v60 =	vmax.f32 v58, v59;
	vm0 =	veq.f32 v14, v32;
	vm4 =	veq.f32 v44, v32  }
0x361: {  	vm5 =	veq.f32 v26, v32;
	v14 =	vsel vm0, $0xFF800000, v14;
	vm0 =	veq.f32 v40, v32  }
0x362: {  	v44 =	vsel vm4, $0xFF800000, v44;
	v32 =	vmax.f32 v61, v63;
	v61 =	vbroadcast v56, $0xF  }
0x363: {  	vm4 =	veq.f32 v36, v27;
	v26 =	vmax.f32 v26, v14;
	v40 =	vmax.f32 v40, v44  }
0x364: {  	v63 =	vsel vm4, $0xFF800000, v36;
	v14 =	vsel vm5, v14, v26;
	v26 =	vmax.f32 v47, v48  }
0x365: {  	v40 =	vsel vm0, v44, v40;
	vm0 =	veq.f32 v34, v27;
	vm5 =	veq.f32 v33, v27  }
0x366: {  	v27 =	vbroadcast v62, $0xF;
	vm7 =	veq.f32 v46, v61;
	vm8 =	veq.f32 v42, v61  }
0x367: {  	vm9 =	veq.f32 v13, v61;
	vm10 =	veq.f32 v41, v61;
	v14 =	vmax.f32 v14, v40  }
0x368: {  	v36 =	vmax.f32 v35, v63;
	v26 =	vmax.f32 v26, v57;
	(xrf0) =	vmax.scan.msk.f32 $0xffff, v14;
	vm11 =	veq.f32 v43, v27  }
0x369: {  	vm12 =	veq.f32 v39, v27;
	v14 =	vsel vm0, $0xFF800000, v34;
	vm0 =	veq.f32 v37, v27;
	(xrf0) =	vmax.scan.msk.f32 $0xffff, v32  }
0x36a: {  	vm4 =	veq.f32 v38, v27;
	v27 =	vsel vm7, $0xFF800000, v46;
	v33 =	vmax.f32 v33, v14  }
0x36b: {  	v13 =	vmax.f32 v13, v27;
	v43 =	vsel vm11, $0xFF800000, v43;
	v44 =	vsel vm12, $0xFF800000, v39;
	(xrf0) =	vmax.scan.msk.f32 $0xffff, v26  }
0x36c: {  	v14 =	vsel vm5, v14, v33;
	v26 =	vsel vm6, v63, v36;
	v13 =	vsel vm9, v27, v13;
	(xrf0) =	vmax.scan.msk.f32 $0xffff, v60  }
0x36d: {  	v27 =	vsel vm8, $0xFF800000, v42;
	v54 =	vmax.f32 v37, v43;
	v56 =	vmax.f32 v38, v44  }
0x36e: {  	v63 =	vnsel vm3, $0x0, v0;
	v46 =	vmax.f32 v41, v27;
	v32 =	vsel vm0, v43, v54;
	v57, _, _ =	vpop (xrf0)  }
0x36f: {  	v33 =	vsel vm4, v44, v56;
	v14 =	vmax.f32 v14, v26;
	v27 =	vsel vm10, v27, v46;
	v58, _, _ =	vpop (xrf0)  }
0x370: {  	v13 =	vmax.f32 v13, v27;
	v26 =	vbroadcast v57, $0xF;
	(xrf0) =	vmax.scan.msk.f32 $0xffff, v14;
	v59 =	vbroadcast v58, $0xF  }
0x371: {  	v60 =	vnsel vm2, $0x0, v0;
	v27 =	vmax.f32 v32, v33;
	v14 =	vnsel vm1, $0x0, v0;
	v61, _, _ =	vpop (xrf0);
	(xrf0) =	vmax.scan.msk.f32 $0xffff, v13  }
0x372: {  	vm0 =	vge.f32 v31, v26;
	v62, _, _ =	vpop (xrf0);
	vm2 =	veq.f32 v15, v59;
	vm6 =	veq.f32 v45, v59  }
0x373: {  	vm7 =	veq.f32 v25, v59;
	v32 =	vbroadcast v62, $0xF;
	v13 =	vnsel vm0, $0x0, v0  }
0x374: {  	vm8 =	veq.f32 v17, v59;
	v33 =	vsel vm6, $0xFF800000, v45;
	v44 =	vsel vm7, $0xFF800000, v25  }
0x375: {  	[tilespmem:$0x1FE70] =	vst v1;
	v1 =	vld [tilespmem:$0x1FEA0];
	v38 =	vsel vm8, $0xFF800000, v17;
	vm4 =	veq.f32 v51, v32;
	vm5 =	veq.f32 v52, v32  }
0x376: {  	[tilespmem:s20+$0xC1B0] =	vst v13;
	vm1 =	veq.f32 v53, v32;
	vm3 =	veq.f32 v55, v32;
	v32 =	vsel vm2, $0xFF800000, v15;
	v13, _, _ =	vpop (xrf0)  }
0x377: {  	v31 =	vbroadcast v61, $0xF;
	[tilespmem:s19+$0xC190] =	vst v14;
	v15 =	vmax.f32 v44, v38;
	v14 =	vmax.f32 v32, v33;
	v17, _, _ =	vpop (xrf0)  }
0x378: {  	v14 =	vmax.f32 v14, v15;
	v15 =	vbroadcast v17, $0xF  }
0x379: {  	vm11 =	veq.f32 v49, v31  }
0x37a: {  	v42 =	vsel vm11, $0xFF800000, v49;
	vm11 =	vge.f32 v1, v15;
	v1 =	vld [tilespmem:$0x1FEB0];
	_ =	sdelay $0x3  }
0x37b: {  	vm9 =	veq.f32 v47, v31;
	vm10 =	veq.f32 v48, v31;
	v13 =	vbroadcast v13, $0xF  }
0x37c: {  	(xrf0) =	vmax.scan.msk.f32 $0xffff, v27;
	vm12 =	veq.f32 v50, v31;
	v43 =	vsel vm9, $0xFF800000, v47;
	vm9 =	vge.f32 v1, v15;
	v1 =	vld [tilespmem:$0x1FEC0]  }
0x37d: {  	[tilespmem:s19+$0xC180] =	vst v60;
	v39 =	vsel vm10, $0xFF800000, v48;
	v35 =	vsel vm12, $0xFF800000, v50;
	vm12 =	vge.f32 v22, v13  }
0x37e: {  	(xrf0) =	vmax.scan.msk.f32 $0xffff, v14;
	v22 =	vmax.f32 v43, v39;
	vm10 =	vge.f32 v16, v13;
	v16 =	vmax.f32 v42, v35  }
0x37f: {  	s21 =	simm.s32 $0x400;
	[tilespmem:s19+$0xC1A0] =	vst v63;
	v16 =	vmax.f32 v22, v16  }
0x380: {  	v14 =	vld [tilespmem:s21+$0x41B0]  }
0x381: {  	vm13 =	vge.f32 v30, v26;
	v40 =	vsel vm4, $0xFF800000, v51;
	vm8 =	vge.f32 v1, v15;
	v1 =	vld [tilespmem:$0x1FED0]  }
0x382: {  	v41 =	vsel vm5, $0xFF800000, v52;
	vm2 =	vge.f32 v24, v13;
	vm0 =	vge.f32 v23, v13;
	v13 =	vld [tilespmem:s21+$0x4180];
	(xrf0) =	vmax.scan.msk.f32 $0xffff, v16;
	v16, _, _ =	vpop (xrf0)  }
0x383: {  	[tilespmem:$0x1FE40] =	vst v8;
	v36 =	vsel vm1, $0xFF800000, v53;
	v34 =	vsel vm3, $0xFF800000, v55;
	v23 =	vld [tilespmem:s21+$0x4190];
	v27 =	vbroadcast v16, $0xF  }
0x384: {  	[tilespmem:$0x1FE50] =	vst v7;
	vm4 =	vge.f32 v29, v26;
	vm5 =	vge.f32 v28, v26;
	v22 =	vld [tilespmem:s21+$0x41A0];
	v16 =	vmax.f32 v40, v41;
	v26, _, _ =	vpop (xrf0)  }
0x385: {  	[tilespmem:$0x1FE60] =	vst v9;
	v25 =	vld [tilespmem:s21+$0x4010];
	v26 =	vbroadcast v26, $0xF;
	vm14 =	vge.f32 v18, v27;
	vm15 =	vge.f32 v19, v27  }
0x386: {  	[tilespmem:$0x1FE90] =	vst v5;
	v17 =	vld [tilespmem:s21+$0x4020];
	vm1 =	vge.f32 v21, v27;
	vm7 =	vge.f32 v1, v15;
	v1 =	vimm.s32 $0x0  }
0x387: {  	[tilespmem:$0x1FE80] =	vst v2;
	v24 =	vld [tilespmem:s21+$0x4000];
	v18 =	vnsel vm2, $0x0, v0;
	v15 =	vmax.f32 v36, v34;
	v1 =	vsel vm1, $0xFFFFFFFF, v1  }
0x388: {  	vm6 =	vge.f32 v20, v27;
	v19 =	vnsel vm0, $0x0, v0;
	v15 =	vmax.f32 v16, v15;
	v16 =	vld [tilespmem:s21+$0x4030];
	[tilespmem:$0x1FEE0] =	vst v1  }
0x389: {  	s22 =	simm.s32 $0x1800;
	v20 =	vmax.f32 v13, v23;
	v21 =	vmax.f32 v22, v14;
	v27, _, _ =	vpop (xrf0);
	(xrf0) =	vmax.scan.msk.f32 $0xffff, v15;
	v15 =	vld [tilespmem:s21+$0x4080];
	[tilespmem:s19+$0xC000] =	vst v18  }
.LBB2_4:
0x38a: {  	v1 =	vimm.s32 $0x0  }
0x38b: {  	v1 =	vsel vm15, $0xFFFFFFFF, v1  }
0x38c: {  	[tilespmem:$0x1FDF0] =	vst v1;
	v1 =	vimm.s32 $0x0  }
0x38d: {  	v1 =	vsel vm13, $0xFFFFFFFF, v1  }
0x38e: {  	[tilespmem:$0x1FE00] =	vst v1;
	v1 =	vimm.s32 $0x0  }
0x38f: {  	v18 =	vld [tilespmem:s21+$0x4090];
	[tilespmem:s19+$0xC010] =	vst v19;
	v1 =	vsel vm14, $0xFFFFFFFF, v1  }
0x390: {  	[tilespmem:$0x1FDE0] =	vst v1;
	v1 =	vimm.s32 $0x0  }
0x391: {  	v20 =	vmax.f32 v20, v21;
	v19 =	vld [tilespmem:s21+$0x40A0];
	v1 =	vsel vm6, $0xFFFFFFFF, v1  }
0x392: {  	v27 =	vbroadcast v27, $0xF;
	v21, _, _ =	vpop (xrf0);
	(xrf0) =	vmax.scan.msk.f32 $0xffff, v20;
	v20 =	vld [tilespmem:s21+$0x40B0];
	[tilespmem:$0x1FE10] =	vst v1;
	v1 =	vimm.s32 $0x0  }
0x393: {  	v28 =	vnsel vm12, $0x0, v0;
	vm12 =	veq.f32 v32, v26;
	v1 =	vsel vm4, $0xFFFFFFFF, v1  }
0x394: {  	vm1 =	veq.f32 v43, v27;
	vm2 =	veq.f32 v39, v27;
	[tilespmem:$0x1FE20] =	vst v1;
	v1 =	vimm.s32 $0x0  }
0x395: {  	[tilespmem:s19+$0xC020] =	vst v28;
	v29 =	vmax.f32 v24, v25;
	v28 =	vmax.f32 v17, v16;
	v1 =	vsel vm5, $0xFFFFFFFF, v1  }
0x396: {  	vm3 =	veq.f32 v42, v27;
	v32 =	vsel vm12, $0xFF800000, v32;
	[tilespmem:$0x1FE30] =	vst v1;
	v1 =	vmax.f32 v29, v28  }
0x397: {  	v30 =	vbroadcast v21, $0xF;
	v29 =	vmax.f32 v15, v18;
	(xrf0) =	vmax.scan.msk.f32 $0xffff, v1;
	v1 =	vmax.f32 v19, v20  }
0x398: {  	v39 =	vsel vm2, $0xFF800000, v39;
	v21 =	vmovc v11;
	vm14 =	veq.f32 v35, v27;
	v56 =	vmax.f32 v29, v1;
	v1 =	vld [tilespmem:$0x1FE40]  }
0x399: {  	v11 =	vld [tilespmem:s21+$0x4100];
	vm15 =	veq.f32 v40, v30;
	vm0 =	veq.f32 v41, v30;
	vm13 =	veq.f32 v36, v30;
	v45, _, _ =	vpop (xrf0)  }
0x39a: {  	v31 =	vmovc v12;
	v27 =	vmovc v6;
	v6 =	vld [tilespmem:s21+$0x4120];
	vm12 =	veq.f32 v34, v30;
	vm6 =	veq.f32 v44, v26;
	v57 =	vbroadcast v45, $0xF  }
0x39b: {  	v30 =	vmovc v23;
	v23 =	vsel vm6, $0xFF800000, v44;
	vm4 =	veq.f32 v38, v26;
	vm5 =	veq.f32 v33, v26;
	v26 =	vmovc v3;
	v3 =	vld [tilespmem:s21+$0x4110]  }
0x39c: {  	v12 =	vmovc v24;
	v38 =	vsel vm4, $0xFF800000, v38;
	v28 =	vmovc v4;
	v4 =	vld [tilespmem:s21+$0x4130];
	v37 =	vsel vm5, $0xFF800000, v33;
	vm2 =	veq.f32 v30, v57  }
0x39d: {  	v33 =	vsel vm3, $0xFF800000, v42;
	vm3 =	veq.f32 v14, v57;
	v42 =	vsel vm14, $0xFF800000, v35;
	(xrf0) =	vmax.scan.msk.f32 $0xffff, v56;
	v24 =	vmovc v1;
	v1 =	vld [tilespmem:$0x1FE50]  }
0x39e: {  	v5 =	vld [tilespmem:$0x1FE60];
	v35 =	vsel vm15, $0xFF800000, v40;
	v29 =	vmovc v22;
	v22 =	vsel vm1, $0xFF800000, v43;
	vm1 =	veq.f32 v13, v57  }
0x39f: {  	v40 =	vsel vm0, $0xFF800000, v41;
	v43 =	vsel vm1, $0xFF800000, v13;
	vm1 =	veq.f32 v29, v57  }
0x3a0: {  	v2 =	vmovc v25;
	v60 =	vsel vm2, $0xFF800000, v30;
	v47 =	vsel vm3, $0xFF800000, v14;
	v46 =	vsel vm1, $0xFF800000, v29  }
0x3a1: {  	v58 =	vmax.f32 v11, v3;
	v49 =	vmax.f32 v43, v60;
	v50 =	vmax.f32 v46, v47;
	v59, _, _ =	vpop (xrf0)  }
0x3a2: {  	v48 =	vmax.f32 v6, v4;
	v61 =	vmax.f32 v49, v50;
	v51 =	vbroadcast v59, $0xF;
	v25 =	vmovc v1;
	v1 =	vmovc v17  }
0x3a3: {  	v17 =	vmov v5;
	v5 =	vmov v16;
	v16 =	vmov v10;
	v10, _, _ =	vpop (xrf0);
	(xrf0) =	vmax.scan.msk.f32 $0xffff, v61  }
0x3a4: {  	v45 =	vmax.f32 v58, v48;
	vm0 =	veq.f32 v12, v51;
	vm1 =	veq.f32 v2, v51  }
0x3a5: {  	v62 =	vbroadcast v10, $0xF;
	(xrf0) =	vmax.scan.msk.f32 $0xffff, v45;
	v45 =	vsel vm0, $0xFF800000, v12;
	vm0 =	veq.f32 v1, v51  }
0x3a6: {  	v48 =	vsel vm1, $0xFF800000, v2;
	v10 =	vmovc v15;
	vm2 =	veq.f32 v5, v51;
	v49 =	vsel vm0, $0xFF800000, v1  }
0x3a7: {  	v41 =	vsel vm2, $0xFF800000, v5;
	v15 =	vmax.f32 v45, v48;
	vm3 =	veq.f32 v10, v62  }
0x3a8: {  	vm4 =	veq.f32 v18, v62;
	vm5 =	veq.f32 v19, v62;
	vm0 =	veq.f32 v20, v62  }
0x3a9: {  	v55 =	vmax.f32 v49, v41;
	v50 =	vsel vm3, $0xFF800000, v10;
	v51 =	vsel vm4, $0xFF800000, v18;
	v54, _, _ =	vpop (xrf0)  }
0x3aa: {  	v52 =	vsel vm5, $0xFF800000, v19;
	v53 =	vsel vm0, $0xFF800000, v20;
	v54 =	vbroadcast v54, $0xF  }
0x3ab: {  	v15 =	vmax.f32 v15, v55;
	v56 =	vmax.f32 v50, v51;
	v63 =	vmax.f32 v52, v53  }
0x3ac: {  	v55 =	vmax.f32 v56, v63;
	v57, _, _ =	vpop (xrf0);
	(xrf0) =	vmax.scan.msk.f32 $0xffff, v15;
	vm0 =	veq.f32 v43, v54;
	vm1 =	veq.f32 v60, v54  }
0x3ad: {  	vm2 =	veq.f32 v47, v54;
	v43 =	vsel vm0, $0xFF800000, v43;
	vm0 =	veq.f32 v46, v54  }
0x3ae: {  	(xrf0) =	vmax.scan.msk.f32 $0xffff, v55;
	v44 =	vsel vm1, $0xFF800000, v60;
	v47 =	vsel vm2, $0xFF800000, v47;
	v46 =	vsel vm0, $0xFF800000, v46  }
0x3af: {  	v57 =	vbroadcast v57, $0xF;
	v15 =	vmax.f32 v43, v44;
	v59 =	vmax.f32 v46, v47  }
0x3b0: {  	v34 =	vsel vm12, $0xFF800000, v34;
	[tilespmem:$0x1FE50] =	vst v1;
	v63 =	vmax.f32 v35, v40;
	v1 =	vmax.f32 v15, v59  }
0x3b1: {  	vm1 =	veq.f32 v3, v57;
	vm2 =	veq.f32 v6, v57;
	vm0 =	veq.f32 v11, v57;
	(xrf0) =	vmax.scan.msk.f32 $0xffff, v1  }
0x3b2: {  	v55 =	vsel vm1, $0xFF800000, v3;
	v54 =	vsel vm0, $0xFF800000, v11;
	vm0 =	veq.f32 v4, v57;
	v15, _, _ =	vpop (xrf0)  }
0x3b3: {  	v56 =	vsel vm2, $0xFF800000, v6;
	v57 =	vsel vm0, $0xFF800000, v4;
	v59 =	vbroadcast v15, $0xF  }
0x3b4: {  	v58 =	vmax.f32 v54, v55;
	v60 =	vmax.f32 v56, v57;
	v61, _, _ =	vpop (xrf0);
	v15 =	vsel vm13, $0xFF800000, v36  }
0x3b5: {  	v58 =	vmax.f32 v58, v60;
	v1 =	vbroadcast v61, $0xF;
	vm0 =	veq.f32 v45, v59  }
0x3b6: {  	(xrf0) =	vmax.scan.msk.f32 $0xffff, v58;
	vm1 =	veq.f32 v48, v59;
	vm2 =	veq.f32 v49, v59;
	vm3 =	veq.f32 v41, v59  }
0x3b7: {  	vm4 =	veq.f32 v50, v1;
	vm5 =	veq.f32 v51, v1;
	v45 =	vsel vm0, $0xFF800000, v45;
	v60, _, _ =	vpop (xrf0)  }
0x3b8: {  	vm0 =	veq.f32 v52, v1;
	vm6 =	veq.f32 v53, v1;
	v1 =	vbroadcast v60, $0xF  }
0x3b9: {  	v48 =	vsel vm1, $0xFF800000, v48;
	v49 =	vsel vm2, $0xFF800000, v49;
	v41 =	vsel vm3, $0xFF800000, v41  }
0x3ba: {  	v52 =	vsel vm0, $0xFF800000, v52;
	vm0 =	veq.f32 v43, v1;
	vm1 =	veq.f32 v44, v1  }
0x3bb: {  	vm2 =	veq.f32 v47, v1;
	v43 =	vsel vm0, $0xFF800000, v43;
	vm0 =	veq.f32 v46, v1  }
0x3bc: {  	v61, _, _ =	vpop (xrf0);
	v44 =	vsel vm1, $0xFF800000, v44;
	v47 =	vsel vm2, $0xFF800000, v47;
	v46 =	vsel vm0, $0xFF800000, v46  }
0x3bd: {  	v36 =	vbroadcast v61, $0xF;
	v58 =	vmax.f32 v43, v44;
	v59 =	vmax.f32 v46, v47  }
0x3be: {  	v50 =	vsel vm4, $0xFF800000, v50;
	v51 =	vsel vm5, $0xFF800000, v51;
	v58 =	vmax.f32 v58, v59  }
0x3bf: {  	v53 =	vsel vm6, $0xFF800000, v53;
	v60 =	vmax.f32 v45, v48;
	vm0 =	veq.f32 v54, v36;
	(xrf0) =	vmax.scan.msk.f32 $0xffff, v58  }
0x3c0: {  	vm1 =	veq.f32 v55, v36;
	vm2 =	veq.f32 v56, v36;
	v54 =	vsel vm0, $0xFF800000, v54  }
0x3c1: {  	v55 =	vsel vm1, $0xFF800000, v55;
	vm0 =	veq.f32 v57, v36;
	v36 =	vmax.f32 v49, v41  }
0x3c2: {  	v56 =	vsel vm2, $0xFF800000, v56;
	v57 =	vsel vm0, $0xFF800000, v57;
	v58 =	vmax.f32 v50, v51  }
0x3c3: {  	v59 =	vmax.f32 v52, v53;
	v61 =	vmax.f32 v54, v55;
	v36 =	vmax.f32 v60, v36  }
0x3c4: {  	v60 =	vmax.f32 v23, v38;
	v62 =	vmax.f32 v56, v57;
	v1 =	vmax.f32 v58, v59;
	(xrf0) =	vmax.scan.msk.f32 $0xffff, v36  }
0x3c5: {  	v59 =	vmax.f32 v61, v62;
	v36 =	vmax.f32 v32, v37;
	v61 =	vmax.f32 v22, v39;
	(xrf0) =	vmax.scan.msk.f32 $0xffff, v1;
	v58, _, _ =	vpop (xrf0)  }
0x3c6: {  	v62 =	vmax.f32 v33, v42;
	(xrf0) =	vmax.scan.msk.f32 $0xffff, v59;
	v59 =	vmax.f32 v15, v34;
	v58 =	vbroadcast v58, $0xF  }
0x3c7: {  	v36 =	vmax.f32 v36, v60;
	v60 =	vmax.f32 v61, v62;
	v59 =	vmax.f32 v63, v59  }
0x3c8: {  	(xrf0) =	vmax.scan.msk.f32 $0xffff, v36;
	v36 =	vnsel vm10, $0x0, v0;
	vm0 =	veq.f32 v43, v58;
	vm1 =	veq.f32 v44, v58  }
0x3c9: {  	vm2 =	veq.f32 v47, v58;
	v43 =	vsel vm0, $0xFF800000, v43;
	vm0 =	veq.f32 v46, v58  }
0x3ca: {  	v44 =	vsel vm1, $0xFF800000, v44;
	v47 =	vsel vm2, $0xFF800000, v47;
	v46 =	vsel vm0, $0xFF800000, v46  }
0x3cb: {  	v63, _, _ =	vpop (xrf0);
	(xrf0) =	vmax.scan.msk.f32 $0xffff, v60;
	v7 =	vmax.f32 v43, v44;
	v1 =	vmax.f32 v46, v47  }
0x3cc: {  	[tilespmem:$0x1FE40] =	vst v2;
	v2 =	vbroadcast v63, $0xF;
	(xrf0) =	vmax.scan.msk.f32 $0xffff, v59;
	v59, _, _ =	vpop (xrf0);
	v1 =	vmax.f32 v7, v1  }
0x3cd: {  	v61 =	vnsel vm9, $0x0, v0;
	v60 =	vnsel vm11, $0x0, v0;
	[tilespmem:s19+$0xC030] =	vst v36;
	v36, _, _ =	vpop (xrf0);
	(xrf0) =	vmax.scan.msk.f32 $0xffff, v1  }
0x3ce: {  	vm1 =	veq.f32 v48, v2;
	vm2 =	veq.f32 v49, v2;
	vm3 =	veq.f32 v41, v2  }
0x3cf: {  	[tilespmem:$0x1FE60] =	vst v5;
	v5 =	vbroadcast v59, $0xF;
	vm0 =	veq.f32 v45, v2;
	v48 =	vsel vm1, $0xFF800000, v48  }
0x3d0: {  	v49 =	vsel vm2, $0xFF800000, v49;
	v41 =	vsel vm3, $0xFF800000, v41;
	v45 =	vsel vm0, $0xFF800000, v45;
	v58, _, _ =	vpop (xrf0)  }
0x3d1: {  	[tilespmem:s19+$0xC090] =	vst v61;
	v59 =	vbroadcast v36, $0xF;
	vm4 =	veq.f32 v50, v5;
	vm5 =	veq.f32 v51, v5;
	v36, _, _ =	vpop (xrf0)  }
0x3d2: {  	[tilespmem:s19+$0xC080] =	vst v60;
	vm6 =	veq.f32 v52, v5;
	vm9 =	veq.f32 v53, v5;
	v61 =	vmax.f32 v45, v48;
	v60, _, _ =	vpop (xrf0)  }
0x3d3: {  	v50 =	vsel vm4, $0xFF800000, v50;
	vm10 =	veq.f32 v54, v59;
	vm11 =	veq.f32 v55, v59;
	v62, _, _ =	vpop (xrf0)  }
0x3d4: {  	vm12 =	veq.f32 v56, v59;
	vm0 =	veq.f32 v57, v59;
	v59 =	vbroadcast v62, $0xF  }
0x3d5: {  	v51 =	vsel vm5, $0xFF800000, v51;
	v52 =	vsel vm6, $0xFF800000, v52;
	v53 =	vsel vm9, $0xFF800000, v53  }
0x3d6: {  	v57 =	vsel vm0, $0xFF800000, v57;
	vm0 =	veq.f32 v43, v59;
	vm1 =	veq.f32 v44, v59  }
0x3d7: {  	vm2 =	veq.f32 v47, v59;
	v43 =	vsel vm0, $0xFF800000, v43;
	vm0 =	veq.f32 v46, v59  }
0x3d8: {  	v44 =	vsel vm1, $0xFF800000, v44;
	v47 =	vsel vm2, $0xFF800000, v47;
	v46 =	vsel vm0, $0xFF800000, v46  }
0x3d9: {  	v36 =	vbroadcast v36, $0xF;
	v63 =	vmax.f32 v43, v44;
	v1 =	vmax.f32 v46, v47  }
0x3da: {  	v2 =	vmax.f32 v52, v53;
	v54 =	vsel vm10, $0xFF800000, v54;
	v1 =	vmax.f32 v63, v1  }
0x3db: {  	v55 =	vsel vm11, $0xFF800000, v55;
	v56 =	vsel vm12, $0xFF800000, v56;
	vm3 =	veq.f32 v42, v36;
	(xrf0) =	vmax.scan.msk.f32 $0xffff, v1  }
0x3dc: {  	v5 =	vmax.f32 v54, v55;
	v42 =	vsel vm3, $0xFF800000, v42;
	v62 =	vmax.f32 v49, v41  }
0x3dd: {  	v61 =	vmax.f32 v61, v62;
	v62 =	vnsel vm8, $0x0, v0;
	v63 =	vmax.f32 v56, v57  }
0x3de: {  	v59 =	vmax.f32 v50, v51;
	v1 =	vmax.f32 v5, v63;
	v5 =	vbroadcast v58, $0xF  }
0x3df: {  	vm2 =	veq.f32 v39, v36;
	v2 =	vmax.f32 v59, v2;
	v63 =	vnsel vm7, $0x0, v0;
	(xrf0) =	vmax.scan.msk.f32 $0xffff, v61  }
0x3e0: {  	[tilespmem:s19+$0xC0B0] =	vst v63;
	v63 =	vmax.f32 v33, v42;
	(xrf0) =	vmax.scan.msk.f32 $0xffff, v2;
	vm0 =	veq.f32 v37, v5  }
0x3e1: {  	v2 =	vbroadcast v60, $0xF;
	vm1 =	veq.f32 v38, v5;
	(xrf0) =	vmax.scan.msk.f32 $0xffff, v1;
	v1 =	vsel vm0, $0xFF800000, v37;
	v60, _, _ =	vpop (xrf0)  }
0x3e2: {  	v37 =	vsel vm1, $0xFF800000, v38;
	v38 =	vsel vm2, $0xFF800000, v39;
	v39 =	vbroadcast v60, $0xF  }
0x3e3: {  	vm4 =	veq.f32 v40, v2;
	vm5 =	veq.f32 v34, v2;
	v59 =	vmax.f32 v32, v1  }
0x3e4: {  	[tilespmem:s19+$0xC0A0] =	vst v62;
	v62 =	vmax.f32 v22, v38;
	vm0 =	veq.f32 v43, v39;
	vm1 =	veq.f32 v44, v39  }
0x3e5: {  	vm2 =	veq.f32 v47, v39;
	v43 =	vsel vm0, $0xFF800000, v43;
	vm0 =	veq.f32 v46, v39  }
0x3e6: {  	v58, _, _ =	vpop (xrf0);
	v39 =	vsel vm1, $0xFF800000, v44;
	v44 =	vsel vm0, $0xFF800000, v46;
	v46 =	vsel vm2, $0xFF800000, v47  }
0x3e7: {  	v40 =	vsel vm4, $0xFF800000, v40;
	v61, _, _ =	vpop (xrf0);
	v47 =	vmax.f32 v43, v39;
	v8 =	vmax.f32 v44, v46  }
0x3e8: {  	v34 =	vsel vm5, $0xFF800000, v34;
	v58 =	vbroadcast v58, $0xF;
	v7, _, _ =	vpop (xrf0);
	v8 =	vmax.f32 v47, v8  }
0x3e9: {  	v60 =	vmax.f32 v23, v37;
	v61 =	vbroadcast v61, $0xF;
	v7 =	vbroadcast v7, $0xF;
	(xrf0) =	vmax.scan.msk.f32 $0xffff, v8  }
0x3ea: {  	vm1 =	veq.f32 v48, v58;
	vm3 =	veq.f32 v41, v58;
	vm0 =	veq.f32 v45, v58  }
0x3eb: {  	vm2 =	veq.f32 v49, v58;
	vm4 =	veq.f32 v50, v61;
	vm5 =	veq.f32 v51, v61  }
0x3ec: {  	vm6 =	veq.f32 v52, v61;
	vm7 =	veq.f32 v53, v61;
	v41 =	vsel vm3, $0xFF800000, v41  }
0x3ed: {  	vm3 =	veq.f32 v33, v36;
	vm8 =	veq.f32 v54, v7;
	vm9 =	veq.f32 v55, v7  }
0x3ee: {  	vm10 =	veq.f32 v56, v7;
	v47 =	vsel vm4, $0xFF800000, v50;
	v50 =	vsel vm7, $0xFF800000, v53  }
0x3ef: {  	v53 =	vsel vm10, $0xFF800000, v56;
	v8 =	vsel vm0, $0xFF800000, v45;
	v45 =	vsel vm1, $0xFF800000, v48;
	v61, _, _ =	vpop (xrf0)  }
0x3f0: {  	v48 =	vsel vm5, $0xFF800000, v51;
	v51 =	vsel vm8, $0xFF800000, v54;
	v54 =	vbroadcast v61, $0xF  }
0x3f1: {  	vm4 =	veq.f32 v35, v2;
	vm0 =	veq.f32 v57, v7;
	v7 =	vsel vm2, $0xFF800000, v49  }
0x3f2: {  	v56 =	vsel vm0, $0xFF800000, v57;
	vm0 =	veq.f32 v39, v54;
	vm1 =	veq.f32 v46, v54  }
0x3f3: {  	vm2 =	veq.f32 v43, v54;
	v39 =	vsel vm0, $0xFF800000, v39;
	v46 =	vsel vm1, $0xFF800000, v46  }
0x3f4: {  	vm0 =	veq.f32 v44, v54;
	v43 =	vmax.f32 v43, v39;
	v44 =	vmax.f32 v44, v46  }
0x3f5: {  	v49 =	vsel vm6, $0xFF800000, v52;
	v39 =	vsel vm2, v39, v43;
	v43 =	vsel vm0, v46, v44  }
0x3f6: {  	v52 =	vsel vm9, $0xFF800000, v55;
	vm5 =	veq.f32 v15, v2;
	v39 =	vmax.f32 v39, v43  }
0x3f7: {  	v55 =	vmax.f32 v8, v45;
	v57 =	vmax.f32 v7, v41;
	v58 =	vmax.f32 v47, v48;
	(xrf0) =	vmax.scan.msk.f32 $0xffff, v39  }
0x3f8: {  	v9 =	vmax.f32 v51, v52;
	v61 =	vmax.f32 v49, v50;
	v54 =	vmax.f32 v53, v56  }
0x3f9: {  	vm1 =	veq.f32 v23, v5;
	v23 =	vsel vm3, v42, v63;
	v44 =	vmax.f32 v55, v57  }
0x3fa: {  	v9 =	vmax.f32 v9, v54;
	v55 =	vmax.f32 v58, v61;
	vm0 =	veq.f32 v32, v5;
	(xrf0) =	vmax.scan.msk.f32 $0xffff, v44  }
0x3fb: {  	v2 =	vsel vm1, v37, v60;
	v57 =	vmax.f32 v35, v40;
	v1 =	vsel vm0, v1, v59;
	(xrf0) =	vmax.scan.msk.f32 $0xffff, v55  }
0x3fc: {  	v58 =	vmax.f32 v15, v34;
	vm2 =	veq.f32 v22, v36;
	v1 =	vmax.f32 v1, v2;
	(xrf0) =	vmax.scan.msk.f32 $0xffff, v9  }
0x3fd: {  	v5 =	vsel vm2, v38, v62;
	v15 =	vsel vm4, v40, v57;
	v22 =	vsel vm5, v34, v58;
	v9, _, _ =	vpop (xrf0);
	(xrf0) =	vmax.scan.msk.f32 $0xffff, v1;
	v1 =	vld [tilespmem:$0x1FDE0]  }
0x3fe: {  	v2 =	vmax.f32 v5, v23;
	v5 =	vmax.f32 v15, v22;
	v15 =	vld [tilespmem:$0x1FDF0]  }
0x3ff: {  	v22 =	vld [tilespmem:$0x1FEE0]  }
0x400: {  	v59 =	vld [tilespmem:$0x1FE00];
	v9 =	vbroadcast v9, $0xF;
	v23, _, _ =	vpop (xrf0)  }
0x401: {  	(xrf0) =	vmax.scan.msk.f32 $0xffff, v2;
	v2 =	vld [tilespmem:$0x1FE10];
	v23 =	vbroadcast v23, $0xF;
	v61, _, _ =	vpop (xrf0)  }
0x402: {  	v62 =	vld [tilespmem:$0x1FE20];
	(xrf0) =	vmax.scan.msk.f32 $0xffff, v5;
	v5 =	vbroadcast v61, $0xF;
	vm13 =	vge.f32 v13, v9;
	vm0 =	vnez.u8 v1  }
0x403: {  	v63 =	vld [tilespmem:$0x1FE30];
	vm1 =	veq.f32 v8, v23;
	v1 =	vnsel vm0, $0x0, v0;
	vm0 =	vnez.u8 v15  }
0x404: {  	vm2 =	veq.f32 v7, v23;
	v15 =	vnsel vm0, $0x0, v0;
	vm0 =	vnez.u8 v22  }
0x405: {  	vm3 =	veq.f32 v41, v23;
	v22 =	vnsel vm0, $0x0, v0;
	vm0 =	vnez.u8 v59  }
0x406: {  	vm4 =	veq.f32 v47, v5;
	v60 =	vnsel vm0, $0x0, v0;
	vm0 =	vnez.u8 v2  }
0x407: {  	vm5 =	veq.f32 v48, v5;
	v2 =	vnsel vm0, $0x0, v0;
	vm0 =	vnez.u8 v62  }
0x408: {  	vm6 =	veq.f32 v49, v5;
	v34 =	vnsel vm0, $0x0, v0;
	vm0 =	vnez.u8 v63  }
0x409: {  	v13, _, _ =	vpop (xrf0);
	v32 =	vsel vm1, $0xFF800000, v8;
	[tilespmem:s19+$0xC100] =	vst v1;
	v35 =	vnsel vm0, $0x0, v0;
	vm0 =	vge.f32 v14, v9  }
0x40a: {  	v1 =	vbroadcast v13, $0xF;
	[tilespmem:s19+$0xC110] =	vst v15;
	v13 =	vnsel vm0, $0x0, v0;
	vm0 =	veq.f32 v45, v23  }
0x40b: {  	v44 =	vsel vm2, $0xFF800000, v7;
	v38 =	vsel vm3, $0xFF800000, v41;
	[tilespmem:s21+$0xC1B0] =	vst v13;
	v33 =	vsel vm0, $0xFF800000, v45  }
0x40c: {  	vm7 =	veq.f32 v50, v5;
	v7 =	vmax.f32 v44, v38;
	v14, _, _ =	vpop (xrf0);
	[tilespmem:s19+$0xC130] =	vst v2;
	v2 =	vmax.f32 v32, v33  }
0x40d: {  	vm8 =	veq.f32 v51, v1;
	vm9 =	veq.f32 v52, v1;
	v5, _, _ =	vpop (xrf0);
	v2 =	vmax.f32 v2, v7  }
0x40e: {  	vm1 =	veq.f32 v53, v1;
	vm10 =	veq.f32 v56, v1;
	v1, _, _ =	vpop (xrf0);
	(xrf0) =	vmax.scan.msk.f32 $0xffff, v2;
	v2 =	vbroadcast v14, $0xF  }
0x40f: {  	[tilespmem:s19+$0xC120] =	vst v22;
	s19 =	smov.u32 s20  }
0x410: {  	v36 =	vsel vm1, $0xFF800000, v53;
	[tilespmem:s19+$0xC190] =	vst v34;
	v34 =	vsel vm10, $0xFF800000, v56;
	vm0 =	vge.f32 v31, v2  }
0x411: {  	vm1 =	vge.f32 v24, v2;
	vm12 =	vge.f32 v25, v2;
	vm10 =	vge.f32 v17, v2;
	v2 =	vld [tilespmem:$0x1FE70];
	_ =	sdelay $0x2  }
0x412: {  	v5 =	vbroadcast v5, $0xF;
	_ =	sdelay $0x1  }
0x413: {  	v41 =	vsel vm9, $0xFF800000, v52;
	vm9 =	vge.f32 v2, v5;
	v2 =	vmov v18  }
0x414: {  	[tilespmem:$0x1FE70] =	vst v2;
	v2 =	vld [tilespmem:$0x1FE80];
	_ =	sdelay $0x1  }
0x415: {  	[tilespmem:s19+$0xC180] =	vst v60  }
0x416: {  	v43 =	vsel vm4, $0xFF800000, v47;
	v39 =	vsel vm5, $0xFF800000, v48;
	s20 =	smov.u32 s21;
	s21 =	sshra.s32 s22, $0x2;
	[tilespmem:s19+$0xC1A0] =	vst v35  }
0x417: {  	v42 =	vsel vm6, $0xFF800000, v49;
	v8 =	vmax.f32 v43, v39;
	v35 =	vsel vm7, $0xFF800000, v50;
	v13 =	vld [tilespmem:s21+$0x4180]  }
0x418: {  	v40 =	vsel vm8, $0xFF800000, v51;
	v15 =	vmax.f32 v42, v35;
	vm8 =	vge.f32 v2, v5;
	v2 =	vld [tilespmem:$0x1FE90]  }
0x419: {  	v23 =	vld [tilespmem:s21+$0x4190];
	v8 =	vmax.f32 v8, v15  }
0x41a: {  	v1 =	vbroadcast v1, $0xF;
	v7 =	vmax.f32 v40, v41;
	v22 =	vmax.f32 v36, v34;
	v14 =	vld [tilespmem:s21+$0x41B0];
	(xrf0) =	vmax.scan.msk.f32 $0xffff, v8  }
0x41b: {  	p0 =	sne.s32 s22, $0xF800;
	vm4 =	vge.f32 v30, v9;
	v7 =	vmax.f32 v7, v22;
	v22 =	vld [tilespmem:s21+$0x41A0]  }
.Ltmp1:
0x41c: {  	vm11 =	vge.f32 v16, v5;
	vm2 =	vge.f32 v27, v1;
	v16 =	vld [tilespmem:s21+$0x4030];
	(xrf0) =	vmax.scan.msk.f32 $0xffff, v7;
	v7 =	vimm.s32 $0x0;
	v8 =	vmovc v19;
	(pc) =	sbr.rel @p0 .LBB2_4-.Ltmp1, $4  }
0x41d: {  	vm5 =	vge.f32 v29, v9;
	v15 =	vld [tilespmem:s21+$0x4080];
	[tilespmem:$0x1FE80] =	vst v8;
	vm7 =	vge.f32 v2, v5;
	v5 =	vsel vm2, $0xFFFFFFFF, v7  }
0x41e: {  	vm14 =	vge.f32 v21, v1;
	vm15 =	vge.f32 v26, v1;
	v24 =	vld [tilespmem:s21+$0x4000];
	v2 =	vmov v20;
	[tilespmem:$0x1FEE0] =	vst v5  }
0x41f: {  	vm6 =	vge.f32 v28, v1;
	v25 =	vld [tilespmem:s21+$0x4010];
	v19 =	vnsel vm1, $0x0, v0;
	v1, _, _ =	vpop (xrf0);
	[tilespmem:$0x1FE90] =	vst v2;
	v2 =	vnsel vm0, $0x0, v0  }
0x420: {  	s22 =	sadd.s32 $0x800, s22;
	v17 =	vld [tilespmem:s21+$0x4020];
	v21 =	vmax.f32 v22, v14;
	v26 =	vbroadcast v1, $0xF;
	v27, _, _ =	vpop (xrf0);
	v20 =	vmax.f32 v13, v23;
	[tilespmem:s19+$0xC000] =	vst v2  }
0x421: {  	v1 =	vmax.f32 v20, v21  }
0x422: {  	(xrf0) =	vmax.scan.msk.f32 $0xffff, v1;
	_ =	sdelay $0x1  }
0x423: {  	v20 =	vld [tilespmem:s21+$0x4090];
	[tilespmem:s19+$0xC010] =	vst v19  }
0x424: {  	v19 =	vld [tilespmem:s21+$0x40A0]  }
0x425: {  	v49 =	vbroadcast v27, $0xF;
	v2 =	vnsel vm12, $0x0, v0;
	v18 =	vld [tilespmem:s21+$0x40B0]  }
0x426: {  	v5, _, _ =	vpop (xrf0);
	vm0 =	veq.f32 v32, v26;
	v7 =	vmax.f32 v24, v25;
	v8 =	vmax.f32 v17, v16  }
0x427: {  	vm1 =	veq.f32 v33, v26;
	vm2 =	veq.f32 v44, v26;
	v7 =	vmax.f32 v7, v8;
	v50, _, _ =	vpop (xrf0)  }
0x428: {  	v5 =	vbroadcast v5, $0xF;
	v29 =	vsel vm0, $0xFF800000, v32;
	(xrf0) =	vmax.scan.msk.f32 $0xffff, v7;
	v51 =	vbroadcast v50, $0xF  }
0x429: {  	[tilespmem:s19+$0xC020] =	vst v2;
	vm0 =	veq.f32 v38, v26;
	v33 =	vsel vm1, $0xFF800000, v33;
	v30 =	vsel vm2, $0xFF800000, v44  }
0x42a: {  	v21 =	vld [tilespmem:s21+$0x4100];
	v52 =	vmax.f32 v15, v20;
	v9 =	vmax.f32 v19, v18;
	vm1 =	veq.f32 v13, v51  }
0x42b: {  	v26 =	vld [tilespmem:s21+$0x4110];
	v53 =	vmax.f32 v52, v9;
	vm12 =	veq.f32 v23, v51;
	v8 =	vsel vm1, $0xFF800000, v13  }
0x42c: {  	(xrf0) =	vmax.scan.msk.f32 $0xffff, v53;
	vm1 =	veq.f32 v22, v51;
	v54 =	vsel vm12, $0xFF800000, v23;
	vm12 =	veq.f32 v14, v51  }
0x42d: {  	vm3 =	veq.f32 v42, v49;
	v55 =	vsel vm1, $0xFF800000, v22;
	v56 =	vsel vm12, $0xFF800000, v14  }
0x42e: {  	v37 =	vsel vm0, $0xFF800000, v38;
	v28, _, _ =	vpop (xrf0);
	v31 =	vmax.f32 v8, v54;
	v57 =	vmax.f32 v55, v56  }
0x42f: {  	v27 =	vld [tilespmem:s21+$0x4120];
	vm0 =	veq.f32 v35, v49;
	v58 =	vbroadcast v28, $0xF;
	v32 =	vmax.f32 v31, v57  }
0x430: {  	v60 =	vmax.f32 v21, v26;
	vm1 =	veq.f32 v43, v49;
	vm12 =	veq.f32 v39, v49;
	v28 =	vld [tilespmem:s21+$0x4130];
	(xrf0) =	vmax.scan.msk.f32 $0xffff, v32  }
0x431: {  	v38 =	vsel vm12, $0xFF800000, v39;
	v31 =	vsel vm1, $0xFF800000, v43;
	vm1 =	veq.f32 v24, v58  }
0x432: {  	v59, _, _ =	vpop (xrf0);
	v32 =	vsel vm3, $0xFF800000, v42;
	v42 =	vsel vm1, $0xFF800000, v24;
	vm1 =	veq.f32 v25, v58  }
0x433: {  	v1 =	vbroadcast v59, $0xF;
	v43 =	vsel vm1, $0xFF800000, v25;
	vm1 =	veq.f32 v17, v58  }
0x434: {  	vm12 =	veq.f32 v40, v5;
	v45 =	vsel vm1, $0xFF800000, v17;
	vm1 =	veq.f32 v16, v58  }
0x435: {  	v61 =	vmax.f32 v27, v28;
	v46 =	vsel vm1, $0xFF800000, v16;
	vm1 =	veq.f32 v15, v1  }
0x436: {  	v39 =	vmax.f32 v60, v61;
	v44 =	vsel vm1, $0xFF800000, v15;
	vm1 =	veq.f32 v20, v1;
	v47, _, _ =	vpop (xrf0)  }
0x437: {  	(xrf0) =	vmax.scan.msk.f32 $0xffff, v39;
	v48 =	vsel vm1, $0xFF800000, v20;
	vm1 =	veq.f32 v19, v1;
	v62 =	vbroadcast v47, $0xF  }
0x438: {  	v63 =	vmax.f32 v42, v43;
	v47 =	vsel vm1, $0xFF800000, v19;
	vm1 =	veq.f32 v18, v1  }
0x439: {  	v50 =	vmax.f32 v45, v46;
	v49 =	vsel vm1, $0xFF800000, v18;
	vm1 =	veq.f32 v8, v62  }
0x43a: {  	v1 =	vmax.f32 v63, v50;
	v8 =	vsel vm1, $0xFF800000, v8;
	vm1 =	veq.f32 v54, v62  }
0x43b: {  	v51 =	vmax.f32 v44, v48;
	(xrf0) =	vmax.scan.msk.f32 $0xffff, v1;
	v2 =	vsel vm1, $0xFF800000, v54;
	vm1 =	veq.f32 v55, v62  }
0x43c: {  	v53 =	vmax.f32 v47, v49;
	v7 =	vsel vm1, $0xFF800000, v55;
	vm1 =	veq.f32 v56, v62  }
0x43d: {  	v39 =	vsel vm0, $0xFF800000, v35;
	v50 =	vmax.f32 v51, v53;
	v54, _, _ =	vpop (xrf0);
	v9 =	vsel vm1, $0xFF800000, v56  }
0x43e: {  	v55 =	vbroadcast v54, $0xF;
	v56 =	vmax.f32 v8, v2;
	v57 =	vmax.f32 v7, v9  }
0x43f: {  	vm0 =	veq.f32 v36, v5;
	(xrf0) =	vmax.scan.msk.f32 $0xffff, v50;
	vm1 =	veq.f32 v41, v5;
	v50 =	vmax.f32 v56, v57  }
0x440: {  	v35 =	vsel vm12, $0xFF800000, v40;
	v40 =	vsel vm1, $0xFF800000, v41;
	vm12 =	veq.f32 v21, v55;
	(xrf0) =	vmax.scan.msk.f32 $0xffff, v50  }
0x441: {  	vm2 =	veq.f32 v26, v55;
	v52, _, _ =	vpop (xrf0);
	v41 =	vsel vm12, $0xFF800000, v21;
	vm12 =	veq.f32 v27, v55  }
0x442: {  	v58 =	vsel vm2, $0xFF800000, v26;
	vm2 =	veq.f32 v28, v55;
	v52 =	vbroadcast v52, $0xF  }
0x443: {  	v1 =	vsel vm12, $0xFF800000, v27;
	vm12 =	veq.f32 v34, v5;
	v5 =	vsel vm2, $0xFF800000, v28  }
0x444: {  	v36 =	vsel vm0, $0xFF800000, v36;
	v59 =	vmax.f32 v41, v58;
	v53 =	vmax.f32 v1, v5  }
0x445: {  	v54, _, _ =	vpop (xrf0);
	v34 =	vsel vm12, $0xFF800000, v34;
	vm0 =	veq.f32 v42, v52;
	vm12 =	veq.f32 v43, v52  }
0x446: {  	vm2 =	veq.f32 v45, v52;
	v54 =	vbroadcast v54, $0xF;
	v51 =	vmax.f32 v59, v53;
	v60, _, _ =	vpop (xrf0)  }
0x447: {  	v42 =	vsel vm0, $0xFF800000, v42;
	vm0 =	veq.f32 v46, v52;
	(xrf0) =	vmax.scan.msk.f32 $0xffff, v51;
	v61 =	vbroadcast v60, $0xF  }
0x448: {  	v43 =	vsel vm12, $0xFF800000, v43;
	v45 =	vsel vm2, $0xFF800000, v45;
	v46 =	vsel vm0, $0xFF800000, v46  }
0x449: {  	v57 =	vmax.f32 v42, v43;
	vm12 =	veq.f32 v44, v54;
	vm0 =	veq.f32 v8, v61  }
0x44a: {  	v44 =	vsel vm12, $0xFF800000, v44;
	vm12 =	veq.f32 v2, v61;
	v8 =	vsel vm0, $0xFF800000, v8  }
0x44b: {  	vm0 =	veq.f32 v7, v61;
	v2 =	vsel vm12, $0xFF800000, v2;
	vm12 =	veq.f32 v9, v61  }
0x44c: {  	vm2 =	veq.f32 v48, v54;
	v7 =	vsel vm0, $0xFF800000, v7;
	v9 =	vsel vm12, $0xFF800000, v9  }
0x44d: {  	v48 =	vsel vm2, $0xFF800000, v48;
	v62, _, _ =	vpop (xrf0);
	v63 =	vmax.f32 v8, v2;
	v56 =	vmax.f32 v7, v9  }
0x44e: {  	v59 =	vmax.f32 v44, v48;
	v51 =	vbroadcast v62, $0xF;
	v52 =	vmax.f32 v63, v56  }
0x44f: {  	v62 =	vmax.f32 v29, v33;
	vm0 =	veq.f32 v47, v54;
	vm12 =	veq.f32 v49, v54;
	(xrf0) =	vmax.scan.msk.f32 $0xffff, v52  }
0x450: {  	v47 =	vsel vm0, $0xFF800000, v47;
	v49 =	vsel vm12, $0xFF800000, v49;
	vm0 =	veq.f32 v41, v51  }
0x451: {  	vm12 =	veq.f32 v58, v51;
	vm2 =	veq.f32 v1, v51;
	v41 =	vsel vm0, $0xFF800000, v41  }
0x452: {  	v50 =	vsel vm12, $0xFF800000, v58;
	vm12 =	veq.f32 v5, v51;
	v58 =	vmax.f32 v45, v46  }
0x453: {  	v1 =	vsel vm2, $0xFF800000, v1;
	v60 =	vmax.f32 v47, v49;
	v63 =	vmax.f32 v30, v37  }
0x454: {  	v5 =	vsel vm12, $0xFF800000, v5;
	v55 =	vmax.f32 v41, v50;
	v51 =	vmax.f32 v57, v58  }
0x455: {  	v52 =	vmax.f32 v59, v60;
	v57 =	vmax.f32 v31, v38;
	v58 =	vmax.f32 v32, v39;
	v56, _, _ =	vpop (xrf0)  }
0x456: {  	v60 =	vmax.f32 v62, v63;
	v61 =	vmax.f32 v1, v5;
	v56 =	vbroadcast v56, $0xF  }
0x457: {  	v62 =	vmax.f32 v36, v34;
	(xrf0) =	vmax.scan.msk.f32 $0xffff, v51;
	v63 =	vmax.f32 v57, v58;
	v53 =	vmax.f32 v55, v61  }
0x458: {  	v61 =	vmax.f32 v35, v40;
	(xrf0) =	vmax.scan.msk.f32 $0xffff, v52;
	vm12 =	veq.f32 v8, v56;
	vm1 =	veq.f32 v2, v56  }
0x459: {  	(xrf0) =	vmax.scan.msk.f32 $0xffff, v53;
	vm0 =	veq.f32 v7, v56;
	v8 =	vsel vm12, $0xFF800000, v8;
	vm12 =	veq.f32 v9, v56  }
0x45a: {  	(xrf0) =	vmax.scan.msk.f32 $0xffff, v60;
	v2 =	vsel vm1, $0xFF800000, v2;
	v7 =	vsel vm0, $0xFF800000, v7;
	v9 =	vsel vm12, $0xFF800000, v9  }
0x45b: {  	(xrf0) =	vmax.scan.msk.f32 $0xffff, v63;
	v56 =	vmax.f32 v61, v62;
	v57 =	vmax.f32 v8, v2;
	v58 =	vmax.f32 v7, v9  }
0x45c: {  	(xrf0) =	vmax.scan.msk.f32 $0xffff, v56;
	v59 =	vmax.f32 v57, v58  }
0x45d: {  	v60, _, _ =	vpop (xrf0);
	(xrf0) =	vmax.scan.msk.f32 $0xffff, v59  }
0x45e: {  	v61, _, _ =	vpop (xrf0)  }
0x45f: {  	v62, _, _ =	vpop (xrf0)  }
0x460: {  	v54, _, _ =	vpop (xrf0)  }
0x461: {  	v55, _, _ =	vpop (xrf0)  }
0x462: {  	v52 =	vbroadcast v60, $0xF;
	v56, _, _ =	vpop (xrf0)  }
0x463: {  	v63, _, _ =	vpop (xrf0)  }
0x464: {  	vm0 =	veq.f32 v42, v52;
	vm2 =	veq.f32 v45, v52;
	v57 =	vbroadcast v63, $0xF  }
0x465: {  	v51 =	vbroadcast v61, $0xF;
	vm12 =	veq.f32 v43, v52;
	v42 =	vsel vm0, $0xFF800000, v42  }
0x466: {  	v45 =	vsel vm2, $0xFF800000, v45;
	v53 =	vbroadcast v62, $0xF;
	vm0 =	veq.f32 v8, v57  }
0x467: {  	v43 =	vsel vm12, $0xFF800000, v43;
	vm12 =	veq.f32 v2, v57;
	v8 =	vsel vm0, $0xFF800000, v8  }
0x468: {  	vm0 =	veq.f32 v7, v57;
	v2 =	vsel vm12, $0xFF800000, v2;
	vm12 =	veq.f32 v9, v57  }
0x469: {  	vm1 =	veq.f32 v44, v51;
	v7 =	vsel vm0, $0xFF800000, v7;
	v9 =	vsel vm12, $0xFF800000, v9  }
0x46a: {  	v44 =	vsel vm1, $0xFF800000, v44;
	v60 =	vmax.f32 v8, v2;
	v61 =	vmax.f32 v7, v9  }
0x46b: {  	vm1 =	veq.f32 v49, v51;
	vm0 =	veq.f32 v46, v52;
	v52 =	vmax.f32 v60, v61  }
0x46c: {  	v62 =	vmax.f32 v42, v43;
	v49 =	vsel vm1, $0xFF800000, v49;
	vm1 =	veq.f32 v1, v53;
	(xrf0) =	vmax.scan.msk.f32 $0xffff, v52  }
0x46d: {  	v1 =	vsel vm1, $0xFF800000, v1;
	vm12 =	veq.f32 v48, v51;
	v46 =	vsel vm0, $0xFF800000, v46  }
0x46e: {  	vm0 =	veq.f32 v47, v51;
	v48 =	vsel vm12, $0xFF800000, v48;
	vm12 =	veq.f32 v41, v53  }
0x46f: {  	v47 =	vsel vm0, $0xFF800000, v47;
	vm0 =	veq.f32 v50, v53;
	v41 =	vsel vm12, $0xFF800000, v41  }
0x470: {  	vm12 =	veq.f32 v5, v53;
	v63 =	vmax.f32 v45, v46;
	v60 =	vmax.f32 v44, v48  }
0x471: {  	v50 =	vsel vm0, $0xFF800000, v50;
	v61 =	vmax.f32 v47, v49;
	v51 =	vmax.f32 v62, v63  }
0x472: {  	v5 =	vsel vm12, $0xFF800000, v5;
	v52 =	vbroadcast v54, $0xF;
	v53 =	vmax.f32 v60, v61;
	(xrf0) =	vmax.scan.msk.f32 $0xffff, v51;
	v62, _, _ =	vpop (xrf0)  }
0x473: {  	v63 =	vmax.f32 v41, v50;
	v59 =	vmax.f32 v1, v5;
	(xrf0) =	vmax.scan.msk.f32 $0xffff, v53;
	v54 =	vbroadcast v62, $0xF  }
0x474: {  	v51 =	vbroadcast v55, $0xF;
	v60 =	vmax.f32 v63, v59  }
0x475: {  	v53 =	vbroadcast v56, $0xF;
	vm0 =	veq.f32 v33, v52;
	vm1 =	veq.f32 v8, v54  }
0x476: {  	v33 =	vsel vm0, $0xFF800000, v33;
	vm12 =	veq.f32 v2, v54;
	v8 =	vsel vm1, $0xFF800000, v8  }
0x477: {  	(xrf0) =	vmax.scan.msk.f32 $0xffff, v60;
	vm1 =	veq.f32 v7, v54;
	v2 =	vsel vm12, $0xFF800000, v2;
	vm12 =	veq.f32 v9, v54  }
0x478: {  	vm0 =	veq.f32 v39, v51;
	v63, _, _ =	vpop (xrf0);
	v7 =	vsel vm1, $0xFF800000, v7;
	v9 =	vsel vm12, $0xFF800000, v9  }
0x479: {  	v39 =	vsel vm0, $0xFF800000, v39;
	v60, _, _ =	vpop (xrf0);
	v61 =	vmax.f32 v8, v2;
	v62 =	vmax.f32 v7, v9  }
0x47a: {  	v55 =	vbroadcast v60, $0xF;
	vm1 =	veq.f32 v37, v52;
	v54 =	vmax.f32 v61, v62  }
0x47b: {  	vm12 =	veq.f32 v38, v51;
	v37 =	vsel vm1, $0xFF800000, v37;
	v61 =	vbroadcast v63, $0xF;
	(xrf0) =	vmax.scan.msk.f32 $0xffff, v54  }
0x47c: {  	vm1 =	veq.f32 v40, v53;
	v38 =	vsel vm12, $0xFF800000, v38;
	vm12 =	veq.f32 v34, v53  }
0x47d: {  	v40 =	vsel vm1, $0xFF800000, v40;
	v34 =	vsel vm12, $0xFF800000, v34;
	v62, _, _ =	vpop (xrf0);
	vm0 =	veq.f32 v42, v61  }
0x47e: {  	vm1 =	veq.f32 v43, v61;
	vm12 =	veq.f32 v45, v61;
	v56 =	vbroadcast v62, $0xF  }
0x47f: {  	v42 =	vsel vm0, $0xFF800000, v42;
	vm0 =	veq.f32 v46, v61;
	v43 =	vsel vm1, $0xFF800000, v43  }
0x480: {  	vm1 =	veq.f32 v44, v55;
	v45 =	vsel vm12, $0xFF800000, v45;
	vm12 =	veq.f32 v48, v55  }
0x481: {  	v61 =	vmax.f32 v29, v33;
	v62 =	vmax.f32 v30, v37;
	v46 =	vsel vm0, $0xFF800000, v46;
	v63, _, _ =	vpop (xrf0)  }
0x482: {  	vm0 =	veq.f32 v47, v55;
	v44 =	vsel vm1, $0xFF800000, v44;
	v54 =	vbroadcast v63, $0xF  }
0x483: {  	vm1 =	veq.f32 v49, v55;
	v48 =	vsel vm12, $0xFF800000, v48;
	vm12 =	veq.f32 v41, v56  }
0x484: {  	v57 =	vmax.f32 v42, v43;
	v41 =	vsel vm12, $0xFF800000, v41;
	vm12 =	veq.f32 v2, v54  }
0x485: {  	v55 =	vmax.f32 v35, v40;
	v2 =	vsel vm12, $0xFF800000, v2;
	vm12 =	veq.f32 v9, v54  }
0x486: {  	v9 =	vsel vm12, $0xFF800000, v9;
	vm12 =	veq.f32 v8, v54;
	v8 =	vmax.f32 v8, v2  }
0x487: {  	v2 =	vsel vm12, v2, v8;
	vm12 =	veq.f32 v7, v54;
	v7 =	vmax.f32 v7, v9  }
0x488: {  	v47 =	vsel vm0, $0xFF800000, v47;
	vm0 =	veq.f32 v50, v56;
	v7 =	vsel vm12, v9, v7  }
0x489: {  	v49 =	vsel vm1, $0xFF800000, v49;
	v58 =	vmax.f32 v45, v46;
	v2 =	vmax.f32 v2, v7  }
0x48a: {  	vm2 =	veq.f32 v1, v56;
	v59 =	vmax.f32 v44, v48;
	v8 =	vmax.f32 v57, v58;
	(xrf0) =	vmax.scan.msk.f32 $0xffff, v2  }
0x48b: {  	vm1 =	veq.f32 v5, v56;
	v56 =	vmax.f32 v36, v34;
	v60 =	vmax.f32 v47, v49;
	(xrf0) =	vmax.scan.msk.f32 $0xffff, v8  }
0x48c: {  	v1 =	vsel vm2, $0xFF800000, v1;
	vm2 =	veq.f32 v30, v52;
	v7 =	vmax.f32 v59, v60  }
0x48d: {  	v5 =	vsel vm1, $0xFF800000, v5;
	vm1 =	veq.f32 v32, v51;
	v54 =	vmax.f32 v32, v39;
	(xrf0) =	vmax.scan.msk.f32 $0xffff, v7  }
0x48e: {  	vm12 =	veq.f32 v29, v52;
	v52 =	vmax.f32 v31, v38;
	v9 =	vsel vm2, v37, v62  }
0x48f: {  	vm2 =	veq.f32 v35, v53;
	v63 =	vsel vm12, v33, v61;
	vm12 =	veq.f32 v31, v51  }
0x490: {  	v51 =	vmax.f32 v1, v5;
	v31 =	vsel vm1, v39, v54;
	v29 =	vsel vm2, v40, v55;
	v32, _, _ =	vpop (xrf0)  }
0x491: {  	v2 =	vsel vm0, $0xFF800000, v50;
	v30 =	vsel vm12, v38, v52;
	vm12 =	veq.f32 v36, v53;
	v57, _, _ =	vpop (xrf0)  }
0x492: {  	v50 =	vmax.f32 v41, v2;
	v33 =	vsel vm12, v34, v56;
	v35 =	vbroadcast v57, $0xF  }
0x493: {  	v58 =	vmax.f32 v30, v31;
	v8 =	vmax.f32 v50, v51;
	v7 =	vmax.f32 v63, v9;
	v59, _, _ =	vpop (xrf0)  }
0x494: {  	v29 =	vmax.f32 v29, v33;
	v30 =	vbroadcast v59, $0xF;
	vm0 =	veq.f32 v42, v35  }
0x495: {  	(xrf0) =	vmax.scan.msk.f32 $0xffff, v8;
	vm12 =	veq.f32 v43, v35;
	vm2 =	veq.f32 v45, v35;
	v60 =	vsel vm0, $0xFF800000, v42  }
0x496: {  	vm0 =	veq.f32 v46, v35;
	v61 =	vsel vm12, $0xFF800000, v43;
	vm12 =	veq.f32 v44, v30  }
0x497: {  	(xrf0) =	vmax.scan.msk.f32 $0xffff, v7;
	v62 =	vsel vm2, $0xFF800000, v45;
	vm2 =	veq.f32 v48, v30;
	v63 =	vsel vm0, $0xFF800000, v46  }
0x498: {  	vm0 =	veq.f32 v47, v30;
	v42 =	vmax.f32 v60, v61;
	v45 =	vsel vm12, $0xFF800000, v44  }
0x499: {  	(xrf0) =	vmax.scan.msk.f32 $0xffff, v58;
	vm12 =	veq.f32 v49, v30;
	v46 =	vsel vm2, $0xFF800000, v48;
	v43 =	vmax.f32 v62, v63  }
0x49a: {  	(xrf0) =	vmax.scan.msk.f32 $0xffff, v29;
	v48 =	vsel vm0, $0xFF800000, v47;
	v50 =	vsel vm12, $0xFF800000, v49;
	v9 =	vmax.f32 v42, v43  }
0x49b: {  	v51, _, _ =	vpop (xrf0);
	v52 =	vmax.f32 v45, v46;
	v53 =	vmax.f32 v48, v50;
	(xrf0) =	vmax.scan.msk.f32 $0xffff, v9  }
0x49c: {  	v9 =	vbroadcast v51, $0xF;
	v36 =	vmax.f32 v52, v53  }
0x49d: {  	v32 =	vbroadcast v32, $0xF;
	v37, _, _ =	vpop (xrf0);
	v44 =	vnsel vm6, $0x0, v0;
	(xrf0) =	vmax.scan.msk.f32 $0xffff, v36  }
0x49e: {  	v42 =	vbroadcast v37, $0xF;
	v52 =	vnsel vm11, $0x0, v0;
	vm0 =	veq.f32 v41, v9  }
0x49f: {  	v53 =	vnsel vm9, $0x0, v0;
	vm12 =	veq.f32 v2, v9;
	v36, _, _ =	vpop (xrf0);
	v39 =	vsel vm0, $0xFF800000, v41  }
0x4a0: {  	vm0 =	veq.f32 v1, v9;
	v2 =	vsel vm12, $0xFF800000, v2;
	vm12 =	veq.f32 v5, v9;
	v38, _, _ =	vpop (xrf0)  }
0x4a1: {  	v1 =	vsel vm0, $0xFF800000, v1;
	v5 =	vsel vm12, $0xFF800000, v5;
	v55 =	vmax.f32 v39, v2;
	v54, _, _ =	vpop (xrf0)  }
0x4a2: {  	[tilespmem:s19+$0xC080] =	vst v52;
	v52 =	vbroadcast v36, $0xF;
	v56 =	vmax.f32 v1, v5;
	v9 =	vbroadcast v54, $0xF  }
0x4a3: {  	v40 =	vmax.f32 v55, v56;
	v56 =	vnsel vm7, $0x0, v0;
	v57, _, _ =	vpop (xrf0);
	v54 =	vnsel vm8, $0x0, v0  }
0x4a4: {  	v41 =	vbroadcast v57, $0xF;
	v57 =	vnsel vm14, $0x0, v0;
	vm12 =	veq.f32 v60, v9  }
0x4a5: {  	(xrf0) =	vmax.scan.msk.f32 $0xffff, v40;
	vm1 =	veq.f32 v61, v9;
	v8 =	vsel vm12, $0xFF800000, v60;
	vm12 =	veq.f32 v62, v9  }
0x4a6: {  	v31 =	vsel vm1, $0xFF800000, v61;
	vm1 =	veq.f32 v63, v9;
	v7 =	vsel vm12, $0xFF800000, v62  }
0x4a7: {  	vm12 =	veq.f32 v45, v41;
	v9 =	vsel vm1, $0xFF800000, v63;
	vm1 =	veq.f32 v46, v41  }
0x4a8: {  	v58 =	vmax.f32 v8, v31;
	v63 =	vnsel vm10, $0x0, v0;
	v29 =	vsel vm12, $0xFF800000, v45  }
0x4a9: {  	vm12 =	veq.f32 v48, v41;
	v30 =	vsel vm1, $0xFF800000, v46;
	v59 =	vmax.f32 v7, v9  }
0x4aa: {  	v45 =	vnsel vm4, $0x0, v0;
	v33 =	vsel vm12, $0xFF800000, v48;
	vm12 =	veq.f32 v50, v41  }
0x4ab: {  	v60 =	vmax.f32 v29, v30;
	v35 =	vmax.f32 v58, v59;
	v55, _, _ =	vpop (xrf0);
	v34 =	vsel vm12, $0xFF800000, v50  }
0x4ac: {  	v46 =	vld [tilespmem:$0x1FE40];
	(xrf0) =	vmax.scan.msk.f32 $0xffff, v35;
	v43 =	vbroadcast v55, $0xF;
	vm12 =	vge.f32 v14, v32;
	v61 =	vmax.f32 v33, v34  }
0x4ad: {  	[tilespmem:s19+$0xC090] =	vst v53;
	v58 =	vnsel vm15, $0x0, v0;
	v59 =	vld [tilespmem:$0x1FEE0];
	v14 =	vnsel vm12, $0x0, v0;
	v62 =	vmax.f32 v60, v61  }
0x4ae: {  	[tilespmem:s19+$0xC0B0] =	vst v56;
	vm14 =	veq.f32 v39, v43;
	vm15 =	veq.f32 v2, v43;
	vm7 =	veq.f32 v1, v43  }
0x4af: {  	vm8 =	veq.f32 v5, v43;
	v43 =	vnsel vm13, $0x0, v0;
	vm13 =	vge.f32 v10, v52;
	(xrf0) =	vmax.scan.msk.f32 $0xffff, v62  }
0x4b0: {  	[tilespmem:s19+$0xC0A0] =	vst v54;
	v35 =	vsel vm14, $0xFF800000, v39;
	v2 =	vsel vm15, $0xFF800000, v2;
	v1 =	vsel vm7, $0xFF800000, v1  }
0x4b1: {  	[tilespmem:s19+$0xC100] =	vst v57;
	v5 =	vsel vm8, $0xFF800000, v5;
	vm7 =	vge.f32 v12, v42;
	vm8 =	vge.f32 v46, v42  }
0x4b2: {  	[tilespmem:s19+$0xC030] =	vst v63;
	vm11 =	vnez.u8 v59;
	v62 =	vmax.f32 v35, v2;
	v63 =	vmax.f32 v1, v5;
	v60, _, _ =	vpop (xrf0)  }
0x4b3: {  	[tilespmem:s19+$0xC110] =	vst v58;
	v49 =	vnsel vm7, $0x0, v0;
	v41 =	vmax.f32 v62, v63;
	v63 =	vld [tilespmem:$0x1FE90];
	v48 =	vbroadcast v60, $0xF  }
0x4b4: {  	[tilespmem:s21+$0xC1B0] =	vst v14;
	v53 =	vnsel vm8, $0x0, v0;
	v47 =	vnsel vm11, $0x0, v0;
	v62 =	vnsel vm13, $0x0, v0  }
0x4b5: {  	[tilespmem:s19+$0xC120] =	vst v47;
	v47 =	vnsel vm5, $0x0, v0;
	v61, _, _ =	vpop (xrf0);
	vm9 =	veq.f32 v31, v48;
	vm10 =	veq.f32 v9, v48  }
0x4b6: {  	v58 =	vld [tilespmem:$0x1FE70];
	(xrf0) =	vmax.scan.msk.f32 $0xffff, v41;
	vm12 =	veq.f32 v8, v48;
	vm14 =	veq.f32 v7, v48;
	v39 =	vbroadcast v61, $0xF  }
0x4b7: {  	v51 =	vld [tilespmem:$0x1FE60];
	v31 =	vsel vm9, $0xFF800000, v31;
	v9 =	vsel vm10, $0xFF800000, v9;
	v61 =	vbroadcast v38, $0xF  }
0x4b8: {  	[tilespmem:s19+$0xC130] =	vst v44;
	vm4 =	vge.f32 v63, v52;
	v8 =	vmax.f32 v8, v31;
	v7 =	vmax.f32 v7, v9  }
0x4b9: {  	[tilespmem:s20+$0xC180] =	vst v43;
	vm11 =	veq.f32 v30, v39;
	v8 =	vsel vm12, v31, v8;
	v7 =	vsel vm14, v9, v7  }
0x4ba: {  	[tilespmem:s20+$0xC190] =	vst v45;
	v48 =	vld [tilespmem:$0x1FE50];
	vm15 =	veq.f32 v29, v39;
	vm10 =	veq.f32 v34, v39;
	vm12 =	veq.f32 v33, v39  }
0x4bb: {  	[tilespmem:s20+$0xC1A0] =	vst v47;
	vm14 =	vge.f32 v58, v52;
	vm6 =	vge.f32 v11, v61;
	v39 =	vnsel vm4, $0x0, v0  }
0x4bc: {  	[tilespmem:s20+$0xC000] =	vst v49;
	v57, _, _ =	vpop (xrf0);
	v30 =	vsel vm11, $0xFF800000, v30;
	v50 =	vsel vm10, $0xFF800000, v34;
	vm11 =	vge.f32 v51, v42  }
0x4bd: {  	[tilespmem:s20+$0xC010] =	vst v53;
	v60 =	vld [tilespmem:$0x1FE80];
	v10 =	vbroadcast v57, $0xF;
	v36 =	vnsel vm14, $0x0, v0;
	v7 =	vmax.f32 v8, v7  }
0x4be: {  	[tilespmem:s20+$0xC080] =	vst v62;
	vm10 =	vge.f32 v6, v61;
	v41 =	vnsel vm6, $0x0, v0;
	vm14 =	vge.f32 v23, v32  }
0x4bf: {  	[tilespmem:s20+$0xC0B0] =	vst v39;
	v29 =	vmax.f32 v29, v30;
	vm9 =	vge.f32 v48, v42;
	v54 =	vmax.f32 v33, v50  }
0x4c0: {  	v59 =	vnsel vm11, $0x0, v0;
	(xrf0) =	vmax.scan.msk.f32 $0xffff, v7;
	vm11 =	vge.f32 v4, v61;
	v44 =	vnsel vm10, $0x0, v0  }
0x4c1: {  	[tilespmem:s20+$0xC090] =	vst v36;
	v29 =	vsel vm15, v30, v29;
	v55 =	vnsel vm9, $0x0, v0;
	v56 =	vsel vm12, v50, v54  }
0x4c2: {  	[tilespmem:s20+$0xC100] =	vst v41;
	vm15 =	vge.f32 v60, v52;
	vm5 =	veq.f32 v2, v10;
	vm7 =	veq.f32 v35, v10  }
0x4c3: {  	[tilespmem:s20+$0xC030] =	vst v59;
	vm8 =	veq.f32 v5, v10;
	vm9 =	vge.f32 v3, v61;
	vm12 =	vge.f32 v13, v32  }
0x4c4: {  	vm13 =	veq.f32 v1, v10;
	v46 =	vnsel vm11, $0x0, v0;
	[tilespmem:s20+$0xC120] =	vst v44;
	v42 =	vmax.f32 v29, v56  }
0x4c5: {  	[tilespmem:s20+$0xC020] =	vst v55;
	v2 =	vsel vm5, $0xFF800000, v2;
	v40 =	vsel vm8, $0xFF800000, v5;
	(xrf0) =	vmax.scan.msk.f32 $0xffff, v42  }
0x4c6: {  	v37 =	vnsel vm15, $0x0, v0;
	[tilespmem:s20+$0xC130] =	vst v46;
	v38 =	vmax.f32 v35, v2;
	v1 =	vmax.f32 v1, v40  }
0x4c7: {  	v43 =	vnsel vm9, $0x0, v0;
	[tilespmem:s20+$0xC0A0] =	vst v37;
	v2 =	vsel vm7, v2, v38;
	v1 =	vsel vm13, v40, v1;
	v47, _, _ =	vpop (xrf0)  }
0x4c8: {  	v45 =	vnsel vm12, $0x0, v0;
	[tilespmem:s20+$0xC110] =	vst v43;
	v1 =	vmax.f32 v2, v1;
	v48 =	vbroadcast v47, $0xF  }
0x4c9: {  	v49 =	vnsel vm14, $0x0, v0;
	vm15 =	vge.f32 v22, v32;
	[tilespmem:s21+$0xC180] =	vst v45;
	(xrf0) =	vmax.scan.msk.f32 $0xffff, v1  }
0x4ca: {  	v50 =	vnsel vm15, $0x0, v0;
	[tilespmem:s21+$0xC190] =	vst v49;
	vm4 =	vge.f32 v24, v48  }
0x4cb: {  	[tilespmem:s21+$0xC1A0] =	vst v50;
	v51, _, _ =	vpop (xrf0);
	vm5 =	vge.f32 v25, v48;
	v52 =	vnsel vm4, $0x0, v0  }
0x4cc: {  	vm6 =	vge.f32 v17, v48;
	v53 =	vnsel vm5, $0x0, v0;
	v3 =	vbroadcast v51, $0xF;
	[tilespmem:s21+$0xC000] =	vst v52  }
0x4cd: {  	vm7 =	vge.f32 v16, v48;
	v54 =	vnsel vm6, $0x0, v0;
	[tilespmem:s21+$0xC010] =	vst v53  }
0x4ce: {  	v2 =	vnsel vm7, $0x0, v0;
	[tilespmem:s21+$0xC020] =	vst v54;
	vm8 =	vge.f32 v15, v3  }
0x4cf: {  	[tilespmem:s21+$0xC030] =	vst v2;
	vm9 =	vge.f32 v20, v3;
	v56, _, _ =	vpop (xrf0);
	v55 =	vnsel vm8, $0x0, v0  }
0x4d0: {  	vm10 =	vge.f32 v19, v3;
	v57 =	vnsel vm9, $0x0, v0;
	v4 =	vbroadcast v56, $0xF;
	[tilespmem:s21+$0xC080] =	vst v55  }
0x4d1: {  	vm11 =	vge.f32 v18, v3;
	v58 =	vnsel vm10, $0x0, v0;
	[tilespmem:s21+$0xC090] =	vst v57  }
0x4d2: {  	v59 =	vnsel vm11, $0x0, v0;
	[tilespmem:s21+$0xC0A0] =	vst v58;
	vm12 =	vge.f32 v21, v4  }
0x4d3: {  	[tilespmem:s21+$0xC0B0] =	vst v59;
	vm13 =	vge.f32 v26, v4;
	v60 =	vnsel vm12, $0x0, v0  }
0x4d4: {  	vm14 =	vge.f32 v27, v4;
	v61 =	vnsel vm13, $0x0, v0;
	[tilespmem:s21+$0xC100] =	vst v60  }
0x4d5: {  	vm15 =	vge.f32 v28, v4;
	v62 =	vnsel vm14, $0x0, v0;
	[tilespmem:s21+$0xC110] =	vst v61  }
0x4d6: {  	v63 =	vnsel vm15, $0x0, v0;
	[tilespmem:s21+$0xC120] =	vst v62  }
0x4d7: {  	s18 =	sadd.s32 $0x1, s18;
	[tilespmem:s21+$0xC130] =	vst v63  }
0x4d8: {  	[hbm4b:s7+s2] =	stream.linear.scatter [tilespmem:s15], [sflag:$0x4], $0x4000, $0x38;
	[tilespmem:$0x10080] =	vst v63  }
0x4d9: {  	p0 =	sne.s32 s18, s8;
	_ =	swait.ge [sflag:s16], $0x4000  }
.Ltmp2:
0x4da: {  	[sflag:s16] =	ssyncset.done $0x0;
	(pc) =	sbr.rel @p0 .LBB2_1-.Ltmp2, $4  }
0x4db: {  	[sflag:s16] =	ssyncadd.s32 $0xFFFFC000  }
0x4dc: {  	_ =	swait.ge [sflag:s17], $0x4000  }
0x4dd: {  	[sflag:s17] =	ssyncset.done $0x0  }
0x4de: {  	[sflag:s17] =	ssyncadd.s32 $0xFFFFC000  }
0x4df: {  	_ =	sfence.sel $0x180000  }
0x4e0: {  	[bflag:$0x0] =	sbarrier.arrive $0xFFFF  }
0x4e1: {  	p0 =	sne.s32 s1, $0x0;
	_ =	strace $0x90000047  }
0x4e2: {  	s0 =	sadd.s32 @!p0 $0x100000, s0;
	[bflag:$0x2] =	sbarrier.arrive $0xFFFF  }
0x4e3: {  	[sflag:s0] =	ssyncadd.tile.s32 @!p0 $0x1;
	_ =	shalt  }
.Lfunc_end2:
_tile_overlayer_lowered:
.L_overlay_start_2:
0x4e4: {  	(tag) =	ssettag $0x2  }
0x4e5: {  	s0 =	rddreg [dreg:$0x0];
	s2 =	stileid.u32  }
0x4e6: {  	s1 =	rddreg [dreg:$0x1];
	p0 =	sne.s32 s2, $0x0  }
0x4e7: {  	s3 =	rddreg [dreg:$0x2];
	[bflag:$0x3] =	sbarrier.arrive $0xFFFF;
	s2 =	simm.s32 @!p0 $0x1C05  }
0x4e8: {  	[timem:s3], [sflag:s2] =	dma.local @!p0 [hbm:s0], s1  }
0x4e9: {  	s0 =	simm.s32 @!p0 $0x5  }
0x4ea: {  	_ =	swait.ge @!p0 [sflag:s0], s1  }
0x4eb: {  	s1 =	ssub.s32 @!p0 $0x0, s1;
	[sflag:s0] =	ssyncset.done @!p0 $0x0  }
0x4ec: {  	[sflag:s0] =	ssyncadd.s32 @!p0 s1  }
0x4ed: {  	[bflag:$0x3] =	sbarrier.arrive $0xFFFF  }
0x4ee: {  	_ =	shalt  }

</sc_bundles>
